<compile_context>
chip_gen: v7x
topology: tpu7x:2x2x1
jax: 0.10.2.dev20260603
libtpu: 0.0.44.dev20260713+nightly
codegen_flags: <defaults>
</compile_context>

<pallas_src>
import functools
import numpy as np
import jax
import jax.numpy as jnp
from jax import lax
from jax.experimental import pallas as pl
from jax.experimental.pallas import tpu as pltpu
from jax.experimental.pallas import tpu_sc as plsc

N_LEVELS = 16
N_FEATS = 2
LOG2_T = 19
TABLE_SIZE = 1 << LOG2_T
MASK = TABLE_SIZE - 1
BASE_RES = 32
FINEST_RES = 2048
VEC_RES = 2048
PER_LEVEL_SCALE = float(np.exp(np.log(FINEST_RES / BASE_RES) / (N_LEVELS - 1)))
SCALES = [np.float32(BASE_RES * PER_LEVEL_SCALE ** l) for l in range(N_LEVELS)]
FEAT_DIM = N_LEVELS * N_FEATS
N_POINTS = 65536

PRIME1 = np.int32(2654435761 - (1 << 32))
PRIME2 = np.int32(805459861)

NC = 2
NS = 16
NW = NC * NS
PTS_PER_W = N_POINTS // NW
P = 128
NCHUNK = PTS_PER_W // P
NG = P // 16

GRID_AXES = [(0, 1, 2), (0, 1, 3), (1, 2, 3), (0, 2, 3)]
AXOF = [3, 2, 0, 1]


def _body(coords, tb0, tb1, tb2, tb3, vecs, out,
          cax, vif, wvb, uwb, vA, vB, idxb, colb, wb, rows, obuf, sem):
    tbs = [tb0, tb1, tb2, tb3]
    wid = lax.axis_index("s") * NC + lax.axis_index("c")
    iota = lax.iota(jnp.int32, 16)
    fz = jnp.zeros((16,), jnp.float32)

    def splat_i(x):
        return lax.broadcast_in_dim(jnp.int32(x), (16,), ())

    def chunk_body(ch, carry):
        base = wid * PTS_PER_W + ch * P
        pltpu.sync_copy(coords.at[:, pl.ds(base, P)], cax)

        def grp_c(j, c2):
            for a in range(4):
                c = cax[a, pl.ds(j * 16, 16)]
                pos = c * np.float32(VEC_RES - 1)
                i0 = jnp.clip(pos.astype(jnp.int32), 0, VEC_RES - 1)
                i1 = jnp.minimum(i0 + 1, VEC_RES - 1)
                wv = pos - i0.astype(jnp.float32)
                vif[a, 0, pl.ds(j * 16, 16)] = i0 + a * VEC_RES
                vif[a, 1, pl.ds(j * 16, 16)] = i1 + a * VEC_RES
                wvb[a, pl.ds(j * 16, 16)] = wv
                uwb[a, pl.ds(j * 16, 16)] = np.float32(1.0) - wv
            return c2
        lax.fori_loop(0, NG, grp_c, 0)

        hs = []
        for a in range(4):
            hs.append(pltpu.async_copy(vecs.at[vif.at[a, 0]], vA.at[a], sem))
            hs.append(pltpu.async_copy(vecs.at[vif.at[a, 1]], vB.at[a], sem))
        for h in hs:
            h.wait()

        def lvl_body(l, c2):
            lvec = lax.broadcast_in_dim(l, (16,), ())
            s = lax.broadcast_in_dim(SCALES[0], (16,), ())
            for k in range(1, N_LEVELS):
                s = jnp.where(lvec == k, SCALES[k], s)
            loff = lvec << LOG2_T

            def grp_idx(j, c3):
                p0 = []
                wpair = []
                for a in range(4):
                    c = cax[a, pl.ds(j * 16, 16)]
                    pos = c * s
                    p0i = pos.astype(jnp.int32)
                    w1 = pos - p0i.astype(jnp.float32)
                    p0.append(p0i)
                    wpair.append((np.float32(1.0) - w1, w1))
                hx = (p0[0], p0[0] + 1)
                hy1 = (p0[1], p0[1] + 1)
                hyP = (p0[1] * PRIME1, p0[1] * PRIME1 + PRIME1)
                hz1P = (p0[2] * PRIME1, p0[2] * PRIME1 + PRIME1)
                hz2P = (p0[2] * PRIME2, p0[2] * PRIME2 + PRIME2)
                ht2P = (p0[3] * PRIME2, p0[3] * PRIME2 + PRIME2)
                comps = [(hx, hyP, hz2P), (hx, hyP, ht2P),
                         (hy1, hz1P, ht2P), (hx, hz1P, ht2P)]
                for g in range(4):
                    A, B, C = comps[g]
                    a0, a1, a2 = GRID_AXES[g]
                    ab = [A[0] ^ B[0], A[0] ^ B[1], A[1] ^ B[0], A[1] ^ B[1]]
                    wab = [wpair[a0][0] * wpair[a1][0], wpair[a0][0] * wpair[a1][1],
                           wpair[a0][1] * wpair[a1][0], wpair[a0][1] * wpair[a1][1]]
                    for cc in range(8):
                        dxy = cc >> 1
                        dz = cc & 1
                        e = ((ab[dxy] ^ C[dz]) & MASK) + loff
                        idxb[g, pl.ds(cc * P + j * 16, 16)] = e >> 3
                        colb[g, pl.ds(cc * P + j * 16, 16)] = (e & 7) * 2
                        wb[g, pl.ds(cc * P + j * 16, 16)] = wab[dxy] * wpair[a2][dz]
                return c3
            lax.fori_loop(0, NG, grp_idx, 0)

            ghs = [pltpu.async_copy(tbs[g].at[idxb.at[g]], rows.at[g], sem)
                   for g in range(4)]
            for h in ghs:
                h.wait()

            def grp_acc(j, c3):
                lanes = j * 16 + iota
                o0 = fz
                o1 = fz
                for g in range(4):
                    gs = splat_i(g)
                    f0 = fz
                    f1 = fz
                    for cc in range(8):
                        wgt = wb[g, pl.ds(cc * P + j * 16, 16)]
                        cv = colb[g, pl.ds(cc * P + j * 16, 16)]
                        ridx = cc * P + lanes
                        v0 = plsc.load_gather(rows, [gs, ridx, cv])
                        v1 = plsc.load_gather(rows, [gs, ridx, cv + 1])
                        f0 = f0 + v0 * wgt
                        f1 = f1 + v1 * wgt
                    ax = AXOF[g]
                    axs = splat_i(ax)
                    wvv = wvb[ax, pl.ds(j * 16, 16)]
                    uww = uwb[ax, pl.ds(j * 16, 16)]
                    for f, acc in ((0, f0), (1, f1)):
                        colv = lvec * 2 + f
                        va = plsc.load_gather(vA, [axs, lanes, colv])
                        vb = plsc.load_gather(vB, [axs, lanes, colv])
                        vval = va * uww + vb * wvv
                        if f == 0:
                            o0 = o0 + acc * vval
                        else:
                            o1 = o1 + acc * vval
                plsc.store_scatter(obuf, [lanes, lvec * 2], o0)
                plsc.store_scatter(obuf, [lanes, lvec * 2 + 1], o1)
                return c3
            lax.fori_loop(0, NG, grp_acc, 0)
            return c2
        lax.fori_loop(0, N_LEVELS, lvl_body, 0)

        pltpu.sync_copy(obuf, out.at[pl.ds(base, P)])
        return carry
    lax.fori_loop(0, NCHUNK, chunk_body, 0)


@jax.jit
def kernel(xyz, times, table_xyz, table_xyt, table_yzt, table_xzt, vectors):
    mesh = plsc.VectorSubcoreMesh(core_axis_name="c", subcore_axis_name="s")
    coords = jnp.concatenate((xyz, times), axis=1).T
    tflat = [t.reshape(N_LEVELS * TABLE_SIZE * N_FEATS // 16, 16)
             for t in (table_xyz, table_xyt, table_yzt, table_xzt)]
    vflat = vectors.reshape(4 * VEC_RES, FEAT_DIM)
    scratch = [
        pltpu.VMEM((4, P), jnp.float32),
        pltpu.VMEM((4, 2, P), jnp.int32),
        pltpu.VMEM((4, P), jnp.float32),
        pltpu.VMEM((4, P), jnp.float32),
        pltpu.VMEM((4, P, FEAT_DIM), jnp.float32),
        pltpu.VMEM((4, P, FEAT_DIM), jnp.float32),
        pltpu.VMEM((4, 8 * P), jnp.int32),
        pltpu.VMEM((4, 8 * P), jnp.int32),
        pltpu.VMEM((4, 8 * P), jnp.float32),
        pltpu.VMEM((4, 8 * P, 16), jnp.float32),
        pltpu.VMEM((P, FEAT_DIM), jnp.float32),
        pltpu.SemaphoreType.DMA,
    ]
    run = pl.kernel(
        _body,
        out_type=jax.ShapeDtypeStruct((N_POINTS, FEAT_DIM), jnp.float32),
        mesh=mesh,
        scratch_types=scratch,
        compiler_params=pltpu.CompilerParams(needs_layout_passes=False, use_tc_tiling_on_sc=False),
    )
    return run(coords, tflat[0], tflat[1], tflat[2], tflat[3], vflat)

# --- scband reference (transcript-rebuilt; emitter-appended) ---
"""Pipeline reference for scband-decomposition4-d-52372831207553 (READ-ONLY COPY).

The authoritative reference and input builder live on the scoring server;
editing this copy changes nothing except your own understanding.
"""

import jax, jax.numpy as jnp
import numpy as np

N_LEVELS = 16
N_FEATS_PER_LEVEL = 2
LOG2_HASHMAP_SIZE = 19
TABLE_SIZE = 2 ** LOG2_HASHMAP_SIZE
BASE_RES = 32
FINEST_RES = 2048
VEC_RES = 2048
PER_LEVEL_SCALE = float(np.exp(np.log(FINEST_RES / BASE_RES) / (N_LEVELS - 1)))
FEAT_DIM = N_LEVELS * N_FEATS_PER_LEVEL
N_POINTS = 65536

_PRIMES = jnp.array([1, 2654435761, 805459861], dtype=jnp.uint32)


def _hash_grid_encode(coords, table):
    # coords: [N, 3] in [0,1]; table: [N_LEVELS, TABLE_SIZE, N_FEATS_PER_LEVEL]
    outs = []
    for level in range(N_LEVELS):
        scale = BASE_RES * (PER_LEVEL_SCALE ** level)
        pos = coords * scale
        p0 = jnp.floor(pos)
        w = pos - p0
        p0i = p0.astype(jnp.int32)
        feat = jnp.zeros((coords.shape[0], N_FEATS_PER_LEVEL), dtype=table.dtype)
        for dx in (0, 1):
            wx = w[:, 0] if dx else 1.0 - w[:, 0]
            for dy in (0, 1):
                wy = w[:, 1] if dy else 1.0 - w[:, 1]
                for dz in (0, 1):
                    wz = w[:, 2] if dz else 1.0 - w[:, 2]
                    c = (p0i + jnp.array([dx, dy, dz], dtype=jnp.int32)).astype(jnp.uint32)
                    h = (c[:, 0] * _PRIMES[0]) ^ (c[:, 1] * _PRIMES[1]) ^ (c[:, 2] * _PRIMES[2])
                    idx = (h & jnp.uint32(TABLE_SIZE - 1)).astype(jnp.int32)
                    feat = feat + table[level][idx] * (wx * wy * wz)[:, None]
        outs.append(feat)
    return jnp.concatenate(outs, axis=-1)


def _vector_sample(vectors, k, c):
    # vectors: [4, VEC_RES, FEAT_DIM]; c: [N] in [0,1]
    pos = c * (VEC_RES - 1)
    i0 = jnp.clip(jnp.floor(pos).astype(jnp.int32), 0, VEC_RES - 1)
    i1 = jnp.minimum(i0 + 1, VEC_RES - 1)
    wv = pos - i0.astype(pos.dtype)
    return vectors[k][i0] * (1.0 - wv)[:, None] + vectors[k][i1] * wv[:, None]


def setup_inputs(seed: int = 0) -> dict:
    key = jax.random.key(seed)
    ks = jax.random.split(key, 7)
    xyz = jax.random.uniform(ks[0], (N_POINTS, 3), dtype=jnp.float32)
    times = jax.random.uniform(ks[1], (N_POINTS, 1), dtype=jnp.float32)

    def tbl(k):
        return jax.random.uniform(k, (N_LEVELS, TABLE_SIZE, N_FEATS_PER_LEVEL), minval=-1e-4, maxval=1e-4, dtype=jnp.float32)

    vectors = jax.random.normal(ks[6], (4, VEC_RES, FEAT_DIM), dtype=jnp.float32) * 0.1
    return {
        "xyz": xyz,
        "times": times,
        "table_xyz": tbl(ks[2]),
        "table_xyt": tbl(ks[3]),
        "table_yzt": tbl(ks[4]),
        "table_xzt": tbl(ks[5]),
        "vectors": vectors,
    }


def reference(xyz, times, table_xyz, table_xyt, table_yzt, table_xzt, vectors):
    xyzt = jnp.concatenate((xyz, times), axis=-1)
    f_xyz = _hash_grid_encode(xyzt[:, (0, 1, 2)], table_xyz)
    f_xyt = _hash_grid_encode(xyzt[:, (0, 1, 3)], table_xyt)
    f_yzt = _hash_grid_encode(xyzt[:, (1, 2, 3)], table_yzt)
    f_xzt = _hash_grid_encode(xyzt[:, (0, 2, 3)], table_xzt)
    v_x = _vector_sample(vectors, 0, xyzt[:, 0])
    v_y = _vector_sample(vectors, 1, xyzt[:, 1])
    v_z = _vector_sample(vectors, 2, xyzt[:, 2])
    v_t = _vector_sample(vectors, 3, xyzt[:, 3])
    # HumanRF 4D decomposition: each 3D grid feature is modulated by the 1D vector of the missing axis
    return f_xyz * v_t + f_xyt * v_z + f_yzt * v_x + f_xzt * v_y

if __name__ == "__main__":
    import jax
    _d = setup_inputs()
    print(jax.jit(kernel)(*tuple(_d.values())))

</pallas_src>

<mosaic_0001>
#map = affine_map<(d0, d1) -> (0, 0)>
module attributes {stable_mosaic.version = 14 : i64} {
  func.func @_body(%arg0: i32, %arg1: i32, %arg2: memref<4x65536xf32, #tpu.memory_space<hbm>>, %arg3: memref<1048576x16xf32, #tpu.memory_space<hbm>>, %arg4: memref<1048576x16xf32, #tpu.memory_space<hbm>>, %arg5: memref<1048576x16xf32, #tpu.memory_space<hbm>>, %arg6: memref<1048576x16xf32, #tpu.memory_space<hbm>>, %arg7: memref<8192x32xf32, #tpu.memory_space<hbm>>, %arg8: memref<65536x32xf32, #tpu.memory_space<hbm>>, %arg9: memref<4x128xf32, #tpu.memory_space<vmem>>, %arg10: memref<4x2x128xi32, #tpu.memory_space<vmem>>, %arg11: memref<4x128xf32, #tpu.memory_space<vmem>>, %arg12: memref<4x128xf32, #tpu.memory_space<vmem>>, %arg13: memref<4x128x32xf32, #tpu.memory_space<vmem>>, %arg14: memref<4x128x32xf32, #tpu.memory_space<vmem>>, %arg15: memref<4x1024xi32, #tpu.memory_space<vmem>>, %arg16: memref<4x1024xi32, #tpu.memory_space<vmem>>, %arg17: memref<4x1024xf32, #tpu.memory_space<vmem>>, %arg18: memref<4x1024x16xf32, #tpu.memory_space<vmem>>, %arg19: memref<128x32xf32, #tpu.memory_space<vmem>>, %arg20: memref<!tpu.dma_semaphore, #tpu.memory_space<semaphore_mem>>) attributes {dimension_semantics = [#tpu.dimension_semantics<core_parallel>, #tpu.dimension_semantics<subcore_parallel>], iteration_bounds = array<i64: 2, 16>, scalar_prefetch = 0 : i64, scratch_operands = 12 : i64, tpu.core_type = #tpu.core_type<sc_vector_subcore>, window_params = [{transform_indices = #map}, {transform_indices = #map}, {transform_indices = #map}, {transform_indices = #map}, {transform_indices = #map}, {transform_indices = #map}, {transform_indices = #map}]} {
    %mul3A = arith.constant 2 : i32
    %mul3A_0 = arith.muli %arg1, %mul3A : i32
    %add3A = arith.addi %mul3A_0, %arg0 : i32
    %iota3A = tpu.iota {dimensions = array<i32: 0>} : vector<16xi32>
    %broadcast_in_dim3A = arith.constant 0.000000e+00 : f32
    %broadcast_in_dim3A_1 = vector.broadcast %broadcast_in_dim3A : f32 to vector<16xf32>
    %scan3A = arith.constant 0 : i32
    %scan3A_2 = arith.constant 0 : i32
    %scan3A_3 = arith.constant 16 : i32
    %scan3A_4 = arith.addi %scan3A_2, %scan3A_3 : i32
    %scan3A_5 = arith.constant 1 : i32
    scf.for %scan3A_7 = %scan3A_2 to %scan3A_4 step %scan3A_5  : i32 {
      %mul3A_8 = arith.constant 2048 : i32
      %mul3A_9 = arith.muli %add3A, %mul3A_8 : i32
      %mul3A_10 = arith.constant 128 : i32
      %mul3A_11 = arith.muli %scan3A_7, %mul3A_10 : i32
      %add3A_12 = arith.addi %mul3A_9, %mul3A_11 : i32
      "tpu.region"() ({
        %run_scoped3A = tpu.sem_alloc : memref<!tpu.dma_semaphore, #tpu.memory_space<semaphore_mem>>
        %dma_start3A_231 = arith.constant 0 : i32
        %dma_start3A_232 = tpu.memref_slice %arg2[%dma_start3A_231, %add3A_12] : memref<4x65536xf32, #tpu.memory_space<hbm>> -> memref<4x128xf32, #tpu.memory_space<hbm>>
        %dma_start3A_233 = arith.constant 0 : i32
        %dma_start3A_234 = tpu.memref_slice %arg2[%dma_start3A_233, %add3A_12] : memref<4x65536xf32, #tpu.memory_space<hbm>> -> memref<4x128xf32, #tpu.memory_space<hbm>>
        tpu.enqueue_dma source(%dma_start3A_234 : memref<4x128xf32, #tpu.memory_space<hbm>>) target(%arg9 : memref<4x128xf32, #tpu.memory_space<vmem>>) target_semaphore(%run_scoped3A : memref<!tpu.dma_semaphore, #tpu.memory_space<semaphore_mem>>)
        %dma_wait3A_235 = arith.constant 0 : i32
        %dma_wait3A_236 = tpu.memref_slice %arg2[%dma_wait3A_235, %add3A_12] : memref<4x65536xf32, #tpu.memory_space<hbm>> -> memref<4x128xf32, #tpu.memory_space<hbm>>
        %dma_wait3A_237 = arith.constant 0 : i32
        %dma_wait3A_238 = tpu.memref_slice %arg2[%dma_wait3A_237, %add3A_12] : memref<4x65536xf32, #tpu.memory_space<hbm>> -> memref<4x128xf32, #tpu.memory_space<hbm>>
        tpu.wait_dma2 semaphore(%run_scoped3A : memref<!tpu.dma_semaphore, #tpu.memory_space<semaphore_mem>>) src(%dma_wait3A_238 : memref<4x128xf32, #tpu.memory_space<hbm>>) dst(%arg9 : memref<4x128xf32, #tpu.memory_space<vmem>>)
        tpu.yield
      }) : () -> ()
      %scan3A_13 = arith.constant 0 : i32
      %scan3A_14 = arith.constant 0 : i32
      %scan3A_15 = arith.constant 8 : i32
      %scan3A_16 = arith.addi %scan3A_14, %scan3A_15 : i32
      %scan3A_17 = arith.constant 1 : i32
      scf.for %scan3A_231 = %scan3A_14 to %scan3A_16 step %scan3A_17  : i32 {
        %mul3A_232 = arith.constant 16 : i32
        %mul3A_233 = arith.muli %scan3A_231, %mul3A_232 : i32
        %get3A = arith.constant 0 : i32
        %get3A_234 = arith.index_cast %get3A : i32 to index
        %get3A_235 = arith.index_cast %mul3A_233 : i32 to index
        %get3A_236 = tpu.vector_load %arg9[%get3A_234, %get3A_235] {strides = array<i32>} : memref<4x128xf32, #tpu.memory_space<vmem>>, vector<16xf32>,
        %mul3A_237 = arith.constant 2.047000e+03 : f32
        %mul3A_238 = vector.broadcast %mul3A_237 : f32 to vector<16xf32>
        %mul3A_239 = arith.mulf %get3A_236, %mul3A_238 : vector<16xf32>
        %convert_element_type3A = arith.fptosi %mul3A_239 : vector<16xf32> to vector<16xi32>
        %jit3A = arith.constant 0 : i32
        %jit3A_240 = arith.constant 2047 : i32
        %max3A = vector.broadcast %jit3A : i32 to vector<16xi32>
        %max3A_241 = arith.maxsi %max3A, %convert_element_type3A : vector<16xi32>
        %min3A = vector.broadcast %jit3A_240 : i32 to vector<16xi32>
        %min3A_242 = arith.minsi %min3A, %max3A_241 : vector<16xi32>
        %add3A_243 = arith.constant 1 : i32
        %add3A_244 = vector.broadcast %add3A_243 : i32 to vector<16xi32>
        %add3A_245 = arith.addi %min3A_242, %add3A_244 : vector<16xi32>
        %min3A_246 = arith.constant 2047 : i32
        %min3A_247 = vector.broadcast %min3A_246 : i32 to vector<16xi32>
        %min3A_248 = arith.minsi %add3A_245, %min3A_247 : vector<16xi32>
        %convert_element_type3A_249 = arith.sitofp %min3A_242 : vector<16xi32> to vector<16xf32>
        %sub3A = arith.subf %mul3A_239, %convert_element_type3A_249 : vector<16xf32>
        %add3A_250 = arith.constant 0 : i32
        %add3A_251 = vector.broadcast %add3A_250 : i32 to vector<16xi32>
        %add3A_252 = arith.addi %min3A_242, %add3A_251 : vector<16xi32>
        %mul3A_253 = arith.constant 16 : i32
        %mul3A_254 = arith.muli %scan3A_231, %mul3A_253 : i32
        %swap3A = arith.constant 0 : i32
        %swap3A_255 = arith.constant 0 : i32
        %swap3A_256 = arith.index_cast %swap3A : i32 to index
        %swap3A_257 = arith.index_cast %swap3A_255 : i32 to index
        %swap3A_258 = arith.index_cast %mul3A_254 : i32 to index
        %swap3A_259 = tpu.vector_load %arg10[%swap3A_256, %swap3A_257, %swap3A_258] {strides = array<i32>} : memref<4x2x128xi32, #tpu.memory_space<vmem>>, vector<16xi32>,
        tpu.vector_store %arg10[%swap3A_256, %swap3A_257, %swap3A_258], %add3A_252 {strides = array<i32>} : memref<4x2x128xi32, #tpu.memory_space<vmem>>, vector<16xi32>,
        %add3A_260 = arith.constant 0 : i32
        %add3A_261 = vector.broadcast %add3A_260 : i32 to vector<16xi32>
        %add3A_262 = arith.addi %min3A_248, %add3A_261 : vector<16xi32>
        %mul3A_263 = arith.constant 16 : i32
        %mul3A_264 = arith.muli %scan3A_231, %mul3A_263 : i32
        %swap3A_265 = arith.constant 0 : i32
        %swap3A_266 = arith.constant 1 : i32
        %swap3A_267 = arith.index_cast %swap3A_265 : i32 to index
        %swap3A_268 = arith.index_cast %swap3A_266 : i32 to index
        %swap3A_269 = arith.index_cast %mul3A_264 : i32 to index
        %swap3A_270 = tpu.vector_load %arg10[%swap3A_267, %swap3A_268, %swap3A_269] {strides = array<i32>} : memref<4x2x128xi32, #tpu.memory_space<vmem>>, vector<16xi32>,
        tpu.vector_store %arg10[%swap3A_267, %swap3A_268, %swap3A_269], %add3A_262 {strides = array<i32>} : memref<4x2x128xi32, #tpu.memory_space<vmem>>, vector<16xi32>,
        %mul3A_271 = arith.constant 16 : i32
        %mul3A_272 = arith.muli %scan3A_231, %mul3A_271 : i32
        %swap3A_273 = arith.constant 0 : i32
        %swap3A_274 = arith.index_cast %swap3A_273 : i32 to index
        %swap3A_275 = arith.index_cast %mul3A_272 : i32 to index
        %swap3A_276 = tpu.vector_load %arg11[%swap3A_274, %swap3A_275] {strides = array<i32>} : memref<4x128xf32, #tpu.memory_space<vmem>>, vector<16xf32>,
        tpu.vector_store %arg11[%swap3A_274, %swap3A_275], %sub3A {strides = array<i32>} : memref<4x128xf32, #tpu.memory_space<vmem>>, vector<16xf32>,
        %sub3A_277 = arith.constant 1.000000e+00 : f32
        %sub3A_278 = vector.broadcast %sub3A_277 : f32 to vector<16xf32>
        %sub3A_279 = arith.subf %sub3A_278, %sub3A : vector<16xf32>
        %mul3A_280 = arith.constant 16 : i32
        %mul3A_281 = arith.muli %scan3A_231, %mul3A_280 : i32
        %swap3A_282 = arith.constant 0 : i32
        %swap3A_283 = arith.index_cast %swap3A_282 : i32 to index
        %swap3A_284 = arith.index_cast %mul3A_281 : i32 to index
        %swap3A_285 = tpu.vector_load %arg12[%swap3A_283, %swap3A_284] {strides = array<i32>} : memref<4x128xf32, #tpu.memory_space<vmem>>, vector<16xf32>,
        tpu.vector_store %arg12[%swap3A_283, %swap3A_284], %sub3A_279 {strides = array<i32>} : memref<4x128xf32, #tpu.memory_space<vmem>>, vector<16xf32>,
        %mul3A_286 = arith.constant 16 : i32
        %mul3A_287 = arith.muli %scan3A_231, %mul3A_286 : i32
        %get3A_288 = arith.constant 1 : i32
        %get3A_289 = arith.index_cast %get3A_288 : i32 to index
        %get3A_290 = arith.index_cast %mul3A_287 : i32 to index
        %get3A_291 = tpu.vector_load %arg9[%get3A_289, %get3A_290] {strides = array<i32>} : memref<4x128xf32, #tpu.memory_space<vmem>>, vector<16xf32>,
        %mul3A_292 = arith.constant 2.047000e+03 : f32
        %mul3A_293 = vector.broadcast %mul3A_292 : f32 to vector<16xf32>
        %mul3A_294 = arith.mulf %get3A_291, %mul3A_293 : vector<16xf32>
        %convert_element_type3A_295 = arith.fptosi %mul3A_294 : vector<16xf32> to vector<16xi32>
        %jit3A_296 = arith.constant 0 : i32
        %jit3A_297 = arith.constant 2047 : i32
        %max3A_298 = vector.broadcast %jit3A_296 : i32 to vector<16xi32>
        %max3A_299 = arith.maxsi %max3A_298, %convert_element_type3A_295 : vector<16xi32>
        %min3A_300 = vector.broadcast %jit3A_297 : i32 to vector<16xi32>
        %min3A_301 = arith.minsi %min3A_300, %max3A_299 : vector<16xi32>
        %add3A_302 = arith.constant 1 : i32
        %add3A_303 = vector.broadcast %add3A_302 : i32 to vector<16xi32>
        %add3A_304 = arith.addi %min3A_301, %add3A_303 : vector<16xi32>
        %min3A_305 = arith.constant 2047 : i32
        %min3A_306 = vector.broadcast %min3A_305 : i32 to vector<16xi32>
        %min3A_307 = arith.minsi %add3A_304, %min3A_306 : vector<16xi32>
        %convert_element_type3A_308 = arith.sitofp %min3A_301 : vector<16xi32> to vector<16xf32>
        %sub3A_309 = arith.subf %mul3A_294, %convert_element_type3A_308 : vector<16xf32>
        %add3A_310 = arith.constant 2048 : i32
        %add3A_311 = vector.broadcast %add3A_310 : i32 to vector<16xi32>
        %add3A_312 = arith.addi %min3A_301, %add3A_311 : vector<16xi32>
        %mul3A_313 = arith.constant 16 : i32
        %mul3A_314 = arith.muli %scan3A_231, %mul3A_313 : i32
        %swap3A_315 = arith.constant 1 : i32
        %swap3A_316 = arith.constant 0 : i32
        %swap3A_317 = arith.index_cast %swap3A_315 : i32 to index
        %swap3A_318 = arith.index_cast %swap3A_316 : i32 to index
        %swap3A_319 = arith.index_cast %mul3A_314 : i32 to index
        %swap3A_320 = tpu.vector_load %arg10[%swap3A_317, %swap3A_318, %swap3A_319] {strides = array<i32>} : memref<4x2x128xi32, #tpu.memory_space<vmem>>, vector<16xi32>,
        tpu.vector_store %arg10[%swap3A_317, %swap3A_318, %swap3A_319], %add3A_312 {strides = array<i32>} : memref<4x2x128xi32, #tpu.memory_space<vmem>>, vector<16xi32>,
        %add3A_321 = arith.constant 2048 : i32
        %add3A_322 = vector.broadcast %add3A_321 : i32 to vector<16xi32>
        %add3A_323 = arith.addi %min3A_307, %add3A_322 : vector<16xi32>
        %mul3A_324 = arith.constant 16 : i32
        %mul3A_325 = arith.muli %scan3A_231, %mul3A_324 : i32
        %swap3A_326 = arith.constant 1 : i32
        %swap3A_327 = arith.constant 1 : i32
        %swap3A_328 = arith.index_cast %swap3A_326 : i32 to index
        %swap3A_329 = arith.index_cast %swap3A_327 : i32 to index
        %swap3A_330 = arith.index_cast %mul3A_325 : i32 to index
        %swap3A_331 = tpu.vector_load %arg10[%swap3A_328, %swap3A_329, %swap3A_330] {strides = array<i32>} : memref<4x2x128xi32, #tpu.memory_space<vmem>>, vector<16xi32>,
        tpu.vector_store %arg10[%swap3A_328, %swap3A_329, %swap3A_330], %add3A_323 {strides = array<i32>} : memref<4x2x128xi32, #tpu.memory_space<vmem>>, vector<16xi32>,
        %mul3A_332 = arith.constant 16 : i32
        %mul3A_333 = arith.muli %scan3A_231, %mul3A_332 : i32
        %swap3A_334 = arith.constant 1 : i32
        %swap3A_335 = arith.index_cast %swap3A_334 : i32 to index
        %swap3A_336 = arith.index_cast %mul3A_333 : i32 to index
        %swap3A_337 = tpu.vector_load %arg11[%swap3A_335, %swap3A_336] {strides = array<i32>} : memref<4x128xf32, #tpu.memory_space<vmem>>, vector<16xf32>,
        tpu.vector_store %arg11[%swap3A_335, %swap3A_336], %sub3A_309 {strides = array<i32>} : memref<4x128xf32, #tpu.memory_space<vmem>>, vector<16xf32>,
        %sub3A_338 = arith.constant 1.000000e+00 : f32
        %sub3A_339 = vector.broadcast %sub3A_338 : f32 to vector<16xf32>
        %sub3A_340 = arith.subf %sub3A_339, %sub3A_309 : vector<16xf32>
        %mul3A_341 = arith.constant 16 : i32
        %mul3A_342 = arith.muli %scan3A_231, %mul3A_341 : i32
        %swap3A_343 = arith.constant 1 : i32
        %swap3A_344 = arith.index_cast %swap3A_343 : i32 to index
        %swap3A_345 = arith.index_cast %mul3A_342 : i32 to index
        %swap3A_346 = tpu.vector_load %arg12[%swap3A_344, %swap3A_345] {strides = array<i32>} : memref<4x128xf32, #tpu.memory_space<vmem>>, vector<16xf32>,
        tpu.vector_store %arg12[%swap3A_344, %swap3A_345], %sub3A_340 {strides = array<i32>} : memref<4x128xf32, #tpu.memory_space<vmem>>, vector<16xf32>,
        %mul3A_347 = arith.constant 16 : i32
        %mul3A_348 = arith.muli %scan3A_231, %mul3A_347 : i32
        %get3A_349 = arith.constant 2 : i32
        %get3A_350 = arith.index_cast %get3A_349 : i32 to index
        %get3A_351 = arith.index_cast %mul3A_348 : i32 to index
        %get3A_352 = tpu.vector_load %arg9[%get3A_350, %get3A_351] {strides = array<i32>} : memref<4x128xf32, #tpu.memory_space<vmem>>, vector<16xf32>,
        %mul3A_353 = arith.constant 2.047000e+03 : f32
        %mul3A_354 = vector.broadcast %mul3A_353 : f32 to vector<16xf32>
        %mul3A_355 = arith.mulf %get3A_352, %mul3A_354 : vector<16xf32>
        %convert_element_type3A_356 = arith.fptosi %mul3A_355 : vector<16xf32> to vector<16xi32>
        %jit3A_357 = arith.constant 0 : i32
        %jit3A_358 = arith.constant 2047 : i32
        %max3A_359 = vector.broadcast %jit3A_357 : i32 to vector<16xi32>
        %max3A_360 = arith.maxsi %max3A_359, %convert_element_type3A_356 : vector<16xi32>
        %min3A_361 = vector.broadcast %jit3A_358 : i32 to vector<16xi32>
        %min3A_362 = arith.minsi %min3A_361, %max3A_360 : vector<16xi32>
        %add3A_363 = arith.constant 1 : i32
        %add3A_364 = vector.broadcast %add3A_363 : i32 to vector<16xi32>
        %add3A_365 = arith.addi %min3A_362, %add3A_364 : vector<16xi32>
        %min3A_366 = arith.constant 2047 : i32
        %min3A_367 = vector.broadcast %min3A_366 : i32 to vector<16xi32>
        %min3A_368 = arith.minsi %add3A_365, %min3A_367 : vector<16xi32>
        %convert_element_type3A_369 = arith.sitofp %min3A_362 : vector<16xi32> to vector<16xf32>
        %sub3A_370 = arith.subf %mul3A_355, %convert_element_type3A_369 : vector<16xf32>
        %add3A_371 = arith.constant 4096 : i32
        %add3A_372 = vector.broadcast %add3A_371 : i32 to vector<16xi32>
        %add3A_373 = arith.addi %min3A_362, %add3A_372 : vector<16xi32>
        %mul3A_374 = arith.constant 16 : i32
        %mul3A_375 = arith.muli %scan3A_231, %mul3A_374 : i32
        %swap3A_376 = arith.constant 2 : i32
        %swap3A_377 = arith.constant 0 : i32
        %swap3A_378 = arith.index_cast %swap3A_376 : i32 to index
        %swap3A_379 = arith.index_cast %swap3A_377 : i32 to index
        %swap3A_380 = arith.index_cast %mul3A_375 : i32 to index
        %swap3A_381 = tpu.vector_load %arg10[%swap3A_378, %swap3A_379, %swap3A_380] {strides = array<i32>} : memref<4x2x128xi32, #tpu.memory_space<vmem>>, vector<16xi32>,
        tpu.vector_store %arg10[%swap3A_378, %swap3A_379, %swap3A_380], %add3A_373 {strides = array<i32>} : memref<4x2x128xi32, #tpu.memory_space<vmem>>, vector<16xi32>,
        %add3A_382 = arith.constant 4096 : i32
        %add3A_383 = vector.broadcast %add3A_382 : i32 to vector<16xi32>
        %add3A_384 = arith.addi %min3A_368, %add3A_383 : vector<16xi32>
        %mul3A_385 = arith.constant 16 : i32
        %mul3A_386 = arith.muli %scan3A_231, %mul3A_385 : i32
        %swap3A_387 = arith.constant 2 : i32
        %swap3A_388 = arith.constant 1 : i32
        %swap3A_389 = arith.index_cast %swap3A_387 : i32 to index
        %swap3A_390 = arith.index_cast %swap3A_388 : i32 to index
        %swap3A_391 = arith.index_cast %mul3A_386 : i32 to index
        %swap3A_392 = tpu.vector_load %arg10[%swap3A_389, %swap3A_390, %swap3A_391] {strides = array<i32>} : memref<4x2x128xi32, #tpu.memory_space<vmem>>, vector<16xi32>,
        tpu.vector_store %arg10[%swap3A_389, %swap3A_390, %swap3A_391], %add3A_384 {strides = array<i32>} : memref<4x2x128xi32, #tpu.memory_space<vmem>>, vector<16xi32>,
        %mul3A_393 = arith.constant 16 : i32
        %mul3A_394 = arith.muli %scan3A_231, %mul3A_393 : i32
        %swap3A_395 = arith.constant 2 : i32
        %swap3A_396 = arith.index_cast %swap3A_395 : i32 to index
        %swap3A_397 = arith.index_cast %mul3A_394 : i32 to index
        %swap3A_398 = tpu.vector_load %arg11[%swap3A_396, %swap3A_397] {strides = array<i32>} : memref<4x128xf32, #tpu.memory_space<vmem>>, vector<16xf32>,
        tpu.vector_store %arg11[%swap3A_396, %swap3A_397], %sub3A_370 {strides = array<i32>} : memref<4x128xf32, #tpu.memory_space<vmem>>, vector<16xf32>,
        %sub3A_399 = arith.constant 1.000000e+00 : f32
        %sub3A_400 = vector.broadcast %sub3A_399 : f32 to vector<16xf32>
        %sub3A_401 = arith.subf %sub3A_400, %sub3A_370 : vector<16xf32>
        %mul3A_402 = arith.constant 16 : i32
        %mul3A_403 = arith.muli %scan3A_231, %mul3A_402 : i32
        %swap3A_404 = arith.constant 2 : i32
        %swap3A_405 = arith.index_cast %swap3A_404 : i32 to index
        %swap3A_406 = arith.index_cast %mul3A_403 : i32 to index
        %swap3A_407 = tpu.vector_load %arg12[%swap3A_405, %swap3A_406] {strides = array<i32>} : memref<4x128xf32, #tpu.memory_space<vmem>>, vector<16xf32>,
        tpu.vector_store %arg12[%swap3A_405, %swap3A_406], %sub3A_401 {strides = array<i32>} : memref<4x128xf32, #tpu.memory_space<vmem>>, vector<16xf32>,
        %mul3A_408 = arith.constant 16 : i32
        %mul3A_409 = arith.muli %scan3A_231, %mul3A_408 : i32
        %get3A_410 = arith.constant 3 : i32
        %get3A_411 = arith.index_cast %get3A_410 : i32 to index
        %get3A_412 = arith.index_cast %mul3A_409 : i32 to index
        %get3A_413 = tpu.vector_load %arg9[%get3A_411, %get3A_412] {strides = array<i32>} : memref<4x128xf32, #tpu.memory_space<vmem>>, vector<16xf32>,
        %mul3A_414 = arith.constant 2.047000e+03 : f32
        %mul3A_415 = vector.broadcast %mul3A_414 : f32 to vector<16xf32>
        %mul3A_416 = arith.mulf %get3A_413, %mul3A_415 : vector<16xf32>
        %convert_element_type3A_417 = arith.fptosi %mul3A_416 : vector<16xf32> to vector<16xi32>
        %jit3A_418 = arith.constant 0 : i32
        %jit3A_419 = arith.constant 2047 : i32
        %max3A_420 = vector.broadcast %jit3A_418 : i32 to vector<16xi32>
        %max3A_421 = arith.maxsi %max3A_420, %convert_element_type3A_417 : vector<16xi32>
        %min3A_422 = vector.broadcast %jit3A_419 : i32 to vector<16xi32>
        %min3A_423 = arith.minsi %min3A_422, %max3A_421 : vector<16xi32>
        %add3A_424 = arith.constant 1 : i32
        %add3A_425 = vector.broadcast %add3A_424 : i32 to vector<16xi32>
        %add3A_426 = arith.addi %min3A_423, %add3A_425 : vector<16xi32>
        %min3A_427 = arith.constant 2047 : i32
        %min3A_428 = vector.broadcast %min3A_427 : i32 to vector<16xi32>
        %min3A_429 = arith.minsi %add3A_426, %min3A_428 : vector<16xi32>
        %convert_element_type3A_430 = arith.sitofp %min3A_423 : vector<16xi32> to vector<16xf32>
        %sub3A_431 = arith.subf %mul3A_416, %convert_element_type3A_430 : vector<16xf32>
        %add3A_432 = arith.constant 6144 : i32
        %add3A_433 = vector.broadcast %add3A_432 : i32 to vector<16xi32>
        %add3A_434 = arith.addi %min3A_423, %add3A_433 : vector<16xi32>
        %mul3A_435 = arith.constant 16 : i32
        %mul3A_436 = arith.muli %scan3A_231, %mul3A_435 : i32
        %swap3A_437 = arith.constant 3 : i32
        %swap3A_438 = arith.constant 0 : i32
        %swap3A_439 = arith.index_cast %swap3A_437 : i32 to index
        %swap3A_440 = arith.index_cast %swap3A_438 : i32 to index
        %swap3A_441 = arith.index_cast %mul3A_436 : i32 to index
        %swap3A_442 = tpu.vector_load %arg10[%swap3A_439, %swap3A_440, %swap3A_441] {strides = array<i32>} : memref<4x2x128xi32, #tpu.memory_space<vmem>>, vector<16xi32>,
        tpu.vector_store %arg10[%swap3A_439, %swap3A_440, %swap3A_441], %add3A_434 {strides = array<i32>} : memref<4x2x128xi32, #tpu.memory_space<vmem>>, vector<16xi32>,
        %add3A_443 = arith.constant 6144 : i32
        %add3A_444 = vector.broadcast %add3A_443 : i32 to vector<16xi32>
        %add3A_445 = arith.addi %min3A_429, %add3A_444 : vector<16xi32>
        %mul3A_446 = arith.constant 16 : i32
        %mul3A_447 = arith.muli %scan3A_231, %mul3A_446 : i32
        %swap3A_448 = arith.constant 3 : i32
        %swap3A_449 = arith.constant 1 : i32
        %swap3A_450 = arith.index_cast %swap3A_448 : i32 to index
        %swap3A_451 = arith.index_cast %swap3A_449 : i32 to index
        %swap3A_452 = arith.index_cast %mul3A_447 : i32 to index
        %swap3A_453 = tpu.vector_load %arg10[%swap3A_450, %swap3A_451, %swap3A_452] {strides = array<i32>} : memref<4x2x128xi32, #tpu.memory_space<vmem>>, vector<16xi32>,
        tpu.vector_store %arg10[%swap3A_450, %swap3A_451, %swap3A_452], %add3A_445 {strides = array<i32>} : memref<4x2x128xi32, #tpu.memory_space<vmem>>, vector<16xi32>,
        %mul3A_454 = arith.constant 16 : i32
        %mul3A_455 = arith.muli %scan3A_231, %mul3A_454 : i32
        %swap3A_456 = arith.constant 3 : i32
        %swap3A_457 = arith.index_cast %swap3A_456 : i32 to index
        %swap3A_458 = arith.index_cast %mul3A_455 : i32 to index
        %swap3A_459 = tpu.vector_load %arg11[%swap3A_457, %swap3A_458] {strides = array<i32>} : memref<4x128xf32, #tpu.memory_space<vmem>>, vector<16xf32>,
        tpu.vector_store %arg11[%swap3A_457, %swap3A_458], %sub3A_431 {strides = array<i32>} : memref<4x128xf32, #tpu.memory_space<vmem>>, vector<16xf32>,
        %sub3A_460 = arith.constant 1.000000e+00 : f32
        %sub3A_461 = vector.broadcast %sub3A_460 : f32 to vector<16xf32>
        %sub3A_462 = arith.subf %sub3A_461, %sub3A_431 : vector<16xf32>
        %mul3A_463 = arith.constant 16 : i32
        %mul3A_464 = arith.muli %scan3A_231, %mul3A_463 : i32
        %swap3A_465 = arith.constant 3 : i32
        %swap3A_466 = arith.index_cast %swap3A_465 : i32 to index
        %swap3A_467 = arith.index_cast %mul3A_464 : i32 to index
        %swap3A_468 = tpu.vector_load %arg12[%swap3A_466, %swap3A_467] {strides = array<i32>} : memref<4x128xf32, #tpu.memory_space<vmem>>, vector<16xf32>,
        tpu.vector_store %arg12[%swap3A_466, %swap3A_467], %sub3A_462 {strides = array<i32>} : memref<4x128xf32, #tpu.memory_space<vmem>>, vector<16xf32>,
      }
      %scan3A_18 = arith.constant 8 : i32
      %dma_start3A = arith.constant 0 : i32
      %dma_start3A_19 = arith.constant 0 : i32
      %dma_start3A_20 = arith.constant 0 : i32
      %dma_start3A_21 = arith.constant 0 : i32
      %dma_start3A_22 = arith.constant 0 : i32
      %dma_start3A_23 = tpu.memref_slice %arg13[%dma_start3A_20, %dma_start3A_21, %dma_start3A_22] : memref<4x128x32xf32, #tpu.memory_space<vmem>> -> memref<1x128x32xf32, #tpu.memory_space<vmem>>
      %dma_start3A_24 = tpu.memref_squeeze %dma_start3A_23 : memref<1x128x32xf32, #tpu.memory_space<vmem>> -> memref<128x32xf32, #tpu.memory_space<vmem>>
      %dma_start3A_25 = arith.constant 0 : i32
      %dma_start3A_26 = tpu.memref_slice %arg10[%dma_start3A, %dma_start3A_19, %dma_start3A_25] : memref<4x2x128xi32, #tpu.memory_space<vmem>> -> memref<1x1x128xi32, #tpu.memory_space<vmem>>
      %dma_start3A_27 = tpu.memref_squeeze %dma_start3A_26 : memref<1x1x128xi32, #tpu.memory_space<vmem>> -> memref<128xi32, #tpu.memory_space<vmem>>
      %dma_start3A_28 = arith.constant 0 : i32
      %dma_start3A_29 = arith.constant 0 : i32
      %dma_start3A_30 = tpu.memref_slice %arg7[%dma_start3A_28, %dma_start3A_29] : memref<8192x32xf32, #tpu.memory_space<hbm>> -> memref<8192x32xf32, #tpu.memory_space<hbm>>
      tpu.enqueue_indirect_dma source(%dma_start3A_30 : memref<8192x32xf32, #tpu.memory_space<hbm>>) target(%dma_start3A_24 : memref<128x32xf32, #tpu.memory_space<vmem>>) offsets(%dma_start3A_27 : memref<128xi32, #tpu.memory_space<vmem>>) semaphore(%arg20 : memref<!tpu.dma_semaphore, #tpu.memory_space<semaphore_mem>>)
      %dma_start3A_31 = arith.constant 0 : i32
      %dma_start3A_32 = arith.constant 1 : i32
      %dma_start3A_33 = arith.constant 0 : i32
      %dma_start3A_34 = arith.constant 0 : i32
      %dma_start3A_35 = arith.constant 0 : i32
      %dma_start3A_36 = tpu.memref_slice %arg14[%dma_start3A_33, %dma_start3A_34, %dma_start3A_35] : memref<4x128x32xf32, #tpu.memory_space<vmem>> -> memref<1x128x32xf32, #tpu.memory_space<vmem>>
      %dma_start3A_37 = tpu.memref_squeeze %dma_start3A_36 : memref<1x128x32xf32, #tpu.memory_space<vmem>> -> memref<128x32xf32, #tpu.memory_space<vmem>>
      %dma_start3A_38 = arith.constant 0 : i32
      %dma_start3A_39 = tpu.memref_slice %arg10[%dma_start3A_31, %dma_start3A_32, %dma_start3A_38] : memref<4x2x128xi32, #tpu.memory_space<vmem>> -> memref<1x1x128xi32, #tpu.memory_space<vmem>>
      %dma_start3A_40 = tpu.memref_squeeze %dma_start3A_39 : memref<1x1x128xi32, #tpu.memory_space<vmem>> -> memref<128xi32, #tpu.memory_space<vmem>>
      %dma_start3A_41 = arith.constant 0 : i32
      %dma_start3A_42 = arith.constant 0 : i32
      %dma_start3A_43 = tpu.memref_slice %arg7[%dma_start3A_41, %dma_start3A_42] : memref<8192x32xf32, #tpu.memory_space<hbm>> -> memref<8192x32xf32, #tpu.memory_space<hbm>>
      tpu.enqueue_indirect_dma source(%dma_start3A_43 : memref<8192x32xf32, #tpu.memory_space<hbm>>) target(%dma_start3A_37 : memref<128x32xf32, #tpu.memory_space<vmem>>) offsets(%dma_start3A_40 : memref<128xi32, #tpu.memory_space<vmem>>) semaphore(%arg20 : memref<!tpu.dma_semaphore, #tpu.memory_space<semaphore_mem>>)
      %dma_start3A_44 = arith.constant 1 : i32
      %dma_start3A_45 = arith.constant 0 : i32
      %dma_start3A_46 = arith.constant 1 : i32
      %dma_start3A_47 = arith.constant 0 : i32
      %dma_start3A_48 = arith.constant 0 : i32
      %dma_start3A_49 = tpu.memref_slice %arg13[%dma_start3A_46, %dma_start3A_47, %dma_start3A_48] : memref<4x128x32xf32, #tpu.memory_space<vmem>> -> memref<1x128x32xf32, #tpu.memory_space<vmem>>
      %dma_start3A_50 = tpu.memref_squeeze %dma_start3A_49 : memref<1x128x32xf32, #tpu.memory_space<vmem>> -> memref<128x32xf32, #tpu.memory_space<vmem>>
      %dma_start3A_51 = arith.constant 0 : i32
      %dma_start3A_52 = tpu.memref_slice %arg10[%dma_start3A_44, %dma_start3A_45, %dma_start3A_51] : memref<4x2x128xi32, #tpu.memory_space<vmem>> -> memref<1x1x128xi32, #tpu.memory_space<vmem>>
      %dma_start3A_53 = tpu.memref_squeeze %dma_start3A_52 : memref<1x1x128xi32, #tpu.memory_space<vmem>> -> memref<128xi32, #tpu.memory_space<vmem>>
      %dma_start3A_54 = arith.constant 0 : i32
      %dma_start3A_55 = arith.constant 0 : i32
      %dma_start3A_56 = tpu.memref_slice %arg7[%dma_start3A_54, %dma_start3A_55] : memref<8192x32xf32, #tpu.memory_space<hbm>> -> memref<8192x32xf32, #tpu.memory_space<hbm>>
      tpu.enqueue_indirect_dma source(%dma_start3A_56 : memref<8192x32xf32, #tpu.memory_space<hbm>>) target(%dma_start3A_50 : memref<128x32xf32, #tpu.memory_space<vmem>>) offsets(%dma_start3A_53 : memref<128xi32, #tpu.memory_space<vmem>>) semaphore(%arg20 : memref<!tpu.dma_semaphore, #tpu.memory_space<semaphore_mem>>)
      %dma_start3A_57 = arith.constant 1 : i32
      %dma_start3A_58 = arith.constant 1 : i32
      %dma_start3A_59 = arith.constant 1 : i32
      %dma_start3A_60 = arith.constant 0 : i32
      %dma_start3A_61 = arith.constant 0 : i32
      %dma_start3A_62 = tpu.memref_slice %arg14[%dma_start3A_59, %dma_start3A_60, %dma_start3A_61] : memref<4x128x32xf32, #tpu.memory_space<vmem>> -> memref<1x128x32xf32, #tpu.memory_space<vmem>>
      %dma_start3A_63 = tpu.memref_squeeze %dma_start3A_62 : memref<1x128x32xf32, #tpu.memory_space<vmem>> -> memref<128x32xf32, #tpu.memory_space<vmem>>
      %dma_start3A_64 = arith.constant 0 : i32
      %dma_start3A_65 = tpu.memref_slice %arg10[%dma_start3A_57, %dma_start3A_58, %dma_start3A_64] : memref<4x2x128xi32, #tpu.memory_space<vmem>> -> memref<1x1x128xi32, #tpu.memory_space<vmem>>
      %dma_start3A_66 = tpu.memref_squeeze %dma_start3A_65 : memref<1x1x128xi32, #tpu.memory_space<vmem>> -> memref<128xi32, #tpu.memory_space<vmem>>
      %dma_start3A_67 = arith.constant 0 : i32
      %dma_start3A_68 = arith.constant 0 : i32
      %dma_start3A_69 = tpu.memref_slice %arg7[%dma_start3A_67, %dma_start3A_68] : memref<8192x32xf32, #tpu.memory_space<hbm>> -> memref<8192x32xf32, #tpu.memory_space<hbm>>
      tpu.enqueue_indirect_dma source(%dma_start3A_69 : memref<8192x32xf32, #tpu.memory_space<hbm>>) target(%dma_start3A_63 : memref<128x32xf32, #tpu.memory_space<vmem>>) offsets(%dma_start3A_66 : memref<128xi32, #tpu.memory_space<vmem>>) semaphore(%arg20 : memref<!tpu.dma_semaphore, #tpu.memory_space<semaphore_mem>>)
      %dma_start3A_70 = arith.constant 2 : i32
      %dma_start3A_71 = arith.constant 0 : i32
      %dma_start3A_72 = arith.constant 2 : i32
      %dma_start3A_73 = arith.constant 0 : i32
      %dma_start3A_74 = arith.constant 0 : i32
      %dma_start3A_75 = tpu.memref_slice %arg13[%dma_start3A_72, %dma_start3A_73, %dma_start3A_74] : memref<4x128x32xf32, #tpu.memory_space<vmem>> -> memref<1x128x32xf32, #tpu.memory_space<vmem>>
      %dma_start3A_76 = tpu.memref_squeeze %dma_start3A_75 : memref<1x128x32xf32, #tpu.memory_space<vmem>> -> memref<128x32xf32, #tpu.memory_space<vmem>>
      %dma_start3A_77 = arith.constant 0 : i32
      %dma_start3A_78 = tpu.memref_slice %arg10[%dma_start3A_70, %dma_start3A_71, %dma_start3A_77] : memref<4x2x128xi32, #tpu.memory_space<vmem>> -> memref<1x1x128xi32, #tpu.memory_space<vmem>>
      %dma_start3A_79 = tpu.memref_squeeze %dma_start3A_78 : memref<1x1x128xi32, #tpu.memory_space<vmem>> -> memref<128xi32, #tpu.memory_space<vmem>>
      %dma_start3A_80 = arith.constant 0 : i32
      %dma_start3A_81 = arith.constant 0 : i32
      %dma_start3A_82 = tpu.memref_slice %arg7[%dma_start3A_80, %dma_start3A_81] : memref<8192x32xf32, #tpu.memory_space<hbm>> -> memref<8192x32xf32, #tpu.memory_space<hbm>>
      tpu.enqueue_indirect_dma source(%dma_start3A_82 : memref<8192x32xf32, #tpu.memory_space<hbm>>) target(%dma_start3A_76 : memref<128x32xf32, #tpu.memory_space<vmem>>) offsets(%dma_start3A_79 : memref<128xi32, #tpu.memory_space<vmem>>) semaphore(%arg20 : memref<!tpu.dma_semaphore, #tpu.memory_space<semaphore_mem>>)
      %dma_start3A_83 = arith.constant 2 : i32
      %dma_start3A_84 = arith.constant 1 : i32
      %dma_start3A_85 = arith.constant 2 : i32
      %dma_start3A_86 = arith.constant 0 : i32
      %dma_start3A_87 = arith.constant 0 : i32
      %dma_start3A_88 = tpu.memref_slice %arg14[%dma_start3A_85, %dma_start3A_86, %dma_start3A_87] : memref<4x128x32xf32, #tpu.memory_space<vmem>> -> memref<1x128x32xf32, #tpu.memory_space<vmem>>
      %dma_start3A_89 = tpu.memref_squeeze %dma_start3A_88 : memref<1x128x32xf32, #tpu.memory_space<vmem>> -> memref<128x32xf32, #tpu.memory_space<vmem>>
      %dma_start3A_90 = arith.constant 0 : i32
      %dma_start3A_91 = tpu.memref_slice %arg10[%dma_start3A_83, %dma_start3A_84, %dma_start3A_90] : memref<4x2x128xi32, #tpu.memory_space<vmem>> -> memref<1x1x128xi32, #tpu.memory_space<vmem>>
      %dma_start3A_92 = tpu.memref_squeeze %dma_start3A_91 : memref<1x1x128xi32, #tpu.memory_space<vmem>> -> memref<128xi32, #tpu.memory_space<vmem>>
      %dma_start3A_93 = arith.constant 0 : i32
      %dma_start3A_94 = arith.constant 0 : i32
      %dma_start3A_95 = tpu.memref_slice %arg7[%dma_start3A_93, %dma_start3A_94] : memref<8192x32xf32, #tpu.memory_space<hbm>> -> memref<8192x32xf32, #tpu.memory_space<hbm>>
      tpu.enqueue_indirect_dma source(%dma_start3A_95 : memref<8192x32xf32, #tpu.memory_space<hbm>>) target(%dma_start3A_89 : memref<128x32xf32, #tpu.memory_space<vmem>>) offsets(%dma_start3A_92 : memref<128xi32, #tpu.memory_space<vmem>>) semaphore(%arg20 : memref<!tpu.dma_semaphore, #tpu.memory_space<semaphore_mem>>)
      %dma_start3A_96 = arith.constant 3 : i32
      %dma_start3A_97 = arith.constant 0 : i32
      %dma_start3A_98 = arith.constant 3 : i32
      %dma_start3A_99 = arith.constant 0 : i32
      %dma_start3A_100 = arith.constant 0 : i32
      %dma_start3A_101 = tpu.memref_slice %arg13[%dma_start3A_98, %dma_start3A_99, %dma_start3A_100] : memref<4x128x32xf32, #tpu.memory_space<vmem>> -> memref<1x128x32xf32, #tpu.memory_space<vmem>>
      %dma_start3A_102 = tpu.memref_squeeze %dma_start3A_101 : memref<1x128x32xf32, #tpu.memory_space<vmem>> -> memref<128x32xf32, #tpu.memory_space<vmem>>
      %dma_start3A_103 = arith.constant 0 : i32
      %dma_start3A_104 = tpu.memref_slice %arg10[%dma_start3A_96, %dma_start3A_97, %dma_start3A_103] : memref<4x2x128xi32, #tpu.memory_space<vmem>> -> memref<1x1x128xi32, #tpu.memory_space<vmem>>
      %dma_start3A_105 = tpu.memref_squeeze %dma_start3A_104 : memref<1x1x128xi32, #tpu.memory_space<vmem>> -> memref<128xi32, #tpu.memory_space<vmem>>
      %dma_start3A_106 = arith.constant 0 : i32
      %dma_start3A_107 = arith.constant 0 : i32
      %dma_start3A_108 = tpu.memref_slice %arg7[%dma_start3A_106, %dma_start3A_107] : memref<8192x32xf32, #tpu.memory_space<hbm>> -> memref<8192x32xf32, #tpu.memory_space<hbm>>
      tpu.enqueue_indirect_dma source(%dma_start3A_108 : memref<8192x32xf32, #tpu.memory_space<hbm>>) target(%dma_start3A_102 : memref<128x32xf32, #tpu.memory_space<vmem>>) offsets(%dma_start3A_105 : memref<128xi32, #tpu.memory_space<vmem>>) semaphore(%arg20 : memref<!tpu.dma_semaphore, #tpu.memory_space<semaphore_mem>>)
      %dma_start3A_109 = arith.constant 3 : i32
      %dma_start3A_110 = arith.constant 1 : i32
      %dma_start3A_111 = arith.constant 3 : i32
      %dma_start3A_112 = arith.constant 0 : i32
      %dma_start3A_113 = arith.constant 0 : i32
      %dma_start3A_114 = tpu.memref_slice %arg14[%dma_start3A_111, %dma_start3A_112, %dma_start3A_113] : memref<4x128x32xf32, #tpu.memory_space<vmem>> -> memref<1x128x32xf32, #tpu.memory_space<vmem>>
      %dma_start3A_115 = tpu.memref_squeeze %dma_start3A_114 : memref<1x128x32xf32, #tpu.memory_space<vmem>> -> memref<128x32xf32, #tpu.memory_space<vmem>>
      %dma_start3A_116 = arith.constant 0 : i32
      %dma_start3A_117 = tpu.memref_slice %arg10[%dma_start3A_109, %dma_start3A_110, %dma_start3A_116] : memref<4x2x128xi32, #tpu.memory_space<vmem>> -> memref<1x1x128xi32, #tpu.memory_space<vmem>>
      %dma_start3A_118 = tpu.memref_squeeze %dma_start3A_117 : memref<1x1x128xi32, #tpu.memory_space<vmem>> -> memref<128xi32, #tpu.memory_space<vmem>>
      %dma_start3A_119 = arith.constant 0 : i32
      %dma_start3A_120 = arith.constant 0 : i32
      %dma_start3A_121 = tpu.memref_slice %arg7[%dma_start3A_119, %dma_start3A_120] : memref<8192x32xf32, #tpu.memory_space<hbm>> -> memref<8192x32xf32, #tpu.memory_space<hbm>>
      tpu.enqueue_indirect_dma source(%dma_start3A_121 : memref<8192x32xf32, #tpu.memory_space<hbm>>) target(%dma_start3A_115 : memref<128x32xf32, #tpu.memory_space<vmem>>) offsets(%dma_start3A_118 : memref<128xi32, #tpu.memory_space<vmem>>) semaphore(%arg20 : memref<!tpu.dma_semaphore, #tpu.memory_space<semaphore_mem>>)
      %dma_wait3A = arith.constant 0 : i32
      %dma_wait3A_122 = arith.constant 0 : i32
      %dma_wait3A_123 = arith.constant 0 : i32
      %dma_wait3A_124 = arith.constant 0 : i32
      %dma_wait3A_125 = arith.constant 0 : i32
      %dma_wait3A_126 = tpu.memref_slice %arg13[%dma_wait3A_123, %dma_wait3A_124, %dma_wait3A_125] : memref<4x128x32xf32, #tpu.memory_space<vmem>> -> memref<1x128x32xf32, #tpu.memory_space<vmem>>
      %dma_wait3A_127 = tpu.memref_squeeze %dma_wait3A_126 : memref<1x128x32xf32, #tpu.memory_space<vmem>> -> memref<128x32xf32, #tpu.memory_space<vmem>>
      %dma_wait3A_128 = arith.constant 0 : i32
      %dma_wait3A_129 = tpu.memref_slice %arg10[%dma_wait3A, %dma_wait3A_122, %dma_wait3A_128] : memref<4x2x128xi32, #tpu.memory_space<vmem>> -> memref<1x1x128xi32, #tpu.memory_space<vmem>>
      %dma_wait3A_130 = tpu.memref_squeeze %dma_wait3A_129 : memref<1x1x128xi32, #tpu.memory_space<vmem>> -> memref<128xi32, #tpu.memory_space<vmem>>
      %dma_wait3A_131 = arith.constant 0 : i32
      %dma_wait3A_132 = arith.constant 0 : i32
      %dma_wait3A_133 = tpu.memref_slice %arg7[%dma_wait3A_131, %dma_wait3A_132] : memref<8192x32xf32, #tpu.memory_space<hbm>> -> memref<8192x32xf32, #tpu.memory_space<hbm>>
      tpu.wait_indirect_dma semaphore(%arg20 : memref<!tpu.dma_semaphore, #tpu.memory_space<semaphore_mem>>) src(%dma_wait3A_133 : memref<8192x32xf32, #tpu.memory_space<hbm>>) dst(%dma_wait3A_127 : memref<128x32xf32, #tpu.memory_space<vmem>>)
      %dma_wait3A_134 = arith.constant 0 : i32
      %dma_wait3A_135 = arith.constant 1 : i32
      %dma_wait3A_136 = arith.constant 0 : i32
      %dma_wait3A_137 = arith.constant 0 : i32
      %dma_wait3A_138 = arith.constant 0 : i32
      %dma_wait3A_139 = tpu.memref_slice %arg14[%dma_wait3A_136, %dma_wait3A_137, %dma_wait3A_138] : memref<4x128x32xf32, #tpu.memory_space<vmem>> -> memref<1x128x32xf32, #tpu.memory_space<vmem>>
      %dma_wait3A_140 = tpu.memref_squeeze %dma_wait3A_139 : memref<1x128x32xf32, #tpu.memory_space<vmem>> -> memref<128x32xf32, #tpu.memory_space<vmem>>
      %dma_wait3A_141 = arith.constant 0 : i32
      %dma_wait3A_142 = tpu.memref_slice %arg10[%dma_wait3A_134, %dma_wait3A_135, %dma_wait3A_141] : memref<4x2x128xi32, #tpu.memory_space<vmem>> -> memref<1x1x128xi32, #tpu.memory_space<vmem>>
      %dma_wait3A_143 = tpu.memref_squeeze %dma_wait3A_142 : memref<1x1x128xi32, #tpu.memory_space<vmem>> -> memref<128xi32, #tpu.memory_space<vmem>>
      %dma_wait3A_144 = arith.constant 0 : i32
      %dma_wait3A_145 = arith.constant 0 : i32
      %dma_wait3A_146 = tpu.memref_slice %arg7[%dma_wait3A_144, %dma_wait3A_145] : memref<8192x32xf32, #tpu.memory_space<hbm>> -> memref<8192x32xf32, #tpu.memory_space<hbm>>
      tpu.wait_indirect_dma semaphore(%arg20 : memref<!tpu.dma_semaphore, #tpu.memory_space<semaphore_mem>>) src(%dma_wait3A_146 : memref<8192x32xf32, #tpu.memory_space<hbm>>) dst(%dma_wait3A_140 : memref<128x32xf32, #tpu.memory_space<vmem>>)
      %dma_wait3A_147 = arith.constant 1 : i32
      %dma_wait3A_148 = arith.constant 0 : i32
      %dma_wait3A_149 = arith.constant 1 : i32
      %dma_wait3A_150 = arith.constant 0 : i32
      %dma_wait3A_151 = arith.constant 0 : i32
      %dma_wait3A_152 = tpu.memref_slice %arg13[%dma_wait3A_149, %dma_wait3A_150, %dma_wait3A_151] : memref<4x128x32xf32, #tpu.memory_space<vmem>> -> memref<1x128x32xf32, #tpu.memory_space<vmem>>
      %dma_wait3A_153 = tpu.memref_squeeze %dma_wait3A_152 : memref<1x128x32xf32, #tpu.memory_space<vmem>> -> memref<128x32xf32, #tpu.memory_space<vmem>>
      %dma_wait3A_154 = arith.constant 0 : i32
      %dma_wait3A_155 = tpu.memref_slice %arg10[%dma_wait3A_147, %dma_wait3A_148, %dma_wait3A_154] : memref<4x2x128xi32, #tpu.memory_space<vmem>> -> memref<1x1x128xi32, #tpu.memory_space<vmem>>
      %dma_wait3A_156 = tpu.memref_squeeze %dma_wait3A_155 : memref<1x1x128xi32, #tpu.memory_space<vmem>> -> memref<128xi32, #tpu.memory_space<vmem>>
      %dma_wait3A_157 = arith.constant 0 : i32
      %dma_wait3A_158 = arith.constant 0 : i32
      %dma_wait3A_159 = tpu.memref_slice %arg7[%dma_wait3A_157, %dma_wait3A_158] : memref<8192x32xf32, #tpu.memory_space<hbm>> -> memref<8192x32xf32, #tpu.memory_space<hbm>>
      tpu.wait_indirect_dma semaphore(%arg20 : memref<!tpu.dma_semaphore, #tpu.memory_space<semaphore_mem>>) src(%dma_wait3A_159 : memref<8192x32xf32, #tpu.memory_space<hbm>>) dst(%dma_wait3A_153 : memref<128x32xf32, #tpu.memory_space<vmem>>)
      %dma_wait3A_160 = arith.constant 1 : i32
      %dma_wait3A_161 = arith.constant 1 : i32
      %dma_wait3A_162 = arith.constant 1 : i32
      %dma_wait3A_163 = arith.constant 0 : i32
      %dma_wait3A_164 = arith.constant 0 : i32
      %dma_wait3A_165 = tpu.memref_slice %arg14[%dma_wait3A_162, %dma_wait3A_163, %dma_wait3A_164] : memref<4x128x32xf32, #tpu.memory_space<vmem>> -> memref<1x128x32xf32, #tpu.memory_space<vmem>>
      %dma_wait3A_166 = tpu.memref_squeeze %dma_wait3A_165 : memref<1x128x32xf32, #tpu.memory_space<vmem>> -> memref<128x32xf32, #tpu.memory_space<vmem>>
      %dma_wait3A_167 = arith.constant 0 : i32
      %dma_wait3A_168 = tpu.memref_slice %arg10[%dma_wait3A_160, %dma_wait3A_161, %dma_wait3A_167] : memref<4x2x128xi32, #tpu.memory_space<vmem>> -> memref<1x1x128xi32, #tpu.memory_space<vmem>>
      %dma_wait3A_169 = tpu.memref_squeeze %dma_wait3A_168 : memref<1x1x128xi32, #tpu.memory_space<vmem>> -> memref<128xi32, #tpu.memory_space<vmem>>
      %dma_wait3A_170 = arith.constant 0 : i32
      %dma_wait3A_171 = arith.constant 0 : i32
      %dma_wait3A_172 = tpu.memref_slice %arg7[%dma_wait3A_170, %dma_wait3A_171] : memref<8192x32xf32, #tpu.memory_space<hbm>> -> memref<8192x32xf32, #tpu.memory_space<hbm>>
      tpu.wait_indirect_dma semaphore(%arg20 : memref<!tpu.dma_semaphore, #tpu.memory_space<semaphore_mem>>) src(%dma_wait3A_172 : memref<8192x32xf32, #tpu.memory_space<hbm>>) dst(%dma_wait3A_166 : memref<128x32xf32, #tpu.memory_space<vmem>>)
      %dma_wait3A_173 = arith.constant 2 : i32
      %dma_wait3A_174 = arith.constant 0 : i32
      %dma_wait3A_175 = arith.constant 2 : i32
      %dma_wait3A_176 = arith.constant 0 : i32
      %dma_wait3A_177 = arith.constant 0 : i32
      %dma_wait3A_178 = tpu.memref_slice %arg13[%dma_wait3A_175, %dma_wait3A_176, %dma_wait3A_177] : memref<4x128x32xf32, #tpu.memory_space<vmem>> -> memref<1x128x32xf32, #tpu.memory_space<vmem>>
      %dma_wait3A_179 = tpu.memref_squeeze %dma_wait3A_178 : memref<1x128x32xf32, #tpu.memory_space<vmem>> -> memref<128x32xf32, #tpu.memory_space<vmem>>
      %dma_wait3A_180 = arith.constant 0 : i32
      %dma_wait3A_181 = tpu.memref_slice %arg10[%dma_wait3A_173, %dma_wait3A_174, %dma_wait3A_180] : memref<4x2x128xi32, #tpu.memory_space<vmem>> -> memref<1x1x128xi32, #tpu.memory_space<vmem>>
      %dma_wait3A_182 = tpu.memref_squeeze %dma_wait3A_181 : memref<1x1x128xi32, #tpu.memory_space<vmem>> -> memref<128xi32, #tpu.memory_space<vmem>>
      %dma_wait3A_183 = arith.constant 0 : i32
      %dma_wait3A_184 = arith.constant 0 : i32
      %dma_wait3A_185 = tpu.memref_slice %arg7[%dma_wait3A_183, %dma_wait3A_184] : memref<8192x32xf32, #tpu.memory_space<hbm>> -> memref<8192x32xf32, #tpu.memory_space<hbm>>
      tpu.wait_indirect_dma semaphore(%arg20 : memref<!tpu.dma_semaphore, #tpu.memory_space<semaphore_mem>>) src(%dma_wait3A_185 : memref<8192x32xf32, #tpu.memory_space<hbm>>) dst(%dma_wait3A_179 : memref<128x32xf32, #tpu.memory_space<vmem>>)
      %dma_wait3A_186 = arith.constant 2 : i32
      %dma_wait3A_187 = arith.constant 1 : i32
      %dma_wait3A_188 = arith.constant 2 : i32
      %dma_wait3A_189 = arith.constant 0 : i32
      %dma_wait3A_190 = arith.constant 0 : i32
      %dma_wait3A_191 = tpu.memref_slice %arg14[%dma_wait3A_188, %dma_wait3A_189, %dma_wait3A_190] : memref<4x128x32xf32, #tpu.memory_space<vmem>> -> memref<1x128x32xf32, #tpu.memory_space<vmem>>
      %dma_wait3A_192 = tpu.memref_squeeze %dma_wait3A_191 : memref<1x128x32xf32, #tpu.memory_space<vmem>> -> memref<128x32xf32, #tpu.memory_space<vmem>>
      %dma_wait3A_193 = arith.constant 0 : i32
      %dma_wait3A_194 = tpu.memref_slice %arg10[%dma_wait3A_186, %dma_wait3A_187, %dma_wait3A_193] : memref<4x2x128xi32, #tpu.memory_space<vmem>> -> memref<1x1x128xi32, #tpu.memory_space<vmem>>
      %dma_wait3A_195 = tpu.memref_squeeze %dma_wait3A_194 : memref<1x1x128xi32, #tpu.memory_space<vmem>> -> memref<128xi32, #tpu.memory_space<vmem>>
      %dma_wait3A_196 = arith.constant 0 : i32
      %dma_wait3A_197 = arith.constant 0 : i32
      %dma_wait3A_198 = tpu.memref_slice %arg7[%dma_wait3A_196, %dma_wait3A_197] : memref<8192x32xf32, #tpu.memory_space<hbm>> -> memref<8192x32xf32, #tpu.memory_space<hbm>>
      tpu.wait_indirect_dma semaphore(%arg20 : memref<!tpu.dma_semaphore, #tpu.memory_space<semaphore_mem>>) src(%dma_wait3A_198 : memref<8192x32xf32, #tpu.memory_space<hbm>>) dst(%dma_wait3A_192 : memref<128x32xf32, #tpu.memory_space<vmem>>)
      %dma_wait3A_199 = arith.constant 3 : i32
      %dma_wait3A_200 = arith.constant 0 : i32
      %dma_wait3A_201 = arith.constant 3 : i32
      %dma_wait3A_202 = arith.constant 0 : i32
      %dma_wait3A_203 = arith.constant 0 : i32
      %dma_wait3A_204 = tpu.memref_slice %arg13[%dma_wait3A_201, %dma_wait3A_202, %dma_wait3A_203] : memref<4x128x32xf32, #tpu.memory_space<vmem>> -> memref<1x128x32xf32, #tpu.memory_space<vmem>>
      %dma_wait3A_205 = tpu.memref_squeeze %dma_wait3A_204 : memref<1x128x32xf32, #tpu.memory_space<vmem>> -> memref<128x32xf32, #tpu.memory_space<vmem>>
      %dma_wait3A_206 = arith.constant 0 : i32
      %dma_wait3A_207 = tpu.memref_slice %arg10[%dma_wait3A_199, %dma_wait3A_200, %dma_wait3A_206] : memref<4x2x128xi32, #tpu.memory_space<vmem>> -> memref<1x1x128xi32, #tpu.memory_space<vmem>>
      %dma_wait3A_208 = tpu.memref_squeeze %dma_wait3A_207 : memref<1x1x128xi32, #tpu.memory_space<vmem>> -> memref<128xi32, #tpu.memory_space<vmem>>
      %dma_wait3A_209 = arith.constant 0 : i32
      %dma_wait3A_210 = arith.constant 0 : i32
      %dma_wait3A_211 = tpu.memref_slice %arg7[%dma_wait3A_209, %dma_wait3A_210] : memref<8192x32xf32, #tpu.memory_space<hbm>> -> memref<8192x32xf32, #tpu.memory_space<hbm>>
      tpu.wait_indirect_dma semaphore(%arg20 : memref<!tpu.dma_semaphore, #tpu.memory_space<semaphore_mem>>) src(%dma_wait3A_211 : memref<8192x32xf32, #tpu.memory_space<hbm>>) dst(%dma_wait3A_205 : memref<128x32xf32, #tpu.memory_space<vmem>>)
      %dma_wait3A_212 = arith.constant 3 : i32
      %dma_wait3A_213 = arith.constant 1 : i32
      %dma_wait3A_214 = arith.constant 3 : i32
      %dma_wait3A_215 = arith.constant 0 : i32
      %dma_wait3A_216 = arith.constant 0 : i32
      %dma_wait3A_217 = tpu.memref_slice %arg14[%dma_wait3A_214, %dma_wait3A_215, %dma_wait3A_216] : memref<4x128x32xf32, #tpu.memory_space<vmem>> -> memref<1x128x32xf32, #tpu.memory_space<vmem>>
      %dma_wait3A_218 = tpu.memref_squeeze %dma_wait3A_217 : memref<1x128x32xf32, #tpu.memory_space<vmem>> -> memref<128x32xf32, #tpu.memory_space<vmem>>
      %dma_wait3A_219 = arith.constant 0 : i32
      %dma_wait3A_220 = tpu.memref_slice %arg10[%dma_wait3A_212, %dma_wait3A_213, %dma_wait3A_219] : memref<4x2x128xi32, #tpu.memory_space<vmem>> -> memref<1x1x128xi32, #tpu.memory_space<vmem>>
      %dma_wait3A_221 = tpu.memref_squeeze %dma_wait3A_220 : memref<1x1x128xi32, #tpu.memory_space<vmem>> -> memref<128xi32, #tpu.memory_space<vmem>>
      %dma_wait3A_222 = arith.constant 0 : i32
      %dma_wait3A_223 = arith.constant 0 : i32
      %dma_wait3A_224 = tpu.memref_slice %arg7[%dma_wait3A_222, %dma_wait3A_223] : memref<8192x32xf32, #tpu.memory_space<hbm>> -> memref<8192x32xf32, #tpu.memory_space<hbm>>
      tpu.wait_indirect_dma semaphore(%arg20 : memref<!tpu.dma_semaphore, #tpu.memory_space<semaphore_mem>>) src(%dma_wait3A_224 : memref<8192x32xf32, #tpu.memory_space<hbm>>) dst(%dma_wait3A_218 : memref<128x32xf32, #tpu.memory_space<vmem>>)
      %scan3A_225 = arith.constant 0 : i32
      %scan3A_226 = arith.constant 0 : i32
      %scan3A_227 = arith.constant 16 : i32
      %scan3A_228 = arith.addi %scan3A_226, %scan3A_227 : i32
      %scan3A_229 = arith.constant 1 : i32
      scf.for %scan3A_231 = %scan3A_226 to %scan3A_228 step %scan3A_229  : i32 {
        %broadcast_in_dim3A_232 = vector.broadcast %scan3A_231 : i32 to vector<16xi32>
        %broadcast_in_dim3A_233 = arith.constant 3.200000e+01 : f32
        %broadcast_in_dim3A_234 = vector.broadcast %broadcast_in_dim3A_233 : f32 to vector<16xf32>
        %eq3A = arith.constant 1 : i32
        %eq3A_235 = vector.broadcast %eq3A : i32 to vector<16xi32>
        %eq3A_236 = arith.cmpi eq, %broadcast_in_dim3A_232, %eq3A_235 : vector<16xi32>
        %jit3A = arith.constant 42.2242546 : f32
        %broadcast_in_dim3A_237 = vector.broadcast %jit3A : f32 to vector<16xf32>
        %select_n3A = arith.select %eq3A_236, %broadcast_in_dim3A_237, %broadcast_in_dim3A_234 : vector<16xi1>, vector<16xf32>
        %eq3A_238 = arith.constant 2 : i32
        %eq3A_239 = vector.broadcast %eq3A_238 : i32 to vector<16xi32>
        %eq3A_240 = arith.cmpi eq, %broadcast_in_dim3A_232, %eq3A_239 : vector<16xi32>
        %jit3A_241 = arith.constant 55.7152367 : f32
        %broadcast_in_dim3A_242 = vector.broadcast %jit3A_241 : f32 to vector<16xf32>
        %select_n3A_243 = arith.select %eq3A_240, %broadcast_in_dim3A_242, %select_n3A : vector<16xi1>, vector<16xf32>
        %eq3A_244 = arith.constant 3 : i32
        %eq3A_245 = vector.broadcast %eq3A_244 : i32 to vector<16xi32>
        %eq3A_246 = arith.cmpi eq, %broadcast_in_dim3A_232, %eq3A_245 : vector<16xi32>
        %jit3A_247 = arith.constant 73.5166931 : f32
        %broadcast_in_dim3A_248 = vector.broadcast %jit3A_247 : f32 to vector<16xf32>
        %select_n3A_249 = arith.select %eq3A_246, %broadcast_in_dim3A_248, %select_n3A_243 : vector<16xi1>, vector<16xf32>
        %eq3A_250 = arith.constant 4 : i32
        %eq3A_251 = vector.broadcast %eq3A_250 : i32 to vector<16xi32>
        %eq3A_252 = arith.cmpi eq, %broadcast_in_dim3A_232, %eq3A_251 : vector<16xi32>
        %jit3A_253 = arith.constant 97.0058593 : f32
        %broadcast_in_dim3A_254 = vector.broadcast %jit3A_253 : f32 to vector<16xf32>
        %select_n3A_255 = arith.select %eq3A_252, %broadcast_in_dim3A_254, %select_n3A_249 : vector<16xi1>, vector<16xf32>
        %eq3A_256 = arith.constant 5 : i32
        %eq3A_257 = vector.broadcast %eq3A_256 : i32 to vector<16xi32>
        %eq3A_258 = arith.cmpi eq, %broadcast_in_dim3A_232, %eq3A_257 : vector<16xi32>
        %jit3A_259 = arith.constant 1.280000e+02 : f32
        %broadcast_in_dim3A_260 = vector.broadcast %jit3A_259 : f32 to vector<16xf32>
        %select_n3A_261 = arith.select %eq3A_258, %broadcast_in_dim3A_260, %select_n3A_255 : vector<16xi1>, vector<16xf32>
        %eq3A_262 = arith.constant 6 : i32
        %eq3A_263 = vector.broadcast %eq3A_262 : i32 to vector<16xi32>
        %eq3A_264 = arith.cmpi eq, %broadcast_in_dim3A_232, %eq3A_263 : vector<16xi32>
        %jit3A_265 = arith.constant 168.897018 : f32
        %broadcast_in_dim3A_266 = vector.broadcast %jit3A_265 : f32 to vector<16xf32>
        %select_n3A_267 = arith.select %eq3A_264, %broadcast_in_dim3A_266, %select_n3A_261 : vector<16xi1>, vector<16xf32>
        %eq3A_268 = arith.constant 7 : i32
        %eq3A_269 = vector.broadcast %eq3A_268 : i32 to vector<16xi32>
        %eq3A_270 = arith.cmpi eq, %broadcast_in_dim3A_232, %eq3A_269 : vector<16xi32>
        %jit3A_271 = arith.constant 222.860947 : f32
        %broadcast_in_dim3A_272 = vector.broadcast %jit3A_271 : f32 to vector<16xf32>
        %select_n3A_273 = arith.select %eq3A_270, %broadcast_in_dim3A_272, %select_n3A_267 : vector<16xi1>, vector<16xf32>
        %eq3A_274 = arith.constant 8 : i32
        %eq3A_275 = vector.broadcast %eq3A_274 : i32 to vector<16xi32>
        %eq3A_276 = arith.cmpi eq, %broadcast_in_dim3A_232, %eq3A_275 : vector<16xi32>
        %jit3A_277 = arith.constant 294.066772 : f32
        %broadcast_in_dim3A_278 = vector.broadcast %jit3A_277 : f32 to vector<16xf32>
        %select_n3A_279 = arith.select %eq3A_276, %broadcast_in_dim3A_278, %select_n3A_273 : vector<16xi1>, vector<16xf32>
        %eq3A_280 = arith.constant 9 : i32
        %eq3A_281 = vector.broadcast %eq3A_280 : i32 to vector<16xi32>
        %eq3A_282 = arith.cmpi eq, %broadcast_in_dim3A_232, %eq3A_281 : vector<16xi32>
        %jit3A_283 = arith.constant 388.023438 : f32
        %broadcast_in_dim3A_284 = vector.broadcast %jit3A_283 : f32 to vector<16xf32>
        %select_n3A_285 = arith.select %eq3A_282, %broadcast_in_dim3A_284, %select_n3A_279 : vector<16xi1>, vector<16xf32>
        %eq3A_286 = arith.constant 10 : i32
        %eq3A_287 = vector.broadcast %eq3A_286 : i32 to vector<16xi32>
        %eq3A_288 = arith.cmpi eq, %broadcast_in_dim3A_232, %eq3A_287 : vector<16xi32>
        %jit3A_289 = arith.constant 5.120000e+02 : f32
        %broadcast_in_dim3A_290 = vector.broadcast %jit3A_289 : f32 to vector<16xf32>
        %select_n3A_291 = arith.select %eq3A_288, %broadcast_in_dim3A_290, %select_n3A_285 : vector<16xi1>, vector<16xf32>
        %eq3A_292 = arith.constant 11 : i32
        %eq3A_293 = vector.broadcast %eq3A_292 : i32 to vector<16xi32>
        %eq3A_294 = arith.cmpi eq, %broadcast_in_dim3A_232, %eq3A_293 : vector<16xi32>
        %jit3A_295 = arith.constant 675.588074 : f32
        %broadcast_in_dim3A_296 = vector.broadcast %jit3A_295 : f32 to vector<16xf32>
        %select_n3A_297 = arith.select %eq3A_294, %broadcast_in_dim3A_296, %select_n3A_291 : vector<16xi1>, vector<16xf32>
        %eq3A_298 = arith.constant 12 : i32
        %eq3A_299 = vector.broadcast %eq3A_298 : i32 to vector<16xi32>
        %eq3A_300 = arith.cmpi eq, %broadcast_in_dim3A_232, %eq3A_299 : vector<16xi32>
        %jit3A_301 = arith.constant 891.443786 : f32
        %broadcast_in_dim3A_302 = vector.broadcast %jit3A_301 : f32 to vector<16xf32>
        %select_n3A_303 = arith.select %eq3A_300, %broadcast_in_dim3A_302, %select_n3A_297 : vector<16xi1>, vector<16xf32>
        %eq3A_304 = arith.constant 13 : i32
        %eq3A_305 = vector.broadcast %eq3A_304 : i32 to vector<16xi32>
        %eq3A_306 = arith.cmpi eq, %broadcast_in_dim3A_232, %eq3A_305 : vector<16xi32>
        %jit3A_307 = arith.constant 1176.26709 : f32
        %broadcast_in_dim3A_308 = vector.broadcast %jit3A_307 : f32 to vector<16xf32>
        %select_n3A_309 = arith.select %eq3A_306, %broadcast_in_dim3A_308, %select_n3A_303 : vector<16xi1>, vector<16xf32>
        %eq3A_310 = arith.constant 14 : i32
        %eq3A_311 = vector.broadcast %eq3A_310 : i32 to vector<16xi32>
        %eq3A_312 = arith.cmpi eq, %broadcast_in_dim3A_232, %eq3A_311 : vector<16xi32>
        %jit3A_313 = arith.constant 1552.09375 : f32
        %broadcast_in_dim3A_314 = vector.broadcast %jit3A_313 : f32 to vector<16xf32>
        %select_n3A_315 = arith.select %eq3A_312, %broadcast_in_dim3A_314, %select_n3A_309 : vector<16xi1>, vector<16xf32>
        %eq3A_316 = arith.constant 15 : i32
        %eq3A_317 = vector.broadcast %eq3A_316 : i32 to vector<16xi32>
        %eq3A_318 = arith.cmpi eq, %broadcast_in_dim3A_232, %eq3A_317 : vector<16xi32>
        %jit3A_319 = arith.constant 2.048000e+03 : f32
        %broadcast_in_dim3A_320 = vector.broadcast %jit3A_319 : f32 to vector<16xf32>
        %select_n3A_321 = arith.select %eq3A_318, %broadcast_in_dim3A_320, %select_n3A_315 : vector<16xi1>, vector<16xf32>
        %shift_left3A = arith.constant 19 : i32
        %shift_left3A_322 = vector.broadcast %shift_left3A : i32 to vector<16xi32>
        %shift_left3A_323 = arith.shli %broadcast_in_dim3A_232, %shift_left3A_322 : vector<16xi32>
        %scan3A_324 = arith.constant 0 : i32
        %scan3A_325 = arith.constant 0 : i32
        %scan3A_326 = arith.constant 8 : i32
        %scan3A_327 = arith.addi %scan3A_325, %scan3A_326 : i32
        %scan3A_328 = arith.constant 1 : i32
        scf.for %scan3A_432 = %scan3A_325 to %scan3A_327 step %scan3A_328  : i32 {
          %mul3A_433 = arith.constant 16 : i32
          %mul3A_434 = arith.muli %scan3A_432, %mul3A_433 : i32
          %get3A = arith.constant 0 : i32
          %get3A_435 = arith.index_cast %get3A : i32 to index
          %get3A_436 = arith.index_cast %mul3A_434 : i32 to index
          %get3A_437 = tpu.vector_load %arg9[%get3A_435, %get3A_436] {strides = array<i32>} : memref<4x128xf32, #tpu.memory_space<vmem>>, vector<16xf32>,
          %mul3A_438 = arith.mulf %get3A_437, %select_n3A_321 : vector<16xf32>
          %convert_element_type3A = arith.fptosi %mul3A_438 : vector<16xf32> to vector<16xi32>
          %convert_element_type3A_439 = arith.sitofp %convert_element_type3A : vector<16xi32> to vector<16xf32>
          %sub3A = arith.subf %mul3A_438, %convert_element_type3A_439 : vector<16xf32>
          %sub3A_440 = arith.constant 1.000000e+00 : f32
          %sub3A_441 = vector.broadcast %sub3A_440 : f32 to vector<16xf32>
          %sub3A_442 = arith.subf %sub3A_441, %sub3A : vector<16xf32>
          %mul3A_443 = arith.constant 16 : i32
          %mul3A_444 = arith.muli %scan3A_432, %mul3A_443 : i32
          %get3A_445 = arith.constant 1 : i32
          %get3A_446 = arith.index_cast %get3A_445 : i32 to index
          %get3A_447 = arith.index_cast %mul3A_444 : i32 to index
          %get3A_448 = tpu.vector_load %arg9[%get3A_446, %get3A_447] {strides = array<i32>} : memref<4x128xf32, #tpu.memory_space<vmem>>, vector<16xf32>,
          %mul3A_449 = arith.mulf %get3A_448, %select_n3A_321 : vector<16xf32>
          %convert_element_type3A_450 = arith.fptosi %mul3A_449 : vector<16xf32> to vector<16xi32>
          %convert_element_type3A_451 = arith.sitofp %convert_element_type3A_450 : vector<16xi32> to vector<16xf32>
          %sub3A_452 = arith.subf %mul3A_449, %convert_element_type3A_451 : vector<16xf32>
          %sub3A_453 = arith.constant 1.000000e+00 : f32
          %sub3A_454 = vector.broadcast %sub3A_453 : f32 to vector<16xf32>
          %sub3A_455 = arith.subf %sub3A_454, %sub3A_452 : vector<16xf32>
          %mul3A_456 = arith.constant 16 : i32
          %mul3A_457 = arith.muli %scan3A_432, %mul3A_456 : i32
          %get3A_458 = arith.constant 2 : i32
          %get3A_459 = arith.index_cast %get3A_458 : i32 to index
          %get3A_460 = arith.index_cast %mul3A_457 : i32 to index
          %get3A_461 = tpu.vector_load %arg9[%get3A_459, %get3A_460] {strides = array<i32>} : memref<4x128xf32, #tpu.memory_space<vmem>>, vector<16xf32>,
          %mul3A_462 = arith.mulf %get3A_461, %select_n3A_321 : vector<16xf32>
          %convert_element_type3A_463 = arith.fptosi %mul3A_462 : vector<16xf32> to vector<16xi32>
          %convert_element_type3A_464 = arith.sitofp %convert_element_type3A_463 : vector<16xi32> to vector<16xf32>
          %sub3A_465 = arith.subf %mul3A_462, %convert_element_type3A_464 : vector<16xf32>
          %sub3A_466 = arith.constant 1.000000e+00 : f32
          %sub3A_467 = vector.broadcast %sub3A_466 : f32 to vector<16xf32>
          %sub3A_468 = arith.subf %sub3A_467, %sub3A_465 : vector<16xf32>
          %mul3A_469 = arith.constant 16 : i32
          %mul3A_470 = arith.muli %scan3A_432, %mul3A_469 : i32
          %get3A_471 = arith.constant 3 : i32
          %get3A_472 = arith.index_cast %get3A_471 : i32 to index
          %get3A_473 = arith.index_cast %mul3A_470 : i32 to index
          %get3A_474 = tpu.vector_load %arg9[%get3A_472, %get3A_473] {strides = array<i32>} : memref<4x128xf32, #tpu.memory_space<vmem>>, vector<16xf32>,
          %mul3A_475 = arith.mulf %get3A_474, %select_n3A_321 : vector<16xf32>
          %convert_element_type3A_476 = arith.fptosi %mul3A_475 : vector<16xf32> to vector<16xi32>
          %convert_element_type3A_477 = arith.sitofp %convert_element_type3A_476 : vector<16xi32> to vector<16xf32>
          %sub3A_478 = arith.subf %mul3A_475, %convert_element_type3A_477 : vector<16xf32>
          %sub3A_479 = arith.constant 1.000000e+00 : f32
          %sub3A_480 = vector.broadcast %sub3A_479 : f32 to vector<16xf32>
          %sub3A_481 = arith.subf %sub3A_480, %sub3A_478 : vector<16xf32>
          %add3A_482 = arith.constant 1 : i32
          %add3A_483 = vector.broadcast %add3A_482 : i32 to vector<16xi32>
          %add3A_484 = arith.addi %convert_element_type3A, %add3A_483 : vector<16xi32>
          %add3A_485 = arith.constant 1 : i32
          %add3A_486 = vector.broadcast %add3A_485 : i32 to vector<16xi32>
          %add3A_487 = arith.addi %convert_element_type3A_450, %add3A_486 : vector<16xi32>
          %mul3A_488 = arith.constant -1640531535 : i32
          %mul3A_489 = vector.broadcast %mul3A_488 : i32 to vector<16xi32>
          %mul3A_490 = arith.muli %convert_element_type3A_450, %mul3A_489 : vector<16xi32>
          %mul3A_491 = arith.constant -1640531535 : i32
          %mul3A_492 = vector.broadcast %mul3A_491 : i32 to vector<16xi32>
          %mul3A_493 = arith.muli %convert_element_type3A_450, %mul3A_492 : vector<16xi32>
          %add3A_494 = arith.constant -1640531535 : i32
          %add3A_495 = vector.broadcast %add3A_494 : i32 to vector<16xi32>
          %add3A_496 = arith.addi %mul3A_493, %add3A_495 : vector<16xi32>
          %mul3A_497 = arith.constant -1640531535 : i32
          %mul3A_498 = vector.broadcast %mul3A_497 : i32 to vector<16xi32>
          %mul3A_499 = arith.muli %convert_element_type3A_463, %mul3A_498 : vector<16xi32>
          %mul3A_500 = arith.constant -1640531535 : i32
          %mul3A_501 = vector.broadcast %mul3A_500 : i32 to vector<16xi32>
          %mul3A_502 = arith.muli %convert_element_type3A_463, %mul3A_501 : vector<16xi32>
          %add3A_503 = arith.constant -1640531535 : i32
          %add3A_504 = vector.broadcast %add3A_503 : i32 to vector<16xi32>
          %add3A_505 = arith.addi %mul3A_502, %add3A_504 : vector<16xi32>
          %mul3A_506 = arith.constant 805459861 : i32
          %mul3A_507 = vector.broadcast %mul3A_506 : i32 to vector<16xi32>
          %mul3A_508 = arith.muli %convert_element_type3A_463, %mul3A_507 : vector<16xi32>
          %mul3A_509 = arith.constant 805459861 : i32
          %mul3A_510 = vector.broadcast %mul3A_509 : i32 to vector<16xi32>
          %mul3A_511 = arith.muli %convert_element_type3A_463, %mul3A_510 : vector<16xi32>
          %add3A_512 = arith.constant 805459861 : i32
          %add3A_513 = vector.broadcast %add3A_512 : i32 to vector<16xi32>
          %add3A_514 = arith.addi %mul3A_511, %add3A_513 : vector<16xi32>
          %mul3A_515 = arith.constant 805459861 : i32
          %mul3A_516 = vector.broadcast %mul3A_515 : i32 to vector<16xi32>
          %mul3A_517 = arith.muli %convert_element_type3A_476, %mul3A_516 : vector<16xi32>
          %mul3A_518 = arith.constant 805459861 : i32
          %mul3A_519 = vector.broadcast %mul3A_518 : i32 to vector<16xi32>
          %mul3A_520 = arith.muli %convert_element_type3A_476, %mul3A_519 : vector<16xi32>
          %add3A_521 = arith.constant 805459861 : i32
          %add3A_522 = vector.broadcast %add3A_521 : i32 to vector<16xi32>
          %add3A_523 = arith.addi %mul3A_520, %add3A_522 : vector<16xi32>
          %xor3A = arith.xori %convert_element_type3A, %mul3A_490 : vector<16xi32>
          %xor3A_524 = arith.xori %convert_element_type3A, %add3A_496 : vector<16xi32>
          %xor3A_525 = arith.xori %add3A_484, %mul3A_490 : vector<16xi32>
          %xor3A_526 = arith.xori %add3A_484, %add3A_496 : vector<16xi32>
          %mul3A_527 = arith.mulf %sub3A_442, %sub3A_455 : vector<16xf32>
          %mul3A_528 = arith.mulf %sub3A_442, %sub3A_452 : vector<16xf32>
          %mul3A_529 = arith.mulf %sub3A, %sub3A_455 : vector<16xf32>
          %mul3A_530 = arith.mulf %sub3A, %sub3A_452 : vector<16xf32>
          %xor3A_531 = arith.xori %xor3A, %mul3A_508 : vector<16xi32>
          %and3A = arith.constant 524287 : i32
          %and3A_532 = vector.broadcast %and3A : i32 to vector<16xi32>
          %and3A_533 = arith.andi %xor3A_531, %and3A_532 : vector<16xi32>
          %add3A_534 = arith.addi %and3A_533, %shift_left3A_323 : vector<16xi32>
          %shift_right_arithmetic3A = arith.constant 3 : i32
          %shift_right_arithmetic3A_535 = vector.broadcast %shift_right_arithmetic3A : i32 to vector<16xi32>
          %shift_right_arithmetic3A_536 = arith.shrsi %add3A_534, %shift_right_arithmetic3A_535 : vector<16xi32>
          %mul3A_537 = arith.constant 16 : i32
          %mul3A_538 = arith.muli %scan3A_432, %mul3A_537 : i32
          %add3A_539 = arith.constant 0 : i32
          %add3A_540 = arith.addi %add3A_539, %mul3A_538 : i32
          %swap3A = arith.constant 0 : i32
          %swap3A_541 = arith.index_cast %swap3A : i32 to index
          %swap3A_542 = arith.index_cast %add3A_540 : i32 to index
          %swap3A_543 = tpu.vector_load %arg15[%swap3A_541, %swap3A_542] {strides = array<i32>} : memref<4x1024xi32, #tpu.memory_space<vmem>>, vector<16xi32>,
          tpu.vector_store %arg15[%swap3A_541, %swap3A_542], %shift_right_arithmetic3A_536 {strides = array<i32>} : memref<4x1024xi32, #tpu.memory_space<vmem>>, vector<16xi32>,
          %and3A_544 = arith.constant 7 : i32
          %and3A_545 = vector.broadcast %and3A_544 : i32 to vector<16xi32>
          %and3A_546 = arith.andi %add3A_534, %and3A_545 : vector<16xi32>
          %mul3A_547 = arith.constant 2 : i32
          %mul3A_548 = vector.broadcast %mul3A_547 : i32 to vector<16xi32>
          %mul3A_549 = arith.muli %and3A_546, %mul3A_548 : vector<16xi32>
          %mul3A_550 = arith.constant 16 : i32
          %mul3A_551 = arith.muli %scan3A_432, %mul3A_550 : i32
          %add3A_552 = arith.constant 0 : i32
          %add3A_553 = arith.addi %add3A_552, %mul3A_551 : i32
          %swap3A_554 = arith.constant 0 : i32
          %swap3A_555 = arith.index_cast %swap3A_554 : i32 to index
          %swap3A_556 = arith.index_cast %add3A_553 : i32 to index
          %swap3A_557 = tpu.vector_load %arg16[%swap3A_555, %swap3A_556] {strides = array<i32>} : memref<4x1024xi32, #tpu.memory_space<vmem>>, vector<16xi32>,
          tpu.vector_store %arg16[%swap3A_555, %swap3A_556], %mul3A_549 {strides = array<i32>} : memref<4x1024xi32, #tpu.memory_space<vmem>>, vector<16xi32>,
          %mul3A_558 = arith.mulf %mul3A_527, %sub3A_468 : vector<16xf32>
          %mul3A_559 = arith.constant 16 : i32
          %mul3A_560 = arith.muli %scan3A_432, %mul3A_559 : i32
          %add3A_561 = arith.constant 0 : i32
          %add3A_562 = arith.addi %add3A_561, %mul3A_560 : i32
          %swap3A_563 = arith.constant 0 : i32
          %swap3A_564 = arith.index_cast %swap3A_563 : i32 to index
          %swap3A_565 = arith.index_cast %add3A_562 : i32 to index
          %swap3A_566 = tpu.vector_load %arg17[%swap3A_564, %swap3A_565] {strides = array<i32>} : memref<4x1024xf32, #tpu.memory_space<vmem>>, vector<16xf32>,
          tpu.vector_store %arg17[%swap3A_564, %swap3A_565], %mul3A_558 {strides = array<i32>} : memref<4x1024xf32, #tpu.memory_space<vmem>>, vector<16xf32>,
          %xor3A_567 = arith.xori %xor3A, %add3A_514 : vector<16xi32>
          %and3A_568 = arith.constant 524287 : i32
          %and3A_569 = vector.broadcast %and3A_568 : i32 to vector<16xi32>
          %and3A_570 = arith.andi %xor3A_567, %and3A_569 : vector<16xi32>
          %add3A_571 = arith.addi %and3A_570, %shift_left3A_323 : vector<16xi32>
          %shift_right_arithmetic3A_572 = arith.constant 3 : i32
          %shift_right_arithmetic3A_573 = vector.broadcast %shift_right_arithmetic3A_572 : i32 to vector<16xi32>
          %shift_right_arithmetic3A_574 = arith.shrsi %add3A_571, %shift_right_arithmetic3A_573 : vector<16xi32>
          %mul3A_575 = arith.constant 16 : i32
          %mul3A_576 = arith.muli %scan3A_432, %mul3A_575 : i32
          %add3A_577 = arith.constant 128 : i32
          %add3A_578 = arith.addi %add3A_577, %mul3A_576 : i32
          %swap3A_579 = arith.constant 0 : i32
          %swap3A_580 = arith.index_cast %swap3A_579 : i32 to index
          %swap3A_581 = arith.index_cast %add3A_578 : i32 to index
          %swap3A_582 = tpu.vector_load %arg15[%swap3A_580, %swap3A_581] {strides = array<i32>} : memref<4x1024xi32, #tpu.memory_space<vmem>>, vector<16xi32>,
          tpu.vector_store %arg15[%swap3A_580, %swap3A_581], %shift_right_arithmetic3A_574 {strides = array<i32>} : memref<4x1024xi32, #tpu.memory_space<vmem>>, vector<16xi32>,
          %and3A_583 = arith.constant 7 : i32
          %and3A_584 = vector.broadcast %and3A_583 : i32 to vector<16xi32>
          %and3A_585 = arith.andi %add3A_571, %and3A_584 : vector<16xi32>
          %mul3A_586 = arith.constant 2 : i32
          %mul3A_587 = vector.broadcast %mul3A_586 : i32 to vector<16xi32>
          %mul3A_588 = arith.muli %and3A_585, %mul3A_587 : vector<16xi32>
          %mul3A_589 = arith.constant 16 : i32
          %mul3A_590 = arith.muli %scan3A_432, %mul3A_589 : i32
          %add3A_591 = arith.constant 128 : i32
          %add3A_592 = arith.addi %add3A_591, %mul3A_590 : i32
          %swap3A_593 = arith.constant 0 : i32
          %swap3A_594 = arith.index_cast %swap3A_593 : i32 to index
          %swap3A_595 = arith.index_cast %add3A_592 : i32 to index
          %swap3A_596 = tpu.vector_load %arg16[%swap3A_594, %swap3A_595] {strides = array<i32>} : memref<4x1024xi32, #tpu.memory_space<vmem>>, vector<16xi32>,
          tpu.vector_store %arg16[%swap3A_594, %swap3A_595], %mul3A_588 {strides = array<i32>} : memref<4x1024xi32, #tpu.memory_space<vmem>>, vector<16xi32>,
          %mul3A_597 = arith.mulf %mul3A_527, %sub3A_465 : vector<16xf32>
          %mul3A_598 = arith.constant 16 : i32
          %mul3A_599 = arith.muli %scan3A_432, %mul3A_598 : i32
          %add3A_600 = arith.constant 128 : i32
          %add3A_601 = arith.addi %add3A_600, %mul3A_599 : i32
          %swap3A_602 = arith.constant 0 : i32
          %swap3A_603 = arith.index_cast %swap3A_602 : i32 to index
          %swap3A_604 = arith.index_cast %add3A_601 : i32 to index
          %swap3A_605 = tpu.vector_load %arg17[%swap3A_603, %swap3A_604] {strides = array<i32>} : memref<4x1024xf32, #tpu.memory_space<vmem>>, vector<16xf32>,
          tpu.vector_store %arg17[%swap3A_603, %swap3A_604], %mul3A_597 {strides = array<i32>} : memref<4x1024xf32, #tpu.memory_space<vmem>>, vector<16xf32>,
          %xor3A_606 = arith.xori %xor3A_524, %mul3A_508 : vector<16xi32>
          %and3A_607 = arith.constant 524287 : i32
          %and3A_608 = vector.broadcast %and3A_607 : i32 to vector<16xi32>
          %and3A_609 = arith.andi %xor3A_606, %and3A_608 : vector<16xi32>
          %add3A_610 = arith.addi %and3A_609, %shift_left3A_323 : vector<16xi32>
          %shift_right_arithmetic3A_611 = arith.constant 3 : i32
          %shift_right_arithmetic3A_612 = vector.broadcast %shift_right_arithmetic3A_611 : i32 to vector<16xi32>
          %shift_right_arithmetic3A_613 = arith.shrsi %add3A_610, %shift_right_arithmetic3A_612 : vector<16xi32>
          %mul3A_614 = arith.constant 16 : i32
          %mul3A_615 = arith.muli %scan3A_432, %mul3A_614 : i32
          %add3A_616 = arith.constant 256 : i32
          %add3A_617 = arith.addi %add3A_616, %mul3A_615 : i32
          %swap3A_618 = arith.constant 0 : i32
          %swap3A_619 = arith.index_cast %swap3A_618 : i32 to index
          %swap3A_620 = arith.index_cast %add3A_617 : i32 to index
          %swap3A_621 = tpu.vector_load %arg15[%swap3A_619, %swap3A_620] {strides = array<i32>} : memref<4x1024xi32, #tpu.memory_space<vmem>>, vector<16xi32>,
          tpu.vector_store %arg15[%swap3A_619, %swap3A_620], %shift_right_arithmetic3A_613 {strides = array<i32>} : memref<4x1024xi32, #tpu.memory_space<vmem>>, vector<16xi32>,
          %and3A_622 = arith.constant 7 : i32
          %and3A_623 = vector.broadcast %and3A_622 : i32 to vector<16xi32>
          %and3A_624 = arith.andi %add3A_610, %and3A_623 : vector<16xi32>
          %mul3A_625 = arith.constant 2 : i32
          %mul3A_626 = vector.broadcast %mul3A_625 : i32 to vector<16xi32>
          %mul3A_627 = arith.muli %and3A_624, %mul3A_626 : vector<16xi32>
          %mul3A_628 = arith.constant 16 : i32
          %mul3A_629 = arith.muli %scan3A_432, %mul3A_628 : i32
          %add3A_630 = arith.constant 256 : i32
          %add3A_631 = arith.addi %add3A_630, %mul3A_629 : i32
          %swap3A_632 = arith.constant 0 : i32
          %swap3A_633 = arith.index_cast %swap3A_632 : i32 to index
          %swap3A_634 = arith.index_cast %add3A_631 : i32 to index
          %swap3A_635 = tpu.vector_load %arg16[%swap3A_633, %swap3A_634] {strides = array<i32>} : memref<4x1024xi32, #tpu.memory_space<vmem>>, vector<16xi32>,
          tpu.vector_store %arg16[%swap3A_633, %swap3A_634], %mul3A_627 {strides = array<i32>} : memref<4x1024xi32, #tpu.memory_space<vmem>>, vector<16xi32>,
          %mul3A_636 = arith.mulf %mul3A_528, %sub3A_468 : vector<16xf32>
          %mul3A_637 = arith.constant 16 : i32
          %mul3A_638 = arith.muli %scan3A_432, %mul3A_637 : i32
          %add3A_639 = arith.constant 256 : i32
          %add3A_640 = arith.addi %add3A_639, %mul3A_638 : i32
          %swap3A_641 = arith.constant 0 : i32
          %swap3A_642 = arith.index_cast %swap3A_641 : i32 to index
          %swap3A_643 = arith.index_cast %add3A_640 : i32 to index
          %swap3A_644 = tpu.vector_load %arg17[%swap3A_642, %swap3A_643] {strides = array<i32>} : memref<4x1024xf32, #tpu.memory_space<vmem>>, vector<16xf32>,
          tpu.vector_store %arg17[%swap3A_642, %swap3A_643], %mul3A_636 {strides = array<i32>} : memref<4x1024xf32, #tpu.memory_space<vmem>>, vector<16xf32>,
          %xor3A_645 = arith.xori %xor3A_524, %add3A_514 : vector<16xi32>
          %and3A_646 = arith.constant 524287 : i32
          %and3A_647 = vector.broadcast %and3A_646 : i32 to vector<16xi32>
          %and3A_648 = arith.andi %xor3A_645, %and3A_647 : vector<16xi32>
          %add3A_649 = arith.addi %and3A_648, %shift_left3A_323 : vector<16xi32>
          %shift_right_arithmetic3A_650 = arith.constant 3 : i32
          %shift_right_arithmetic3A_651 = vector.broadcast %shift_right_arithmetic3A_650 : i32 to vector<16xi32>
          %shift_right_arithmetic3A_652 = arith.shrsi %add3A_649, %shift_right_arithmetic3A_651 : vector<16xi32>
          %mul3A_653 = arith.constant 16 : i32
          %mul3A_654 = arith.muli %scan3A_432, %mul3A_653 : i32
          %add3A_655 = arith.constant 384 : i32
          %add3A_656 = arith.addi %add3A_655, %mul3A_654 : i32
          %swap3A_657 = arith.constant 0 : i32
          %swap3A_658 = arith.index_cast %swap3A_657 : i32 to index
          %swap3A_659 = arith.index_cast %add3A_656 : i32 to index
          %swap3A_660 = tpu.vector_load %arg15[%swap3A_658, %swap3A_659] {strides = array<i32>} : memref<4x1024xi32, #tpu.memory_space<vmem>>, vector<16xi32>,
          tpu.vector_store %arg15[%swap3A_658, %swap3A_659], %shift_right_arithmetic3A_652 {strides = array<i32>} : memref<4x1024xi32, #tpu.memory_space<vmem>>, vector<16xi32>,
          %and3A_661 = arith.constant 7 : i32
          %and3A_662 = vector.broadcast %and3A_661 : i32 to vector<16xi32>
          %and3A_663 = arith.andi %add3A_649, %and3A_662 : vector<16xi32>
          %mul3A_664 = arith.constant 2 : i32
          %mul3A_665 = vector.broadcast %mul3A_664 : i32 to vector<16xi32>
          %mul3A_666 = arith.muli %and3A_663, %mul3A_665 : vector<16xi32>
          %mul3A_667 = arith.constant 16 : i32
          %mul3A_668 = arith.muli %scan3A_432, %mul3A_667 : i32
          %add3A_669 = arith.constant 384 : i32
          %add3A_670 = arith.addi %add3A_669, %mul3A_668 : i32
          %swap3A_671 = arith.constant 0 : i32
          %swap3A_672 = arith.index_cast %swap3A_671 : i32 to index
          %swap3A_673 = arith.index_cast %add3A_670 : i32 to index
          %swap3A_674 = tpu.vector_load %arg16[%swap3A_672, %swap3A_673] {strides = array<i32>} : memref<4x1024xi32, #tpu.memory_space<vmem>>, vector<16xi32>,
          tpu.vector_store %arg16[%swap3A_672, %swap3A_673], %mul3A_666 {strides = array<i32>} : memref<4x1024xi32, #tpu.memory_space<vmem>>, vector<16xi32>,
          %mul3A_675 = arith.mulf %mul3A_528, %sub3A_465 : vector<16xf32>
          %mul3A_676 = arith.constant 16 : i32
          %mul3A_677 = arith.muli %scan3A_432, %mul3A_676 : i32
          %add3A_678 = arith.constant 384 : i32
          %add3A_679 = arith.addi %add3A_678, %mul3A_677 : i32
          %swap3A_680 = arith.constant 0 : i32
          %swap3A_681 = arith.index_cast %swap3A_680 : i32 to index
          %swap3A_682 = arith.index_cast %add3A_679 : i32 to index
          %swap3A_683 = tpu.vector_load %arg17[%swap3A_681, %swap3A_682] {strides = array<i32>} : memref<4x1024xf32, #tpu.memory_space<vmem>>, vector<16xf32>,
          tpu.vector_store %arg17[%swap3A_681, %swap3A_682], %mul3A_675 {strides = array<i32>} : memref<4x1024xf32, #tpu.memory_space<vmem>>, vector<16xf32>,
          %xor3A_684 = arith.xori %xor3A_525, %mul3A_508 : vector<16xi32>
          %and3A_685 = arith.constant 524287 : i32
          %and3A_686 = vector.broadcast %and3A_685 : i32 to vector<16xi32>
          %and3A_687 = arith.andi %xor3A_684, %and3A_686 : vector<16xi32>
          %add3A_688 = arith.addi %and3A_687, %shift_left3A_323 : vector<16xi32>
          %shift_right_arithmetic3A_689 = arith.constant 3 : i32
          %shift_right_arithmetic3A_690 = vector.broadcast %shift_right_arithmetic3A_689 : i32 to vector<16xi32>
          %shift_right_arithmetic3A_691 = arith.shrsi %add3A_688, %shift_right_arithmetic3A_690 : vector<16xi32>
          %mul3A_692 = arith.constant 16 : i32
          %mul3A_693 = arith.muli %scan3A_432, %mul3A_692 : i32
          %add3A_694 = arith.constant 512 : i32
          %add3A_695 = arith.addi %add3A_694, %mul3A_693 : i32
          %swap3A_696 = arith.constant 0 : i32
          %swap3A_697 = arith.index_cast %swap3A_696 : i32 to index
          %swap3A_698 = arith.index_cast %add3A_695 : i32 to index
          %swap3A_699 = tpu.vector_load %arg15[%swap3A_697, %swap3A_698] {strides = array<i32>} : memref<4x1024xi32, #tpu.memory_space<vmem>>, vector<16xi32>,
          tpu.vector_store %arg15[%swap3A_697, %swap3A_698], %shift_right_arithmetic3A_691 {strides = array<i32>} : memref<4x1024xi32, #tpu.memory_space<vmem>>, vector<16xi32>,
          %and3A_700 = arith.constant 7 : i32
          %and3A_701 = vector.broadcast %and3A_700 : i32 to vector<16xi32>
          %and3A_702 = arith.andi %add3A_688, %and3A_701 : vector<16xi32>
          %mul3A_703 = arith.constant 2 : i32
          %mul3A_704 = vector.broadcast %mul3A_703 : i32 to vector<16xi32>
          %mul3A_705 = arith.muli %and3A_702, %mul3A_704 : vector<16xi32>
          %mul3A_706 = arith.constant 16 : i32
          %mul3A_707 = arith.muli %scan3A_432, %mul3A_706 : i32
          %add3A_708 = arith.constant 512 : i32
          %add3A_709 = arith.addi %add3A_708, %mul3A_707 : i32
          %swap3A_710 = arith.constant 0 : i32
          %swap3A_711 = arith.index_cast %swap3A_710 : i32 to index
          %swap3A_712 = arith.index_cast %add3A_709 : i32 to index
          %swap3A_713 = tpu.vector_load %arg16[%swap3A_711, %swap3A_712] {strides = array<i32>} : memref<4x1024xi32, #tpu.memory_space<vmem>>, vector<16xi32>,
          tpu.vector_store %arg16[%swap3A_711, %swap3A_712], %mul3A_705 {strides = array<i32>} : memref<4x1024xi32, #tpu.memory_space<vmem>>, vector<16xi32>,
          %mul3A_714 = arith.mulf %mul3A_529, %sub3A_468 : vector<16xf32>
          %mul3A_715 = arith.constant 16 : i32
          %mul3A_716 = arith.muli %scan3A_432, %mul3A_715 : i32
          %add3A_717 = arith.constant 512 : i32
          %add3A_718 = arith.addi %add3A_717, %mul3A_716 : i32
          %swap3A_719 = arith.constant 0 : i32
          %swap3A_720 = arith.index_cast %swap3A_719 : i32 to index
          %swap3A_721 = arith.index_cast %add3A_718 : i32 to index
          %swap3A_722 = tpu.vector_load %arg17[%swap3A_720, %swap3A_721] {strides = array<i32>} : memref<4x1024xf32, #tpu.memory_space<vmem>>, vector<16xf32>,
          tpu.vector_store %arg17[%swap3A_720, %swap3A_721], %mul3A_714 {strides = array<i32>} : memref<4x1024xf32, #tpu.memory_space<vmem>>, vector<16xf32>,
          %xor3A_723 = arith.xori %xor3A_525, %add3A_514 : vector<16xi32>
          %and3A_724 = arith.constant 524287 : i32
          %and3A_725 = vector.broadcast %and3A_724 : i32 to vector<16xi32>
          %and3A_726 = arith.andi %xor3A_723, %and3A_725 : vector<16xi32>
          %add3A_727 = arith.addi %and3A_726, %shift_left3A_323 : vector<16xi32>
          %shift_right_arithmetic3A_728 = arith.constant 3 : i32
          %shift_right_arithmetic3A_729 = vector.broadcast %shift_right_arithmetic3A_728 : i32 to vector<16xi32>
          %shift_right_arithmetic3A_730 = arith.shrsi %add3A_727, %shift_right_arithmetic3A_729 : vector<16xi32>
          %mul3A_731 = arith.constant 16 : i32
          %mul3A_732 = arith.muli %scan3A_432, %mul3A_731 : i32
          %add3A_733 = arith.constant 640 : i32
          %add3A_734 = arith.addi %add3A_733, %mul3A_732 : i32
          %swap3A_735 = arith.constant 0 : i32
          %swap3A_736 = arith.index_cast %swap3A_735 : i32 to index
          %swap3A_737 = arith.index_cast %add3A_734 : i32 to index
          %swap3A_738 = tpu.vector_load %arg15[%swap3A_736, %swap3A_737] {strides = array<i32>} : memref<4x1024xi32, #tpu.memory_space<vmem>>, vector<16xi32>,
          tpu.vector_store %arg15[%swap3A_736, %swap3A_737], %shift_right_arithmetic3A_730 {strides = array<i32>} : memref<4x1024xi32, #tpu.memory_space<vmem>>, vector<16xi32>,
          %and3A_739 = arith.constant 7 : i32
          %and3A_740 = vector.broadcast %and3A_739 : i32 to vector<16xi32>
          %and3A_741 = arith.andi %add3A_727, %and3A_740 : vector<16xi32>
          %mul3A_742 = arith.constant 2 : i32
          %mul3A_743 = vector.broadcast %mul3A_742 : i32 to vector<16xi32>
          %mul3A_744 = arith.muli %and3A_741, %mul3A_743 : vector<16xi32>
          %mul3A_745 = arith.constant 16 : i32
          %mul3A_746 = arith.muli %scan3A_432, %mul3A_745 : i32
          %add3A_747 = arith.constant 640 : i32
          %add3A_748 = arith.addi %add3A_747, %mul3A_746 : i32
          %swap3A_749 = arith.constant 0 : i32
          %swap3A_750 = arith.index_cast %swap3A_749 : i32 to index
          %swap3A_751 = arith.index_cast %add3A_748 : i32 to index
          %swap3A_752 = tpu.vector_load %arg16[%swap3A_750, %swap3A_751] {strides = array<i32>} : memref<4x1024xi32, #tpu.memory_space<vmem>>, vector<16xi32>,
          tpu.vector_store %arg16[%swap3A_750, %swap3A_751], %mul3A_744 {strides = array<i32>} : memref<4x1024xi32, #tpu.memory_space<vmem>>, vector<16xi32>,
          %mul3A_753 = arith.mulf %mul3A_529, %sub3A_465 : vector<16xf32>
          %mul3A_754 = arith.constant 16 : i32
          %mul3A_755 = arith.muli %scan3A_432, %mul3A_754 : i32
          %add3A_756 = arith.constant 640 : i32
          %add3A_757 = arith.addi %add3A_756, %mul3A_755 : i32
          %swap3A_758 = arith.constant 0 : i32
          %swap3A_759 = arith.index_cast %swap3A_758 : i32 to index
          %swap3A_760 = arith.index_cast %add3A_757 : i32 to index
          %swap3A_761 = tpu.vector_load %arg17[%swap3A_759, %swap3A_760] {strides = array<i32>} : memref<4x1024xf32, #tpu.memory_space<vmem>>, vector<16xf32>,
          tpu.vector_store %arg17[%swap3A_759, %swap3A_760], %mul3A_753 {strides = array<i32>} : memref<4x1024xf32, #tpu.memory_space<vmem>>, vector<16xf32>,
          %xor3A_762 = arith.xori %xor3A_526, %mul3A_508 : vector<16xi32>
          %and3A_763 = arith.constant 524287 : i32
          %and3A_764 = vector.broadcast %and3A_763 : i32 to vector<16xi32>
          %and3A_765 = arith.andi %xor3A_762, %and3A_764 : vector<16xi32>
          %add3A_766 = arith.addi %and3A_765, %shift_left3A_323 : vector<16xi32>
          %shift_right_arithmetic3A_767 = arith.constant 3 : i32
          %shift_right_arithmetic3A_768 = vector.broadcast %shift_right_arithmetic3A_767 : i32 to vector<16xi32>
          %shift_right_arithmetic3A_769 = arith.shrsi %add3A_766, %shift_right_arithmetic3A_768 : vector<16xi32>
          %mul3A_770 = arith.constant 16 : i32
          %mul3A_771 = arith.muli %scan3A_432, %mul3A_770 : i32
          %add3A_772 = arith.constant 768 : i32
          %add3A_773 = arith.addi %add3A_772, %mul3A_771 : i32
          %swap3A_774 = arith.constant 0 : i32
          %swap3A_775 = arith.index_cast %swap3A_774 : i32 to index
          %swap3A_776 = arith.index_cast %add3A_773 : i32 to index
          %swap3A_777 = tpu.vector_load %arg15[%swap3A_775, %swap3A_776] {strides = array<i32>} : memref<4x1024xi32, #tpu.memory_space<vmem>>, vector<16xi32>,
          tpu.vector_store %arg15[%swap3A_775, %swap3A_776], %shift_right_arithmetic3A_769 {strides = array<i32>} : memref<4x1024xi32, #tpu.memory_space<vmem>>, vector<16xi32>,
          %and3A_778 = arith.constant 7 : i32
          %and3A_779 = vector.broadcast %and3A_778 : i32 to vector<16xi32>
          %and3A_780 = arith.andi %add3A_766, %and3A_779 : vector<16xi32>
          %mul3A_781 = arith.constant 2 : i32
          %mul3A_782 = vector.broadcast %mul3A_781 : i32 to vector<16xi32>
          %mul3A_783 = arith.muli %and3A_780, %mul3A_782 : vector<16xi32>
          %mul3A_784 = arith.constant 16 : i32
          %mul3A_785 = arith.muli %scan3A_432, %mul3A_784 : i32
          %add3A_786 = arith.constant 768 : i32
          %add3A_787 = arith.addi %add3A_786, %mul3A_785 : i32
          %swap3A_788 = arith.constant 0 : i32
          %swap3A_789 = arith.index_cast %swap3A_788 : i32 to index
          %swap3A_790 = arith.index_cast %add3A_787 : i32 to index
          %swap3A_791 = tpu.vector_load %arg16[%swap3A_789, %swap3A_790] {strides = array<i32>} : memref<4x1024xi32, #tpu.memory_space<vmem>>, vector<16xi32>,
          tpu.vector_store %arg16[%swap3A_789, %swap3A_790], %mul3A_783 {strides = array<i32>} : memref<4x1024xi32, #tpu.memory_space<vmem>>, vector<16xi32>,
          %mul3A_792 = arith.mulf %mul3A_530, %sub3A_468 : vector<16xf32>
          %mul3A_793 = arith.constant 16 : i32
          %mul3A_794 = arith.muli %scan3A_432, %mul3A_793 : i32
          %add3A_795 = arith.constant 768 : i32
          %add3A_796 = arith.addi %add3A_795, %mul3A_794 : i32
          %swap3A_797 = arith.constant 0 : i32
          %swap3A_798 = arith.index_cast %swap3A_797 : i32 to index
          %swap3A_799 = arith.index_cast %add3A_796 : i32 to index
          %swap3A_800 = tpu.vector_load %arg17[%swap3A_798, %swap3A_799] {strides = array<i32>} : memref<4x1024xf32, #tpu.memory_space<vmem>>, vector<16xf32>,
          tpu.vector_store %arg17[%swap3A_798, %swap3A_799], %mul3A_792 {strides = array<i32>} : memref<4x1024xf32, #tpu.memory_space<vmem>>, vector<16xf32>,
          %xor3A_801 = arith.xori %xor3A_526, %add3A_514 : vector<16xi32>
          %and3A_802 = arith.constant 524287 : i32
          %and3A_803 = vector.broadcast %and3A_802 : i32 to vector<16xi32>
          %and3A_804 = arith.andi %xor3A_801, %and3A_803 : vector<16xi32>
          %add3A_805 = arith.addi %and3A_804, %shift_left3A_323 : vector<16xi32>
          %shift_right_arithmetic3A_806 = arith.constant 3 : i32
          %shift_right_arithmetic3A_807 = vector.broadcast %shift_right_arithmetic3A_806 : i32 to vector<16xi32>
          %shift_right_arithmetic3A_808 = arith.shrsi %add3A_805, %shift_right_arithmetic3A_807 : vector<16xi32>
          %mul3A_809 = arith.constant 16 : i32
          %mul3A_810 = arith.muli %scan3A_432, %mul3A_809 : i32
          %add3A_811 = arith.constant 896 : i32
          %add3A_812 = arith.addi %add3A_811, %mul3A_810 : i32
          %swap3A_813 = arith.constant 0 : i32
          %swap3A_814 = arith.index_cast %swap3A_813 : i32 to index
          %swap3A_815 = arith.index_cast %add3A_812 : i32 to index
          %swap3A_816 = tpu.vector_load %arg15[%swap3A_814, %swap3A_815] {strides = array<i32>} : memref<4x1024xi32, #tpu.memory_space<vmem>>, vector<16xi32>,
          tpu.vector_store %arg15[%swap3A_814, %swap3A_815], %shift_right_arithmetic3A_808 {strides = array<i32>} : memref<4x1024xi32, #tpu.memory_space<vmem>>, vector<16xi32>,
          %and3A_817 = arith.constant 7 : i32
          %and3A_818 = vector.broadcast %and3A_817 : i32 to vector<16xi32>
          %and3A_819 = arith.andi %add3A_805, %and3A_818 : vector<16xi32>
          %mul3A_820 = arith.constant 2 : i32
          %mul3A_821 = vector.broadcast %mul3A_820 : i32 to vector<16xi32>
          %mul3A_822 = arith.muli %and3A_819, %mul3A_821 : vector<16xi32>
          %mul3A_823 = arith.constant 16 : i32
          %mul3A_824 = arith.muli %scan3A_432, %mul3A_823 : i32
          %add3A_825 = arith.constant 896 : i32
          %add3A_826 = arith.addi %add3A_825, %mul3A_824 : i32
          %swap3A_827 = arith.constant 0 : i32
          %swap3A_828 = arith.index_cast %swap3A_827 : i32 to index
          %swap3A_829 = arith.index_cast %add3A_826 : i32 to index
          %swap3A_830 = tpu.vector_load %arg16[%swap3A_828, %swap3A_829] {strides = array<i32>} : memref<4x1024xi32, #tpu.memory_space<vmem>>, vector<16xi32>,
          tpu.vector_store %arg16[%swap3A_828, %swap3A_829], %mul3A_822 {strides = array<i32>} : memref<4x1024xi32, #tpu.memory_space<vmem>>, vector<16xi32>,
          %mul3A_831 = arith.mulf %mul3A_530, %sub3A_465 : vector<16xf32>
          %mul3A_832 = arith.constant 16 : i32
          %mul3A_833 = arith.muli %scan3A_432, %mul3A_832 : i32
          %add3A_834 = arith.constant 896 : i32
          %add3A_835 = arith.addi %add3A_834, %mul3A_833 : i32
          %swap3A_836 = arith.constant 0 : i32
          %swap3A_837 = arith.index_cast %swap3A_836 : i32 to index
          %swap3A_838 = arith.index_cast %add3A_835 : i32 to index
          %swap3A_839 = tpu.vector_load %arg17[%swap3A_837, %swap3A_838] {strides = array<i32>} : memref<4x1024xf32, #tpu.memory_space<vmem>>, vector<16xf32>,
          tpu.vector_store %arg17[%swap3A_837, %swap3A_838], %mul3A_831 {strides = array<i32>} : memref<4x1024xf32, #tpu.memory_space<vmem>>, vector<16xf32>,
          %xor3A_840 = arith.xori %convert_element_type3A, %mul3A_490 : vector<16xi32>
          %xor3A_841 = arith.xori %convert_element_type3A, %add3A_496 : vector<16xi32>
          %xor3A_842 = arith.xori %add3A_484, %mul3A_490 : vector<16xi32>
          %xor3A_843 = arith.xori %add3A_484, %add3A_496 : vector<16xi32>
          %mul3A_844 = arith.mulf %sub3A_442, %sub3A_455 : vector<16xf32>
          %mul3A_845 = arith.mulf %sub3A_442, %sub3A_452 : vector<16xf32>
          %mul3A_846 = arith.mulf %sub3A, %sub3A_455 : vector<16xf32>
          %mul3A_847 = arith.mulf %sub3A, %sub3A_452 : vector<16xf32>
          %xor3A_848 = arith.xori %xor3A_840, %mul3A_517 : vector<16xi32>
          %and3A_849 = arith.constant 524287 : i32
          %and3A_850 = vector.broadcast %and3A_849 : i32 to vector<16xi32>
          %and3A_851 = arith.andi %xor3A_848, %and3A_850 : vector<16xi32>
          %add3A_852 = arith.addi %and3A_851, %shift_left3A_323 : vector<16xi32>
          %shift_right_arithmetic3A_853 = arith.constant 3 : i32
          %shift_right_arithmetic3A_854 = vector.broadcast %shift_right_arithmetic3A_853 : i32 to vector<16xi32>
          %shift_right_arithmetic3A_855 = arith.shrsi %add3A_852, %shift_right_arithmetic3A_854 : vector<16xi32>
          %mul3A_856 = arith.constant 16 : i32
          %mul3A_857 = arith.muli %scan3A_432, %mul3A_856 : i32
          %add3A_858 = arith.constant 0 : i32
          %add3A_859 = arith.addi %add3A_858, %mul3A_857 : i32
          %swap3A_860 = arith.constant 1 : i32
          %swap3A_861 = arith.index_cast %swap3A_860 : i32 to index
          %swap3A_862 = arith.index_cast %add3A_859 : i32 to index
          %swap3A_863 = tpu.vector_load %arg15[%swap3A_861, %swap3A_862] {strides = array<i32>} : memref<4x1024xi32, #tpu.memory_space<vmem>>, vector<16xi32>,
          tpu.vector_store %arg15[%swap3A_861, %swap3A_862], %shift_right_arithmetic3A_855 {strides = array<i32>} : memref<4x1024xi32, #tpu.memory_space<vmem>>, vector<16xi32>,
          %and3A_864 = arith.constant 7 : i32
          %and3A_865 = vector.broadcast %and3A_864 : i32 to vector<16xi32>
          %and3A_866 = arith.andi %add3A_852, %and3A_865 : vector<16xi32>
          %mul3A_867 = arith.constant 2 : i32
          %mul3A_868 = vector.broadcast %mul3A_867 : i32 to vector<16xi32>
          %mul3A_869 = arith.muli %and3A_866, %mul3A_868 : vector<16xi32>
          %mul3A_870 = arith.constant 16 : i32
          %mul3A_871 = arith.muli %scan3A_432, %mul3A_870 : i32
          %add3A_872 = arith.constant 0 : i32
          %add3A_873 = arith.addi %add3A_872, %mul3A_871 : i32
          %swap3A_874 = arith.constant 1 : i32
          %swap3A_875 = arith.index_cast %swap3A_874 : i32 to index
          %swap3A_876 = arith.index_cast %add3A_873 : i32 to index
          %swap3A_877 = tpu.vector_load %arg16[%swap3A_875, %swap3A_876] {strides = array<i32>} : memref<4x1024xi32, #tpu.memory_space<vmem>>, vector<16xi32>,
          tpu.vector_store %arg16[%swap3A_875, %swap3A_876], %mul3A_869 {strides = array<i32>} : memref<4x1024xi32, #tpu.memory_space<vmem>>, vector<16xi32>,
          %mul3A_878 = arith.mulf %mul3A_844, %sub3A_481 : vector<16xf32>
          %mul3A_879 = arith.constant 16 : i32
          %mul3A_880 = arith.muli %scan3A_432, %mul3A_879 : i32
          %add3A_881 = arith.constant 0 : i32
          %add3A_882 = arith.addi %add3A_881, %mul3A_880 : i32
          %swap3A_883 = arith.constant 1 : i32
          %swap3A_884 = arith.index_cast %swap3A_883 : i32 to index
          %swap3A_885 = arith.index_cast %add3A_882 : i32 to index
          %swap3A_886 = tpu.vector_load %arg17[%swap3A_884, %swap3A_885] {strides = array<i32>} : memref<4x1024xf32, #tpu.memory_space<vmem>>, vector<16xf32>,
          tpu.vector_store %arg17[%swap3A_884, %swap3A_885], %mul3A_878 {strides = array<i32>} : memref<4x1024xf32, #tpu.memory_space<vmem>>, vector<16xf32>,
          %xor3A_887 = arith.xori %xor3A_840, %add3A_523 : vector<16xi32>
          %and3A_888 = arith.constant 524287 : i32
          %and3A_889 = vector.broadcast %and3A_888 : i32 to vector<16xi32>
          %and3A_890 = arith.andi %xor3A_887, %and3A_889 : vector<16xi32>
          %add3A_891 = arith.addi %and3A_890, %shift_left3A_323 : vector<16xi32>
          %shift_right_arithmetic3A_892 = arith.constant 3 : i32
          %shift_right_arithmetic3A_893 = vector.broadcast %shift_right_arithmetic3A_892 : i32 to vector<16xi32>
          %shift_right_arithmetic3A_894 = arith.shrsi %add3A_891, %shift_right_arithmetic3A_893 : vector<16xi32>
          %mul3A_895 = arith.constant 16 : i32
          %mul3A_896 = arith.muli %scan3A_432, %mul3A_895 : i32
          %add3A_897 = arith.constant 128 : i32
          %add3A_898 = arith.addi %add3A_897, %mul3A_896 : i32
          %swap3A_899 = arith.constant 1 : i32
          %swap3A_900 = arith.index_cast %swap3A_899 : i32 to index
          %swap3A_901 = arith.index_cast %add3A_898 : i32 to index
          %swap3A_902 = tpu.vector_load %arg15[%swap3A_900, %swap3A_901] {strides = array<i32>} : memref<4x1024xi32, #tpu.memory_space<vmem>>, vector<16xi32>,
          tpu.vector_store %arg15[%swap3A_900, %swap3A_901], %shift_right_arithmetic3A_894 {strides = array<i32>} : memref<4x1024xi32, #tpu.memory_space<vmem>>, vector<16xi32>,
          %and3A_903 = arith.constant 7 : i32
          %and3A_904 = vector.broadcast %and3A_903 : i32 to vector<16xi32>
          %and3A_905 = arith.andi %add3A_891, %and3A_904 : vector<16xi32>
          %mul3A_906 = arith.constant 2 : i32
          %mul3A_907 = vector.broadcast %mul3A_906 : i32 to vector<16xi32>
          %mul3A_908 = arith.muli %and3A_905, %mul3A_907 : vector<16xi32>
          %mul3A_909 = arith.constant 16 : i32
          %mul3A_910 = arith.muli %scan3A_432, %mul3A_909 : i32
          %add3A_911 = arith.constant 128 : i32
          %add3A_912 = arith.addi %add3A_911, %mul3A_910 : i32
          %swap3A_913 = arith.constant 1 : i32
          %swap3A_914 = arith.index_cast %swap3A_913 : i32 to index
          %swap3A_915 = arith.index_cast %add3A_912 : i32 to index
          %swap3A_916 = tpu.vector_load %arg16[%swap3A_914, %swap3A_915] {strides = array<i32>} : memref<4x1024xi32, #tpu.memory_space<vmem>>, vector<16xi32>,
          tpu.vector_store %arg16[%swap3A_914, %swap3A_915], %mul3A_908 {strides = array<i32>} : memref<4x1024xi32, #tpu.memory_space<vmem>>, vector<16xi32>,
          %mul3A_917 = arith.mulf %mul3A_844, %sub3A_478 : vector<16xf32>
          %mul3A_918 = arith.constant 16 : i32
          %mul3A_919 = arith.muli %scan3A_432, %mul3A_918 : i32
          %add3A_920 = arith.constant 128 : i32
          %add3A_921 = arith.addi %add3A_920, %mul3A_919 : i32
          %swap3A_922 = arith.constant 1 : i32
          %swap3A_923 = arith.index_cast %swap3A_922 : i32 to index
          %swap3A_924 = arith.index_cast %add3A_921 : i32 to index
          %swap3A_925 = tpu.vector_load %arg17[%swap3A_923, %swap3A_924] {strides = array<i32>} : memref<4x1024xf32, #tpu.memory_space<vmem>>, vector<16xf32>,
          tpu.vector_store %arg17[%swap3A_923, %swap3A_924], %mul3A_917 {strides = array<i32>} : memref<4x1024xf32, #tpu.memory_space<vmem>>, vector<16xf32>,
          %xor3A_926 = arith.xori %xor3A_841, %mul3A_517 : vector<16xi32>
          %and3A_927 = arith.constant 524287 : i32
          %and3A_928 = vector.broadcast %and3A_927 : i32 to vector<16xi32>
          %and3A_929 = arith.andi %xor3A_926, %and3A_928 : vector<16xi32>
          %add3A_930 = arith.addi %and3A_929, %shift_left3A_323 : vector<16xi32>
          %shift_right_arithmetic3A_931 = arith.constant 3 : i32
          %shift_right_arithmetic3A_932 = vector.broadcast %shift_right_arithmetic3A_931 : i32 to vector<16xi32>
          %shift_right_arithmetic3A_933 = arith.shrsi %add3A_930, %shift_right_arithmetic3A_932 : vector<16xi32>
          %mul3A_934 = arith.constant 16 : i32
          %mul3A_935 = arith.muli %scan3A_432, %mul3A_934 : i32
          %add3A_936 = arith.constant 256 : i32
          %add3A_937 = arith.addi %add3A_936, %mul3A_935 : i32
          %swap3A_938 = arith.constant 1 : i32
          %swap3A_939 = arith.index_cast %swap3A_938 : i32 to index
          %swap3A_940 = arith.index_cast %add3A_937 : i32 to index
          %swap3A_941 = tpu.vector_load %arg15[%swap3A_939, %swap3A_940] {strides = array<i32>} : memref<4x1024xi32, #tpu.memory_space<vmem>>, vector<16xi32>,
          tpu.vector_store %arg15[%swap3A_939, %swap3A_940], %shift_right_arithmetic3A_933 {strides = array<i32>} : memref<4x1024xi32, #tpu.memory_space<vmem>>, vector<16xi32>,
          %and3A_942 = arith.constant 7 : i32
          %and3A_943 = vector.broadcast %and3A_942 : i32 to vector<16xi32>
          %and3A_944 = arith.andi %add3A_930, %and3A_943 : vector<16xi32>
          %mul3A_945 = arith.constant 2 : i32
          %mul3A_946 = vector.broadcast %mul3A_945 : i32 to vector<16xi32>
          %mul3A_947 = arith.muli %and3A_944, %mul3A_946 : vector<16xi32>
          %mul3A_948 = arith.constant 16 : i32
          %mul3A_949 = arith.muli %scan3A_432, %mul3A_948 : i32
          %add3A_950 = arith.constant 256 : i32
          %add3A_951 = arith.addi %add3A_950, %mul3A_949 : i32
          %swap3A_952 = arith.constant 1 : i32
          %swap3A_953 = arith.index_cast %swap3A_952 : i32 to index
          %swap3A_954 = arith.index_cast %add3A_951 : i32 to index
          %swap3A_955 = tpu.vector_load %arg16[%swap3A_953, %swap3A_954] {strides = array<i32>} : memref<4x1024xi32, #tpu.memory_space<vmem>>, vector<16xi32>,
          tpu.vector_store %arg16[%swap3A_953, %swap3A_954], %mul3A_947 {strides = array<i32>} : memref<4x1024xi32, #tpu.memory_space<vmem>>, vector<16xi32>,
          %mul3A_956 = arith.mulf %mul3A_845, %sub3A_481 : vector<16xf32>
          %mul3A_957 = arith.constant 16 : i32
          %mul3A_958 = arith.muli %scan3A_432, %mul3A_957 : i32
          %add3A_959 = arith.constant 256 : i32
          %add3A_960 = arith.addi %add3A_959, %mul3A_958 : i32
          %swap3A_961 = arith.constant 1 : i32
          %swap3A_962 = arith.index_cast %swap3A_961 : i32 to index
          %swap3A_963 = arith.index_cast %add3A_960 : i32 to index
          %swap3A_964 = tpu.vector_load %arg17[%swap3A_962, %swap3A_963] {strides = array<i32>} : memref<4x1024xf32, #tpu.memory_space<vmem>>, vector<16xf32>,
          tpu.vector_store %arg17[%swap3A_962, %swap3A_963], %mul3A_956 {strides = array<i32>} : memref<4x1024xf32, #tpu.memory_space<vmem>>, vector<16xf32>,
          %xor3A_965 = arith.xori %xor3A_841, %add3A_523 : vector<16xi32>
          %and3A_966 = arith.constant 524287 : i32
          %and3A_967 = vector.broadcast %and3A_966 : i32 to vector<16xi32>
          %and3A_968 = arith.andi %xor3A_965, %and3A_967 : vector<16xi32>
          %add3A_969 = arith.addi %and3A_968, %shift_left3A_323 : vector<16xi32>
          %shift_right_arithmetic3A_970 = arith.constant 3 : i32
          %shift_right_arithmetic3A_971 = vector.broadcast %shift_right_arithmetic3A_970 : i32 to vector<16xi32>
          %shift_right_arithmetic3A_972 = arith.shrsi %add3A_969, %shift_right_arithmetic3A_971 : vector<16xi32>
          %mul3A_973 = arith.constant 16 : i32
          %mul3A_974 = arith.muli %scan3A_432, %mul3A_973 : i32
          %add3A_975 = arith.constant 384 : i32
          %add3A_976 = arith.addi %add3A_975, %mul3A_974 : i32
          %swap3A_977 = arith.constant 1 : i32
          %swap3A_978 = arith.index_cast %swap3A_977 : i32 to index
          %swap3A_979 = arith.index_cast %add3A_976 : i32 to index
          %swap3A_980 = tpu.vector_load %arg15[%swap3A_978, %swap3A_979] {strides = array<i32>} : memref<4x1024xi32, #tpu.memory_space<vmem>>, vector<16xi32>,
          tpu.vector_store %arg15[%swap3A_978, %swap3A_979], %shift_right_arithmetic3A_972 {strides = array<i32>} : memref<4x1024xi32, #tpu.memory_space<vmem>>, vector<16xi32>,
          %and3A_981 = arith.constant 7 : i32
          %and3A_982 = vector.broadcast %and3A_981 : i32 to vector<16xi32>
          %and3A_983 = arith.andi %add3A_969, %and3A_982 : vector<16xi32>
          %mul3A_984 = arith.constant 2 : i32
          %mul3A_985 = vector.broadcast %mul3A_984 : i32 to vector<16xi32>
          %mul3A_986 = arith.muli %and3A_983, %mul3A_985 : vector<16xi32>
          %mul3A_987 = arith.constant 16 : i32
          %mul3A_988 = arith.muli %scan3A_432, %mul3A_987 : i32
          %add3A_989 = arith.constant 384 : i32
          %add3A_990 = arith.addi %add3A_989, %mul3A_988 : i32
          %swap3A_991 = arith.constant 1 : i32
          %swap3A_992 = arith.index_cast %swap3A_991 : i32 to index
          %swap3A_993 = arith.index_cast %add3A_990 : i32 to index
          %swap3A_994 = tpu.vector_load %arg16[%swap3A_992, %swap3A_993] {strides = array<i32>} : memref<4x1024xi32, #tpu.memory_space<vmem>>, vector<16xi32>,
          tpu.vector_store %arg16[%swap3A_992, %swap3A_993], %mul3A_986 {strides = array<i32>} : memref<4x1024xi32, #tpu.memory_space<vmem>>, vector<16xi32>,
          %mul3A_995 = arith.mulf %mul3A_845, %sub3A_478 : vector<16xf32>
          %mul3A_996 = arith.constant 16 : i32
          %mul3A_997 = arith.muli %scan3A_432, %mul3A_996 : i32
          %add3A_998 = arith.constant 384 : i32
          %add3A_999 = arith.addi %add3A_998, %mul3A_997 : i32
          %swap3A_1000 = arith.constant 1 : i32
          %swap3A_1001 = arith.index_cast %swap3A_1000 : i32 to index
          %swap3A_1002 = arith.index_cast %add3A_999 : i32 to index
          %swap3A_1003 = tpu.vector_load %arg17[%swap3A_1001, %swap3A_1002] {strides = array<i32>} : memref<4x1024xf32, #tpu.memory_space<vmem>>, vector<16xf32>,
          tpu.vector_store %arg17[%swap3A_1001, %swap3A_1002], %mul3A_995 {strides = array<i32>} : memref<4x1024xf32, #tpu.memory_space<vmem>>, vector<16xf32>,
          %xor3A_1004 = arith.xori %xor3A_842, %mul3A_517 : vector<16xi32>
          %and3A_1005 = arith.constant 524287 : i32
          %and3A_1006 = vector.broadcast %and3A_1005 : i32 to vector<16xi32>
          %and3A_1007 = arith.andi %xor3A_1004, %and3A_1006 : vector<16xi32>
          %add3A_1008 = arith.addi %and3A_1007, %shift_left3A_323 : vector<16xi32>
          %shift_right_arithmetic3A_1009 = arith.constant 3 : i32
          %shift_right_arithmetic3A_1010 = vector.broadcast %shift_right_arithmetic3A_1009 : i32 to vector<16xi32>
          %shift_right_arithmetic3A_1011 = arith.shrsi %add3A_1008, %shift_right_arithmetic3A_1010 : vector<16xi32>
          %mul3A_1012 = arith.constant 16 : i32
          %mul3A_1013 = arith.muli %scan3A_432, %mul3A_1012 : i32
          %add3A_1014 = arith.constant 512 : i32
          %add3A_1015 = arith.addi %add3A_1014, %mul3A_1013 : i32
          %swap3A_1016 = arith.constant 1 : i32
          %swap3A_1017 = arith.index_cast %swap3A_1016 : i32 to index
          %swap3A_1018 = arith.index_cast %add3A_1015 : i32 to index
          %swap3A_1019 = tpu.vector_load %arg15[%swap3A_1017, %swap3A_1018] {strides = array<i32>} : memref<4x1024xi32, #tpu.memory_space<vmem>>, vector<16xi32>,
          tpu.vector_store %arg15[%swap3A_1017, %swap3A_1018], %shift_right_arithmetic3A_1011 {strides = array<i32>} : memref<4x1024xi32, #tpu.memory_space<vmem>>, vector<16xi32>,
          %and3A_1020 = arith.constant 7 : i32
          %and3A_1021 = vector.broadcast %and3A_1020 : i32 to vector<16xi32>
          %and3A_1022 = arith.andi %add3A_1008, %and3A_1021 : vector<16xi32>
          %mul3A_1023 = arith.constant 2 : i32
          %mul3A_1024 = vector.broadcast %mul3A_1023 : i32 to vector<16xi32>
          %mul3A_1025 = arith.muli %and3A_1022, %mul3A_1024 : vector<16xi32>
          %mul3A_1026 = arith.constant 16 : i32
          %mul3A_1027 = arith.muli %scan3A_432, %mul3A_1026 : i32
          %add3A_1028 = arith.constant 512 : i32
          %add3A_1029 = arith.addi %add3A_1028, %mul3A_1027 : i32
          %swap3A_1030 = arith.constant 1 : i32
          %swap3A_1031 = arith.index_cast %swap3A_1030 : i32 to index
          %swap3A_1032 = arith.index_cast %add3A_1029 : i32 to index
          %swap3A_1033 = tpu.vector_load %arg16[%swap3A_1031, %swap3A_1032] {strides = array<i32>} : memref<4x1024xi32, #tpu.memory_space<vmem>>, vector<16xi32>,
          tpu.vector_store %arg16[%swap3A_1031, %swap3A_1032], %mul3A_1025 {strides = array<i32>} : memref<4x1024xi32, #tpu.memory_space<vmem>>, vector<16xi32>,
          %mul3A_1034 = arith.mulf %mul3A_846, %sub3A_481 : vector<16xf32>
          %mul3A_1035 = arith.constant 16 : i32
          %mul3A_1036 = arith.muli %scan3A_432, %mul3A_1035 : i32
          %add3A_1037 = arith.constant 512 : i32
          %add3A_1038 = arith.addi %add3A_1037, %mul3A_1036 : i32
          %swap3A_1039 = arith.constant 1 : i32
          %swap3A_1040 = arith.index_cast %swap3A_1039 : i32 to index
          %swap3A_1041 = arith.index_cast %add3A_1038 : i32 to index
          %swap3A_1042 = tpu.vector_load %arg17[%swap3A_1040, %swap3A_1041] {strides = array<i32>} : memref<4x1024xf32, #tpu.memory_space<vmem>>, vector<16xf32>,
          tpu.vector_store %arg17[%swap3A_1040, %swap3A_1041], %mul3A_1034 {strides = array<i32>} : memref<4x1024xf32, #tpu.memory_space<vmem>>, vector<16xf32>,
          %xor3A_1043 = arith.xori %xor3A_842, %add3A_523 : vector<16xi32>
          %and3A_1044 = arith.constant 524287 : i32
          %and3A_1045 = vector.broadcast %and3A_1044 : i32 to vector<16xi32>
          %and3A_1046 = arith.andi %xor3A_1043, %and3A_1045 : vector<16xi32>
          %add3A_1047 = arith.addi %and3A_1046, %shift_left3A_323 : vector<16xi32>
          %shift_right_arithmetic3A_1048 = arith.constant 3 : i32
          %shift_right_arithmetic3A_1049 = vector.broadcast %shift_right_arithmetic3A_1048 : i32 to vector<16xi32>
          %shift_right_arithmetic3A_1050 = arith.shrsi %add3A_1047, %shift_right_arithmetic3A_1049 : vector<16xi32>
          %mul3A_1051 = arith.constant 16 : i32
          %mul3A_1052 = arith.muli %scan3A_432, %mul3A_1051 : i32
          %add3A_1053 = arith.constant 640 : i32
          %add3A_1054 = arith.addi %add3A_1053, %mul3A_1052 : i32
          %swap3A_1055 = arith.constant 1 : i32
          %swap3A_1056 = arith.index_cast %swap3A_1055 : i32 to index
          %swap3A_1057 = arith.index_cast %add3A_1054 : i32 to index
          %swap3A_1058 = tpu.vector_load %arg15[%swap3A_1056, %swap3A_1057] {strides = array<i32>} : memref<4x1024xi32, #tpu.memory_space<vmem>>, vector<16xi32>,
          tpu.vector_store %arg15[%swap3A_1056, %swap3A_1057], %shift_right_arithmetic3A_1050 {strides = array<i32>} : memref<4x1024xi32, #tpu.memory_space<vmem>>, vector<16xi32>,
          %and3A_1059 = arith.constant 7 : i32
          %and3A_1060 = vector.broadcast %and3A_1059 : i32 to vector<16xi32>
          %and3A_1061 = arith.andi %add3A_1047, %and3A_1060 : vector<16xi32>
          %mul3A_1062 = arith.constant 2 : i32
          %mul3A_1063 = vector.broadcast %mul3A_1062 : i32 to vector<16xi32>
          %mul3A_1064 = arith.muli %and3A_1061, %mul3A_1063 : vector<16xi32>
          %mul3A_1065 = arith.constant 16 : i32
          %mul3A_1066 = arith.muli %scan3A_432, %mul3A_1065 : i32
          %add3A_1067 = arith.constant 640 : i32
          %add3A_1068 = arith.addi %add3A_1067, %mul3A_1066 : i32
          %swap3A_1069 = arith.constant 1 : i32
          %swap3A_1070 = arith.index_cast %swap3A_1069 : i32 to index
          %swap3A_1071 = arith.index_cast %add3A_1068 : i32 to index
          %swap3A_1072 = tpu.vector_load %arg16[%swap3A_1070, %swap3A_1071] {strides = array<i32>} : memref<4x1024xi32, #tpu.memory_space<vmem>>, vector<16xi32>,
          tpu.vector_store %arg16[%swap3A_1070, %swap3A_1071], %mul3A_1064 {strides = array<i32>} : memref<4x1024xi32, #tpu.memory_space<vmem>>, vector<16xi32>,
          %mul3A_1073 = arith.mulf %mul3A_846, %sub3A_478 : vector<16xf32>
          %mul3A_1074 = arith.constant 16 : i32
          %mul3A_1075 = arith.muli %scan3A_432, %mul3A_1074 : i32
          %add3A_1076 = arith.constant 640 : i32
          %add3A_1077 = arith.addi %add3A_1076, %mul3A_1075 : i32
          %swap3A_1078 = arith.constant 1 : i32
          %swap3A_1079 = arith.index_cast %swap3A_1078 : i32 to index
          %swap3A_1080 = arith.index_cast %add3A_1077 : i32 to index
          %swap3A_1081 = tpu.vector_load %arg17[%swap3A_1079, %swap3A_1080] {strides = array<i32>} : memref<4x1024xf32, #tpu.memory_space<vmem>>, vector<16xf32>,
          tpu.vector_store %arg17[%swap3A_1079, %swap3A_1080], %mul3A_1073 {strides = array<i32>} : memref<4x1024xf32, #tpu.memory_space<vmem>>, vector<16xf32>,
          %xor3A_1082 = arith.xori %xor3A_843, %mul3A_517 : vector<16xi32>
          %and3A_1083 = arith.constant 524287 : i32
          %and3A_1084 = vector.broadcast %and3A_1083 : i32 to vector<16xi32>
          %and3A_1085 = arith.andi %xor3A_1082, %and3A_1084 : vector<16xi32>
          %add3A_1086 = arith.addi %and3A_1085, %shift_left3A_323 : vector<16xi32>
          %shift_right_arithmetic3A_1087 = arith.constant 3 : i32
          %shift_right_arithmetic3A_1088 = vector.broadcast %shift_right_arithmetic3A_1087 : i32 to vector<16xi32>
          %shift_right_arithmetic3A_1089 = arith.shrsi %add3A_1086, %shift_right_arithmetic3A_1088 : vector<16xi32>
          %mul3A_1090 = arith.constant 16 : i32
          %mul3A_1091 = arith.muli %scan3A_432, %mul3A_1090 : i32
          %add3A_1092 = arith.constant 768 : i32
          %add3A_1093 = arith.addi %add3A_1092, %mul3A_1091 : i32
          %swap3A_1094 = arith.constant 1 : i32
          %swap3A_1095 = arith.index_cast %swap3A_1094 : i32 to index
          %swap3A_1096 = arith.index_cast %add3A_1093 : i32 to index
          %swap3A_1097 = tpu.vector_load %arg15[%swap3A_1095, %swap3A_1096] {strides = array<i32>} : memref<4x1024xi32, #tpu.memory_space<vmem>>, vector<16xi32>,
          tpu.vector_store %arg15[%swap3A_1095, %swap3A_1096], %shift_right_arithmetic3A_1089 {strides = array<i32>} : memref<4x1024xi32, #tpu.memory_space<vmem>>, vector<16xi32>,
          %and3A_1098 = arith.constant 7 : i32
          %and3A_1099 = vector.broadcast %and3A_1098 : i32 to vector<16xi32>
          %and3A_1100 = arith.andi %add3A_1086, %and3A_1099 : vector<16xi32>
          %mul3A_1101 = arith.constant 2 : i32
          %mul3A_1102 = vector.broadcast %mul3A_1101 : i32 to vector<16xi32>
          %mul3A_1103 = arith.muli %and3A_1100, %mul3A_1102 : vector<16xi32>
          %mul3A_1104 = arith.constant 16 : i32
          %mul3A_1105 = arith.muli %scan3A_432, %mul3A_1104 : i32
          %add3A_1106 = arith.constant 768 : i32
          %add3A_1107 = arith.addi %add3A_1106, %mul3A_1105 : i32
          %swap3A_1108 = arith.constant 1 : i32
          %swap3A_1109 = arith.index_cast %swap3A_1108 : i32 to index
          %swap3A_1110 = arith.index_cast %add3A_1107 : i32 to index
          %swap3A_1111 = tpu.vector_load %arg16[%swap3A_1109, %swap3A_1110] {strides = array<i32>} : memref<4x1024xi32, #tpu.memory_space<vmem>>, vector<16xi32>,
          tpu.vector_store %arg16[%swap3A_1109, %swap3A_1110], %mul3A_1103 {strides = array<i32>} : memref<4x1024xi32, #tpu.memory_space<vmem>>, vector<16xi32>,
          %mul3A_1112 = arith.mulf %mul3A_847, %sub3A_481 : vector<16xf32>
          %mul3A_1113 = arith.constant 16 : i32
          %mul3A_1114 = arith.muli %scan3A_432, %mul3A_1113 : i32
          %add3A_1115 = arith.constant 768 : i32
          %add3A_1116 = arith.addi %add3A_1115, %mul3A_1114 : i32
          %swap3A_1117 = arith.constant 1 : i32
          %swap3A_1118 = arith.index_cast %swap3A_1117 : i32 to index
          %swap3A_1119 = arith.index_cast %add3A_1116 : i32 to index
          %swap3A_1120 = tpu.vector_load %arg17[%swap3A_1118, %swap3A_1119] {strides = array<i32>} : memref<4x1024xf32, #tpu.memory_space<vmem>>, vector<16xf32>,
          tpu.vector_store %arg17[%swap3A_1118, %swap3A_1119], %mul3A_1112 {strides = array<i32>} : memref<4x1024xf32, #tpu.memory_space<vmem>>, vector<16xf32>,
          %xor3A_1121 = arith.xori %xor3A_843, %add3A_523 : vector<16xi32>
          %and3A_1122 = arith.constant 524287 : i32
          %and3A_1123 = vector.broadcast %and3A_1122 : i32 to vector<16xi32>
          %and3A_1124 = arith.andi %xor3A_1121, %and3A_1123 : vector<16xi32>
          %add3A_1125 = arith.addi %and3A_1124, %shift_left3A_323 : vector<16xi32>
          %shift_right_arithmetic3A_1126 = arith.constant 3 : i32
          %shift_right_arithmetic3A_1127 = vector.broadcast %shift_right_arithmetic3A_1126 : i32 to vector<16xi32>
          %shift_right_arithmetic3A_1128 = arith.shrsi %add3A_1125, %shift_right_arithmetic3A_1127 : vector<16xi32>
          %mul3A_1129 = arith.constant 16 : i32
          %mul3A_1130 = arith.muli %scan3A_432, %mul3A_1129 : i32
          %add3A_1131 = arith.constant 896 : i32
          %add3A_1132 = arith.addi %add3A_1131, %mul3A_1130 : i32
          %swap3A_1133 = arith.constant 1 : i32
          %swap3A_1134 = arith.index_cast %swap3A_1133 : i32 to index
          %swap3A_1135 = arith.index_cast %add3A_1132 : i32 to index
          %swap3A_1136 = tpu.vector_load %arg15[%swap3A_1134, %swap3A_1135] {strides = array<i32>} : memref<4x1024xi32, #tpu.memory_space<vmem>>, vector<16xi32>,
          tpu.vector_store %arg15[%swap3A_1134, %swap3A_1135], %shift_right_arithmetic3A_1128 {strides = array<i32>} : memref<4x1024xi32, #tpu.memory_space<vmem>>, vector<16xi32>,
          %and3A_1137 = arith.constant 7 : i32
          %and3A_1138 = vector.broadcast %and3A_1137 : i32 to vector<16xi32>
          %and3A_1139 = arith.andi %add3A_1125, %and3A_1138 : vector<16xi32>
          %mul3A_1140 = arith.constant 2 : i32
          %mul3A_1141 = vector.broadcast %mul3A_1140 : i32 to vector<16xi32>
          %mul3A_1142 = arith.muli %and3A_1139, %mul3A_1141 : vector<16xi32>
          %mul3A_1143 = arith.constant 16 : i32
          %mul3A_1144 = arith.muli %scan3A_432, %mul3A_1143 : i32
          %add3A_1145 = arith.constant 896 : i32
          %add3A_1146 = arith.addi %add3A_1145, %mul3A_1144 : i32
          %swap3A_1147 = arith.constant 1 : i32
          %swap3A_1148 = arith.index_cast %swap3A_1147 : i32 to index
          %swap3A_1149 = arith.index_cast %add3A_1146 : i32 to index
          %swap3A_1150 = tpu.vector_load %arg16[%swap3A_1148, %swap3A_1149] {strides = array<i32>} : memref<4x1024xi32, #tpu.memory_space<vmem>>, vector<16xi32>,
          tpu.vector_store %arg16[%swap3A_1148, %swap3A_1149], %mul3A_1142 {strides = array<i32>} : memref<4x1024xi32, #tpu.memory_space<vmem>>, vector<16xi32>,
          %mul3A_1151 = arith.mulf %mul3A_847, %sub3A_478 : vector<16xf32>
          %mul3A_1152 = arith.constant 16 : i32
          %mul3A_1153 = arith.muli %scan3A_432, %mul3A_1152 : i32
          %add3A_1154 = arith.constant 896 : i32
          %add3A_1155 = arith.addi %add3A_1154, %mul3A_1153 : i32
          %swap3A_1156 = arith.constant 1 : i32
          %swap3A_1157 = arith.index_cast %swap3A_1156 : i32 to index
          %swap3A_1158 = arith.index_cast %add3A_1155 : i32 to index
          %swap3A_1159 = tpu.vector_load %arg17[%swap3A_1157, %swap3A_1158] {strides = array<i32>} : memref<4x1024xf32, #tpu.memory_space<vmem>>, vector<16xf32>,
          tpu.vector_store %arg17[%swap3A_1157, %swap3A_1158], %mul3A_1151 {strides = array<i32>} : memref<4x1024xf32, #tpu.memory_space<vmem>>, vector<16xf32>,
          %xor3A_1160 = arith.xori %convert_element_type3A_450, %mul3A_499 : vector<16xi32>
          %xor3A_1161 = arith.xori %convert_element_type3A_450, %add3A_505 : vector<16xi32>
          %xor3A_1162 = arith.xori %add3A_487, %mul3A_499 : vector<16xi32>
          %xor3A_1163 = arith.xori %add3A_487, %add3A_505 : vector<16xi32>
          %mul3A_1164 = arith.mulf %sub3A_455, %sub3A_468 : vector<16xf32>
          %mul3A_1165 = arith.mulf %sub3A_455, %sub3A_465 : vector<16xf32>
          %mul3A_1166 = arith.mulf %sub3A_452, %sub3A_468 : vector<16xf32>
          %mul3A_1167 = arith.mulf %sub3A_452, %sub3A_465 : vector<16xf32>
          %xor3A_1168 = arith.xori %xor3A_1160, %mul3A_517 : vector<16xi32>
          %and3A_1169 = arith.constant 524287 : i32
          %and3A_1170 = vector.broadcast %and3A_1169 : i32 to vector<16xi32>
          %and3A_1171 = arith.andi %xor3A_1168, %and3A_1170 : vector<16xi32>
          %add3A_1172 = arith.addi %and3A_1171, %shift_left3A_323 : vector<16xi32>
          %shift_right_arithmetic3A_1173 = arith.constant 3 : i32
          %shift_right_arithmetic3A_1174 = vector.broadcast %shift_right_arithmetic3A_1173 : i32 to vector<16xi32>
          %shift_right_arithmetic3A_1175 = arith.shrsi %add3A_1172, %shift_right_arithmetic3A_1174 : vector<16xi32>
          %mul3A_1176 = arith.constant 16 : i32
          %mul3A_1177 = arith.muli %scan3A_432, %mul3A_1176 : i32
          %add3A_1178 = arith.constant 0 : i32
          %add3A_1179 = arith.addi %add3A_1178, %mul3A_1177 : i32
          %swap3A_1180 = arith.constant 2 : i32
          %swap3A_1181 = arith.index_cast %swap3A_1180 : i32 to index
          %swap3A_1182 = arith.index_cast %add3A_1179 : i32 to index
          %swap3A_1183 = tpu.vector_load %arg15[%swap3A_1181, %swap3A_1182] {strides = array<i32>} : memref<4x1024xi32, #tpu.memory_space<vmem>>, vector<16xi32>,
          tpu.vector_store %arg15[%swap3A_1181, %swap3A_1182], %shift_right_arithmetic3A_1175 {strides = array<i32>} : memref<4x1024xi32, #tpu.memory_space<vmem>>, vector<16xi32>,
          %and3A_1184 = arith.constant 7 : i32
          %and3A_1185 = vector.broadcast %and3A_1184 : i32 to vector<16xi32>
          %and3A_1186 = arith.andi %add3A_1172, %and3A_1185 : vector<16xi32>
          %mul3A_1187 = arith.constant 2 : i32
          %mul3A_1188 = vector.broadcast %mul3A_1187 : i32 to vector<16xi32>
          %mul3A_1189 = arith.muli %and3A_1186, %mul3A_1188 : vector<16xi32>
          %mul3A_1190 = arith.constant 16 : i32
          %mul3A_1191 = arith.muli %scan3A_432, %mul3A_1190 : i32
          %add3A_1192 = arith.constant 0 : i32
          %add3A_1193 = arith.addi %add3A_1192, %mul3A_1191 : i32
          %swap3A_1194 = arith.constant 2 : i32
          %swap3A_1195 = arith.index_cast %swap3A_1194 : i32 to index
          %swap3A_1196 = arith.index_cast %add3A_1193 : i32 to index
          %swap3A_1197 = tpu.vector_load %arg16[%swap3A_1195, %swap3A_1196] {strides = array<i32>} : memref<4x1024xi32, #tpu.memory_space<vmem>>, vector<16xi32>,
          tpu.vector_store %arg16[%swap3A_1195, %swap3A_1196], %mul3A_1189 {strides = array<i32>} : memref<4x1024xi32, #tpu.memory_space<vmem>>, vector<16xi32>,
          %mul3A_1198 = arith.mulf %mul3A_1164, %sub3A_481 : vector<16xf32>
          %mul3A_1199 = arith.constant 16 : i32
          %mul3A_1200 = arith.muli %scan3A_432, %mul3A_1199 : i32
          %add3A_1201 = arith.constant 0 : i32
          %add3A_1202 = arith.addi %add3A_1201, %mul3A_1200 : i32
          %swap3A_1203 = arith.constant 2 : i32
          %swap3A_1204 = arith.index_cast %swap3A_1203 : i32 to index
          %swap3A_1205 = arith.index_cast %add3A_1202 : i32 to index
          %swap3A_1206 = tpu.vector_load %arg17[%swap3A_1204, %swap3A_1205] {strides = array<i32>} : memref<4x1024xf32, #tpu.memory_space<vmem>>, vector<16xf32>,
          tpu.vector_store %arg17[%swap3A_1204, %swap3A_1205], %mul3A_1198 {strides = array<i32>} : memref<4x1024xf32, #tpu.memory_space<vmem>>, vector<16xf32>,
          %xor3A_1207 = arith.xori %xor3A_1160, %add3A_523 : vector<16xi32>
          %and3A_1208 = arith.constant 524287 : i32
          %and3A_1209 = vector.broadcast %and3A_1208 : i32 to vector<16xi32>
          %and3A_1210 = arith.andi %xor3A_1207, %and3A_1209 : vector<16xi32>
          %add3A_1211 = arith.addi %and3A_1210, %shift_left3A_323 : vector<16xi32>
          %shift_right_arithmetic3A_1212 = arith.constant 3 : i32
          %shift_right_arithmetic3A_1213 = vector.broadcast %shift_right_arithmetic3A_1212 : i32 to vector<16xi32>
          %shift_right_arithmetic3A_1214 = arith.shrsi %add3A_1211, %shift_right_arithmetic3A_1213 : vector<16xi32>
          %mul3A_1215 = arith.constant 16 : i32
          %mul3A_1216 = arith.muli %scan3A_432, %mul3A_1215 : i32
          %add3A_1217 = arith.constant 128 : i32
          %add3A_1218 = arith.addi %add3A_1217, %mul3A_1216 : i32
          %swap3A_1219 = arith.constant 2 : i32
          %swap3A_1220 = arith.index_cast %swap3A_1219 : i32 to index
          %swap3A_1221 = arith.index_cast %add3A_1218 : i32 to index
          %swap3A_1222 = tpu.vector_load %arg15[%swap3A_1220, %swap3A_1221] {strides = array<i32>} : memref<4x1024xi32, #tpu.memory_space<vmem>>, vector<16xi32>,
          tpu.vector_store %arg15[%swap3A_1220, %swap3A_1221], %shift_right_arithmetic3A_1214 {strides = array<i32>} : memref<4x1024xi32, #tpu.memory_space<vmem>>, vector<16xi32>,
          %and3A_1223 = arith.constant 7 : i32
          %and3A_1224 = vector.broadcast %and3A_1223 : i32 to vector<16xi32>
          %and3A_1225 = arith.andi %add3A_1211, %and3A_1224 : vector<16xi32>
          %mul3A_1226 = arith.constant 2 : i32
          %mul3A_1227 = vector.broadcast %mul3A_1226 : i32 to vector<16xi32>
          %mul3A_1228 = arith.muli %and3A_1225, %mul3A_1227 : vector<16xi32>
          %mul3A_1229 = arith.constant 16 : i32
          %mul3A_1230 = arith.muli %scan3A_432, %mul3A_1229 : i32
          %add3A_1231 = arith.constant 128 : i32
          %add3A_1232 = arith.addi %add3A_1231, %mul3A_1230 : i32
          %swap3A_1233 = arith.constant 2 : i32
          %swap3A_1234 = arith.index_cast %swap3A_1233 : i32 to index
          %swap3A_1235 = arith.index_cast %add3A_1232 : i32 to index
          %swap3A_1236 = tpu.vector_load %arg16[%swap3A_1234, %swap3A_1235] {strides = array<i32>} : memref<4x1024xi32, #tpu.memory_space<vmem>>, vector<16xi32>,
          tpu.vector_store %arg16[%swap3A_1234, %swap3A_1235], %mul3A_1228 {strides = array<i32>} : memref<4x1024xi32, #tpu.memory_space<vmem>>, vector<16xi32>,
          %mul3A_1237 = arith.mulf %mul3A_1164, %sub3A_478 : vector<16xf32>
          %mul3A_1238 = arith.constant 16 : i32
          %mul3A_1239 = arith.muli %scan3A_432, %mul3A_1238 : i32
          %add3A_1240 = arith.constant 128 : i32
          %add3A_1241 = arith.addi %add3A_1240, %mul3A_1239 : i32
          %swap3A_1242 = arith.constant 2 : i32
          %swap3A_1243 = arith.index_cast %swap3A_1242 : i32 to index
          %swap3A_1244 = arith.index_cast %add3A_1241 : i32 to index
          %swap3A_1245 = tpu.vector_load %arg17[%swap3A_1243, %swap3A_1244] {strides = array<i32>} : memref<4x1024xf32, #tpu.memory_space<vmem>>, vector<16xf32>,
          tpu.vector_store %arg17[%swap3A_1243, %swap3A_1244], %mul3A_1237 {strides = array<i32>} : memref<4x1024xf32, #tpu.memory_space<vmem>>, vector<16xf32>,
          %xor3A_1246 = arith.xori %xor3A_1161, %mul3A_517 : vector<16xi32>
          %and3A_1247 = arith.constant 524287 : i32
          %and3A_1248 = vector.broadcast %and3A_1247 : i32 to vector<16xi32>
          %and3A_1249 = arith.andi %xor3A_1246, %and3A_1248 : vector<16xi32>
          %add3A_1250 = arith.addi %and3A_1249, %shift_left3A_323 : vector<16xi32>
          %shift_right_arithmetic3A_1251 = arith.constant 3 : i32
          %shift_right_arithmetic3A_1252 = vector.broadcast %shift_right_arithmetic3A_1251 : i32 to vector<16xi32>
          %shift_right_arithmetic3A_1253 = arith.shrsi %add3A_1250, %shift_right_arithmetic3A_1252 : vector<16xi32>
          %mul3A_1254 = arith.constant 16 : i32
          %mul3A_1255 = arith.muli %scan3A_432, %mul3A_1254 : i32
          %add3A_1256 = arith.constant 256 : i32
          %add3A_1257 = arith.addi %add3A_1256, %mul3A_1255 : i32
          %swap3A_1258 = arith.constant 2 : i32
          %swap3A_1259 = arith.index_cast %swap3A_1258 : i32 to index
          %swap3A_1260 = arith.index_cast %add3A_1257 : i32 to index
          %swap3A_1261 = tpu.vector_load %arg15[%swap3A_1259, %swap3A_1260] {strides = array<i32>} : memref<4x1024xi32, #tpu.memory_space<vmem>>, vector<16xi32>,
          tpu.vector_store %arg15[%swap3A_1259, %swap3A_1260], %shift_right_arithmetic3A_1253 {strides = array<i32>} : memref<4x1024xi32, #tpu.memory_space<vmem>>, vector<16xi32>,
          %and3A_1262 = arith.constant 7 : i32
          %and3A_1263 = vector.broadcast %and3A_1262 : i32 to vector<16xi32>
          %and3A_1264 = arith.andi %add3A_1250, %and3A_1263 : vector<16xi32>
          %mul3A_1265 = arith.constant 2 : i32
          %mul3A_1266 = vector.broadcast %mul3A_1265 : i32 to vector<16xi32>
          %mul3A_1267 = arith.muli %and3A_1264, %mul3A_1266 : vector<16xi32>
          %mul3A_1268 = arith.constant 16 : i32
          %mul3A_1269 = arith.muli %scan3A_432, %mul3A_1268 : i32
          %add3A_1270 = arith.constant 256 : i32
          %add3A_1271 = arith.addi %add3A_1270, %mul3A_1269 : i32
          %swap3A_1272 = arith.constant 2 : i32
          %swap3A_1273 = arith.index_cast %swap3A_1272 : i32 to index
          %swap3A_1274 = arith.index_cast %add3A_1271 : i32 to index
          %swap3A_1275 = tpu.vector_load %arg16[%swap3A_1273, %swap3A_1274] {strides = array<i32>} : memref<4x1024xi32, #tpu.memory_space<vmem>>, vector<16xi32>,
          tpu.vector_store %arg16[%swap3A_1273, %swap3A_1274], %mul3A_1267 {strides = array<i32>} : memref<4x1024xi32, #tpu.memory_space<vmem>>, vector<16xi32>,
          %mul3A_1276 = arith.mulf %mul3A_1165, %sub3A_481 : vector<16xf32>
          %mul3A_1277 = arith.constant 16 : i32
          %mul3A_1278 = arith.muli %scan3A_432, %mul3A_1277 : i32
          %add3A_1279 = arith.constant 256 : i32
          %add3A_1280 = arith.addi %add3A_1279, %mul3A_1278 : i32
          %swap3A_1281 = arith.constant 2 : i32
          %swap3A_1282 = arith.index_cast %swap3A_1281 : i32 to index
          %swap3A_1283 = arith.index_cast %add3A_1280 : i32 to index
          %swap3A_1284 = tpu.vector_load %arg17[%swap3A_1282, %swap3A_1283] {strides = array<i32>} : memref<4x1024xf32, #tpu.memory_space<vmem>>, vector<16xf32>,
          tpu.vector_store %arg17[%swap3A_1282, %swap3A_1283], %mul3A_1276 {strides = array<i32>} : memref<4x1024xf32, #tpu.memory_space<vmem>>, vector<16xf32>,
          %xor3A_1285 = arith.xori %xor3A_1161, %add3A_523 : vector<16xi32>
          %and3A_1286 = arith.constant 524287 : i32
          %and3A_1287 = vector.broadcast %and3A_1286 : i32 to vector<16xi32>
          %and3A_1288 = arith.andi %xor3A_1285, %and3A_1287 : vector<16xi32>
          %add3A_1289 = arith.addi %and3A_1288, %shift_left3A_323 : vector<16xi32>
          %shift_right_arithmetic3A_1290 = arith.constant 3 : i32
          %shift_right_arithmetic3A_1291 = vector.broadcast %shift_right_arithmetic3A_1290 : i32 to vector<16xi32>
          %shift_right_arithmetic3A_1292 = arith.shrsi %add3A_1289, %shift_right_arithmetic3A_1291 : vector<16xi32>
          %mul3A_1293 = arith.constant 16 : i32
          %mul3A_1294 = arith.muli %scan3A_432, %mul3A_1293 : i32
          %add3A_1295 = arith.constant 384 : i32
          %add3A_1296 = arith.addi %add3A_1295, %mul3A_1294 : i32
          %swap3A_1297 = arith.constant 2 : i32
          %swap3A_1298 = arith.index_cast %swap3A_1297 : i32 to index
          %swap3A_1299 = arith.index_cast %add3A_1296 : i32 to index
          %swap3A_1300 = tpu.vector_load %arg15[%swap3A_1298, %swap3A_1299] {strides = array<i32>} : memref<4x1024xi32, #tpu.memory_space<vmem>>, vector<16xi32>,
          tpu.vector_store %arg15[%swap3A_1298, %swap3A_1299], %shift_right_arithmetic3A_1292 {strides = array<i32>} : memref<4x1024xi32, #tpu.memory_space<vmem>>, vector<16xi32>,
          %and3A_1301 = arith.constant 7 : i32
          %and3A_1302 = vector.broadcast %and3A_1301 : i32 to vector<16xi32>
          %and3A_1303 = arith.andi %add3A_1289, %and3A_1302 : vector<16xi32>
          %mul3A_1304 = arith.constant 2 : i32
          %mul3A_1305 = vector.broadcast %mul3A_1304 : i32 to vector<16xi32>
          %mul3A_1306 = arith.muli %and3A_1303, %mul3A_1305 : vector<16xi32>
          %mul3A_1307 = arith.constant 16 : i32
          %mul3A_1308 = arith.muli %scan3A_432, %mul3A_1307 : i32
          %add3A_1309 = arith.constant 384 : i32
          %add3A_1310 = arith.addi %add3A_1309, %mul3A_1308 : i32
          %swap3A_1311 = arith.constant 2 : i32
          %swap3A_1312 = arith.index_cast %swap3A_1311 : i32 to index
          %swap3A_1313 = arith.index_cast %add3A_1310 : i32 to index
          %swap3A_1314 = tpu.vector_load %arg16[%swap3A_1312, %swap3A_1313] {strides = array<i32>} : memref<4x1024xi32, #tpu.memory_space<vmem>>, vector<16xi32>,
          tpu.vector_store %arg16[%swap3A_1312, %swap3A_1313], %mul3A_1306 {strides = array<i32>} : memref<4x1024xi32, #tpu.memory_space<vmem>>, vector<16xi32>,
          %mul3A_1315 = arith.mulf %mul3A_1165, %sub3A_478 : vector<16xf32>
          %mul3A_1316 = arith.constant 16 : i32
          %mul3A_1317 = arith.muli %scan3A_432, %mul3A_1316 : i32
          %add3A_1318 = arith.constant 384 : i32
          %add3A_1319 = arith.addi %add3A_1318, %mul3A_1317 : i32
          %swap3A_1320 = arith.constant 2 : i32
          %swap3A_1321 = arith.index_cast %swap3A_1320 : i32 to index
          %swap3A_1322 = arith.index_cast %add3A_1319 : i32 to index
          %swap3A_1323 = tpu.vector_load %arg17[%swap3A_1321, %swap3A_1322] {strides = array<i32>} : memref<4x1024xf32, #tpu.memory_space<vmem>>, vector<16xf32>,
          tpu.vector_store %arg17[%swap3A_1321, %swap3A_1322], %mul3A_1315 {strides = array<i32>} : memref<4x1024xf32, #tpu.memory_space<vmem>>, vector<16xf32>,
          %xor3A_1324 = arith.xori %xor3A_1162, %mul3A_517 : vector<16xi32>
          %and3A_1325 = arith.constant 524287 : i32
          %and3A_1326 = vector.broadcast %and3A_1325 : i32 to vector<16xi32>
          %and3A_1327 = arith.andi %xor3A_1324, %and3A_1326 : vector<16xi32>
          %add3A_1328 = arith.addi %and3A_1327, %shift_left3A_323 : vector<16xi32>
          %shift_right_arithmetic3A_1329 = arith.constant 3 : i32
          %shift_right_arithmetic3A_1330 = vector.broadcast %shift_right_arithmetic3A_1329 : i32 to vector<16xi32>
          %shift_right_arithmetic3A_1331 = arith.shrsi %add3A_1328, %shift_right_arithmetic3A_1330 : vector<16xi32>
          %mul3A_1332 = arith.constant 16 : i32
          %mul3A_1333 = arith.muli %scan3A_432, %mul3A_1332 : i32
          %add3A_1334 = arith.constant 512 : i32
          %add3A_1335 = arith.addi %add3A_1334, %mul3A_1333 : i32
          %swap3A_1336 = arith.constant 2 : i32
          %swap3A_1337 = arith.index_cast %swap3A_1336 : i32 to index
          %swap3A_1338 = arith.index_cast %add3A_1335 : i32 to index
          %swap3A_1339 = tpu.vector_load %arg15[%swap3A_1337, %swap3A_1338] {strides = array<i32>} : memref<4x1024xi32, #tpu.memory_space<vmem>>, vector<16xi32>,
          tpu.vector_store %arg15[%swap3A_1337, %swap3A_1338], %shift_right_arithmetic3A_1331 {strides = array<i32>} : memref<4x1024xi32, #tpu.memory_space<vmem>>, vector<16xi32>,
          %and3A_1340 = arith.constant 7 : i32
          %and3A_1341 = vector.broadcast %and3A_1340 : i32 to vector<16xi32>
          %and3A_1342 = arith.andi %add3A_1328, %and3A_1341 : vector<16xi32>
          %mul3A_1343 = arith.constant 2 : i32
          %mul3A_1344 = vector.broadcast %mul3A_1343 : i32 to vector<16xi32>
          %mul3A_1345 = arith.muli %and3A_1342, %mul3A_1344 : vector<16xi32>
          %mul3A_1346 = arith.constant 16 : i32
          %mul3A_1347 = arith.muli %scan3A_432, %mul3A_1346 : i32
          %add3A_1348 = arith.constant 512 : i32
          %add3A_1349 = arith.addi %add3A_1348, %mul3A_1347 : i32
          %swap3A_1350 = arith.constant 2 : i32
          %swap3A_1351 = arith.index_cast %swap3A_1350 : i32 to index
          %swap3A_1352 = arith.index_cast %add3A_1349 : i32 to index
          %swap3A_1353 = tpu.vector_load %arg16[%swap3A_1351, %swap3A_1352] {strides = array<i32>} : memref<4x1024xi32, #tpu.memory_space<vmem>>, vector<16xi32>,
          tpu.vector_store %arg16[%swap3A_1351, %swap3A_1352], %mul3A_1345 {strides = array<i32>} : memref<4x1024xi32, #tpu.memory_space<vmem>>, vector<16xi32>,
          %mul3A_1354 = arith.mulf %mul3A_1166, %sub3A_481 : vector<16xf32>
          %mul3A_1355 = arith.constant 16 : i32
          %mul3A_1356 = arith.muli %scan3A_432, %mul3A_1355 : i32
          %add3A_1357 = arith.constant 512 : i32
          %add3A_1358 = arith.addi %add3A_1357, %mul3A_1356 : i32
          %swap3A_1359 = arith.constant 2 : i32
          %swap3A_1360 = arith.index_cast %swap3A_1359 : i32 to index
          %swap3A_1361 = arith.index_cast %add3A_1358 : i32 to index
          %swap3A_1362 = tpu.vector_load %arg17[%swap3A_1360, %swap3A_1361] {strides = array<i32>} : memref<4x1024xf32, #tpu.memory_space<vmem>>, vector<16xf32>,
          tpu.vector_store %arg17[%swap3A_1360, %swap3A_1361], %mul3A_1354 {strides = array<i32>} : memref<4x1024xf32, #tpu.memory_space<vmem>>, vector<16xf32>,
          %xor3A_1363 = arith.xori %xor3A_1162, %add3A_523 : vector<16xi32>
          %and3A_1364 = arith.constant 524287 : i32
          %and3A_1365 = vector.broadcast %and3A_1364 : i32 to vector<16xi32>
          %and3A_1366 = arith.andi %xor3A_1363, %and3A_1365 : vector<16xi32>
          %add3A_1367 = arith.addi %and3A_1366, %shift_left3A_323 : vector<16xi32>
          %shift_right_arithmetic3A_1368 = arith.constant 3 : i32
          %shift_right_arithmetic3A_1369 = vector.broadcast %shift_right_arithmetic3A_1368 : i32 to vector<16xi32>
          %shift_right_arithmetic3A_1370 = arith.shrsi %add3A_1367, %shift_right_arithmetic3A_1369 : vector<16xi32>
          %mul3A_1371 = arith.constant 16 : i32
          %mul3A_1372 = arith.muli %scan3A_432, %mul3A_1371 : i32
          %add3A_1373 = arith.constant 640 : i32
          %add3A_1374 = arith.addi %add3A_1373, %mul3A_1372 : i32
          %swap3A_1375 = arith.constant 2 : i32
          %swap3A_1376 = arith.index_cast %swap3A_1375 : i32 to index
          %swap3A_1377 = arith.index_cast %add3A_1374 : i32 to index
          %swap3A_1378 = tpu.vector_load %arg15[%swap3A_1376, %swap3A_1377] {strides = array<i32>} : memref<4x1024xi32, #tpu.memory_space<vmem>>, vector<16xi32>,
          tpu.vector_store %arg15[%swap3A_1376, %swap3A_1377], %shift_right_arithmetic3A_1370 {strides = array<i32>} : memref<4x1024xi32, #tpu.memory_space<vmem>>, vector<16xi32>,
          %and3A_1379 = arith.constant 7 : i32
          %and3A_1380 = vector.broadcast %and3A_1379 : i32 to vector<16xi32>
          %and3A_1381 = arith.andi %add3A_1367, %and3A_1380 : vector<16xi32>
          %mul3A_1382 = arith.constant 2 : i32
          %mul3A_1383 = vector.broadcast %mul3A_1382 : i32 to vector<16xi32>
          %mul3A_1384 = arith.muli %and3A_1381, %mul3A_1383 : vector<16xi32>
          %mul3A_1385 = arith.constant 16 : i32
          %mul3A_1386 = arith.muli %scan3A_432, %mul3A_1385 : i32
          %add3A_1387 = arith.constant 640 : i32
          %add3A_1388 = arith.addi %add3A_1387, %mul3A_1386 : i32
          %swap3A_1389 = arith.constant 2 : i32
          %swap3A_1390 = arith.index_cast %swap3A_1389 : i32 to index
          %swap3A_1391 = arith.index_cast %add3A_1388 : i32 to index
          %swap3A_1392 = tpu.vector_load %arg16[%swap3A_1390, %swap3A_1391] {strides = array<i32>} : memref<4x1024xi32, #tpu.memory_space<vmem>>, vector<16xi32>,
          tpu.vector_store %arg16[%swap3A_1390, %swap3A_1391], %mul3A_1384 {strides = array<i32>} : memref<4x1024xi32, #tpu.memory_space<vmem>>, vector<16xi32>,
          %mul3A_1393 = arith.mulf %mul3A_1166, %sub3A_478 : vector<16xf32>
          %mul3A_1394 = arith.constant 16 : i32
          %mul3A_1395 = arith.muli %scan3A_432, %mul3A_1394 : i32
          %add3A_1396 = arith.constant 640 : i32
          %add3A_1397 = arith.addi %add3A_1396, %mul3A_1395 : i32
          %swap3A_1398 = arith.constant 2 : i32
          %swap3A_1399 = arith.index_cast %swap3A_1398 : i32 to index
          %swap3A_1400 = arith.index_cast %add3A_1397 : i32 to index
          %swap3A_1401 = tpu.vector_load %arg17[%swap3A_1399, %swap3A_1400] {strides = array<i32>} : memref<4x1024xf32, #tpu.memory_space<vmem>>, vector<16xf32>,
          tpu.vector_store %arg17[%swap3A_1399, %swap3A_1400], %mul3A_1393 {strides = array<i32>} : memref<4x1024xf32, #tpu.memory_space<vmem>>, vector<16xf32>,
          %xor3A_1402 = arith.xori %xor3A_1163, %mul3A_517 : vector<16xi32>
          %and3A_1403 = arith.constant 524287 : i32
          %and3A_1404 = vector.broadcast %and3A_1403 : i32 to vector<16xi32>
          %and3A_1405 = arith.andi %xor3A_1402, %and3A_1404 : vector<16xi32>
          %add3A_1406 = arith.addi %and3A_1405, %shift_left3A_323 : vector<16xi32>
          %shift_right_arithmetic3A_1407 = arith.constant 3 : i32
          %shift_right_arithmetic3A_1408 = vector.broadcast %shift_right_arithmetic3A_1407 : i32 to vector<16xi32>
          %shift_right_arithmetic3A_1409 = arith.shrsi %add3A_1406, %shift_right_arithmetic3A_1408 : vector<16xi32>
          %mul3A_1410 = arith.constant 16 : i32
          %mul3A_1411 = arith.muli %scan3A_432, %mul3A_1410 : i32
          %add3A_1412 = arith.constant 768 : i32
          %add3A_1413 = arith.addi %add3A_1412, %mul3A_1411 : i32
          %swap3A_1414 = arith.constant 2 : i32
          %swap3A_1415 = arith.index_cast %swap3A_1414 : i32 to index
          %swap3A_1416 = arith.index_cast %add3A_1413 : i32 to index
          %swap3A_1417 = tpu.vector_load %arg15[%swap3A_1415, %swap3A_1416] {strides = array<i32>} : memref<4x1024xi32, #tpu.memory_space<vmem>>, vector<16xi32>,
          tpu.vector_store %arg15[%swap3A_1415, %swap3A_1416], %shift_right_arithmetic3A_1409 {strides = array<i32>} : memref<4x1024xi32, #tpu.memory_space<vmem>>, vector<16xi32>,
          %and3A_1418 = arith.constant 7 : i32
          %and3A_1419 = vector.broadcast %and3A_1418 : i32 to vector<16xi32>
          %and3A_1420 = arith.andi %add3A_1406, %and3A_1419 : vector<16xi32>
          %mul3A_1421 = arith.constant 2 : i32
          %mul3A_1422 = vector.broadcast %mul3A_1421 : i32 to vector<16xi32>
          %mul3A_1423 = arith.muli %and3A_1420, %mul3A_1422 : vector<16xi32>
          %mul3A_1424 = arith.constant 16 : i32
          %mul3A_1425 = arith.muli %scan3A_432, %mul3A_1424 : i32
          %add3A_1426 = arith.constant 768 : i32
          %add3A_1427 = arith.addi %add3A_1426, %mul3A_1425 : i32
          %swap3A_1428 = arith.constant 2 : i32
          %swap3A_1429 = arith.index_cast %swap3A_1428 : i32 to index
          %swap3A_1430 = arith.index_cast %add3A_1427 : i32 to index
          %swap3A_1431 = tpu.vector_load %arg16[%swap3A_1429, %swap3A_1430] {strides = array<i32>} : memref<4x1024xi32, #tpu.memory_space<vmem>>, vector<16xi32>,
          tpu.vector_store %arg16[%swap3A_1429, %swap3A_1430], %mul3A_1423 {strides = array<i32>} : memref<4x1024xi32, #tpu.memory_space<vmem>>, vector<16xi32>,
          %mul3A_1432 = arith.mulf %mul3A_1167, %sub3A_481 : vector<16xf32>
          %mul3A_1433 = arith.constant 16 : i32
          %mul3A_1434 = arith.muli %scan3A_432, %mul3A_1433 : i32
          %add3A_1435 = arith.constant 768 : i32
          %add3A_1436 = arith.addi %add3A_1435, %mul3A_1434 : i32
          %swap3A_1437 = arith.constant 2 : i32
          %swap3A_1438 = arith.index_cast %swap3A_1437 : i32 to index
          %swap3A_1439 = arith.index_cast %add3A_1436 : i32 to index
          %swap3A_1440 = tpu.vector_load %arg17[%swap3A_1438, %swap3A_1439] {strides = array<i32>} : memref<4x1024xf32, #tpu.memory_space<vmem>>, vector<16xf32>,
          tpu.vector_store %arg17[%swap3A_1438, %swap3A_1439], %mul3A_1432 {strides = array<i32>} : memref<4x1024xf32, #tpu.memory_space<vmem>>, vector<16xf32>,
          %xor3A_1441 = arith.xori %xor3A_1163, %add3A_523 : vector<16xi32>
          %and3A_1442 = arith.constant 524287 : i32
          %and3A_1443 = vector.broadcast %and3A_1442 : i32 to vector<16xi32>
          %and3A_1444 = arith.andi %xor3A_1441, %and3A_1443 : vector<16xi32>
          %add3A_1445 = arith.addi %and3A_1444, %shift_left3A_323 : vector<16xi32>
          %shift_right_arithmetic3A_1446 = arith.constant 3 : i32
          %shift_right_arithmetic3A_1447 = vector.broadcast %shift_right_arithmetic3A_1446 : i32 to vector<16xi32>
          %shift_right_arithmetic3A_1448 = arith.shrsi %add3A_1445, %shift_right_arithmetic3A_1447 : vector<16xi32>
          %mul3A_1449 = arith.constant 16 : i32
          %mul3A_1450 = arith.muli %scan3A_432, %mul3A_1449 : i32
          %add3A_1451 = arith.constant 896 : i32
          %add3A_1452 = arith.addi %add3A_1451, %mul3A_1450 : i32
          %swap3A_1453 = arith.constant 2 : i32
          %swap3A_1454 = arith.index_cast %swap3A_1453 : i32 to index
          %swap3A_1455 = arith.index_cast %add3A_1452 : i32 to index
          %swap3A_1456 = tpu.vector_load %arg15[%swap3A_1454, %swap3A_1455] {strides = array<i32>} : memref<4x1024xi32, #tpu.memory_space<vmem>>, vector<16xi32>,
          tpu.vector_store %arg15[%swap3A_1454, %swap3A_1455], %shift_right_arithmetic3A_1448 {strides = array<i32>} : memref<4x1024xi32, #tpu.memory_space<vmem>>, vector<16xi32>,
          %and3A_1457 = arith.constant 7 : i32
          %and3A_1458 = vector.broadcast %and3A_1457 : i32 to vector<16xi32>
          %and3A_1459 = arith.andi %add3A_1445, %and3A_1458 : vector<16xi32>
          %mul3A_1460 = arith.constant 2 : i32
          %mul3A_1461 = vector.broadcast %mul3A_1460 : i32 to vector<16xi32>
          %mul3A_1462 = arith.muli %and3A_1459, %mul3A_1461 : vector<16xi32>
          %mul3A_1463 = arith.constant 16 : i32
          %mul3A_1464 = arith.muli %scan3A_432, %mul3A_1463 : i32
          %add3A_1465 = arith.constant 896 : i32
          %add3A_1466 = arith.addi %add3A_1465, %mul3A_1464 : i32
          %swap3A_1467 = arith.constant 2 : i32
          %swap3A_1468 = arith.index_cast %swap3A_1467 : i32 to index
          %swap3A_1469 = arith.index_cast %add3A_1466 : i32 to index
          %swap3A_1470 = tpu.vector_load %arg16[%swap3A_1468, %swap3A_1469] {strides = array<i32>} : memref<4x1024xi32, #tpu.memory_space<vmem>>, vector<16xi32>,
          tpu.vector_store %arg16[%swap3A_1468, %swap3A_1469], %mul3A_1462 {strides = array<i32>} : memref<4x1024xi32, #tpu.memory_space<vmem>>, vector<16xi32>,
          %mul3A_1471 = arith.mulf %mul3A_1167, %sub3A_478 : vector<16xf32>
          %mul3A_1472 = arith.constant 16 : i32
          %mul3A_1473 = arith.muli %scan3A_432, %mul3A_1472 : i32
          %add3A_1474 = arith.constant 896 : i32
          %add3A_1475 = arith.addi %add3A_1474, %mul3A_1473 : i32
          %swap3A_1476 = arith.constant 2 : i32
          %swap3A_1477 = arith.index_cast %swap3A_1476 : i32 to index
          %swap3A_1478 = arith.index_cast %add3A_1475 : i32 to index
          %swap3A_1479 = tpu.vector_load %arg17[%swap3A_1477, %swap3A_1478] {strides = array<i32>} : memref<4x1024xf32, #tpu.memory_space<vmem>>, vector<16xf32>,
          tpu.vector_store %arg17[%swap3A_1477, %swap3A_1478], %mul3A_1471 {strides = array<i32>} : memref<4x1024xf32, #tpu.memory_space<vmem>>, vector<16xf32>,
          %xor3A_1480 = arith.xori %convert_element_type3A, %mul3A_499 : vector<16xi32>
          %xor3A_1481 = arith.xori %convert_element_type3A, %add3A_505 : vector<16xi32>
          %xor3A_1482 = arith.xori %add3A_484, %mul3A_499 : vector<16xi32>
          %xor3A_1483 = arith.xori %add3A_484, %add3A_505 : vector<16xi32>
          %mul3A_1484 = arith.mulf %sub3A_442, %sub3A_468 : vector<16xf32>
          %mul3A_1485 = arith.mulf %sub3A_442, %sub3A_465 : vector<16xf32>
          %mul3A_1486 = arith.mulf %sub3A, %sub3A_468 : vector<16xf32>
          %mul3A_1487 = arith.mulf %sub3A, %sub3A_465 : vector<16xf32>
          %xor3A_1488 = arith.xori %xor3A_1480, %mul3A_517 : vector<16xi32>
          %and3A_1489 = arith.constant 524287 : i32
          %and3A_1490 = vector.broadcast %and3A_1489 : i32 to vector<16xi32>
          %and3A_1491 = arith.andi %xor3A_1488, %and3A_1490 : vector<16xi32>
          %add3A_1492 = arith.addi %and3A_1491, %shift_left3A_323 : vector<16xi32>
          %shift_right_arithmetic3A_1493 = arith.constant 3 : i32
          %shift_right_arithmetic3A_1494 = vector.broadcast %shift_right_arithmetic3A_1493 : i32 to vector<16xi32>
          %shift_right_arithmetic3A_1495 = arith.shrsi %add3A_1492, %shift_right_arithmetic3A_1494 : vector<16xi32>
          %mul3A_1496 = arith.constant 16 : i32
          %mul3A_1497 = arith.muli %scan3A_432, %mul3A_1496 : i32
          %add3A_1498 = arith.constant 0 : i32
          %add3A_1499 = arith.addi %add3A_1498, %mul3A_1497 : i32
          %swap3A_1500 = arith.constant 3 : i32
          %swap3A_1501 = arith.index_cast %swap3A_1500 : i32 to index
          %swap3A_1502 = arith.index_cast %add3A_1499 : i32 to index
          %swap3A_1503 = tpu.vector_load %arg15[%swap3A_1501, %swap3A_1502] {strides = array<i32>} : memref<4x1024xi32, #tpu.memory_space<vmem>>, vector<16xi32>,
          tpu.vector_store %arg15[%swap3A_1501, %swap3A_1502], %shift_right_arithmetic3A_1495 {strides = array<i32>} : memref<4x1024xi32, #tpu.memory_space<vmem>>, vector<16xi32>,
          %and3A_1504 = arith.constant 7 : i32
          %and3A_1505 = vector.broadcast %and3A_1504 : i32 to vector<16xi32>
          %and3A_1506 = arith.andi %add3A_1492, %and3A_1505 : vector<16xi32>
          %mul3A_1507 = arith.constant 2 : i32
          %mul3A_1508 = vector.broadcast %mul3A_1507 : i32 to vector<16xi32>
          %mul3A_1509 = arith.muli %and3A_1506, %mul3A_1508 : vector<16xi32>
          %mul3A_1510 = arith.constant 16 : i32
          %mul3A_1511 = arith.muli %scan3A_432, %mul3A_1510 : i32
          %add3A_1512 = arith.constant 0 : i32
          %add3A_1513 = arith.addi %add3A_1512, %mul3A_1511 : i32
          %swap3A_1514 = arith.constant 3 : i32
          %swap3A_1515 = arith.index_cast %swap3A_1514 : i32 to index
          %swap3A_1516 = arith.index_cast %add3A_1513 : i32 to index
          %swap3A_1517 = tpu.vector_load %arg16[%swap3A_1515, %swap3A_1516] {strides = array<i32>} : memref<4x1024xi32, #tpu.memory_space<vmem>>, vector<16xi32>,
          tpu.vector_store %arg16[%swap3A_1515, %swap3A_1516], %mul3A_1509 {strides = array<i32>} : memref<4x1024xi32, #tpu.memory_space<vmem>>, vector<16xi32>,
          %mul3A_1518 = arith.mulf %mul3A_1484, %sub3A_481 : vector<16xf32>
          %mul3A_1519 = arith.constant 16 : i32
          %mul3A_1520 = arith.muli %scan3A_432, %mul3A_1519 : i32
          %add3A_1521 = arith.constant 0 : i32
          %add3A_1522 = arith.addi %add3A_1521, %mul3A_1520 : i32
          %swap3A_1523 = arith.constant 3 : i32
          %swap3A_1524 = arith.index_cast %swap3A_1523 : i32 to index
          %swap3A_1525 = arith.index_cast %add3A_1522 : i32 to index
          %swap3A_1526 = tpu.vector_load %arg17[%swap3A_1524, %swap3A_1525] {strides = array<i32>} : memref<4x1024xf32, #tpu.memory_space<vmem>>, vector<16xf32>,
          tpu.vector_store %arg17[%swap3A_1524, %swap3A_1525], %mul3A_1518 {strides = array<i32>} : memref<4x1024xf32, #tpu.memory_space<vmem>>, vector<16xf32>,
          %xor3A_1527 = arith.xori %xor3A_1480, %add3A_523 : vector<16xi32>
          %and3A_1528 = arith.constant 524287 : i32
          %and3A_1529 = vector.broadcast %and3A_1528 : i32 to vector<16xi32>
          %and3A_1530 = arith.andi %xor3A_1527, %and3A_1529 : vector<16xi32>
          %add3A_1531 = arith.addi %and3A_1530, %shift_left3A_323 : vector<16xi32>
          %shift_right_arithmetic3A_1532 = arith.constant 3 : i32
          %shift_right_arithmetic3A_1533 = vector.broadcast %shift_right_arithmetic3A_1532 : i32 to vector<16xi32>
          %shift_right_arithmetic3A_1534 = arith.shrsi %add3A_1531, %shift_right_arithmetic3A_1533 : vector<16xi32>
          %mul3A_1535 = arith.constant 16 : i32
          %mul3A_1536 = arith.muli %scan3A_432, %mul3A_1535 : i32
          %add3A_1537 = arith.constant 128 : i32
          %add3A_1538 = arith.addi %add3A_1537, %mul3A_1536 : i32
          %swap3A_1539 = arith.constant 3 : i32
          %swap3A_1540 = arith.index_cast %swap3A_1539 : i32 to index
          %swap3A_1541 = arith.index_cast %add3A_1538 : i32 to index
          %swap3A_1542 = tpu.vector_load %arg15[%swap3A_1540, %swap3A_1541] {strides = array<i32>} : memref<4x1024xi32, #tpu.memory_space<vmem>>, vector<16xi32>,
          tpu.vector_store %arg15[%swap3A_1540, %swap3A_1541], %shift_right_arithmetic3A_1534 {strides = array<i32>} : memref<4x1024xi32, #tpu.memory_space<vmem>>, vector<16xi32>,
          %and3A_1543 = arith.constant 7 : i32
          %and3A_1544 = vector.broadcast %and3A_1543 : i32 to vector<16xi32>
          %and3A_1545 = arith.andi %add3A_1531, %and3A_1544 : vector<16xi32>
          %mul3A_1546 = arith.constant 2 : i32
          %mul3A_1547 = vector.broadcast %mul3A_1546 : i32 to vector<16xi32>
          %mul3A_1548 = arith.muli %and3A_1545, %mul3A_1547 : vector<16xi32>
          %mul3A_1549 = arith.constant 16 : i32
          %mul3A_1550 = arith.muli %scan3A_432, %mul3A_1549 : i32
          %add3A_1551 = arith.constant 128 : i32
          %add3A_1552 = arith.addi %add3A_1551, %mul3A_1550 : i32
          %swap3A_1553 = arith.constant 3 : i32
          %swap3A_1554 = arith.index_cast %swap3A_1553 : i32 to index
          %swap3A_1555 = arith.index_cast %add3A_1552 : i32 to index
          %swap3A_1556 = tpu.vector_load %arg16[%swap3A_1554, %swap3A_1555] {strides = array<i32>} : memref<4x1024xi32, #tpu.memory_space<vmem>>, vector<16xi32>,
          tpu.vector_store %arg16[%swap3A_1554, %swap3A_1555], %mul3A_1548 {strides = array<i32>} : memref<4x1024xi32, #tpu.memory_space<vmem>>, vector<16xi32>,
          %mul3A_1557 = arith.mulf %mul3A_1484, %sub3A_478 : vector<16xf32>
          %mul3A_1558 = arith.constant 16 : i32
          %mul3A_1559 = arith.muli %scan3A_432, %mul3A_1558 : i32
          %add3A_1560 = arith.constant 128 : i32
          %add3A_1561 = arith.addi %add3A_1560, %mul3A_1559 : i32
          %swap3A_1562 = arith.constant 3 : i32
          %swap3A_1563 = arith.index_cast %swap3A_1562 : i32 to index
          %swap3A_1564 = arith.index_cast %add3A_1561 : i32 to index
          %swap3A_1565 = tpu.vector_load %arg17[%swap3A_1563, %swap3A_1564] {strides = array<i32>} : memref<4x1024xf32, #tpu.memory_space<vmem>>, vector<16xf32>,
          tpu.vector_store %arg17[%swap3A_1563, %swap3A_1564], %mul3A_1557 {strides = array<i32>} : memref<4x1024xf32, #tpu.memory_space<vmem>>, vector<16xf32>,
          %xor3A_1566 = arith.xori %xor3A_1481, %mul3A_517 : vector<16xi32>
          %and3A_1567 = arith.constant 524287 : i32
          %and3A_1568 = vector.broadcast %and3A_1567 : i32 to vector<16xi32>
          %and3A_1569 = arith.andi %xor3A_1566, %and3A_1568 : vector<16xi32>
          %add3A_1570 = arith.addi %and3A_1569, %shift_left3A_323 : vector<16xi32>
          %shift_right_arithmetic3A_1571 = arith.constant 3 : i32
          %shift_right_arithmetic3A_1572 = vector.broadcast %shift_right_arithmetic3A_1571 : i32 to vector<16xi32>
          %shift_right_arithmetic3A_1573 = arith.shrsi %add3A_1570, %shift_right_arithmetic3A_1572 : vector<16xi32>
          %mul3A_1574 = arith.constant 16 : i32
          %mul3A_1575 = arith.muli %scan3A_432, %mul3A_1574 : i32
          %add3A_1576 = arith.constant 256 : i32
          %add3A_1577 = arith.addi %add3A_1576, %mul3A_1575 : i32
          %swap3A_1578 = arith.constant 3 : i32
          %swap3A_1579 = arith.index_cast %swap3A_1578 : i32 to index
          %swap3A_1580 = arith.index_cast %add3A_1577 : i32 to index
          %swap3A_1581 = tpu.vector_load %arg15[%swap3A_1579, %swap3A_1580] {strides = array<i32>} : memref<4x1024xi32, #tpu.memory_space<vmem>>, vector<16xi32>,
          tpu.vector_store %arg15[%swap3A_1579, %swap3A_1580], %shift_right_arithmetic3A_1573 {strides = array<i32>} : memref<4x1024xi32, #tpu.memory_space<vmem>>, vector<16xi32>,
          %and3A_1582 = arith.constant 7 : i32
          %and3A_1583 = vector.broadcast %and3A_1582 : i32 to vector<16xi32>
          %and3A_1584 = arith.andi %add3A_1570, %and3A_1583 : vector<16xi32>
          %mul3A_1585 = arith.constant 2 : i32
          %mul3A_1586 = vector.broadcast %mul3A_1585 : i32 to vector<16xi32>
          %mul3A_1587 = arith.muli %and3A_1584, %mul3A_1586 : vector<16xi32>
          %mul3A_1588 = arith.constant 16 : i32
          %mul3A_1589 = arith.muli %scan3A_432, %mul3A_1588 : i32
          %add3A_1590 = arith.constant 256 : i32
          %add3A_1591 = arith.addi %add3A_1590, %mul3A_1589 : i32
          %swap3A_1592 = arith.constant 3 : i32
          %swap3A_1593 = arith.index_cast %swap3A_1592 : i32 to index
          %swap3A_1594 = arith.index_cast %add3A_1591 : i32 to index
          %swap3A_1595 = tpu.vector_load %arg16[%swap3A_1593, %swap3A_1594] {strides = array<i32>} : memref<4x1024xi32, #tpu.memory_space<vmem>>, vector<16xi32>,
          tpu.vector_store %arg16[%swap3A_1593, %swap3A_1594], %mul3A_1587 {strides = array<i32>} : memref<4x1024xi32, #tpu.memory_space<vmem>>, vector<16xi32>,
          %mul3A_1596 = arith.mulf %mul3A_1485, %sub3A_481 : vector<16xf32>
          %mul3A_1597 = arith.constant 16 : i32
          %mul3A_1598 = arith.muli %scan3A_432, %mul3A_1597 : i32
          %add3A_1599 = arith.constant 256 : i32
          %add3A_1600 = arith.addi %add3A_1599, %mul3A_1598 : i32
          %swap3A_1601 = arith.constant 3 : i32
          %swap3A_1602 = arith.index_cast %swap3A_1601 : i32 to index
          %swap3A_1603 = arith.index_cast %add3A_1600 : i32 to index
          %swap3A_1604 = tpu.vector_load %arg17[%swap3A_1602, %swap3A_1603] {strides = array<i32>} : memref<4x1024xf32, #tpu.memory_space<vmem>>, vector<16xf32>,
          tpu.vector_store %arg17[%swap3A_1602, %swap3A_1603], %mul3A_1596 {strides = array<i32>} : memref<4x1024xf32, #tpu.memory_space<vmem>>, vector<16xf32>,
          %xor3A_1605 = arith.xori %xor3A_1481, %add3A_523 : vector<16xi32>
          %and3A_1606 = arith.constant 524287 : i32
          %and3A_1607 = vector.broadcast %and3A_1606 : i32 to vector<16xi32>
          %and3A_1608 = arith.andi %xor3A_1605, %and3A_1607 : vector<16xi32>
          %add3A_1609 = arith.addi %and3A_1608, %shift_left3A_323 : vector<16xi32>
          %shift_right_arithmetic3A_1610 = arith.constant 3 : i32
          %shift_right_arithmetic3A_1611 = vector.broadcast %shift_right_arithmetic3A_1610 : i32 to vector<16xi32>
          %shift_right_arithmetic3A_1612 = arith.shrsi %add3A_1609, %shift_right_arithmetic3A_1611 : vector<16xi32>
          %mul3A_1613 = arith.constant 16 : i32
          %mul3A_1614 = arith.muli %scan3A_432, %mul3A_1613 : i32
          %add3A_1615 = arith.constant 384 : i32
          %add3A_1616 = arith.addi %add3A_1615, %mul3A_1614 : i32
          %swap3A_1617 = arith.constant 3 : i32
          %swap3A_1618 = arith.index_cast %swap3A_1617 : i32 to index
          %swap3A_1619 = arith.index_cast %add3A_1616 : i32 to index
          %swap3A_1620 = tpu.vector_load %arg15[%swap3A_1618, %swap3A_1619] {strides = array<i32>} : memref<4x1024xi32, #tpu.memory_space<vmem>>, vector<16xi32>,
          tpu.vector_store %arg15[%swap3A_1618, %swap3A_1619], %shift_right_arithmetic3A_1612 {strides = array<i32>} : memref<4x1024xi32, #tpu.memory_space<vmem>>, vector<16xi32>,
          %and3A_1621 = arith.constant 7 : i32
          %and3A_1622 = vector.broadcast %and3A_1621 : i32 to vector<16xi32>
          %and3A_1623 = arith.andi %add3A_1609, %and3A_1622 : vector<16xi32>
          %mul3A_1624 = arith.constant 2 : i32
          %mul3A_1625 = vector.broadcast %mul3A_1624 : i32 to vector<16xi32>
          %mul3A_1626 = arith.muli %and3A_1623, %mul3A_1625 : vector<16xi32>
          %mul3A_1627 = arith.constant 16 : i32
          %mul3A_1628 = arith.muli %scan3A_432, %mul3A_1627 : i32
          %add3A_1629 = arith.constant 384 : i32
          %add3A_1630 = arith.addi %add3A_1629, %mul3A_1628 : i32
          %swap3A_1631 = arith.constant 3 : i32
          %swap3A_1632 = arith.index_cast %swap3A_1631 : i32 to index
          %swap3A_1633 = arith.index_cast %add3A_1630 : i32 to index
          %swap3A_1634 = tpu.vector_load %arg16[%swap3A_1632, %swap3A_1633] {strides = array<i32>} : memref<4x1024xi32, #tpu.memory_space<vmem>>, vector<16xi32>,
          tpu.vector_store %arg16[%swap3A_1632, %swap3A_1633], %mul3A_1626 {strides = array<i32>} : memref<4x1024xi32, #tpu.memory_space<vmem>>, vector<16xi32>,
          %mul3A_1635 = arith.mulf %mul3A_1485, %sub3A_478 : vector<16xf32>
          %mul3A_1636 = arith.constant 16 : i32
          %mul3A_1637 = arith.muli %scan3A_432, %mul3A_1636 : i32
          %add3A_1638 = arith.constant 384 : i32
          %add3A_1639 = arith.addi %add3A_1638, %mul3A_1637 : i32
          %swap3A_1640 = arith.constant 3 : i32
          %swap3A_1641 = arith.index_cast %swap3A_1640 : i32 to index
          %swap3A_1642 = arith.index_cast %add3A_1639 : i32 to index
          %swap3A_1643 = tpu.vector_load %arg17[%swap3A_1641, %swap3A_1642] {strides = array<i32>} : memref<4x1024xf32, #tpu.memory_space<vmem>>, vector<16xf32>,
          tpu.vector_store %arg17[%swap3A_1641, %swap3A_1642], %mul3A_1635 {strides = array<i32>} : memref<4x1024xf32, #tpu.memory_space<vmem>>, vector<16xf32>,
          %xor3A_1644 = arith.xori %xor3A_1482, %mul3A_517 : vector<16xi32>
          %and3A_1645 = arith.constant 524287 : i32
          %and3A_1646 = vector.broadcast %and3A_1645 : i32 to vector<16xi32>
          %and3A_1647 = arith.andi %xor3A_1644, %and3A_1646 : vector<16xi32>
          %add3A_1648 = arith.addi %and3A_1647, %shift_left3A_323 : vector<16xi32>
          %shift_right_arithmetic3A_1649 = arith.constant 3 : i32
          %shift_right_arithmetic3A_1650 = vector.broadcast %shift_right_arithmetic3A_1649 : i32 to vector<16xi32>
          %shift_right_arithmetic3A_1651 = arith.shrsi %add3A_1648, %shift_right_arithmetic3A_1650 : vector<16xi32>
          %mul3A_1652 = arith.constant 16 : i32
          %mul3A_1653 = arith.muli %scan3A_432, %mul3A_1652 : i32
          %add3A_1654 = arith.constant 512 : i32
          %add3A_1655 = arith.addi %add3A_1654, %mul3A_1653 : i32
          %swap3A_1656 = arith.constant 3 : i32
          %swap3A_1657 = arith.index_cast %swap3A_1656 : i32 to index
          %swap3A_1658 = arith.index_cast %add3A_1655 : i32 to index
          %swap3A_1659 = tpu.vector_load %arg15[%swap3A_1657, %swap3A_1658] {strides = array<i32>} : memref<4x1024xi32, #tpu.memory_space<vmem>>, vector<16xi32>,
          tpu.vector_store %arg15[%swap3A_1657, %swap3A_1658], %shift_right_arithmetic3A_1651 {strides = array<i32>} : memref<4x1024xi32, #tpu.memory_space<vmem>>, vector<16xi32>,
          %and3A_1660 = arith.constant 7 : i32
          %and3A_1661 = vector.broadcast %and3A_1660 : i32 to vector<16xi32>
          %and3A_1662 = arith.andi %add3A_1648, %and3A_1661 : vector<16xi32>
          %mul3A_1663 = arith.constant 2 : i32
          %mul3A_1664 = vector.broadcast %mul3A_1663 : i32 to vector<16xi32>
          %mul3A_1665 = arith.muli %and3A_1662, %mul3A_1664 : vector<16xi32>
          %mul3A_1666 = arith.constant 16 : i32
          %mul3A_1667 = arith.muli %scan3A_432, %mul3A_1666 : i32
          %add3A_1668 = arith.constant 512 : i32
          %add3A_1669 = arith.addi %add3A_1668, %mul3A_1667 : i32
          %swap3A_1670 = arith.constant 3 : i32
          %swap3A_1671 = arith.index_cast %swap3A_1670 : i32 to index
          %swap3A_1672 = arith.index_cast %add3A_1669 : i32 to index
          %swap3A_1673 = tpu.vector_load %arg16[%swap3A_1671, %swap3A_1672] {strides = array<i32>} : memref<4x1024xi32, #tpu.memory_space<vmem>>, vector<16xi32>,
          tpu.vector_store %arg16[%swap3A_1671, %swap3A_1672], %mul3A_1665 {strides = array<i32>} : memref<4x1024xi32, #tpu.memory_space<vmem>>, vector<16xi32>,
          %mul3A_1674 = arith.mulf %mul3A_1486, %sub3A_481 : vector<16xf32>
          %mul3A_1675 = arith.constant 16 : i32
          %mul3A_1676 = arith.muli %scan3A_432, %mul3A_1675 : i32
          %add3A_1677 = arith.constant 512 : i32
          %add3A_1678 = arith.addi %add3A_1677, %mul3A_1676 : i32
          %swap3A_1679 = arith.constant 3 : i32
          %swap3A_1680 = arith.index_cast %swap3A_1679 : i32 to index
          %swap3A_1681 = arith.index_cast %add3A_1678 : i32 to index
          %swap3A_1682 = tpu.vector_load %arg17[%swap3A_1680, %swap3A_1681] {strides = array<i32>} : memref<4x1024xf32, #tpu.memory_space<vmem>>, vector<16xf32>,
          tpu.vector_store %arg17[%swap3A_1680, %swap3A_1681], %mul3A_1674 {strides = array<i32>} : memref<4x1024xf32, #tpu.memory_space<vmem>>, vector<16xf32>,
          %xor3A_1683 = arith.xori %xor3A_1482, %add3A_523 : vector<16xi32>
          %and3A_1684 = arith.constant 524287 : i32
          %and3A_1685 = vector.broadcast %and3A_1684 : i32 to vector<16xi32>
          %and3A_1686 = arith.andi %xor3A_1683, %and3A_1685 : vector<16xi32>
          %add3A_1687 = arith.addi %and3A_1686, %shift_left3A_323 : vector<16xi32>
          %shift_right_arithmetic3A_1688 = arith.constant 3 : i32
          %shift_right_arithmetic3A_1689 = vector.broadcast %shift_right_arithmetic3A_1688 : i32 to vector<16xi32>
          %shift_right_arithmetic3A_1690 = arith.shrsi %add3A_1687, %shift_right_arithmetic3A_1689 : vector<16xi32>
          %mul3A_1691 = arith.constant 16 : i32
          %mul3A_1692 = arith.muli %scan3A_432, %mul3A_1691 : i32
          %add3A_1693 = arith.constant 640 : i32
          %add3A_1694 = arith.addi %add3A_1693, %mul3A_1692 : i32
          %swap3A_1695 = arith.constant 3 : i32
          %swap3A_1696 = arith.index_cast %swap3A_1695 : i32 to index
          %swap3A_1697 = arith.index_cast %add3A_1694 : i32 to index
          %swap3A_1698 = tpu.vector_load %arg15[%swap3A_1696, %swap3A_1697] {strides = array<i32>} : memref<4x1024xi32, #tpu.memory_space<vmem>>, vector<16xi32>,
          tpu.vector_store %arg15[%swap3A_1696, %swap3A_1697], %shift_right_arithmetic3A_1690 {strides = array<i32>} : memref<4x1024xi32, #tpu.memory_space<vmem>>, vector<16xi32>,
          %and3A_1699 = arith.constant 7 : i32
          %and3A_1700 = vector.broadcast %and3A_1699 : i32 to vector<16xi32>
          %and3A_1701 = arith.andi %add3A_1687, %and3A_1700 : vector<16xi32>
          %mul3A_1702 = arith.constant 2 : i32
          %mul3A_1703 = vector.broadcast %mul3A_1702 : i32 to vector<16xi32>
          %mul3A_1704 = arith.muli %and3A_1701, %mul3A_1703 : vector<16xi32>
          %mul3A_1705 = arith.constant 16 : i32
          %mul3A_1706 = arith.muli %scan3A_432, %mul3A_1705 : i32
          %add3A_1707 = arith.constant 640 : i32
          %add3A_1708 = arith.addi %add3A_1707, %mul3A_1706 : i32
          %swap3A_1709 = arith.constant 3 : i32
          %swap3A_1710 = arith.index_cast %swap3A_1709 : i32 to index
          %swap3A_1711 = arith.index_cast %add3A_1708 : i32 to index
          %swap3A_1712 = tpu.vector_load %arg16[%swap3A_1710, %swap3A_1711] {strides = array<i32>} : memref<4x1024xi32, #tpu.memory_space<vmem>>, vector<16xi32>,
          tpu.vector_store %arg16[%swap3A_1710, %swap3A_1711], %mul3A_1704 {strides = array<i32>} : memref<4x1024xi32, #tpu.memory_space<vmem>>, vector<16xi32>,
          %mul3A_1713 = arith.mulf %mul3A_1486, %sub3A_478 : vector<16xf32>
          %mul3A_1714 = arith.constant 16 : i32
          %mul3A_1715 = arith.muli %scan3A_432, %mul3A_1714 : i32
          %add3A_1716 = arith.constant 640 : i32
          %add3A_1717 = arith.addi %add3A_1716, %mul3A_1715 : i32
          %swap3A_1718 = arith.constant 3 : i32
          %swap3A_1719 = arith.index_cast %swap3A_1718 : i32 to index
          %swap3A_1720 = arith.index_cast %add3A_1717 : i32 to index
          %swap3A_1721 = tpu.vector_load %arg17[%swap3A_1719, %swap3A_1720] {strides = array<i32>} : memref<4x1024xf32, #tpu.memory_space<vmem>>, vector<16xf32>,
          tpu.vector_store %arg17[%swap3A_1719, %swap3A_1720], %mul3A_1713 {strides = array<i32>} : memref<4x1024xf32, #tpu.memory_space<vmem>>, vector<16xf32>,
          %xor3A_1722 = arith.xori %xor3A_1483, %mul3A_517 : vector<16xi32>
          %and3A_1723 = arith.constant 524287 : i32
          %and3A_1724 = vector.broadcast %and3A_1723 : i32 to vector<16xi32>
          %and3A_1725 = arith.andi %xor3A_1722, %and3A_1724 : vector<16xi32>
          %add3A_1726 = arith.addi %and3A_1725, %shift_left3A_323 : vector<16xi32>
          %shift_right_arithmetic3A_1727 = arith.constant 3 : i32
          %shift_right_arithmetic3A_1728 = vector.broadcast %shift_right_arithmetic3A_1727 : i32 to vector<16xi32>
          %shift_right_arithmetic3A_1729 = arith.shrsi %add3A_1726, %shift_right_arithmetic3A_1728 : vector<16xi32>
          %mul3A_1730 = arith.constant 16 : i32
          %mul3A_1731 = arith.muli %scan3A_432, %mul3A_1730 : i32
          %add3A_1732 = arith.constant 768 : i32
          %add3A_1733 = arith.addi %add3A_1732, %mul3A_1731 : i32
          %swap3A_1734 = arith.constant 3 : i32
          %swap3A_1735 = arith.index_cast %swap3A_1734 : i32 to index
          %swap3A_1736 = arith.index_cast %add3A_1733 : i32 to index
          %swap3A_1737 = tpu.vector_load %arg15[%swap3A_1735, %swap3A_1736] {strides = array<i32>} : memref<4x1024xi32, #tpu.memory_space<vmem>>, vector<16xi32>,
          tpu.vector_store %arg15[%swap3A_1735, %swap3A_1736], %shift_right_arithmetic3A_1729 {strides = array<i32>} : memref<4x1024xi32, #tpu.memory_space<vmem>>, vector<16xi32>,
          %and3A_1738 = arith.constant 7 : i32
          %and3A_1739 = vector.broadcast %and3A_1738 : i32 to vector<16xi32>
          %and3A_1740 = arith.andi %add3A_1726, %and3A_1739 : vector<16xi32>
          %mul3A_1741 = arith.constant 2 : i32
          %mul3A_1742 = vector.broadcast %mul3A_1741 : i32 to vector<16xi32>
          %mul3A_1743 = arith.muli %and3A_1740, %mul3A_1742 : vector<16xi32>
          %mul3A_1744 = arith.constant 16 : i32
          %mul3A_1745 = arith.muli %scan3A_432, %mul3A_1744 : i32
          %add3A_1746 = arith.constant 768 : i32
          %add3A_1747 = arith.addi %add3A_1746, %mul3A_1745 : i32
          %swap3A_1748 = arith.constant 3 : i32
          %swap3A_1749 = arith.index_cast %swap3A_1748 : i32 to index
          %swap3A_1750 = arith.index_cast %add3A_1747 : i32 to index
          %swap3A_1751 = tpu.vector_load %arg16[%swap3A_1749, %swap3A_1750] {strides = array<i32>} : memref<4x1024xi32, #tpu.memory_space<vmem>>, vector<16xi32>,
          tpu.vector_store %arg16[%swap3A_1749, %swap3A_1750], %mul3A_1743 {strides = array<i32>} : memref<4x1024xi32, #tpu.memory_space<vmem>>, vector<16xi32>,
          %mul3A_1752 = arith.mulf %mul3A_1487, %sub3A_481 : vector<16xf32>
          %mul3A_1753 = arith.constant 16 : i32
          %mul3A_1754 = arith.muli %scan3A_432, %mul3A_1753 : i32
          %add3A_1755 = arith.constant 768 : i32
          %add3A_1756 = arith.addi %add3A_1755, %mul3A_1754 : i32
          %swap3A_1757 = arith.constant 3 : i32
          %swap3A_1758 = arith.index_cast %swap3A_1757 : i32 to index
          %swap3A_1759 = arith.index_cast %add3A_1756 : i32 to index
          %swap3A_1760 = tpu.vector_load %arg17[%swap3A_1758, %swap3A_1759] {strides = array<i32>} : memref<4x1024xf32, #tpu.memory_space<vmem>>, vector<16xf32>,
          tpu.vector_store %arg17[%swap3A_1758, %swap3A_1759], %mul3A_1752 {strides = array<i32>} : memref<4x1024xf32, #tpu.memory_space<vmem>>, vector<16xf32>,
          %xor3A_1761 = arith.xori %xor3A_1483, %add3A_523 : vector<16xi32>
          %and3A_1762 = arith.constant 524287 : i32
          %and3A_1763 = vector.broadcast %and3A_1762 : i32 to vector<16xi32>
          %and3A_1764 = arith.andi %xor3A_1761, %and3A_1763 : vector<16xi32>
          %add3A_1765 = arith.addi %and3A_1764, %shift_left3A_323 : vector<16xi32>
          %shift_right_arithmetic3A_1766 = arith.constant 3 : i32
          %shift_right_arithmetic3A_1767 = vector.broadcast %shift_right_arithmetic3A_1766 : i32 to vector<16xi32>
          %shift_right_arithmetic3A_1768 = arith.shrsi %add3A_1765, %shift_right_arithmetic3A_1767 : vector<16xi32>
          %mul3A_1769 = arith.constant 16 : i32
          %mul3A_1770 = arith.muli %scan3A_432, %mul3A_1769 : i32
          %add3A_1771 = arith.constant 896 : i32
          %add3A_1772 = arith.addi %add3A_1771, %mul3A_1770 : i32
          %swap3A_1773 = arith.constant 3 : i32
          %swap3A_1774 = arith.index_cast %swap3A_1773 : i32 to index
          %swap3A_1775 = arith.index_cast %add3A_1772 : i32 to index
          %swap3A_1776 = tpu.vector_load %arg15[%swap3A_1774, %swap3A_1775] {strides = array<i32>} : memref<4x1024xi32, #tpu.memory_space<vmem>>, vector<16xi32>,
          tpu.vector_store %arg15[%swap3A_1774, %swap3A_1775], %shift_right_arithmetic3A_1768 {strides = array<i32>} : memref<4x1024xi32, #tpu.memory_space<vmem>>, vector<16xi32>,
          %and3A_1777 = arith.constant 7 : i32
          %and3A_1778 = vector.broadcast %and3A_1777 : i32 to vector<16xi32>
          %and3A_1779 = arith.andi %add3A_1765, %and3A_1778 : vector<16xi32>
          %mul3A_1780 = arith.constant 2 : i32
          %mul3A_1781 = vector.broadcast %mul3A_1780 : i32 to vector<16xi32>
          %mul3A_1782 = arith.muli %and3A_1779, %mul3A_1781 : vector<16xi32>
          %mul3A_1783 = arith.constant 16 : i32
          %mul3A_1784 = arith.muli %scan3A_432, %mul3A_1783 : i32
          %add3A_1785 = arith.constant 896 : i32
          %add3A_1786 = arith.addi %add3A_1785, %mul3A_1784 : i32
          %swap3A_1787 = arith.constant 3 : i32
          %swap3A_1788 = arith.index_cast %swap3A_1787 : i32 to index
          %swap3A_1789 = arith.index_cast %add3A_1786 : i32 to index
          %swap3A_1790 = tpu.vector_load %arg16[%swap3A_1788, %swap3A_1789] {strides = array<i32>} : memref<4x1024xi32, #tpu.memory_space<vmem>>, vector<16xi32>,
          tpu.vector_store %arg16[%swap3A_1788, %swap3A_1789], %mul3A_1782 {strides = array<i32>} : memref<4x1024xi32, #tpu.memory_space<vmem>>, vector<16xi32>,
          %mul3A_1791 = arith.mulf %mul3A_1487, %sub3A_478 : vector<16xf32>
          %mul3A_1792 = arith.constant 16 : i32
          %mul3A_1793 = arith.muli %scan3A_432, %mul3A_1792 : i32
          %add3A_1794 = arith.constant 896 : i32
          %add3A_1795 = arith.addi %add3A_1794, %mul3A_1793 : i32
          %swap3A_1796 = arith.constant 3 : i32
          %swap3A_1797 = arith.index_cast %swap3A_1796 : i32 to index
          %swap3A_1798 = arith.index_cast %add3A_1795 : i32 to index
          %swap3A_1799 = tpu.vector_load %arg17[%swap3A_1797, %swap3A_1798] {strides = array<i32>} : memref<4x1024xf32, #tpu.memory_space<vmem>>, vector<16xf32>,
          tpu.vector_store %arg17[%swap3A_1797, %swap3A_1798], %mul3A_1791 {strides = array<i32>} : memref<4x1024xf32, #tpu.memory_space<vmem>>, vector<16xf32>,
        }
        %scan3A_329 = arith.constant 8 : i32
        %dma_start3A_330 = arith.constant 0 : i32
        %dma_start3A_331 = arith.constant 0 : i32
        %dma_start3A_332 = arith.constant 0 : i32
        %dma_start3A_333 = arith.constant 0 : i32
        %dma_start3A_334 = tpu.memref_slice %arg18[%dma_start3A_331, %dma_start3A_332, %dma_start3A_333] : memref<4x1024x16xf32, #tpu.memory_space<vmem>> -> memref<1x1024x16xf32, #tpu.memory_space<vmem>>
        %dma_start3A_335 = tpu.memref_squeeze %dma_start3A_334 : memref<1x1024x16xf32, #tpu.memory_space<vmem>> -> memref<1024x16xf32, #tpu.memory_space<vmem>>
        %dma_start3A_336 = arith.constant 0 : i32
        %dma_start3A_337 = tpu.memref_slice %arg15[%dma_start3A_330, %dma_start3A_336] : memref<4x1024xi32, #tpu.memory_space<vmem>> -> memref<1x1024xi32, #tpu.memory_space<vmem>>
        %dma_start3A_338 = tpu.memref_squeeze %dma_start3A_337 : memref<1x1024xi32, #tpu.memory_space<vmem>> -> memref<1024xi32, #tpu.memory_space<vmem>>
        %dma_start3A_339 = arith.constant 0 : i32
        %dma_start3A_340 = arith.constant 0 : i32
        %dma_start3A_341 = tpu.memref_slice %arg3[%dma_start3A_339, %dma_start3A_340] : memref<1048576x16xf32, #tpu.memory_space<hbm>> -> memref<1048576x16xf32, #tpu.memory_space<hbm>>
        tpu.enqueue_indirect_dma source(%dma_start3A_341 : memref<1048576x16xf32, #tpu.memory_space<hbm>>) target(%dma_start3A_335 : memref<1024x16xf32, #tpu.memory_space<vmem>>) offsets(%dma_start3A_338 : memref<1024xi32, #tpu.memory_space<vmem>>) semaphore(%arg20 : memref<!tpu.dma_semaphore, #tpu.memory_space<semaphore_mem>>)
        %dma_start3A_342 = arith.constant 1 : i32
        %dma_start3A_343 = arith.constant 1 : i32
        %dma_start3A_344 = arith.constant 0 : i32
        %dma_start3A_345 = arith.constant 0 : i32
        %dma_start3A_346 = tpu.memref_slice %arg18[%dma_start3A_343, %dma_start3A_344, %dma_start3A_345] : memref<4x1024x16xf32, #tpu.memory_space<vmem>> -> memref<1x1024x16xf32, #tpu.memory_space<vmem>>
        %dma_start3A_347 = tpu.memref_squeeze %dma_start3A_346 : memref<1x1024x16xf32, #tpu.memory_space<vmem>> -> memref<1024x16xf32, #tpu.memory_space<vmem>>
        %dma_start3A_348 = arith.constant 0 : i32
        %dma_start3A_349 = tpu.memref_slice %arg15[%dma_start3A_342, %dma_start3A_348] : memref<4x1024xi32, #tpu.memory_space<vmem>> -> memref<1x1024xi32, #tpu.memory_space<vmem>>
        %dma_start3A_350 = tpu.memref_squeeze %dma_start3A_349 : memref<1x1024xi32, #tpu.memory_space<vmem>> -> memref<1024xi32, #tpu.memory_space<vmem>>
        %dma_start3A_351 = arith.constant 0 : i32
        %dma_start3A_352 = arith.constant 0 : i32
        %dma_start3A_353 = tpu.memref_slice %arg4[%dma_start3A_351, %dma_start3A_352] : memref<1048576x16xf32, #tpu.memory_space<hbm>> -> memref<1048576x16xf32, #tpu.memory_space<hbm>>
        tpu.enqueue_indirect_dma source(%dma_start3A_353 : memref<1048576x16xf32, #tpu.memory_space<hbm>>) target(%dma_start3A_347 : memref<1024x16xf32, #tpu.memory_space<vmem>>) offsets(%dma_start3A_350 : memref<1024xi32, #tpu.memory_space<vmem>>) semaphore(%arg20 : memref<!tpu.dma_semaphore, #tpu.memory_space<semaphore_mem>>)
        %dma_start3A_354 = arith.constant 2 : i32
        %dma_start3A_355 = arith.constant 2 : i32
        %dma_start3A_356 = arith.constant 0 : i32
        %dma_start3A_357 = arith.constant 0 : i32
        %dma_start3A_358 = tpu.memref_slice %arg18[%dma_start3A_355, %dma_start3A_356, %dma_start3A_357] : memref<4x1024x16xf32, #tpu.memory_space<vmem>> -> memref<1x1024x16xf32, #tpu.memory_space<vmem>>
        %dma_start3A_359 = tpu.memref_squeeze %dma_start3A_358 : memref<1x1024x16xf32, #tpu.memory_space<vmem>> -> memref<1024x16xf32, #tpu.memory_space<vmem>>
        %dma_start3A_360 = arith.constant 0 : i32
        %dma_start3A_361 = tpu.memref_slice %arg15[%dma_start3A_354, %dma_start3A_360] : memref<4x1024xi32, #tpu.memory_space<vmem>> -> memref<1x1024xi32, #tpu.memory_space<vmem>>
        %dma_start3A_362 = tpu.memref_squeeze %dma_start3A_361 : memref<1x1024xi32, #tpu.memory_space<vmem>> -> memref<1024xi32, #tpu.memory_space<vmem>>
        %dma_start3A_363 = arith.constant 0 : i32
        %dma_start3A_364 = arith.constant 0 : i32
        %dma_start3A_365 = tpu.memref_slice %arg5[%dma_start3A_363, %dma_start3A_364] : memref<1048576x16xf32, #tpu.memory_space<hbm>> -> memref<1048576x16xf32, #tpu.memory_space<hbm>>
        tpu.enqueue_indirect_dma source(%dma_start3A_365 : memref<1048576x16xf32, #tpu.memory_space<hbm>>) target(%dma_start3A_359 : memref<1024x16xf32, #tpu.memory_space<vmem>>) offsets(%dma_start3A_362 : memref<1024xi32, #tpu.memory_space<vmem>>) semaphore(%arg20 : memref<!tpu.dma_semaphore, #tpu.memory_space<semaphore_mem>>)
        %dma_start3A_366 = arith.constant 3 : i32
        %dma_start3A_367 = arith.constant 3 : i32
        %dma_start3A_368 = arith.constant 0 : i32
        %dma_start3A_369 = arith.constant 0 : i32
        %dma_start3A_370 = tpu.memref_slice %arg18[%dma_start3A_367, %dma_start3A_368, %dma_start3A_369] : memref<4x1024x16xf32, #tpu.memory_space<vmem>> -> memref<1x1024x16xf32, #tpu.memory_space<vmem>>
        %dma_start3A_371 = tpu.memref_squeeze %dma_start3A_370 : memref<1x1024x16xf32, #tpu.memory_space<vmem>> -> memref<1024x16xf32, #tpu.memory_space<vmem>>
        %dma_start3A_372 = arith.constant 0 : i32
        %dma_start3A_373 = tpu.memref_slice %arg15[%dma_start3A_366, %dma_start3A_372] : memref<4x1024xi32, #tpu.memory_space<vmem>> -> memref<1x1024xi32, #tpu.memory_space<vmem>>
        %dma_start3A_374 = tpu.memref_squeeze %dma_start3A_373 : memref<1x1024xi32, #tpu.memory_space<vmem>> -> memref<1024xi32, #tpu.memory_space<vmem>>
        %dma_start3A_375 = arith.constant 0 : i32
        %dma_start3A_376 = arith.constant 0 : i32
        %dma_start3A_377 = tpu.memref_slice %arg6[%dma_start3A_375, %dma_start3A_376] : memref<1048576x16xf32, #tpu.memory_space<hbm>> -> memref<1048576x16xf32, #tpu.memory_space<hbm>>
        tpu.enqueue_indirect_dma source(%dma_start3A_377 : memref<1048576x16xf32, #tpu.memory_space<hbm>>) target(%dma_start3A_371 : memref<1024x16xf32, #tpu.memory_space<vmem>>) offsets(%dma_start3A_374 : memref<1024xi32, #tpu.memory_space<vmem>>) semaphore(%arg20 : memref<!tpu.dma_semaphore, #tpu.memory_space<semaphore_mem>>)
        %dma_wait3A_378 = arith.constant 0 : i32
        %dma_wait3A_379 = arith.constant 0 : i32
        %dma_wait3A_380 = arith.constant 0 : i32
        %dma_wait3A_381 = arith.constant 0 : i32
        %dma_wait3A_382 = tpu.memref_slice %arg18[%dma_wait3A_379, %dma_wait3A_380, %dma_wait3A_381] : memref<4x1024x16xf32, #tpu.memory_space<vmem>> -> memref<1x1024x16xf32, #tpu.memory_space<vmem>>
        %dma_wait3A_383 = tpu.memref_squeeze %dma_wait3A_382 : memref<1x1024x16xf32, #tpu.memory_space<vmem>> -> memref<1024x16xf32, #tpu.memory_space<vmem>>
        %dma_wait3A_384 = arith.constant 0 : i32
        %dma_wait3A_385 = tpu.memref_slice %arg15[%dma_wait3A_378, %dma_wait3A_384] : memref<4x1024xi32, #tpu.memory_space<vmem>> -> memref<1x1024xi32, #tpu.memory_space<vmem>>
        %dma_wait3A_386 = tpu.memref_squeeze %dma_wait3A_385 : memref<1x1024xi32, #tpu.memory_space<vmem>> -> memref<1024xi32, #tpu.memory_space<vmem>>
        %dma_wait3A_387 = arith.constant 0 : i32
        %dma_wait3A_388 = arith.constant 0 : i32
        %dma_wait3A_389 = tpu.memref_slice %arg3[%dma_wait3A_387, %dma_wait3A_388] : memref<1048576x16xf32, #tpu.memory_space<hbm>> -> memref<1048576x16xf32, #tpu.memory_space<hbm>>
        tpu.wait_indirect_dma semaphore(%arg20 : memref<!tpu.dma_semaphore, #tpu.memory_space<semaphore_mem>>) src(%dma_wait3A_389 : memref<1048576x16xf32, #tpu.memory_space<hbm>>) dst(%dma_wait3A_383 : memref<1024x16xf32, #tpu.memory_space<vmem>>)
        %dma_wait3A_390 = arith.constant 1 : i32
        %dma_wait3A_391 = arith.constant 1 : i32
        %dma_wait3A_392 = arith.constant 0 : i32
        %dma_wait3A_393 = arith.constant 0 : i32
        %dma_wait3A_394 = tpu.memref_slice %arg18[%dma_wait3A_391, %dma_wait3A_392, %dma_wait3A_393] : memref<4x1024x16xf32, #tpu.memory_space<vmem>> -> memref<1x1024x16xf32, #tpu.memory_space<vmem>>
        %dma_wait3A_395 = tpu.memref_squeeze %dma_wait3A_394 : memref<1x1024x16xf32, #tpu.memory_space<vmem>> -> memref<1024x16xf32, #tpu.memory_space<vmem>>
        %dma_wait3A_396 = arith.constant 0 : i32
        %dma_wait3A_397 = tpu.memref_slice %arg15[%dma_wait3A_390, %dma_wait3A_396] : memref<4x1024xi32, #tpu.memory_space<vmem>> -> memref<1x1024xi32, #tpu.memory_space<vmem>>
        %dma_wait3A_398 = tpu.memref_squeeze %dma_wait3A_397 : memref<1x1024xi32, #tpu.memory_space<vmem>> -> memref<1024xi32, #tpu.memory_space<vmem>>
        %dma_wait3A_399 = arith.constant 0 : i32
        %dma_wait3A_400 = arith.constant 0 : i32
        %dma_wait3A_401 = tpu.memref_slice %arg4[%dma_wait3A_399, %dma_wait3A_400] : memref<1048576x16xf32, #tpu.memory_space<hbm>> -> memref<1048576x16xf32, #tpu.memory_space<hbm>>
        tpu.wait_indirect_dma semaphore(%arg20 : memref<!tpu.dma_semaphore, #tpu.memory_space<semaphore_mem>>) src(%dma_wait3A_401 : memref<1048576x16xf32, #tpu.memory_space<hbm>>) dst(%dma_wait3A_395 : memref<1024x16xf32, #tpu.memory_space<vmem>>)
        %dma_wait3A_402 = arith.constant 2 : i32
        %dma_wait3A_403 = arith.constant 2 : i32
        %dma_wait3A_404 = arith.constant 0 : i32
        %dma_wait3A_405 = arith.constant 0 : i32
        %dma_wait3A_406 = tpu.memref_slice %arg18[%dma_wait3A_403, %dma_wait3A_404, %dma_wait3A_405] : memref<4x1024x16xf32, #tpu.memory_space<vmem>> -> memref<1x1024x16xf32, #tpu.memory_space<vmem>>
        %dma_wait3A_407 = tpu.memref_squeeze %dma_wait3A_406 : memref<1x1024x16xf32, #tpu.memory_space<vmem>> -> memref<1024x16xf32, #tpu.memory_space<vmem>>
        %dma_wait3A_408 = arith.constant 0 : i32
        %dma_wait3A_409 = tpu.memref_slice %arg15[%dma_wait3A_402, %dma_wait3A_408] : memref<4x1024xi32, #tpu.memory_space<vmem>> -> memref<1x1024xi32, #tpu.memory_space<vmem>>
        %dma_wait3A_410 = tpu.memref_squeeze %dma_wait3A_409 : memref<1x1024xi32, #tpu.memory_space<vmem>> -> memref<1024xi32, #tpu.memory_space<vmem>>
        %dma_wait3A_411 = arith.constant 0 : i32
        %dma_wait3A_412 = arith.constant 0 : i32
        %dma_wait3A_413 = tpu.memref_slice %arg5[%dma_wait3A_411, %dma_wait3A_412] : memref<1048576x16xf32, #tpu.memory_space<hbm>> -> memref<1048576x16xf32, #tpu.memory_space<hbm>>
        tpu.wait_indirect_dma semaphore(%arg20 : memref<!tpu.dma_semaphore, #tpu.memory_space<semaphore_mem>>) src(%dma_wait3A_413 : memref<1048576x16xf32, #tpu.memory_space<hbm>>) dst(%dma_wait3A_407 : memref<1024x16xf32, #tpu.memory_space<vmem>>)
        %dma_wait3A_414 = arith.constant 3 : i32
        %dma_wait3A_415 = arith.constant 3 : i32
        %dma_wait3A_416 = arith.constant 0 : i32
        %dma_wait3A_417 = arith.constant 0 : i32
        %dma_wait3A_418 = tpu.memref_slice %arg18[%dma_wait3A_415, %dma_wait3A_416, %dma_wait3A_417] : memref<4x1024x16xf32, #tpu.memory_space<vmem>> -> memref<1x1024x16xf32, #tpu.memory_space<vmem>>
        %dma_wait3A_419 = tpu.memref_squeeze %dma_wait3A_418 : memref<1x1024x16xf32, #tpu.memory_space<vmem>> -> memref<1024x16xf32, #tpu.memory_space<vmem>>
        %dma_wait3A_420 = arith.constant 0 : i32
        %dma_wait3A_421 = tpu.memref_slice %arg15[%dma_wait3A_414, %dma_wait3A_420] : memref<4x1024xi32, #tpu.memory_space<vmem>> -> memref<1x1024xi32, #tpu.memory_space<vmem>>
        %dma_wait3A_422 = tpu.memref_squeeze %dma_wait3A_421 : memref<1x1024xi32, #tpu.memory_space<vmem>> -> memref<1024xi32, #tpu.memory_space<vmem>>
        %dma_wait3A_423 = arith.constant 0 : i32
        %dma_wait3A_424 = arith.constant 0 : i32
        %dma_wait3A_425 = tpu.memref_slice %arg6[%dma_wait3A_423, %dma_wait3A_424] : memref<1048576x16xf32, #tpu.memory_space<hbm>> -> memref<1048576x16xf32, #tpu.memory_space<hbm>>
        tpu.wait_indirect_dma semaphore(%arg20 : memref<!tpu.dma_semaphore, #tpu.memory_space<semaphore_mem>>) src(%dma_wait3A_425 : memref<1048576x16xf32, #tpu.memory_space<hbm>>) dst(%dma_wait3A_419 : memref<1024x16xf32, #tpu.memory_space<vmem>>)
        %scan3A_426 = arith.constant 0 : i32
        %scan3A_427 = arith.constant 0 : i32
        %scan3A_428 = arith.constant 8 : i32
        %scan3A_429 = arith.addi %scan3A_427, %scan3A_428 : i32
        %scan3A_430 = arith.constant 1 : i32
        scf.for %scan3A_432 = %scan3A_427 to %scan3A_429 step %scan3A_430  : i32 {
          %mul3A_433 = arith.constant 16 : i32
          %mul3A_434 = arith.muli %scan3A_432, %mul3A_433 : i32
          %add3A_435 = vector.broadcast %mul3A_434 : i32 to vector<16xi32>
          %add3A_436 = arith.addi %add3A_435, %iota3A : vector<16xi32>
          %broadcast_in_dim3A_437 = arith.constant 0 : i32
          %broadcast_in_dim3A_438 = vector.broadcast %broadcast_in_dim3A_437 : i32 to vector<16xi32>
          %mul3A_439 = arith.constant 16 : i32
          %mul3A_440 = arith.muli %scan3A_432, %mul3A_439 : i32
          %add3A_441 = arith.constant 0 : i32
          %add3A_442 = arith.addi %add3A_441, %mul3A_440 : i32
          %get3A = arith.constant 0 : i32
          %get3A_443 = arith.index_cast %get3A : i32 to index
          %get3A_444 = arith.index_cast %add3A_442 : i32 to index
          %get3A_445 = tpu.vector_load %arg17[%get3A_443, %get3A_444] {strides = array<i32>} : memref<4x1024xf32, #tpu.memory_space<vmem>>, vector<16xf32>,
          %mul3A_446 = arith.constant 16 : i32
          %mul3A_447 = arith.muli %scan3A_432, %mul3A_446 : i32
          %add3A_448 = arith.constant 0 : i32
          %add3A_449 = arith.addi %add3A_448, %mul3A_447 : i32
          %get3A_450 = arith.constant 0 : i32
          %get3A_451 = arith.index_cast %get3A_450 : i32 to index
          %get3A_452 = arith.index_cast %add3A_449 : i32 to index
          %get3A_453 = tpu.vector_load %arg16[%get3A_451, %get3A_452] {strides = array<i32>} : memref<4x1024xi32, #tpu.memory_space<vmem>>, vector<16xi32>,
          %add3A_454 = arith.constant 0 : i32
          %add3A_455 = vector.broadcast %add3A_454 : i32 to vector<16xi32>
          %add3A_456 = arith.addi %add3A_455, %add3A_436 : vector<16xi32>
          %gather3A = tpu.vector_load_idx %arg18[%broadcast_in_dim3A_438, %add3A_456, %get3A_453] : memref<4x1024x16xf32, #tpu.memory_space<vmem>>[vector<16xi32>, vector<16xi32>, vector<16xi32>], vector<16xf32>,
          %add3A_457 = arith.constant 1 : i32
          %add3A_458 = vector.broadcast %add3A_457 : i32 to vector<16xi32>
          %add3A_459 = arith.addi %get3A_453, %add3A_458 : vector<16xi32>
          %gather3A_460 = tpu.vector_load_idx %arg18[%broadcast_in_dim3A_438, %add3A_456, %add3A_459] : memref<4x1024x16xf32, #tpu.memory_space<vmem>>[vector<16xi32>, vector<16xi32>, vector<16xi32>], vector<16xf32>,
          %mul3A_461 = arith.mulf %gather3A, %get3A_445 : vector<16xf32>
          %add3A_462 = arith.addf %broadcast_in_dim3A_1, %mul3A_461 : vector<16xf32>
          %mul3A_463 = arith.mulf %gather3A_460, %get3A_445 : vector<16xf32>
          %add3A_464 = arith.addf %broadcast_in_dim3A_1, %mul3A_463 : vector<16xf32>
          %mul3A_465 = arith.constant 16 : i32
          %mul3A_466 = arith.muli %scan3A_432, %mul3A_465 : i32
          %add3A_467 = arith.constant 128 : i32
          %add3A_468 = arith.addi %add3A_467, %mul3A_466 : i32
          %get3A_469 = arith.constant 0 : i32
          %get3A_470 = arith.index_cast %get3A_469 : i32 to index
          %get3A_471 = arith.index_cast %add3A_468 : i32 to index
          %get3A_472 = tpu.vector_load %arg17[%get3A_470, %get3A_471] {strides = array<i32>} : memref<4x1024xf32, #tpu.memory_space<vmem>>, vector<16xf32>,
          %mul3A_473 = arith.constant 16 : i32
          %mul3A_474 = arith.muli %scan3A_432, %mul3A_473 : i32
          %add3A_475 = arith.constant 128 : i32
          %add3A_476 = arith.addi %add3A_475, %mul3A_474 : i32
          %get3A_477 = arith.constant 0 : i32
          %get3A_478 = arith.index_cast %get3A_477 : i32 to index
          %get3A_479 = arith.index_cast %add3A_476 : i32 to index
          %get3A_480 = tpu.vector_load %arg16[%get3A_478, %get3A_479] {strides = array<i32>} : memref<4x1024xi32, #tpu.memory_space<vmem>>, vector<16xi32>,
          %add3A_481 = arith.constant 128 : i32
          %add3A_482 = vector.broadcast %add3A_481 : i32 to vector<16xi32>
          %add3A_483 = arith.addi %add3A_482, %add3A_436 : vector<16xi32>
          %gather3A_484 = tpu.vector_load_idx %arg18[%broadcast_in_dim3A_438, %add3A_483, %get3A_480] : memref<4x1024x16xf32, #tpu.memory_space<vmem>>[vector<16xi32>, vector<16xi32>, vector<16xi32>], vector<16xf32>,
          %add3A_485 = arith.constant 1 : i32
          %add3A_486 = vector.broadcast %add3A_485 : i32 to vector<16xi32>
          %add3A_487 = arith.addi %get3A_480, %add3A_486 : vector<16xi32>
          %gather3A_488 = tpu.vector_load_idx %arg18[%broadcast_in_dim3A_438, %add3A_483, %add3A_487] : memref<4x1024x16xf32, #tpu.memory_space<vmem>>[vector<16xi32>, vector<16xi32>, vector<16xi32>], vector<16xf32>,
          %mul3A_489 = arith.mulf %gather3A_484, %get3A_472 : vector<16xf32>
          %add3A_490 = arith.addf %add3A_462, %mul3A_489 : vector<16xf32>
          %mul3A_491 = arith.mulf %gather3A_488, %get3A_472 : vector<16xf32>
          %add3A_492 = arith.addf %add3A_464, %mul3A_491 : vector<16xf32>
          %mul3A_493 = arith.constant 16 : i32
          %mul3A_494 = arith.muli %scan3A_432, %mul3A_493 : i32
          %add3A_495 = arith.constant 256 : i32
          %add3A_496 = arith.addi %add3A_495, %mul3A_494 : i32
          %get3A_497 = arith.constant 0 : i32
          %get3A_498 = arith.index_cast %get3A_497 : i32 to index
          %get3A_499 = arith.index_cast %add3A_496 : i32 to index
          %get3A_500 = tpu.vector_load %arg17[%get3A_498, %get3A_499] {strides = array<i32>} : memref<4x1024xf32, #tpu.memory_space<vmem>>, vector<16xf32>,
          %mul3A_501 = arith.constant 16 : i32
          %mul3A_502 = arith.muli %scan3A_432, %mul3A_501 : i32
          %add3A_503 = arith.constant 256 : i32
          %add3A_504 = arith.addi %add3A_503, %mul3A_502 : i32
          %get3A_505 = arith.constant 0 : i32
          %get3A_506 = arith.index_cast %get3A_505 : i32 to index
          %get3A_507 = arith.index_cast %add3A_504 : i32 to index
          %get3A_508 = tpu.vector_load %arg16[%get3A_506, %get3A_507] {strides = array<i32>} : memref<4x1024xi32, #tpu.memory_space<vmem>>, vector<16xi32>,
          %add3A_509 = arith.constant 256 : i32
          %add3A_510 = vector.broadcast %add3A_509 : i32 to vector<16xi32>
          %add3A_511 = arith.addi %add3A_510, %add3A_436 : vector<16xi32>
          %gather3A_512 = tpu.vector_load_idx %arg18[%broadcast_in_dim3A_438, %add3A_511, %get3A_508] : memref<4x1024x16xf32, #tpu.memory_space<vmem>>[vector<16xi32>, vector<16xi32>, vector<16xi32>], vector<16xf32>,
          %add3A_513 = arith.constant 1 : i32
          %add3A_514 = vector.broadcast %add3A_513 : i32 to vector<16xi32>
          %add3A_515 = arith.addi %get3A_508, %add3A_514 : vector<16xi32>
          %gather3A_516 = tpu.vector_load_idx %arg18[%broadcast_in_dim3A_438, %add3A_511, %add3A_515] : memref<4x1024x16xf32, #tpu.memory_space<vmem>>[vector<16xi32>, vector<16xi32>, vector<16xi32>], vector<16xf32>,
          %mul3A_517 = arith.mulf %gather3A_512, %get3A_500 : vector<16xf32>
          %add3A_518 = arith.addf %add3A_490, %mul3A_517 : vector<16xf32>
          %mul3A_519 = arith.mulf %gather3A_516, %get3A_500 : vector<16xf32>
          %add3A_520 = arith.addf %add3A_492, %mul3A_519 : vector<16xf32>
          %mul3A_521 = arith.constant 16 : i32
          %mul3A_522 = arith.muli %scan3A_432, %mul3A_521 : i32
          %add3A_523 = arith.constant 384 : i32
          %add3A_524 = arith.addi %add3A_523, %mul3A_522 : i32
          %get3A_525 = arith.constant 0 : i32
          %get3A_526 = arith.index_cast %get3A_525 : i32 to index
          %get3A_527 = arith.index_cast %add3A_524 : i32 to index
          %get3A_528 = tpu.vector_load %arg17[%get3A_526, %get3A_527] {strides = array<i32>} : memref<4x1024xf32, #tpu.memory_space<vmem>>, vector<16xf32>,
          %mul3A_529 = arith.constant 16 : i32
          %mul3A_530 = arith.muli %scan3A_432, %mul3A_529 : i32
          %add3A_531 = arith.constant 384 : i32
          %add3A_532 = arith.addi %add3A_531, %mul3A_530 : i32
          %get3A_533 = arith.constant 0 : i32
          %get3A_534 = arith.index_cast %get3A_533 : i32 to index
          %get3A_535 = arith.index_cast %add3A_532 : i32 to index
          %get3A_536 = tpu.vector_load %arg16[%get3A_534, %get3A_535] {strides = array<i32>} : memref<4x1024xi32, #tpu.memory_space<vmem>>, vector<16xi32>,
          %add3A_537 = arith.constant 384 : i32
          %add3A_538 = vector.broadcast %add3A_537 : i32 to vector<16xi32>
          %add3A_539 = arith.addi %add3A_538, %add3A_436 : vector<16xi32>
          %gather3A_540 = tpu.vector_load_idx %arg18[%broadcast_in_dim3A_438, %add3A_539, %get3A_536] : memref<4x1024x16xf32, #tpu.memory_space<vmem>>[vector<16xi32>, vector<16xi32>, vector<16xi32>], vector<16xf32>,
          %add3A_541 = arith.constant 1 : i32
          %add3A_542 = vector.broadcast %add3A_541 : i32 to vector<16xi32>
          %add3A_543 = arith.addi %get3A_536, %add3A_542 : vector<16xi32>
          %gather3A_544 = tpu.vector_load_idx %arg18[%broadcast_in_dim3A_438, %add3A_539, %add3A_543] : memref<4x1024x16xf32, #tpu.memory_space<vmem>>[vector<16xi32>, vector<16xi32>, vector<16xi32>], vector<16xf32>,
          %mul3A_545 = arith.mulf %gather3A_540, %get3A_528 : vector<16xf32>
          %add3A_546 = arith.addf %add3A_518, %mul3A_545 : vector<16xf32>
          %mul3A_547 = arith.mulf %gather3A_544, %get3A_528 : vector<16xf32>
          %add3A_548 = arith.addf %add3A_520, %mul3A_547 : vector<16xf32>
          %mul3A_549 = arith.constant 16 : i32
          %mul3A_550 = arith.muli %scan3A_432, %mul3A_549 : i32
          %add3A_551 = arith.constant 512 : i32
          %add3A_552 = arith.addi %add3A_551, %mul3A_550 : i32
          %get3A_553 = arith.constant 0 : i32
          %get3A_554 = arith.index_cast %get3A_553 : i32 to index
          %get3A_555 = arith.index_cast %add3A_552 : i32 to index
          %get3A_556 = tpu.vector_load %arg17[%get3A_554, %get3A_555] {strides = array<i32>} : memref<4x1024xf32, #tpu.memory_space<vmem>>, vector<16xf32>,
          %mul3A_557 = arith.constant 16 : i32
          %mul3A_558 = arith.muli %scan3A_432, %mul3A_557 : i32
          %add3A_559 = arith.constant 512 : i32
          %add3A_560 = arith.addi %add3A_559, %mul3A_558 : i32
          %get3A_561 = arith.constant 0 : i32
          %get3A_562 = arith.index_cast %get3A_561 : i32 to index
          %get3A_563 = arith.index_cast %add3A_560 : i32 to index
          %get3A_564 = tpu.vector_load %arg16[%get3A_562, %get3A_563] {strides = array<i32>} : memref<4x1024xi32, #tpu.memory_space<vmem>>, vector<16xi32>,
          %add3A_565 = arith.constant 512 : i32
          %add3A_566 = vector.broadcast %add3A_565 : i32 to vector<16xi32>
          %add3A_567 = arith.addi %add3A_566, %add3A_436 : vector<16xi32>
          %gather3A_568 = tpu.vector_load_idx %arg18[%broadcast_in_dim3A_438, %add3A_567, %get3A_564] : memref<4x1024x16xf32, #tpu.memory_space<vmem>>[vector<16xi32>, vector<16xi32>, vector<16xi32>], vector<16xf32>,
          %add3A_569 = arith.constant 1 : i32
          %add3A_570 = vector.broadcast %add3A_569 : i32 to vector<16xi32>
          %add3A_571 = arith.addi %get3A_564, %add3A_570 : vector<16xi32>
          %gather3A_572 = tpu.vector_load_idx %arg18[%broadcast_in_dim3A_438, %add3A_567, %add3A_571] : memref<4x1024x16xf32, #tpu.memory_space<vmem>>[vector<16xi32>, vector<16xi32>, vector<16xi32>], vector<16xf32>,
          %mul3A_573 = arith.mulf %gather3A_568, %get3A_556 : vector<16xf32>
          %add3A_574 = arith.addf %add3A_546, %mul3A_573 : vector<16xf32>
          %mul3A_575 = arith.mulf %gather3A_572, %get3A_556 : vector<16xf32>
          %add3A_576 = arith.addf %add3A_548, %mul3A_575 : vector<16xf32>
          %mul3A_577 = arith.constant 16 : i32
          %mul3A_578 = arith.muli %scan3A_432, %mul3A_577 : i32
          %add3A_579 = arith.constant 640 : i32
          %add3A_580 = arith.addi %add3A_579, %mul3A_578 : i32
          %get3A_581 = arith.constant 0 : i32
          %get3A_582 = arith.index_cast %get3A_581 : i32 to index
          %get3A_583 = arith.index_cast %add3A_580 : i32 to index
          %get3A_584 = tpu.vector_load %arg17[%get3A_582, %get3A_583] {strides = array<i32>} : memref<4x1024xf32, #tpu.memory_space<vmem>>, vector<16xf32>,
          %mul3A_585 = arith.constant 16 : i32
          %mul3A_586 = arith.muli %scan3A_432, %mul3A_585 : i32
          %add3A_587 = arith.constant 640 : i32
          %add3A_588 = arith.addi %add3A_587, %mul3A_586 : i32
          %get3A_589 = arith.constant 0 : i32
          %get3A_590 = arith.index_cast %get3A_589 : i32 to index
          %get3A_591 = arith.index_cast %add3A_588 : i32 to index
          %get3A_592 = tpu.vector_load %arg16[%get3A_590, %get3A_591] {strides = array<i32>} : memref<4x1024xi32, #tpu.memory_space<vmem>>, vector<16xi32>,
          %add3A_593 = arith.constant 640 : i32
          %add3A_594 = vector.broadcast %add3A_593 : i32 to vector<16xi32>
          %add3A_595 = arith.addi %add3A_594, %add3A_436 : vector<16xi32>
          %gather3A_596 = tpu.vector_load_idx %arg18[%broadcast_in_dim3A_438, %add3A_595, %get3A_592] : memref<4x1024x16xf32, #tpu.memory_space<vmem>>[vector<16xi32>, vector<16xi32>, vector<16xi32>], vector<16xf32>,
          %add3A_597 = arith.constant 1 : i32
          %add3A_598 = vector.broadcast %add3A_597 : i32 to vector<16xi32>
          %add3A_599 = arith.addi %get3A_592, %add3A_598 : vector<16xi32>
          %gather3A_600 = tpu.vector_load_idx %arg18[%broadcast_in_dim3A_438, %add3A_595, %add3A_599] : memref<4x1024x16xf32, #tpu.memory_space<vmem>>[vector<16xi32>, vector<16xi32>, vector<16xi32>], vector<16xf32>,
          %mul3A_601 = arith.mulf %gather3A_596, %get3A_584 : vector<16xf32>
          %add3A_602 = arith.addf %add3A_574, %mul3A_601 : vector<16xf32>
          %mul3A_603 = arith.mulf %gather3A_600, %get3A_584 : vector<16xf32>
          %add3A_604 = arith.addf %add3A_576, %mul3A_603 : vector<16xf32>
          %mul3A_605 = arith.constant 16 : i32
          %mul3A_606 = arith.muli %scan3A_432, %mul3A_605 : i32
          %add3A_607 = arith.constant 768 : i32
          %add3A_608 = arith.addi %add3A_607, %mul3A_606 : i32
          %get3A_609 = arith.constant 0 : i32
          %get3A_610 = arith.index_cast %get3A_609 : i32 to index
          %get3A_611 = arith.index_cast %add3A_608 : i32 to index
          %get3A_612 = tpu.vector_load %arg17[%get3A_610, %get3A_611] {strides = array<i32>} : memref<4x1024xf32, #tpu.memory_space<vmem>>, vector<16xf32>,
          %mul3A_613 = arith.constant 16 : i32
          %mul3A_614 = arith.muli %scan3A_432, %mul3A_613 : i32
          %add3A_615 = arith.constant 768 : i32
          %add3A_616 = arith.addi %add3A_615, %mul3A_614 : i32
          %get3A_617 = arith.constant 0 : i32
          %get3A_618 = arith.index_cast %get3A_617 : i32 to index
          %get3A_619 = arith.index_cast %add3A_616 : i32 to index
          %get3A_620 = tpu.vector_load %arg16[%get3A_618, %get3A_619] {strides = array<i32>} : memref<4x1024xi32, #tpu.memory_space<vmem>>, vector<16xi32>,
          %add3A_621 = arith.constant 768 : i32
          %add3A_622 = vector.broadcast %add3A_621 : i32 to vector<16xi32>
          %add3A_623 = arith.addi %add3A_622, %add3A_436 : vector<16xi32>
          %gather3A_624 = tpu.vector_load_idx %arg18[%broadcast_in_dim3A_438, %add3A_623, %get3A_620] : memref<4x1024x16xf32, #tpu.memory_space<vmem>>[vector<16xi32>, vector<16xi32>, vector<16xi32>], vector<16xf32>,
          %add3A_625 = arith.constant 1 : i32
          %add3A_626 = vector.broadcast %add3A_625 : i32 to vector<16xi32>
          %add3A_627 = arith.addi %get3A_620, %add3A_626 : vector<16xi32>
          %gather3A_628 = tpu.vector_load_idx %arg18[%broadcast_in_dim3A_438, %add3A_623, %add3A_627] : memref<4x1024x16xf32, #tpu.memory_space<vmem>>[vector<16xi32>, vector<16xi32>, vector<16xi32>], vector<16xf32>,
          %mul3A_629 = arith.mulf %gather3A_624, %get3A_612 : vector<16xf32>
          %add3A_630 = arith.addf %add3A_602, %mul3A_629 : vector<16xf32>
          %mul3A_631 = arith.mulf %gather3A_628, %get3A_612 : vector<16xf32>
          %add3A_632 = arith.addf %add3A_604, %mul3A_631 : vector<16xf32>
          %mul3A_633 = arith.constant 16 : i32
          %mul3A_634 = arith.muli %scan3A_432, %mul3A_633 : i32
          %add3A_635 = arith.constant 896 : i32
          %add3A_636 = arith.addi %add3A_635, %mul3A_634 : i32
          %get3A_637 = arith.constant 0 : i32
          %get3A_638 = arith.index_cast %get3A_637 : i32 to index
          %get3A_639 = arith.index_cast %add3A_636 : i32 to index
          %get3A_640 = tpu.vector_load %arg17[%get3A_638, %get3A_639] {strides = array<i32>} : memref<4x1024xf32, #tpu.memory_space<vmem>>, vector<16xf32>,
          %mul3A_641 = arith.constant 16 : i32
          %mul3A_642 = arith.muli %scan3A_432, %mul3A_641 : i32
          %add3A_643 = arith.constant 896 : i32
          %add3A_644 = arith.addi %add3A_643, %mul3A_642 : i32
          %get3A_645 = arith.constant 0 : i32
          %get3A_646 = arith.index_cast %get3A_645 : i32 to index
          %get3A_647 = arith.index_cast %add3A_644 : i32 to index
          %get3A_648 = tpu.vector_load %arg16[%get3A_646, %get3A_647] {strides = array<i32>} : memref<4x1024xi32, #tpu.memory_space<vmem>>, vector<16xi32>,
          %add3A_649 = arith.constant 896 : i32
          %add3A_650 = vector.broadcast %add3A_649 : i32 to vector<16xi32>
          %add3A_651 = arith.addi %add3A_650, %add3A_436 : vector<16xi32>
          %gather3A_652 = tpu.vector_load_idx %arg18[%broadcast_in_dim3A_438, %add3A_651, %get3A_648] : memref<4x1024x16xf32, #tpu.memory_space<vmem>>[vector<16xi32>, vector<16xi32>, vector<16xi32>], vector<16xf32>,
          %add3A_653 = arith.constant 1 : i32
          %add3A_654 = vector.broadcast %add3A_653 : i32 to vector<16xi32>
          %add3A_655 = arith.addi %get3A_648, %add3A_654 : vector<16xi32>
          %gather3A_656 = tpu.vector_load_idx %arg18[%broadcast_in_dim3A_438, %add3A_651, %add3A_655] : memref<4x1024x16xf32, #tpu.memory_space<vmem>>[vector<16xi32>, vector<16xi32>, vector<16xi32>], vector<16xf32>,
          %mul3A_657 = arith.mulf %gather3A_652, %get3A_640 : vector<16xf32>
          %add3A_658 = arith.addf %add3A_630, %mul3A_657 : vector<16xf32>
          %mul3A_659 = arith.mulf %gather3A_656, %get3A_640 : vector<16xf32>
          %add3A_660 = arith.addf %add3A_632, %mul3A_659 : vector<16xf32>
          %broadcast_in_dim3A_661 = arith.constant 3 : i32
          %broadcast_in_dim3A_662 = vector.broadcast %broadcast_in_dim3A_661 : i32 to vector<16xi32>
          %mul3A_663 = arith.constant 16 : i32
          %mul3A_664 = arith.muli %scan3A_432, %mul3A_663 : i32
          %get3A_665 = arith.constant 3 : i32
          %get3A_666 = arith.index_cast %get3A_665 : i32 to index
          %get3A_667 = arith.index_cast %mul3A_664 : i32 to index
          %get3A_668 = tpu.vector_load %arg11[%get3A_666, %get3A_667] {strides = array<i32>} : memref<4x128xf32, #tpu.memory_space<vmem>>, vector<16xf32>,
          %mul3A_669 = arith.constant 16 : i32
          %mul3A_670 = arith.muli %scan3A_432, %mul3A_669 : i32
          %get3A_671 = arith.constant 3 : i32
          %get3A_672 = arith.index_cast %get3A_671 : i32 to index
          %get3A_673 = arith.index_cast %mul3A_670 : i32 to index
          %get3A_674 = tpu.vector_load %arg12[%get3A_672, %get3A_673] {strides = array<i32>} : memref<4x128xf32, #tpu.memory_space<vmem>>, vector<16xf32>,
          %mul3A_675 = arith.constant 2 : i32
          %mul3A_676 = vector.broadcast %mul3A_675 : i32 to vector<16xi32>
          %mul3A_677 = arith.muli %broadcast_in_dim3A_232, %mul3A_676 : vector<16xi32>
          %add3A_678 = arith.constant 0 : i32
          %add3A_679 = vector.broadcast %add3A_678 : i32 to vector<16xi32>
          %add3A_680 = arith.addi %mul3A_677, %add3A_679 : vector<16xi32>
          %gather3A_681 = tpu.vector_load_idx %arg13[%broadcast_in_dim3A_662, %add3A_436, %add3A_680] : memref<4x128x32xf32, #tpu.memory_space<vmem>>[vector<16xi32>, vector<16xi32>, vector<16xi32>], vector<16xf32>,
          %gather3A_682 = tpu.vector_load_idx %arg14[%broadcast_in_dim3A_662, %add3A_436, %add3A_680] : memref<4x128x32xf32, #tpu.memory_space<vmem>>[vector<16xi32>, vector<16xi32>, vector<16xi32>], vector<16xf32>,
          %mul3A_683 = arith.mulf %gather3A_681, %get3A_674 : vector<16xf32>
          %mul3A_684 = arith.mulf %gather3A_682, %get3A_668 : vector<16xf32>
          %add3A_685 = arith.addf %mul3A_683, %mul3A_684 : vector<16xf32>
          %mul3A_686 = arith.mulf %add3A_658, %add3A_685 : vector<16xf32>
          %add3A_687 = arith.addf %broadcast_in_dim3A_1, %mul3A_686 : vector<16xf32>
          %mul3A_688 = arith.constant 2 : i32
          %mul3A_689 = vector.broadcast %mul3A_688 : i32 to vector<16xi32>
          %mul3A_690 = arith.muli %broadcast_in_dim3A_232, %mul3A_689 : vector<16xi32>
          %add3A_691 = arith.constant 1 : i32
          %add3A_692 = vector.broadcast %add3A_691 : i32 to vector<16xi32>
          %add3A_693 = arith.addi %mul3A_690, %add3A_692 : vector<16xi32>
          %gather3A_694 = tpu.vector_load_idx %arg13[%broadcast_in_dim3A_662, %add3A_436, %add3A_693] : memref<4x128x32xf32, #tpu.memory_space<vmem>>[vector<16xi32>, vector<16xi32>, vector<16xi32>], vector<16xf32>,
          %gather3A_695 = tpu.vector_load_idx %arg14[%broadcast_in_dim3A_662, %add3A_436, %add3A_693] : memref<4x128x32xf32, #tpu.memory_space<vmem>>[vector<16xi32>, vector<16xi32>, vector<16xi32>], vector<16xf32>,
          %mul3A_696 = arith.mulf %gather3A_694, %get3A_674 : vector<16xf32>
          %mul3A_697 = arith.mulf %gather3A_695, %get3A_668 : vector<16xf32>
          %add3A_698 = arith.addf %mul3A_696, %mul3A_697 : vector<16xf32>
          %mul3A_699 = arith.mulf %add3A_660, %add3A_698 : vector<16xf32>
          %add3A_700 = arith.addf %broadcast_in_dim3A_1, %mul3A_699 : vector<16xf32>
          %broadcast_in_dim3A_701 = arith.constant 1 : i32
          %broadcast_in_dim3A_702 = vector.broadcast %broadcast_in_dim3A_701 : i32 to vector<16xi32>
          %mul3A_703 = arith.constant 16 : i32
          %mul3A_704 = arith.muli %scan3A_432, %mul3A_703 : i32
          %add3A_705 = arith.constant 0 : i32
          %add3A_706 = arith.addi %add3A_705, %mul3A_704 : i32
          %get3A_707 = arith.constant 1 : i32
          %get3A_708 = arith.index_cast %get3A_707 : i32 to index
          %get3A_709 = arith.index_cast %add3A_706 : i32 to index
          %get3A_710 = tpu.vector_load %arg17[%get3A_708, %get3A_709] {strides = array<i32>} : memref<4x1024xf32, #tpu.memory_space<vmem>>, vector<16xf32>,
          %mul3A_711 = arith.constant 16 : i32
          %mul3A_712 = arith.muli %scan3A_432, %mul3A_711 : i32
          %add3A_713 = arith.constant 0 : i32
          %add3A_714 = arith.addi %add3A_713, %mul3A_712 : i32
          %get3A_715 = arith.constant 1 : i32
          %get3A_716 = arith.index_cast %get3A_715 : i32 to index
          %get3A_717 = arith.index_cast %add3A_714 : i32 to index
          %get3A_718 = tpu.vector_load %arg16[%get3A_716, %get3A_717] {strides = array<i32>} : memref<4x1024xi32, #tpu.memory_space<vmem>>, vector<16xi32>,
          %add3A_719 = arith.constant 0 : i32
          %add3A_720 = vector.broadcast %add3A_719 : i32 to vector<16xi32>
          %add3A_721 = arith.addi %add3A_720, %add3A_436 : vector<16xi32>
          %gather3A_722 = tpu.vector_load_idx %arg18[%broadcast_in_dim3A_702, %add3A_721, %get3A_718] : memref<4x1024x16xf32, #tpu.memory_space<vmem>>[vector<16xi32>, vector<16xi32>, vector<16xi32>], vector<16xf32>,
          %add3A_723 = arith.constant 1 : i32
          %add3A_724 = vector.broadcast %add3A_723 : i32 to vector<16xi32>
          %add3A_725 = arith.addi %get3A_718, %add3A_724 : vector<16xi32>
          %gather3A_726 = tpu.vector_load_idx %arg18[%broadcast_in_dim3A_702, %add3A_721, %add3A_725] : memref<4x1024x16xf32, #tpu.memory_space<vmem>>[vector<16xi32>, vector<16xi32>, vector<16xi32>], vector<16xf32>,
          %mul3A_727 = arith.mulf %gather3A_722, %get3A_710 : vector<16xf32>
          %add3A_728 = arith.addf %broadcast_in_dim3A_1, %mul3A_727 : vector<16xf32>
          %mul3A_729 = arith.mulf %gather3A_726, %get3A_710 : vector<16xf32>
          %add3A_730 = arith.addf %broadcast_in_dim3A_1, %mul3A_729 : vector<16xf32>
          %mul3A_731 = arith.constant 16 : i32
          %mul3A_732 = arith.muli %scan3A_432, %mul3A_731 : i32
          %add3A_733 = arith.constant 128 : i32
          %add3A_734 = arith.addi %add3A_733, %mul3A_732 : i32
          %get3A_735 = arith.constant 1 : i32
          %get3A_736 = arith.index_cast %get3A_735 : i32 to index
          %get3A_737 = arith.index_cast %add3A_734 : i32 to index
          %get3A_738 = tpu.vector_load %arg17[%get3A_736, %get3A_737] {strides = array<i32>} : memref<4x1024xf32, #tpu.memory_space<vmem>>, vector<16xf32>,
          %mul3A_739 = arith.constant 16 : i32
          %mul3A_740 = arith.muli %scan3A_432, %mul3A_739 : i32
          %add3A_741 = arith.constant 128 : i32
          %add3A_742 = arith.addi %add3A_741, %mul3A_740 : i32
          %get3A_743 = arith.constant 1 : i32
          %get3A_744 = arith.index_cast %get3A_743 : i32 to index
          %get3A_745 = arith.index_cast %add3A_742 : i32 to index
          %get3A_746 = tpu.vector_load %arg16[%get3A_744, %get3A_745] {strides = array<i32>} : memref<4x1024xi32, #tpu.memory_space<vmem>>, vector<16xi32>,
          %add3A_747 = arith.constant 128 : i32
          %add3A_748 = vector.broadcast %add3A_747 : i32 to vector<16xi32>
          %add3A_749 = arith.addi %add3A_748, %add3A_436 : vector<16xi32>
          %gather3A_750 = tpu.vector_load_idx %arg18[%broadcast_in_dim3A_702, %add3A_749, %get3A_746] : memref<4x1024x16xf32, #tpu.memory_space<vmem>>[vector<16xi32>, vector<16xi32>, vector<16xi32>], vector<16xf32>,
          %add3A_751 = arith.constant 1 : i32
          %add3A_752 = vector.broadcast %add3A_751 : i32 to vector<16xi32>
          %add3A_753 = arith.addi %get3A_746, %add3A_752 : vector<16xi32>
          %gather3A_754 = tpu.vector_load_idx %arg18[%broadcast_in_dim3A_702, %add3A_749, %add3A_753] : memref<4x1024x16xf32, #tpu.memory_space<vmem>>[vector<16xi32>, vector<16xi32>, vector<16xi32>], vector<16xf32>,
          %mul3A_755 = arith.mulf %gather3A_750, %get3A_738 : vector<16xf32>
          %add3A_756 = arith.addf %add3A_728, %mul3A_755 : vector<16xf32>
          %mul3A_757 = arith.mulf %gather3A_754, %get3A_738 : vector<16xf32>
          %add3A_758 = arith.addf %add3A_730, %mul3A_757 : vector<16xf32>
          %mul3A_759 = arith.constant 16 : i32
          %mul3A_760 = arith.muli %scan3A_432, %mul3A_759 : i32
          %add3A_761 = arith.constant 256 : i32
          %add3A_762 = arith.addi %add3A_761, %mul3A_760 : i32
          %get3A_763 = arith.constant 1 : i32
          %get3A_764 = arith.index_cast %get3A_763 : i32 to index
          %get3A_765 = arith.index_cast %add3A_762 : i32 to index
          %get3A_766 = tpu.vector_load %arg17[%get3A_764, %get3A_765] {strides = array<i32>} : memref<4x1024xf32, #tpu.memory_space<vmem>>, vector<16xf32>,
          %mul3A_767 = arith.constant 16 : i32
          %mul3A_768 = arith.muli %scan3A_432, %mul3A_767 : i32
          %add3A_769 = arith.constant 256 : i32
          %add3A_770 = arith.addi %add3A_769, %mul3A_768 : i32
          %get3A_771 = arith.constant 1 : i32
          %get3A_772 = arith.index_cast %get3A_771 : i32 to index
          %get3A_773 = arith.index_cast %add3A_770 : i32 to index
          %get3A_774 = tpu.vector_load %arg16[%get3A_772, %get3A_773] {strides = array<i32>} : memref<4x1024xi32, #tpu.memory_space<vmem>>, vector<16xi32>,
          %add3A_775 = arith.constant 256 : i32
          %add3A_776 = vector.broadcast %add3A_775 : i32 to vector<16xi32>
          %add3A_777 = arith.addi %add3A_776, %add3A_436 : vector<16xi32>
          %gather3A_778 = tpu.vector_load_idx %arg18[%broadcast_in_dim3A_702, %add3A_777, %get3A_774] : memref<4x1024x16xf32, #tpu.memory_space<vmem>>[vector<16xi32>, vector<16xi32>, vector<16xi32>], vector<16xf32>,
          %add3A_779 = arith.constant 1 : i32
          %add3A_780 = vector.broadcast %add3A_779 : i32 to vector<16xi32>
          %add3A_781 = arith.addi %get3A_774, %add3A_780 : vector<16xi32>
          %gather3A_782 = tpu.vector_load_idx %arg18[%broadcast_in_dim3A_702, %add3A_777, %add3A_781] : memref<4x1024x16xf32, #tpu.memory_space<vmem>>[vector<16xi32>, vector<16xi32>, vector<16xi32>], vector<16xf32>,
          %mul3A_783 = arith.mulf %gather3A_778, %get3A_766 : vector<16xf32>
          %add3A_784 = arith.addf %add3A_756, %mul3A_783 : vector<16xf32>
          %mul3A_785 = arith.mulf %gather3A_782, %get3A_766 : vector<16xf32>
          %add3A_786 = arith.addf %add3A_758, %mul3A_785 : vector<16xf32>
          %mul3A_787 = arith.constant 16 : i32
          %mul3A_788 = arith.muli %scan3A_432, %mul3A_787 : i32
          %add3A_789 = arith.constant 384 : i32
          %add3A_790 = arith.addi %add3A_789, %mul3A_788 : i32
          %get3A_791 = arith.constant 1 : i32
          %get3A_792 = arith.index_cast %get3A_791 : i32 to index
          %get3A_793 = arith.index_cast %add3A_790 : i32 to index
          %get3A_794 = tpu.vector_load %arg17[%get3A_792, %get3A_793] {strides = array<i32>} : memref<4x1024xf32, #tpu.memory_space<vmem>>, vector<16xf32>,
          %mul3A_795 = arith.constant 16 : i32
          %mul3A_796 = arith.muli %scan3A_432, %mul3A_795 : i32
          %add3A_797 = arith.constant 384 : i32
          %add3A_798 = arith.addi %add3A_797, %mul3A_796 : i32
          %get3A_799 = arith.constant 1 : i32
          %get3A_800 = arith.index_cast %get3A_799 : i32 to index
          %get3A_801 = arith.index_cast %add3A_798 : i32 to index
          %get3A_802 = tpu.vector_load %arg16[%get3A_800, %get3A_801] {strides = array<i32>} : memref<4x1024xi32, #tpu.memory_space<vmem>>, vector<16xi32>,
          %add3A_803 = arith.constant 384 : i32
          %add3A_804 = vector.broadcast %add3A_803 : i32 to vector<16xi32>
          %add3A_805 = arith.addi %add3A_804, %add3A_436 : vector<16xi32>
          %gather3A_806 = tpu.vector_load_idx %arg18[%broadcast_in_dim3A_702, %add3A_805, %get3A_802] : memref<4x1024x16xf32, #tpu.memory_space<vmem>>[vector<16xi32>, vector<16xi32>, vector<16xi32>], vector<16xf32>,
          %add3A_807 = arith.constant 1 : i32
          %add3A_808 = vector.broadcast %add3A_807 : i32 to vector<16xi32>
          %add3A_809 = arith.addi %get3A_802, %add3A_808 : vector<16xi32>
          %gather3A_810 = tpu.vector_load_idx %arg18[%broadcast_in_dim3A_702, %add3A_805, %add3A_809] : memref<4x1024x16xf32, #tpu.memory_space<vmem>>[vector<16xi32>, vector<16xi32>, vector<16xi32>], vector<16xf32>,
          %mul3A_811 = arith.mulf %gather3A_806, %get3A_794 : vector<16xf32>
          %add3A_812 = arith.addf %add3A_784, %mul3A_811 : vector<16xf32>
          %mul3A_813 = arith.mulf %gather3A_810, %get3A_794 : vector<16xf32>
          %add3A_814 = arith.addf %add3A_786, %mul3A_813 : vector<16xf32>
          %mul3A_815 = arith.constant 16 : i32
          %mul3A_816 = arith.muli %scan3A_432, %mul3A_815 : i32
          %add3A_817 = arith.constant 512 : i32
          %add3A_818 = arith.addi %add3A_817, %mul3A_816 : i32
          %get3A_819 = arith.constant 1 : i32
          %get3A_820 = arith.index_cast %get3A_819 : i32 to index
          %get3A_821 = arith.index_cast %add3A_818 : i32 to index
          %get3A_822 = tpu.vector_load %arg17[%get3A_820, %get3A_821] {strides = array<i32>} : memref<4x1024xf32, #tpu.memory_space<vmem>>, vector<16xf32>,
          %mul3A_823 = arith.constant 16 : i32
          %mul3A_824 = arith.muli %scan3A_432, %mul3A_823 : i32
          %add3A_825 = arith.constant 512 : i32
          %add3A_826 = arith.addi %add3A_825, %mul3A_824 : i32
          %get3A_827 = arith.constant 1 : i32
          %get3A_828 = arith.index_cast %get3A_827 : i32 to index
          %get3A_829 = arith.index_cast %add3A_826 : i32 to index
          %get3A_830 = tpu.vector_load %arg16[%get3A_828, %get3A_829] {strides = array<i32>} : memref<4x1024xi32, #tpu.memory_space<vmem>>, vector<16xi32>,
          %add3A_831 = arith.constant 512 : i32
          %add3A_832 = vector.broadcast %add3A_831 : i32 to vector<16xi32>
          %add3A_833 = arith.addi %add3A_832, %add3A_436 : vector<16xi32>
          %gather3A_834 = tpu.vector_load_idx %arg18[%broadcast_in_dim3A_702, %add3A_833, %get3A_830] : memref<4x1024x16xf32, #tpu.memory_space<vmem>>[vector<16xi32>, vector<16xi32>, vector<16xi32>], vector<16xf32>,
          %add3A_835 = arith.constant 1 : i32
          %add3A_836 = vector.broadcast %add3A_835 : i32 to vector<16xi32>
          %add3A_837 = arith.addi %get3A_830, %add3A_836 : vector<16xi32>
          %gather3A_838 = tpu.vector_load_idx %arg18[%broadcast_in_dim3A_702, %add3A_833, %add3A_837] : memref<4x1024x16xf32, #tpu.memory_space<vmem>>[vector<16xi32>, vector<16xi32>, vector<16xi32>], vector<16xf32>,
          %mul3A_839 = arith.mulf %gather3A_834, %get3A_822 : vector<16xf32>
          %add3A_840 = arith.addf %add3A_812, %mul3A_839 : vector<16xf32>
          %mul3A_841 = arith.mulf %gather3A_838, %get3A_822 : vector<16xf32>
          %add3A_842 = arith.addf %add3A_814, %mul3A_841 : vector<16xf32>
          %mul3A_843 = arith.constant 16 : i32
          %mul3A_844 = arith.muli %scan3A_432, %mul3A_843 : i32
          %add3A_845 = arith.constant 640 : i32
          %add3A_846 = arith.addi %add3A_845, %mul3A_844 : i32
          %get3A_847 = arith.constant 1 : i32
          %get3A_848 = arith.index_cast %get3A_847 : i32 to index
          %get3A_849 = arith.index_cast %add3A_846 : i32 to index
          %get3A_850 = tpu.vector_load %arg17[%get3A_848, %get3A_849] {strides = array<i32>} : memref<4x1024xf32, #tpu.memory_space<vmem>>, vector<16xf32>,
          %mul3A_851 = arith.constant 16 : i32
          %mul3A_852 = arith.muli %scan3A_432, %mul3A_851 : i32
          %add3A_853 = arith.constant 640 : i32
          %add3A_854 = arith.addi %add3A_853, %mul3A_852 : i32
          %get3A_855 = arith.constant 1 : i32
          %get3A_856 = arith.index_cast %get3A_855 : i32 to index
          %get3A_857 = arith.index_cast %add3A_854 : i32 to index
          %get3A_858 = tpu.vector_load %arg16[%get3A_856, %get3A_857] {strides = array<i32>} : memref<4x1024xi32, #tpu.memory_space<vmem>>, vector<16xi32>,
          %add3A_859 = arith.constant 640 : i32
          %add3A_860 = vector.broadcast %add3A_859 : i32 to vector<16xi32>
          %add3A_861 = arith.addi %add3A_860, %add3A_436 : vector<16xi32>
          %gather3A_862 = tpu.vector_load_idx %arg18[%broadcast_in_dim3A_702, %add3A_861, %get3A_858] : memref<4x1024x16xf32, #tpu.memory_space<vmem>>[vector<16xi32>, vector<16xi32>, vector<16xi32>], vector<16xf32>,
          %add3A_863 = arith.constant 1 : i32
          %add3A_864 = vector.broadcast %add3A_863 : i32 to vector<16xi32>
          %add3A_865 = arith.addi %get3A_858, %add3A_864 : vector<16xi32>
          %gather3A_866 = tpu.vector_load_idx %arg18[%broadcast_in_dim3A_702, %add3A_861, %add3A_865] : memref<4x1024x16xf32, #tpu.memory_space<vmem>>[vector<16xi32>, vector<16xi32>, vector<16xi32>], vector<16xf32>,
          %mul3A_867 = arith.mulf %gather3A_862, %get3A_850 : vector<16xf32>
          %add3A_868 = arith.addf %add3A_840, %mul3A_867 : vector<16xf32>
          %mul3A_869 = arith.mulf %gather3A_866, %get3A_850 : vector<16xf32>
          %add3A_870 = arith.addf %add3A_842, %mul3A_869 : vector<16xf32>
          %mul3A_871 = arith.constant 16 : i32
          %mul3A_872 = arith.muli %scan3A_432, %mul3A_871 : i32
          %add3A_873 = arith.constant 768 : i32
          %add3A_874 = arith.addi %add3A_873, %mul3A_872 : i32
          %get3A_875 = arith.constant 1 : i32
          %get3A_876 = arith.index_cast %get3A_875 : i32 to index
          %get3A_877 = arith.index_cast %add3A_874 : i32 to index
          %get3A_878 = tpu.vector_load %arg17[%get3A_876, %get3A_877] {strides = array<i32>} : memref<4x1024xf32, #tpu.memory_space<vmem>>, vector<16xf32>,
          %mul3A_879 = arith.constant 16 : i32
          %mul3A_880 = arith.muli %scan3A_432, %mul3A_879 : i32
          %add3A_881 = arith.constant 768 : i32
          %add3A_882 = arith.addi %add3A_881, %mul3A_880 : i32
          %get3A_883 = arith.constant 1 : i32
          %get3A_884 = arith.index_cast %get3A_883 : i32 to index
          %get3A_885 = arith.index_cast %add3A_882 : i32 to index
          %get3A_886 = tpu.vector_load %arg16[%get3A_884, %get3A_885] {strides = array<i32>} : memref<4x1024xi32, #tpu.memory_space<vmem>>, vector<16xi32>,
          %add3A_887 = arith.constant 768 : i32
          %add3A_888 = vector.broadcast %add3A_887 : i32 to vector<16xi32>
          %add3A_889 = arith.addi %add3A_888, %add3A_436 : vector<16xi32>
          %gather3A_890 = tpu.vector_load_idx %arg18[%broadcast_in_dim3A_702, %add3A_889, %get3A_886] : memref<4x1024x16xf32, #tpu.memory_space<vmem>>[vector<16xi32>, vector<16xi32>, vector<16xi32>], vector<16xf32>,
          %add3A_891 = arith.constant 1 : i32
          %add3A_892 = vector.broadcast %add3A_891 : i32 to vector<16xi32>
          %add3A_893 = arith.addi %get3A_886, %add3A_892 : vector<16xi32>
          %gather3A_894 = tpu.vector_load_idx %arg18[%broadcast_in_dim3A_702, %add3A_889, %add3A_893] : memref<4x1024x16xf32, #tpu.memory_space<vmem>>[vector<16xi32>, vector<16xi32>, vector<16xi32>], vector<16xf32>,
          %mul3A_895 = arith.mulf %gather3A_890, %get3A_878 : vector<16xf32>
          %add3A_896 = arith.addf %add3A_868, %mul3A_895 : vector<16xf32>
          %mul3A_897 = arith.mulf %gather3A_894, %get3A_878 : vector<16xf32>
          %add3A_898 = arith.addf %add3A_870, %mul3A_897 : vector<16xf32>
          %mul3A_899 = arith.constant 16 : i32
          %mul3A_900 = arith.muli %scan3A_432, %mul3A_899 : i32
          %add3A_901 = arith.constant 896 : i32
          %add3A_902 = arith.addi %add3A_901, %mul3A_900 : i32
          %get3A_903 = arith.constant 1 : i32
          %get3A_904 = arith.index_cast %get3A_903 : i32 to index
          %get3A_905 = arith.index_cast %add3A_902 : i32 to index
          %get3A_906 = tpu.vector_load %arg17[%get3A_904, %get3A_905] {strides = array<i32>} : memref<4x1024xf32, #tpu.memory_space<vmem>>, vector<16xf32>,
          %mul3A_907 = arith.constant 16 : i32
          %mul3A_908 = arith.muli %scan3A_432, %mul3A_907 : i32
          %add3A_909 = arith.constant 896 : i32
          %add3A_910 = arith.addi %add3A_909, %mul3A_908 : i32
          %get3A_911 = arith.constant 1 : i32
          %get3A_912 = arith.index_cast %get3A_911 : i32 to index
          %get3A_913 = arith.index_cast %add3A_910 : i32 to index
          %get3A_914 = tpu.vector_load %arg16[%get3A_912, %get3A_913] {strides = array<i32>} : memref<4x1024xi32, #tpu.memory_space<vmem>>, vector<16xi32>,
          %add3A_915 = arith.constant 896 : i32
          %add3A_916 = vector.broadcast %add3A_915 : i32 to vector<16xi32>
          %add3A_917 = arith.addi %add3A_916, %add3A_436 : vector<16xi32>
          %gather3A_918 = tpu.vector_load_idx %arg18[%broadcast_in_dim3A_702, %add3A_917, %get3A_914] : memref<4x1024x16xf32, #tpu.memory_space<vmem>>[vector<16xi32>, vector<16xi32>, vector<16xi32>], vector<16xf32>,
          %add3A_919 = arith.constant 1 : i32
          %add3A_920 = vector.broadcast %add3A_919 : i32 to vector<16xi32>
          %add3A_921 = arith.addi %get3A_914, %add3A_920 : vector<16xi32>
          %gather3A_922 = tpu.vector_load_idx %arg18[%broadcast_in_dim3A_702, %add3A_917, %add3A_921] : memref<4x1024x16xf32, #tpu.memory_space<vmem>>[vector<16xi32>, vector<16xi32>, vector<16xi32>], vector<16xf32>,
          %mul3A_923 = arith.mulf %gather3A_918, %get3A_906 : vector<16xf32>
          %add3A_924 = arith.addf %add3A_896, %mul3A_923 : vector<16xf32>
          %mul3A_925 = arith.mulf %gather3A_922, %get3A_906 : vector<16xf32>
          %add3A_926 = arith.addf %add3A_898, %mul3A_925 : vector<16xf32>
          %broadcast_in_dim3A_927 = arith.constant 2 : i32
          %broadcast_in_dim3A_928 = vector.broadcast %broadcast_in_dim3A_927 : i32 to vector<16xi32>
          %mul3A_929 = arith.constant 16 : i32
          %mul3A_930 = arith.muli %scan3A_432, %mul3A_929 : i32
          %get3A_931 = arith.constant 2 : i32
          %get3A_932 = arith.index_cast %get3A_931 : i32 to index
          %get3A_933 = arith.index_cast %mul3A_930 : i32 to index
          %get3A_934 = tpu.vector_load %arg11[%get3A_932, %get3A_933] {strides = array<i32>} : memref<4x128xf32, #tpu.memory_space<vmem>>, vector<16xf32>,
          %mul3A_935 = arith.constant 16 : i32
          %mul3A_936 = arith.muli %scan3A_432, %mul3A_935 : i32
          %get3A_937 = arith.constant 2 : i32
          %get3A_938 = arith.index_cast %get3A_937 : i32 to index
          %get3A_939 = arith.index_cast %mul3A_936 : i32 to index
          %get3A_940 = tpu.vector_load %arg12[%get3A_938, %get3A_939] {strides = array<i32>} : memref<4x128xf32, #tpu.memory_space<vmem>>, vector<16xf32>,
          %mul3A_941 = arith.constant 2 : i32
          %mul3A_942 = vector.broadcast %mul3A_941 : i32 to vector<16xi32>
          %mul3A_943 = arith.muli %broadcast_in_dim3A_232, %mul3A_942 : vector<16xi32>
          %add3A_944 = arith.constant 0 : i32
          %add3A_945 = vector.broadcast %add3A_944 : i32 to vector<16xi32>
          %add3A_946 = arith.addi %mul3A_943, %add3A_945 : vector<16xi32>
          %gather3A_947 = tpu.vector_load_idx %arg13[%broadcast_in_dim3A_928, %add3A_436, %add3A_946] : memref<4x128x32xf32, #tpu.memory_space<vmem>>[vector<16xi32>, vector<16xi32>, vector<16xi32>], vector<16xf32>,
          %gather3A_948 = tpu.vector_load_idx %arg14[%broadcast_in_dim3A_928, %add3A_436, %add3A_946] : memref<4x128x32xf32, #tpu.memory_space<vmem>>[vector<16xi32>, vector<16xi32>, vector<16xi32>], vector<16xf32>,
          %mul3A_949 = arith.mulf %gather3A_947, %get3A_940 : vector<16xf32>
          %mul3A_950 = arith.mulf %gather3A_948, %get3A_934 : vector<16xf32>
          %add3A_951 = arith.addf %mul3A_949, %mul3A_950 : vector<16xf32>
          %mul3A_952 = arith.mulf %add3A_924, %add3A_951 : vector<16xf32>
          %add3A_953 = arith.addf %add3A_687, %mul3A_952 : vector<16xf32>
          %mul3A_954 = arith.constant 2 : i32
          %mul3A_955 = vector.broadcast %mul3A_954 : i32 to vector<16xi32>
          %mul3A_956 = arith.muli %broadcast_in_dim3A_232, %mul3A_955 : vector<16xi32>
          %add3A_957 = arith.constant 1 : i32
          %add3A_958 = vector.broadcast %add3A_957 : i32 to vector<16xi32>
          %add3A_959 = arith.addi %mul3A_956, %add3A_958 : vector<16xi32>
          %gather3A_960 = tpu.vector_load_idx %arg13[%broadcast_in_dim3A_928, %add3A_436, %add3A_959] : memref<4x128x32xf32, #tpu.memory_space<vmem>>[vector<16xi32>, vector<16xi32>, vector<16xi32>], vector<16xf32>,
          %gather3A_961 = tpu.vector_load_idx %arg14[%broadcast_in_dim3A_928, %add3A_436, %add3A_959] : memref<4x128x32xf32, #tpu.memory_space<vmem>>[vector<16xi32>, vector<16xi32>, vector<16xi32>], vector<16xf32>,
          %mul3A_962 = arith.mulf %gather3A_960, %get3A_940 : vector<16xf32>
          %mul3A_963 = arith.mulf %gather3A_961, %get3A_934 : vector<16xf32>
          %add3A_964 = arith.addf %mul3A_962, %mul3A_963 : vector<16xf32>
          %mul3A_965 = arith.mulf %add3A_926, %add3A_964 : vector<16xf32>
          %add3A_966 = arith.addf %add3A_700, %mul3A_965 : vector<16xf32>
          %broadcast_in_dim3A_967 = arith.constant 2 : i32
          %broadcast_in_dim3A_968 = vector.broadcast %broadcast_in_dim3A_967 : i32 to vector<16xi32>
          %mul3A_969 = arith.constant 16 : i32
          %mul3A_970 = arith.muli %scan3A_432, %mul3A_969 : i32
          %add3A_971 = arith.constant 0 : i32
          %add3A_972 = arith.addi %add3A_971, %mul3A_970 : i32
          %get3A_973 = arith.constant 2 : i32
          %get3A_974 = arith.index_cast %get3A_973 : i32 to index
          %get3A_975 = arith.index_cast %add3A_972 : i32 to index
          %get3A_976 = tpu.vector_load %arg17[%get3A_974, %get3A_975] {strides = array<i32>} : memref<4x1024xf32, #tpu.memory_space<vmem>>, vector<16xf32>,
          %mul3A_977 = arith.constant 16 : i32
          %mul3A_978 = arith.muli %scan3A_432, %mul3A_977 : i32
          %add3A_979 = arith.constant 0 : i32
          %add3A_980 = arith.addi %add3A_979, %mul3A_978 : i32
          %get3A_981 = arith.constant 2 : i32
          %get3A_982 = arith.index_cast %get3A_981 : i32 to index
          %get3A_983 = arith.index_cast %add3A_980 : i32 to index
          %get3A_984 = tpu.vector_load %arg16[%get3A_982, %get3A_983] {strides = array<i32>} : memref<4x1024xi32, #tpu.memory_space<vmem>>, vector<16xi32>,
          %add3A_985 = arith.constant 0 : i32
          %add3A_986 = vector.broadcast %add3A_985 : i32 to vector<16xi32>
          %add3A_987 = arith.addi %add3A_986, %add3A_436 : vector<16xi32>
          %gather3A_988 = tpu.vector_load_idx %arg18[%broadcast_in_dim3A_968, %add3A_987, %get3A_984] : memref<4x1024x16xf32, #tpu.memory_space<vmem>>[vector<16xi32>, vector<16xi32>, vector<16xi32>], vector<16xf32>,
          %add3A_989 = arith.constant 1 : i32
          %add3A_990 = vector.broadcast %add3A_989 : i32 to vector<16xi32>
          %add3A_991 = arith.addi %get3A_984, %add3A_990 : vector<16xi32>
          %gather3A_992 = tpu.vector_load_idx %arg18[%broadcast_in_dim3A_968, %add3A_987, %add3A_991] : memref<4x1024x16xf32, #tpu.memory_space<vmem>>[vector<16xi32>, vector<16xi32>, vector<16xi32>], vector<16xf32>,
          %mul3A_993 = arith.mulf %gather3A_988, %get3A_976 : vector<16xf32>
          %add3A_994 = arith.addf %broadcast_in_dim3A_1, %mul3A_993 : vector<16xf32>
          %mul3A_995 = arith.mulf %gather3A_992, %get3A_976 : vector<16xf32>
          %add3A_996 = arith.addf %broadcast_in_dim3A_1, %mul3A_995 : vector<16xf32>
          %mul3A_997 = arith.constant 16 : i32
          %mul3A_998 = arith.muli %scan3A_432, %mul3A_997 : i32
          %add3A_999 = arith.constant 128 : i32
          %add3A_1000 = arith.addi %add3A_999, %mul3A_998 : i32
          %get3A_1001 = arith.constant 2 : i32
          %get3A_1002 = arith.index_cast %get3A_1001 : i32 to index
          %get3A_1003 = arith.index_cast %add3A_1000 : i32 to index
          %get3A_1004 = tpu.vector_load %arg17[%get3A_1002, %get3A_1003] {strides = array<i32>} : memref<4x1024xf32, #tpu.memory_space<vmem>>, vector<16xf32>,
          %mul3A_1005 = arith.constant 16 : i32
          %mul3A_1006 = arith.muli %scan3A_432, %mul3A_1005 : i32
          %add3A_1007 = arith.constant 128 : i32
          %add3A_1008 = arith.addi %add3A_1007, %mul3A_1006 : i32
          %get3A_1009 = arith.constant 2 : i32
          %get3A_1010 = arith.index_cast %get3A_1009 : i32 to index
          %get3A_1011 = arith.index_cast %add3A_1008 : i32 to index
          %get3A_1012 = tpu.vector_load %arg16[%get3A_1010, %get3A_1011] {strides = array<i32>} : memref<4x1024xi32, #tpu.memory_space<vmem>>, vector<16xi32>,
          %add3A_1013 = arith.constant 128 : i32
          %add3A_1014 = vector.broadcast %add3A_1013 : i32 to vector<16xi32>
          %add3A_1015 = arith.addi %add3A_1014, %add3A_436 : vector<16xi32>
          %gather3A_1016 = tpu.vector_load_idx %arg18[%broadcast_in_dim3A_968, %add3A_1015, %get3A_1012] : memref<4x1024x16xf32, #tpu.memory_space<vmem>>[vector<16xi32>, vector<16xi32>, vector<16xi32>], vector<16xf32>,
          %add3A_1017 = arith.constant 1 : i32
          %add3A_1018 = vector.broadcast %add3A_1017 : i32 to vector<16xi32>
          %add3A_1019 = arith.addi %get3A_1012, %add3A_1018 : vector<16xi32>
          %gather3A_1020 = tpu.vector_load_idx %arg18[%broadcast_in_dim3A_968, %add3A_1015, %add3A_1019] : memref<4x1024x16xf32, #tpu.memory_space<vmem>>[vector<16xi32>, vector<16xi32>, vector<16xi32>], vector<16xf32>,
          %mul3A_1021 = arith.mulf %gather3A_1016, %get3A_1004 : vector<16xf32>
          %add3A_1022 = arith.addf %add3A_994, %mul3A_1021 : vector<16xf32>
          %mul3A_1023 = arith.mulf %gather3A_1020, %get3A_1004 : vector<16xf32>
          %add3A_1024 = arith.addf %add3A_996, %mul3A_1023 : vector<16xf32>
          %mul3A_1025 = arith.constant 16 : i32
          %mul3A_1026 = arith.muli %scan3A_432, %mul3A_1025 : i32
          %add3A_1027 = arith.constant 256 : i32
          %add3A_1028 = arith.addi %add3A_1027, %mul3A_1026 : i32
          %get3A_1029 = arith.constant 2 : i32
          %get3A_1030 = arith.index_cast %get3A_1029 : i32 to index
          %get3A_1031 = arith.index_cast %add3A_1028 : i32 to index
          %get3A_1032 = tpu.vector_load %arg17[%get3A_1030, %get3A_1031] {strides = array<i32>} : memref<4x1024xf32, #tpu.memory_space<vmem>>, vector<16xf32>,
          %mul3A_1033 = arith.constant 16 : i32
          %mul3A_1034 = arith.muli %scan3A_432, %mul3A_1033 : i32
          %add3A_1035 = arith.constant 256 : i32
          %add3A_1036 = arith.addi %add3A_1035, %mul3A_1034 : i32
          %get3A_1037 = arith.constant 2 : i32
          %get3A_1038 = arith.index_cast %get3A_1037 : i32 to index
          %get3A_1039 = arith.index_cast %add3A_1036 : i32 to index
          %get3A_1040 = tpu.vector_load %arg16[%get3A_1038, %get3A_1039] {strides = array<i32>} : memref<4x1024xi32, #tpu.memory_space<vmem>>, vector<16xi32>,
          %add3A_1041 = arith.constant 256 : i32
          %add3A_1042 = vector.broadcast %add3A_1041 : i32 to vector<16xi32>
          %add3A_1043 = arith.addi %add3A_1042, %add3A_436 : vector<16xi32>
          %gather3A_1044 = tpu.vector_load_idx %arg18[%broadcast_in_dim3A_968, %add3A_1043, %get3A_1040] : memref<4x1024x16xf32, #tpu.memory_space<vmem>>[vector<16xi32>, vector<16xi32>, vector<16xi32>], vector<16xf32>,
          %add3A_1045 = arith.constant 1 : i32
          %add3A_1046 = vector.broadcast %add3A_1045 : i32 to vector<16xi32>
          %add3A_1047 = arith.addi %get3A_1040, %add3A_1046 : vector<16xi32>
          %gather3A_1048 = tpu.vector_load_idx %arg18[%broadcast_in_dim3A_968, %add3A_1043, %add3A_1047] : memref<4x1024x16xf32, #tpu.memory_space<vmem>>[vector<16xi32>, vector<16xi32>, vector<16xi32>], vector<16xf32>,
          %mul3A_1049 = arith.mulf %gather3A_1044, %get3A_1032 : vector<16xf32>
          %add3A_1050 = arith.addf %add3A_1022, %mul3A_1049 : vector<16xf32>
          %mul3A_1051 = arith.mulf %gather3A_1048, %get3A_1032 : vector<16xf32>
          %add3A_1052 = arith.addf %add3A_1024, %mul3A_1051 : vector<16xf32>
          %mul3A_1053 = arith.constant 16 : i32
          %mul3A_1054 = arith.muli %scan3A_432, %mul3A_1053 : i32
          %add3A_1055 = arith.constant 384 : i32
          %add3A_1056 = arith.addi %add3A_1055, %mul3A_1054 : i32
          %get3A_1057 = arith.constant 2 : i32
          %get3A_1058 = arith.index_cast %get3A_1057 : i32 to index
          %get3A_1059 = arith.index_cast %add3A_1056 : i32 to index
          %get3A_1060 = tpu.vector_load %arg17[%get3A_1058, %get3A_1059] {strides = array<i32>} : memref<4x1024xf32, #tpu.memory_space<vmem>>, vector<16xf32>,
          %mul3A_1061 = arith.constant 16 : i32
          %mul3A_1062 = arith.muli %scan3A_432, %mul3A_1061 : i32
          %add3A_1063 = arith.constant 384 : i32
          %add3A_1064 = arith.addi %add3A_1063, %mul3A_1062 : i32
          %get3A_1065 = arith.constant 2 : i32
          %get3A_1066 = arith.index_cast %get3A_1065 : i32 to index
          %get3A_1067 = arith.index_cast %add3A_1064 : i32 to index
          %get3A_1068 = tpu.vector_load %arg16[%get3A_1066, %get3A_1067] {strides = array<i32>} : memref<4x1024xi32, #tpu.memory_space<vmem>>, vector<16xi32>,
          %add3A_1069 = arith.constant 384 : i32
          %add3A_1070 = vector.broadcast %add3A_1069 : i32 to vector<16xi32>
          %add3A_1071 = arith.addi %add3A_1070, %add3A_436 : vector<16xi32>
          %gather3A_1072 = tpu.vector_load_idx %arg18[%broadcast_in_dim3A_968, %add3A_1071, %get3A_1068] : memref<4x1024x16xf32, #tpu.memory_space<vmem>>[vector<16xi32>, vector<16xi32>, vector<16xi32>], vector<16xf32>,
          %add3A_1073 = arith.constant 1 : i32
          %add3A_1074 = vector.broadcast %add3A_1073 : i32 to vector<16xi32>
          %add3A_1075 = arith.addi %get3A_1068, %add3A_1074 : vector<16xi32>
          %gather3A_1076 = tpu.vector_load_idx %arg18[%broadcast_in_dim3A_968, %add3A_1071, %add3A_1075] : memref<4x1024x16xf32, #tpu.memory_space<vmem>>[vector<16xi32>, vector<16xi32>, vector<16xi32>], vector<16xf32>,
          %mul3A_1077 = arith.mulf %gather3A_1072, %get3A_1060 : vector<16xf32>
          %add3A_1078 = arith.addf %add3A_1050, %mul3A_1077 : vector<16xf32>
          %mul3A_1079 = arith.mulf %gather3A_1076, %get3A_1060 : vector<16xf32>
          %add3A_1080 = arith.addf %add3A_1052, %mul3A_1079 : vector<16xf32>
          %mul3A_1081 = arith.constant 16 : i32
          %mul3A_1082 = arith.muli %scan3A_432, %mul3A_1081 : i32
          %add3A_1083 = arith.constant 512 : i32
          %add3A_1084 = arith.addi %add3A_1083, %mul3A_1082 : i32
          %get3A_1085 = arith.constant 2 : i32
          %get3A_1086 = arith.index_cast %get3A_1085 : i32 to index
          %get3A_1087 = arith.index_cast %add3A_1084 : i32 to index
          %get3A_1088 = tpu.vector_load %arg17[%get3A_1086, %get3A_1087] {strides = array<i32>} : memref<4x1024xf32, #tpu.memory_space<vmem>>, vector<16xf32>,
          %mul3A_1089 = arith.constant 16 : i32
          %mul3A_1090 = arith.muli %scan3A_432, %mul3A_1089 : i32
          %add3A_1091 = arith.constant 512 : i32
          %add3A_1092 = arith.addi %add3A_1091, %mul3A_1090 : i32
          %get3A_1093 = arith.constant 2 : i32
          %get3A_1094 = arith.index_cast %get3A_1093 : i32 to index
          %get3A_1095 = arith.index_cast %add3A_1092 : i32 to index
          %get3A_1096 = tpu.vector_load %arg16[%get3A_1094, %get3A_1095] {strides = array<i32>} : memref<4x1024xi32, #tpu.memory_space<vmem>>, vector<16xi32>,
          %add3A_1097 = arith.constant 512 : i32
          %add3A_1098 = vector.broadcast %add3A_1097 : i32 to vector<16xi32>
          %add3A_1099 = arith.addi %add3A_1098, %add3A_436 : vector<16xi32>
          %gather3A_1100 = tpu.vector_load_idx %arg18[%broadcast_in_dim3A_968, %add3A_1099, %get3A_1096] : memref<4x1024x16xf32, #tpu.memory_space<vmem>>[vector<16xi32>, vector<16xi32>, vector<16xi32>], vector<16xf32>,
          %add3A_1101 = arith.constant 1 : i32
          %add3A_1102 = vector.broadcast %add3A_1101 : i32 to vector<16xi32>
          %add3A_1103 = arith.addi %get3A_1096, %add3A_1102 : vector<16xi32>
          %gather3A_1104 = tpu.vector_load_idx %arg18[%broadcast_in_dim3A_968, %add3A_1099, %add3A_1103] : memref<4x1024x16xf32, #tpu.memory_space<vmem>>[vector<16xi32>, vector<16xi32>, vector<16xi32>], vector<16xf32>,
          %mul3A_1105 = arith.mulf %gather3A_1100, %get3A_1088 : vector<16xf32>
          %add3A_1106 = arith.addf %add3A_1078, %mul3A_1105 : vector<16xf32>
          %mul3A_1107 = arith.mulf %gather3A_1104, %get3A_1088 : vector<16xf32>
          %add3A_1108 = arith.addf %add3A_1080, %mul3A_1107 : vector<16xf32>
          %mul3A_1109 = arith.constant 16 : i32
          %mul3A_1110 = arith.muli %scan3A_432, %mul3A_1109 : i32
          %add3A_1111 = arith.constant 640 : i32
          %add3A_1112 = arith.addi %add3A_1111, %mul3A_1110 : i32
          %get3A_1113 = arith.constant 2 : i32
          %get3A_1114 = arith.index_cast %get3A_1113 : i32 to index
          %get3A_1115 = arith.index_cast %add3A_1112 : i32 to index
          %get3A_1116 = tpu.vector_load %arg17[%get3A_1114, %get3A_1115] {strides = array<i32>} : memref<4x1024xf32, #tpu.memory_space<vmem>>, vector<16xf32>,
          %mul3A_1117 = arith.constant 16 : i32
          %mul3A_1118 = arith.muli %scan3A_432, %mul3A_1117 : i32
          %add3A_1119 = arith.constant 640 : i32
          %add3A_1120 = arith.addi %add3A_1119, %mul3A_1118 : i32
          %get3A_1121 = arith.constant 2 : i32
          %get3A_1122 = arith.index_cast %get3A_1121 : i32 to index
          %get3A_1123 = arith.index_cast %add3A_1120 : i32 to index
          %get3A_1124 = tpu.vector_load %arg16[%get3A_1122, %get3A_1123] {strides = array<i32>} : memref<4x1024xi32, #tpu.memory_space<vmem>>, vector<16xi32>,
          %add3A_1125 = arith.constant 640 : i32
          %add3A_1126 = vector.broadcast %add3A_1125 : i32 to vector<16xi32>
          %add3A_1127 = arith.addi %add3A_1126, %add3A_436 : vector<16xi32>
          %gather3A_1128 = tpu.vector_load_idx %arg18[%broadcast_in_dim3A_968, %add3A_1127, %get3A_1124] : memref<4x1024x16xf32, #tpu.memory_space<vmem>>[vector<16xi32>, vector<16xi32>, vector<16xi32>], vector<16xf32>,
          %add3A_1129 = arith.constant 1 : i32
          %add3A_1130 = vector.broadcast %add3A_1129 : i32 to vector<16xi32>
          %add3A_1131 = arith.addi %get3A_1124, %add3A_1130 : vector<16xi32>
          %gather3A_1132 = tpu.vector_load_idx %arg18[%broadcast_in_dim3A_968, %add3A_1127, %add3A_1131] : memref<4x1024x16xf32, #tpu.memory_space<vmem>>[vector<16xi32>, vector<16xi32>, vector<16xi32>], vector<16xf32>,
          %mul3A_1133 = arith.mulf %gather3A_1128, %get3A_1116 : vector<16xf32>
          %add3A_1134 = arith.addf %add3A_1106, %mul3A_1133 : vector<16xf32>
          %mul3A_1135 = arith.mulf %gather3A_1132, %get3A_1116 : vector<16xf32>
          %add3A_1136 = arith.addf %add3A_1108, %mul3A_1135 : vector<16xf32>
          %mul3A_1137 = arith.constant 16 : i32
          %mul3A_1138 = arith.muli %scan3A_432, %mul3A_1137 : i32
          %add3A_1139 = arith.constant 768 : i32
          %add3A_1140 = arith.addi %add3A_1139, %mul3A_1138 : i32
          %get3A_1141 = arith.constant 2 : i32
          %get3A_1142 = arith.index_cast %get3A_1141 : i32 to index
          %get3A_1143 = arith.index_cast %add3A_1140 : i32 to index
          %get3A_1144 = tpu.vector_load %arg17[%get3A_1142, %get3A_1143] {strides = array<i32>} : memref<4x1024xf32, #tpu.memory_space<vmem>>, vector<16xf32>,
          %mul3A_1145 = arith.constant 16 : i32
          %mul3A_1146 = arith.muli %scan3A_432, %mul3A_1145 : i32
          %add3A_1147 = arith.constant 768 : i32
          %add3A_1148 = arith.addi %add3A_1147, %mul3A_1146 : i32
          %get3A_1149 = arith.constant 2 : i32
          %get3A_1150 = arith.index_cast %get3A_1149 : i32 to index
          %get3A_1151 = arith.index_cast %add3A_1148 : i32 to index
          %get3A_1152 = tpu.vector_load %arg16[%get3A_1150, %get3A_1151] {strides = array<i32>} : memref<4x1024xi32, #tpu.memory_space<vmem>>, vector<16xi32>,
          %add3A_1153 = arith.constant 768 : i32
          %add3A_1154 = vector.broadcast %add3A_1153 : i32 to vector<16xi32>
          %add3A_1155 = arith.addi %add3A_1154, %add3A_436 : vector<16xi32>
          %gather3A_1156 = tpu.vector_load_idx %arg18[%broadcast_in_dim3A_968, %add3A_1155, %get3A_1152] : memref<4x1024x16xf32, #tpu.memory_space<vmem>>[vector<16xi32>, vector<16xi32>, vector<16xi32>], vector<16xf32>,
          %add3A_1157 = arith.constant 1 : i32
          %add3A_1158 = vector.broadcast %add3A_1157 : i32 to vector<16xi32>
          %add3A_1159 = arith.addi %get3A_1152, %add3A_1158 : vector<16xi32>
          %gather3A_1160 = tpu.vector_load_idx %arg18[%broadcast_in_dim3A_968, %add3A_1155, %add3A_1159] : memref<4x1024x16xf32, #tpu.memory_space<vmem>>[vector<16xi32>, vector<16xi32>, vector<16xi32>], vector<16xf32>,
          %mul3A_1161 = arith.mulf %gather3A_1156, %get3A_1144 : vector<16xf32>
          %add3A_1162 = arith.addf %add3A_1134, %mul3A_1161 : vector<16xf32>
          %mul3A_1163 = arith.mulf %gather3A_1160, %get3A_1144 : vector<16xf32>
          %add3A_1164 = arith.addf %add3A_1136, %mul3A_1163 : vector<16xf32>
          %mul3A_1165 = arith.constant 16 : i32
          %mul3A_1166 = arith.muli %scan3A_432, %mul3A_1165 : i32
          %add3A_1167 = arith.constant 896 : i32
          %add3A_1168 = arith.addi %add3A_1167, %mul3A_1166 : i32
          %get3A_1169 = arith.constant 2 : i32
          %get3A_1170 = arith.index_cast %get3A_1169 : i32 to index
          %get3A_1171 = arith.index_cast %add3A_1168 : i32 to index
          %get3A_1172 = tpu.vector_load %arg17[%get3A_1170, %get3A_1171] {strides = array<i32>} : memref<4x1024xf32, #tpu.memory_space<vmem>>, vector<16xf32>,
          %mul3A_1173 = arith.constant 16 : i32
          %mul3A_1174 = arith.muli %scan3A_432, %mul3A_1173 : i32
          %add3A_1175 = arith.constant 896 : i32
          %add3A_1176 = arith.addi %add3A_1175, %mul3A_1174 : i32
          %get3A_1177 = arith.constant 2 : i32
          %get3A_1178 = arith.index_cast %get3A_1177 : i32 to index
          %get3A_1179 = arith.index_cast %add3A_1176 : i32 to index
          %get3A_1180 = tpu.vector_load %arg16[%get3A_1178, %get3A_1179] {strides = array<i32>} : memref<4x1024xi32, #tpu.memory_space<vmem>>, vector<16xi32>,
          %add3A_1181 = arith.constant 896 : i32
          %add3A_1182 = vector.broadcast %add3A_1181 : i32 to vector<16xi32>
          %add3A_1183 = arith.addi %add3A_1182, %add3A_436 : vector<16xi32>
          %gather3A_1184 = tpu.vector_load_idx %arg18[%broadcast_in_dim3A_968, %add3A_1183, %get3A_1180] : memref<4x1024x16xf32, #tpu.memory_space<vmem>>[vector<16xi32>, vector<16xi32>, vector<16xi32>], vector<16xf32>,
          %add3A_1185 = arith.constant 1 : i32
          %add3A_1186 = vector.broadcast %add3A_1185 : i32 to vector<16xi32>
          %add3A_1187 = arith.addi %get3A_1180, %add3A_1186 : vector<16xi32>
          %gather3A_1188 = tpu.vector_load_idx %arg18[%broadcast_in_dim3A_968, %add3A_1183, %add3A_1187] : memref<4x1024x16xf32, #tpu.memory_space<vmem>>[vector<16xi32>, vector<16xi32>, vector<16xi32>], vector<16xf32>,
          %mul3A_1189 = arith.mulf %gather3A_1184, %get3A_1172 : vector<16xf32>
          %add3A_1190 = arith.addf %add3A_1162, %mul3A_1189 : vector<16xf32>
          %mul3A_1191 = arith.mulf %gather3A_1188, %get3A_1172 : vector<16xf32>
          %add3A_1192 = arith.addf %add3A_1164, %mul3A_1191 : vector<16xf32>
          %broadcast_in_dim3A_1193 = arith.constant 0 : i32
          %broadcast_in_dim3A_1194 = vector.broadcast %broadcast_in_dim3A_1193 : i32 to vector<16xi32>
          %mul3A_1195 = arith.constant 16 : i32
          %mul3A_1196 = arith.muli %scan3A_432, %mul3A_1195 : i32
          %get3A_1197 = arith.constant 0 : i32
          %get3A_1198 = arith.index_cast %get3A_1197 : i32 to index
          %get3A_1199 = arith.index_cast %mul3A_1196 : i32 to index
          %get3A_1200 = tpu.vector_load %arg11[%get3A_1198, %get3A_1199] {strides = array<i32>} : memref<4x128xf32, #tpu.memory_space<vmem>>, vector<16xf32>,
          %mul3A_1201 = arith.constant 16 : i32
          %mul3A_1202 = arith.muli %scan3A_432, %mul3A_1201 : i32
          %get3A_1203 = arith.constant 0 : i32
          %get3A_1204 = arith.index_cast %get3A_1203 : i32 to index
          %get3A_1205 = arith.index_cast %mul3A_1202 : i32 to index
          %get3A_1206 = tpu.vector_load %arg12[%get3A_1204, %get3A_1205] {strides = array<i32>} : memref<4x128xf32, #tpu.memory_space<vmem>>, vector<16xf32>,
          %mul3A_1207 = arith.constant 2 : i32
          %mul3A_1208 = vector.broadcast %mul3A_1207 : i32 to vector<16xi32>
          %mul3A_1209 = arith.muli %broadcast_in_dim3A_232, %mul3A_1208 : vector<16xi32>
          %add3A_1210 = arith.constant 0 : i32
          %add3A_1211 = vector.broadcast %add3A_1210 : i32 to vector<16xi32>
          %add3A_1212 = arith.addi %mul3A_1209, %add3A_1211 : vector<16xi32>
          %gather3A_1213 = tpu.vector_load_idx %arg13[%broadcast_in_dim3A_1194, %add3A_436, %add3A_1212] : memref<4x128x32xf32, #tpu.memory_space<vmem>>[vector<16xi32>, vector<16xi32>, vector<16xi32>], vector<16xf32>,
          %gather3A_1214 = tpu.vector_load_idx %arg14[%broadcast_in_dim3A_1194, %add3A_436, %add3A_1212] : memref<4x128x32xf32, #tpu.memory_space<vmem>>[vector<16xi32>, vector<16xi32>, vector<16xi32>], vector<16xf32>,
          %mul3A_1215 = arith.mulf %gather3A_1213, %get3A_1206 : vector<16xf32>
          %mul3A_1216 = arith.mulf %gather3A_1214, %get3A_1200 : vector<16xf32>
          %add3A_1217 = arith.addf %mul3A_1215, %mul3A_1216 : vector<16xf32>
          %mul3A_1218 = arith.mulf %add3A_1190, %add3A_1217 : vector<16xf32>
          %add3A_1219 = arith.addf %add3A_953, %mul3A_1218 : vector<16xf32>
          %mul3A_1220 = arith.constant 2 : i32
          %mul3A_1221 = vector.broadcast %mul3A_1220 : i32 to vector<16xi32>
          %mul3A_1222 = arith.muli %broadcast_in_dim3A_232, %mul3A_1221 : vector<16xi32>
          %add3A_1223 = arith.constant 1 : i32
          %add3A_1224 = vector.broadcast %add3A_1223 : i32 to vector<16xi32>
          %add3A_1225 = arith.addi %mul3A_1222, %add3A_1224 : vector<16xi32>
          %gather3A_1226 = tpu.vector_load_idx %arg13[%broadcast_in_dim3A_1194, %add3A_436, %add3A_1225] : memref<4x128x32xf32, #tpu.memory_space<vmem>>[vector<16xi32>, vector<16xi32>, vector<16xi32>], vector<16xf32>,
          %gather3A_1227 = tpu.vector_load_idx %arg14[%broadcast_in_dim3A_1194, %add3A_436, %add3A_1225] : memref<4x128x32xf32, #tpu.memory_space<vmem>>[vector<16xi32>, vector<16xi32>, vector<16xi32>], vector<16xf32>,
          %mul3A_1228 = arith.mulf %gather3A_1226, %get3A_1206 : vector<16xf32>
          %mul3A_1229 = arith.mulf %gather3A_1227, %get3A_1200 : vector<16xf32>
          %add3A_1230 = arith.addf %mul3A_1228, %mul3A_1229 : vector<16xf32>
          %mul3A_1231 = arith.mulf %add3A_1192, %add3A_1230 : vector<16xf32>
          %add3A_1232 = arith.addf %add3A_966, %mul3A_1231 : vector<16xf32>
          %broadcast_in_dim3A_1233 = arith.constant 3 : i32
          %broadcast_in_dim3A_1234 = vector.broadcast %broadcast_in_dim3A_1233 : i32 to vector<16xi32>
          %mul3A_1235 = arith.constant 16 : i32
          %mul3A_1236 = arith.muli %scan3A_432, %mul3A_1235 : i32
          %add3A_1237 = arith.constant 0 : i32
          %add3A_1238 = arith.addi %add3A_1237, %mul3A_1236 : i32
          %get3A_1239 = arith.constant 3 : i32
          %get3A_1240 = arith.index_cast %get3A_1239 : i32 to index
          %get3A_1241 = arith.index_cast %add3A_1238 : i32 to index
          %get3A_1242 = tpu.vector_load %arg17[%get3A_1240, %get3A_1241] {strides = array<i32>} : memref<4x1024xf32, #tpu.memory_space<vmem>>, vector<16xf32>,
          %mul3A_1243 = arith.constant 16 : i32
          %mul3A_1244 = arith.muli %scan3A_432, %mul3A_1243 : i32
          %add3A_1245 = arith.constant 0 : i32
          %add3A_1246 = arith.addi %add3A_1245, %mul3A_1244 : i32
          %get3A_1247 = arith.constant 3 : i32
          %get3A_1248 = arith.index_cast %get3A_1247 : i32 to index
          %get3A_1249 = arith.index_cast %add3A_1246 : i32 to index
          %get3A_1250 = tpu.vector_load %arg16[%get3A_1248, %get3A_1249] {strides = array<i32>} : memref<4x1024xi32, #tpu.memory_space<vmem>>, vector<16xi32>,
          %add3A_1251 = arith.constant 0 : i32
          %add3A_1252 = vector.broadcast %add3A_1251 : i32 to vector<16xi32>
          %add3A_1253 = arith.addi %add3A_1252, %add3A_436 : vector<16xi32>
          %gather3A_1254 = tpu.vector_load_idx %arg18[%broadcast_in_dim3A_1234, %add3A_1253, %get3A_1250] : memref<4x1024x16xf32, #tpu.memory_space<vmem>>[vector<16xi32>, vector<16xi32>, vector<16xi32>], vector<16xf32>,
          %add3A_1255 = arith.constant 1 : i32
          %add3A_1256 = vector.broadcast %add3A_1255 : i32 to vector<16xi32>
          %add3A_1257 = arith.addi %get3A_1250, %add3A_1256 : vector<16xi32>
          %gather3A_1258 = tpu.vector_load_idx %arg18[%broadcast_in_dim3A_1234, %add3A_1253, %add3A_1257] : memref<4x1024x16xf32, #tpu.memory_space<vmem>>[vector<16xi32>, vector<16xi32>, vector<16xi32>], vector<16xf32>,
          %mul3A_1259 = arith.mulf %gather3A_1254, %get3A_1242 : vector<16xf32>
          %add3A_1260 = arith.addf %broadcast_in_dim3A_1, %mul3A_1259 : vector<16xf32>
          %mul3A_1261 = arith.mulf %gather3A_1258, %get3A_1242 : vector<16xf32>
          %add3A_1262 = arith.addf %broadcast_in_dim3A_1, %mul3A_1261 : vector<16xf32>
          %mul3A_1263 = arith.constant 16 : i32
          %mul3A_1264 = arith.muli %scan3A_432, %mul3A_1263 : i32
          %add3A_1265 = arith.constant 128 : i32
          %add3A_1266 = arith.addi %add3A_1265, %mul3A_1264 : i32
          %get3A_1267 = arith.constant 3 : i32
          %get3A_1268 = arith.index_cast %get3A_1267 : i32 to index
          %get3A_1269 = arith.index_cast %add3A_1266 : i32 to index
          %get3A_1270 = tpu.vector_load %arg17[%get3A_1268, %get3A_1269] {strides = array<i32>} : memref<4x1024xf32, #tpu.memory_space<vmem>>, vector<16xf32>,
          %mul3A_1271 = arith.constant 16 : i32
          %mul3A_1272 = arith.muli %scan3A_432, %mul3A_1271 : i32
          %add3A_1273 = arith.constant 128 : i32
          %add3A_1274 = arith.addi %add3A_1273, %mul3A_1272 : i32
          %get3A_1275 = arith.constant 3 : i32
          %get3A_1276 = arith.index_cast %get3A_1275 : i32 to index
          %get3A_1277 = arith.index_cast %add3A_1274 : i32 to index
          %get3A_1278 = tpu.vector_load %arg16[%get3A_1276, %get3A_1277] {strides = array<i32>} : memref<4x1024xi32, #tpu.memory_space<vmem>>, vector<16xi32>,
          %add3A_1279 = arith.constant 128 : i32
          %add3A_1280 = vector.broadcast %add3A_1279 : i32 to vector<16xi32>
          %add3A_1281 = arith.addi %add3A_1280, %add3A_436 : vector<16xi32>
          %gather3A_1282 = tpu.vector_load_idx %arg18[%broadcast_in_dim3A_1234, %add3A_1281, %get3A_1278] : memref<4x1024x16xf32, #tpu.memory_space<vmem>>[vector<16xi32>, vector<16xi32>, vector<16xi32>], vector<16xf32>,
          %add3A_1283 = arith.constant 1 : i32
          %add3A_1284 = vector.broadcast %add3A_1283 : i32 to vector<16xi32>
          %add3A_1285 = arith.addi %get3A_1278, %add3A_1284 : vector<16xi32>
          %gather3A_1286 = tpu.vector_load_idx %arg18[%broadcast_in_dim3A_1234, %add3A_1281, %add3A_1285] : memref<4x1024x16xf32, #tpu.memory_space<vmem>>[vector<16xi32>, vector<16xi32>, vector<16xi32>], vector<16xf32>,
          %mul3A_1287 = arith.mulf %gather3A_1282, %get3A_1270 : vector<16xf32>
          %add3A_1288 = arith.addf %add3A_1260, %mul3A_1287 : vector<16xf32>
          %mul3A_1289 = arith.mulf %gather3A_1286, %get3A_1270 : vector<16xf32>
          %add3A_1290 = arith.addf %add3A_1262, %mul3A_1289 : vector<16xf32>
          %mul3A_1291 = arith.constant 16 : i32
          %mul3A_1292 = arith.muli %scan3A_432, %mul3A_1291 : i32
          %add3A_1293 = arith.constant 256 : i32
          %add3A_1294 = arith.addi %add3A_1293, %mul3A_1292 : i32
          %get3A_1295 = arith.constant 3 : i32
          %get3A_1296 = arith.index_cast %get3A_1295 : i32 to index
          %get3A_1297 = arith.index_cast %add3A_1294 : i32 to index
          %get3A_1298 = tpu.vector_load %arg17[%get3A_1296, %get3A_1297] {strides = array<i32>} : memref<4x1024xf32, #tpu.memory_space<vmem>>, vector<16xf32>,
          %mul3A_1299 = arith.constant 16 : i32
          %mul3A_1300 = arith.muli %scan3A_432, %mul3A_1299 : i32
          %add3A_1301 = arith.constant 256 : i32
          %add3A_1302 = arith.addi %add3A_1301, %mul3A_1300 : i32
          %get3A_1303 = arith.constant 3 : i32
          %get3A_1304 = arith.index_cast %get3A_1303 : i32 to index
          %get3A_1305 = arith.index_cast %add3A_1302 : i32 to index
          %get3A_1306 = tpu.vector_load %arg16[%get3A_1304, %get3A_1305] {strides = array<i32>} : memref<4x1024xi32, #tpu.memory_space<vmem>>, vector<16xi32>,
          %add3A_1307 = arith.constant 256 : i32
          %add3A_1308 = vector.broadcast %add3A_1307 : i32 to vector<16xi32>
          %add3A_1309 = arith.addi %add3A_1308, %add3A_436 : vector<16xi32>
          %gather3A_1310 = tpu.vector_load_idx %arg18[%broadcast_in_dim3A_1234, %add3A_1309, %get3A_1306] : memref<4x1024x16xf32, #tpu.memory_space<vmem>>[vector<16xi32>, vector<16xi32>, vector<16xi32>], vector<16xf32>,
          %add3A_1311 = arith.constant 1 : i32
          %add3A_1312 = vector.broadcast %add3A_1311 : i32 to vector<16xi32>
          %add3A_1313 = arith.addi %get3A_1306, %add3A_1312 : vector<16xi32>
          %gather3A_1314 = tpu.vector_load_idx %arg18[%broadcast_in_dim3A_1234, %add3A_1309, %add3A_1313] : memref<4x1024x16xf32, #tpu.memory_space<vmem>>[vector<16xi32>, vector<16xi32>, vector<16xi32>], vector<16xf32>,
          %mul3A_1315 = arith.mulf %gather3A_1310, %get3A_1298 : vector<16xf32>
          %add3A_1316 = arith.addf %add3A_1288, %mul3A_1315 : vector<16xf32>
          %mul3A_1317 = arith.mulf %gather3A_1314, %get3A_1298 : vector<16xf32>
          %add3A_1318 = arith.addf %add3A_1290, %mul3A_1317 : vector<16xf32>
          %mul3A_1319 = arith.constant 16 : i32
          %mul3A_1320 = arith.muli %scan3A_432, %mul3A_1319 : i32
          %add3A_1321 = arith.constant 384 : i32
          %add3A_1322 = arith.addi %add3A_1321, %mul3A_1320 : i32
          %get3A_1323 = arith.constant 3 : i32
          %get3A_1324 = arith.index_cast %get3A_1323 : i32 to index
          %get3A_1325 = arith.index_cast %add3A_1322 : i32 to index
          %get3A_1326 = tpu.vector_load %arg17[%get3A_1324, %get3A_1325] {strides = array<i32>} : memref<4x1024xf32, #tpu.memory_space<vmem>>, vector<16xf32>,
          %mul3A_1327 = arith.constant 16 : i32
          %mul3A_1328 = arith.muli %scan3A_432, %mul3A_1327 : i32
          %add3A_1329 = arith.constant 384 : i32
          %add3A_1330 = arith.addi %add3A_1329, %mul3A_1328 : i32
          %get3A_1331 = arith.constant 3 : i32
          %get3A_1332 = arith.index_cast %get3A_1331 : i32 to index
          %get3A_1333 = arith.index_cast %add3A_1330 : i32 to index
          %get3A_1334 = tpu.vector_load %arg16[%get3A_1332, %get3A_1333] {strides = array<i32>} : memref<4x1024xi32, #tpu.memory_space<vmem>>, vector<16xi32>,
          %add3A_1335 = arith.constant 384 : i32
          %add3A_1336 = vector.broadcast %add3A_1335 : i32 to vector<16xi32>
          %add3A_1337 = arith.addi %add3A_1336, %add3A_436 : vector<16xi32>
          %gather3A_1338 = tpu.vector_load_idx %arg18[%broadcast_in_dim3A_1234, %add3A_1337, %get3A_1334] : memref<4x1024x16xf32, #tpu.memory_space<vmem>>[vector<16xi32>, vector<16xi32>, vector<16xi32>], vector<16xf32>,
          %add3A_1339 = arith.constant 1 : i32
          %add3A_1340 = vector.broadcast %add3A_1339 : i32 to vector<16xi32>
          %add3A_1341 = arith.addi %get3A_1334, %add3A_1340 : vector<16xi32>
          %gather3A_1342 = tpu.vector_load_idx %arg18[%broadcast_in_dim3A_1234, %add3A_1337, %add3A_1341] : memref<4x1024x16xf32, #tpu.memory_space<vmem>>[vector<16xi32>, vector<16xi32>, vector<16xi32>], vector<16xf32>,
          %mul3A_1343 = arith.mulf %gather3A_1338, %get3A_1326 : vector<16xf32>
          %add3A_1344 = arith.addf %add3A_1316, %mul3A_1343 : vector<16xf32>
          %mul3A_1345 = arith.mulf %gather3A_1342, %get3A_1326 : vector<16xf32>
          %add3A_1346 = arith.addf %add3A_1318, %mul3A_1345 : vector<16xf32>
          %mul3A_1347 = arith.constant 16 : i32
          %mul3A_1348 = arith.muli %scan3A_432, %mul3A_1347 : i32
          %add3A_1349 = arith.constant 512 : i32
          %add3A_1350 = arith.addi %add3A_1349, %mul3A_1348 : i32
          %get3A_1351 = arith.constant 3 : i32
          %get3A_1352 = arith.index_cast %get3A_1351 : i32 to index
          %get3A_1353 = arith.index_cast %add3A_1350 : i32 to index
          %get3A_1354 = tpu.vector_load %arg17[%get3A_1352, %get3A_1353] {strides = array<i32>} : memref<4x1024xf32, #tpu.memory_space<vmem>>, vector<16xf32>,
          %mul3A_1355 = arith.constant 16 : i32
          %mul3A_1356 = arith.muli %scan3A_432, %mul3A_1355 : i32
          %add3A_1357 = arith.constant 512 : i32
          %add3A_1358 = arith.addi %add3A_1357, %mul3A_1356 : i32
          %get3A_1359 = arith.constant 3 : i32
          %get3A_1360 = arith.index_cast %get3A_1359 : i32 to index
          %get3A_1361 = arith.index_cast %add3A_1358 : i32 to index
          %get3A_1362 = tpu.vector_load %arg16[%get3A_1360, %get3A_1361] {strides = array<i32>} : memref<4x1024xi32, #tpu.memory_space<vmem>>, vector<16xi32>,
          %add3A_1363 = arith.constant 512 : i32
          %add3A_1364 = vector.broadcast %add3A_1363 : i32 to vector<16xi32>
          %add3A_1365 = arith.addi %add3A_1364, %add3A_436 : vector<16xi32>
          %gather3A_1366 = tpu.vector_load_idx %arg18[%broadcast_in_dim3A_1234, %add3A_1365, %get3A_1362] : memref<4x1024x16xf32, #tpu.memory_space<vmem>>[vector<16xi32>, vector<16xi32>, vector<16xi32>], vector<16xf32>,
          %add3A_1367 = arith.constant 1 : i32
          %add3A_1368 = vector.broadcast %add3A_1367 : i32 to vector<16xi32>
          %add3A_1369 = arith.addi %get3A_1362, %add3A_1368 : vector<16xi32>
          %gather3A_1370 = tpu.vector_load_idx %arg18[%broadcast_in_dim3A_1234, %add3A_1365, %add3A_1369] : memref<4x1024x16xf32, #tpu.memory_space<vmem>>[vector<16xi32>, vector<16xi32>, vector<16xi32>], vector<16xf32>,
          %mul3A_1371 = arith.mulf %gather3A_1366, %get3A_1354 : vector<16xf32>
          %add3A_1372 = arith.addf %add3A_1344, %mul3A_1371 : vector<16xf32>
          %mul3A_1373 = arith.mulf %gather3A_1370, %get3A_1354 : vector<16xf32>
          %add3A_1374 = arith.addf %add3A_1346, %mul3A_1373 : vector<16xf32>
          %mul3A_1375 = arith.constant 16 : i32
          %mul3A_1376 = arith.muli %scan3A_432, %mul3A_1375 : i32
          %add3A_1377 = arith.constant 640 : i32
          %add3A_1378 = arith.addi %add3A_1377, %mul3A_1376 : i32
          %get3A_1379 = arith.constant 3 : i32
          %get3A_1380 = arith.index_cast %get3A_1379 : i32 to index
          %get3A_1381 = arith.index_cast %add3A_1378 : i32 to index
          %get3A_1382 = tpu.vector_load %arg17[%get3A_1380, %get3A_1381] {strides = array<i32>} : memref<4x1024xf32, #tpu.memory_space<vmem>>, vector<16xf32>,
          %mul3A_1383 = arith.constant 16 : i32
          %mul3A_1384 = arith.muli %scan3A_432, %mul3A_1383 : i32
          %add3A_1385 = arith.constant 640 : i32
          %add3A_1386 = arith.addi %add3A_1385, %mul3A_1384 : i32
          %get3A_1387 = arith.constant 3 : i32
          %get3A_1388 = arith.index_cast %get3A_1387 : i32 to index
          %get3A_1389 = arith.index_cast %add3A_1386 : i32 to index
          %get3A_1390 = tpu.vector_load %arg16[%get3A_1388, %get3A_1389] {strides = array<i32>} : memref<4x1024xi32, #tpu.memory_space<vmem>>, vector<16xi32>,
          %add3A_1391 = arith.constant 640 : i32
          %add3A_1392 = vector.broadcast %add3A_1391 : i32 to vector<16xi32>
          %add3A_1393 = arith.addi %add3A_1392, %add3A_436 : vector<16xi32>
          %gather3A_1394 = tpu.vector_load_idx %arg18[%broadcast_in_dim3A_1234, %add3A_1393, %get3A_1390] : memref<4x1024x16xf32, #tpu.memory_space<vmem>>[vector<16xi32>, vector<16xi32>, vector<16xi32>], vector<16xf32>,
          %add3A_1395 = arith.constant 1 : i32
          %add3A_1396 = vector.broadcast %add3A_1395 : i32 to vector<16xi32>
          %add3A_1397 = arith.addi %get3A_1390, %add3A_1396 : vector<16xi32>
          %gather3A_1398 = tpu.vector_load_idx %arg18[%broadcast_in_dim3A_1234, %add3A_1393, %add3A_1397] : memref<4x1024x16xf32, #tpu.memory_space<vmem>>[vector<16xi32>, vector<16xi32>, vector<16xi32>], vector<16xf32>,
          %mul3A_1399 = arith.mulf %gather3A_1394, %get3A_1382 : vector<16xf32>
          %add3A_1400 = arith.addf %add3A_1372, %mul3A_1399 : vector<16xf32>
          %mul3A_1401 = arith.mulf %gather3A_1398, %get3A_1382 : vector<16xf32>
          %add3A_1402 = arith.addf %add3A_1374, %mul3A_1401 : vector<16xf32>
          %mul3A_1403 = arith.constant 16 : i32
          %mul3A_1404 = arith.muli %scan3A_432, %mul3A_1403 : i32
          %add3A_1405 = arith.constant 768 : i32
          %add3A_1406 = arith.addi %add3A_1405, %mul3A_1404 : i32
          %get3A_1407 = arith.constant 3 : i32
          %get3A_1408 = arith.index_cast %get3A_1407 : i32 to index
          %get3A_1409 = arith.index_cast %add3A_1406 : i32 to index
          %get3A_1410 = tpu.vector_load %arg17[%get3A_1408, %get3A_1409] {strides = array<i32>} : memref<4x1024xf32, #tpu.memory_space<vmem>>, vector<16xf32>,
          %mul3A_1411 = arith.constant 16 : i32
          %mul3A_1412 = arith.muli %scan3A_432, %mul3A_1411 : i32
          %add3A_1413 = arith.constant 768 : i32
          %add3A_1414 = arith.addi %add3A_1413, %mul3A_1412 : i32
          %get3A_1415 = arith.constant 3 : i32
          %get3A_1416 = arith.index_cast %get3A_1415 : i32 to index
          %get3A_1417 = arith.index_cast %add3A_1414 : i32 to index
          %get3A_1418 = tpu.vector_load %arg16[%get3A_1416, %get3A_1417] {strides = array<i32>} : memref<4x1024xi32, #tpu.memory_space<vmem>>, vector<16xi32>,
          %add3A_1419 = arith.constant 768 : i32
          %add3A_1420 = vector.broadcast %add3A_1419 : i32 to vector<16xi32>
          %add3A_1421 = arith.addi %add3A_1420, %add3A_436 : vector<16xi32>
          %gather3A_1422 = tpu.vector_load_idx %arg18[%broadcast_in_dim3A_1234, %add3A_1421, %get3A_1418] : memref<4x1024x16xf32, #tpu.memory_space<vmem>>[vector<16xi32>, vector<16xi32>, vector<16xi32>], vector<16xf32>,
          %add3A_1423 = arith.constant 1 : i32
          %add3A_1424 = vector.broadcast %add3A_1423 : i32 to vector<16xi32>
          %add3A_1425 = arith.addi %get3A_1418, %add3A_1424 : vector<16xi32>
          %gather3A_1426 = tpu.vector_load_idx %arg18[%broadcast_in_dim3A_1234, %add3A_1421, %add3A_1425] : memref<4x1024x16xf32, #tpu.memory_space<vmem>>[vector<16xi32>, vector<16xi32>, vector<16xi32>], vector<16xf32>,
          %mul3A_1427 = arith.mulf %gather3A_1422, %get3A_1410 : vector<16xf32>
          %add3A_1428 = arith.addf %add3A_1400, %mul3A_1427 : vector<16xf32>
          %mul3A_1429 = arith.mulf %gather3A_1426, %get3A_1410 : vector<16xf32>
          %add3A_1430 = arith.addf %add3A_1402, %mul3A_1429 : vector<16xf32>
          %mul3A_1431 = arith.constant 16 : i32
          %mul3A_1432 = arith.muli %scan3A_432, %mul3A_1431 : i32
          %add3A_1433 = arith.constant 896 : i32
          %add3A_1434 = arith.addi %add3A_1433, %mul3A_1432 : i32
          %get3A_1435 = arith.constant 3 : i32
          %get3A_1436 = arith.index_cast %get3A_1435 : i32 to index
          %get3A_1437 = arith.index_cast %add3A_1434 : i32 to index
          %get3A_1438 = tpu.vector_load %arg17[%get3A_1436, %get3A_1437] {strides = array<i32>} : memref<4x1024xf32, #tpu.memory_space<vmem>>, vector<16xf32>,
          %mul3A_1439 = arith.constant 16 : i32
          %mul3A_1440 = arith.muli %scan3A_432, %mul3A_1439 : i32
          %add3A_1441 = arith.constant 896 : i32
          %add3A_1442 = arith.addi %add3A_1441, %mul3A_1440 : i32
          %get3A_1443 = arith.constant 3 : i32
          %get3A_1444 = arith.index_cast %get3A_1443 : i32 to index
          %get3A_1445 = arith.index_cast %add3A_1442 : i32 to index
          %get3A_1446 = tpu.vector_load %arg16[%get3A_1444, %get3A_1445] {strides = array<i32>} : memref<4x1024xi32, #tpu.memory_space<vmem>>, vector<16xi32>,
          %add3A_1447 = arith.constant 896 : i32
          %add3A_1448 = vector.broadcast %add3A_1447 : i32 to vector<16xi32>
          %add3A_1449 = arith.addi %add3A_1448, %add3A_436 : vector<16xi32>
          %gather3A_1450 = tpu.vector_load_idx %arg18[%broadcast_in_dim3A_1234, %add3A_1449, %get3A_1446] : memref<4x1024x16xf32, #tpu.memory_space<vmem>>[vector<16xi32>, vector<16xi32>, vector<16xi32>], vector<16xf32>,
          %add3A_1451 = arith.constant 1 : i32
          %add3A_1452 = vector.broadcast %add3A_1451 : i32 to vector<16xi32>
          %add3A_1453 = arith.addi %get3A_1446, %add3A_1452 : vector<16xi32>
          %gather3A_1454 = tpu.vector_load_idx %arg18[%broadcast_in_dim3A_1234, %add3A_1449, %add3A_1453] : memref<4x1024x16xf32, #tpu.memory_space<vmem>>[vector<16xi32>, vector<16xi32>, vector<16xi32>], vector<16xf32>,
          %mul3A_1455 = arith.mulf %gather3A_1450, %get3A_1438 : vector<16xf32>
          %add3A_1456 = arith.addf %add3A_1428, %mul3A_1455 : vector<16xf32>
          %mul3A_1457 = arith.mulf %gather3A_1454, %get3A_1438 : vector<16xf32>
          %add3A_1458 = arith.addf %add3A_1430, %mul3A_1457 : vector<16xf32>
          %broadcast_in_dim3A_1459 = arith.constant 1 : i32
          %broadcast_in_dim3A_1460 = vector.broadcast %broadcast_in_dim3A_1459 : i32 to vector<16xi32>
          %mul3A_1461 = arith.constant 16 : i32
          %mul3A_1462 = arith.muli %scan3A_432, %mul3A_1461 : i32
          %get3A_1463 = arith.constant 1 : i32
          %get3A_1464 = arith.index_cast %get3A_1463 : i32 to index
          %get3A_1465 = arith.index_cast %mul3A_1462 : i32 to index
          %get3A_1466 = tpu.vector_load %arg11[%get3A_1464, %get3A_1465] {strides = array<i32>} : memref<4x128xf32, #tpu.memory_space<vmem>>, vector<16xf32>,
          %mul3A_1467 = arith.constant 16 : i32
          %mul3A_1468 = arith.muli %scan3A_432, %mul3A_1467 : i32
          %get3A_1469 = arith.constant 1 : i32
          %get3A_1470 = arith.index_cast %get3A_1469 : i32 to index
          %get3A_1471 = arith.index_cast %mul3A_1468 : i32 to index
          %get3A_1472 = tpu.vector_load %arg12[%get3A_1470, %get3A_1471] {strides = array<i32>} : memref<4x128xf32, #tpu.memory_space<vmem>>, vector<16xf32>,
          %mul3A_1473 = arith.constant 2 : i32
          %mul3A_1474 = vector.broadcast %mul3A_1473 : i32 to vector<16xi32>
          %mul3A_1475 = arith.muli %broadcast_in_dim3A_232, %mul3A_1474 : vector<16xi32>
          %add3A_1476 = arith.constant 0 : i32
          %add3A_1477 = vector.broadcast %add3A_1476 : i32 to vector<16xi32>
          %add3A_1478 = arith.addi %mul3A_1475, %add3A_1477 : vector<16xi32>
          %gather3A_1479 = tpu.vector_load_idx %arg13[%broadcast_in_dim3A_1460, %add3A_436, %add3A_1478] : memref<4x128x32xf32, #tpu.memory_space<vmem>>[vector<16xi32>, vector<16xi32>, vector<16xi32>], vector<16xf32>,
          %gather3A_1480 = tpu.vector_load_idx %arg14[%broadcast_in_dim3A_1460, %add3A_436, %add3A_1478] : memref<4x128x32xf32, #tpu.memory_space<vmem>>[vector<16xi32>, vector<16xi32>, vector<16xi32>], vector<16xf32>,
          %mul3A_1481 = arith.mulf %gather3A_1479, %get3A_1472 : vector<16xf32>
          %mul3A_1482 = arith.mulf %gather3A_1480, %get3A_1466 : vector<16xf32>
          %add3A_1483 = arith.addf %mul3A_1481, %mul3A_1482 : vector<16xf32>
          %mul3A_1484 = arith.mulf %add3A_1456, %add3A_1483 : vector<16xf32>
          %add3A_1485 = arith.addf %add3A_1219, %mul3A_1484 : vector<16xf32>
          %mul3A_1486 = arith.constant 2 : i32
          %mul3A_1487 = vector.broadcast %mul3A_1486 : i32 to vector<16xi32>
          %mul3A_1488 = arith.muli %broadcast_in_dim3A_232, %mul3A_1487 : vector<16xi32>
          %add3A_1489 = arith.constant 1 : i32
          %add3A_1490 = vector.broadcast %add3A_1489 : i32 to vector<16xi32>
          %add3A_1491 = arith.addi %mul3A_1488, %add3A_1490 : vector<16xi32>
          %gather3A_1492 = tpu.vector_load_idx %arg13[%broadcast_in_dim3A_1460, %add3A_436, %add3A_1491] : memref<4x128x32xf32, #tpu.memory_space<vmem>>[vector<16xi32>, vector<16xi32>, vector<16xi32>], vector<16xf32>,
          %gather3A_1493 = tpu.vector_load_idx %arg14[%broadcast_in_dim3A_1460, %add3A_436, %add3A_1491] : memref<4x128x32xf32, #tpu.memory_space<vmem>>[vector<16xi32>, vector<16xi32>, vector<16xi32>], vector<16xf32>,
          %mul3A_1494 = arith.mulf %gather3A_1492, %get3A_1472 : vector<16xf32>
          %mul3A_1495 = arith.mulf %gather3A_1493, %get3A_1466 : vector<16xf32>
          %add3A_1496 = arith.addf %mul3A_1494, %mul3A_1495 : vector<16xf32>
          %mul3A_1497 = arith.mulf %add3A_1458, %add3A_1496 : vector<16xf32>
          %add3A_1498 = arith.addf %add3A_1232, %mul3A_1497 : vector<16xf32>
          %mul3A_1499 = arith.constant 2 : i32
          %mul3A_1500 = vector.broadcast %mul3A_1499 : i32 to vector<16xi32>
          %mul3A_1501 = arith.muli %broadcast_in_dim3A_232, %mul3A_1500 : vector<16xi32>
          tpu.vector_store_idx %arg19[%add3A_436, %mul3A_1501], %add3A_1485 : memref<128x32xf32, #tpu.memory_space<vmem>>[vector<16xi32>, vector<16xi32>], vector<16xf32>,
          %mul3A_1502 = arith.constant 2 : i32
          %mul3A_1503 = vector.broadcast %mul3A_1502 : i32 to vector<16xi32>
          %mul3A_1504 = arith.muli %broadcast_in_dim3A_232, %mul3A_1503 : vector<16xi32>
          %add3A_1505 = arith.constant 1 : i32
          %add3A_1506 = vector.broadcast %add3A_1505 : i32 to vector<16xi32>
          %add3A_1507 = arith.addi %mul3A_1504, %add3A_1506 : vector<16xi32>
          tpu.vector_store_idx %arg19[%add3A_436, %add3A_1507], %add3A_1498 : memref<128x32xf32, #tpu.memory_space<vmem>>[vector<16xi32>, vector<16xi32>], vector<16xf32>,
        }
        %scan3A_431 = arith.constant 8 : i32
      }
      %scan3A_230 = arith.constant 16 : i32
      "tpu.region"() ({
        %run_scoped3A = tpu.sem_alloc : memref<!tpu.dma_semaphore, #tpu.memory_space<semaphore_mem>>
        %dma_start3A_231 = arith.constant 0 : i32
        %dma_start3A_232 = tpu.memref_slice %arg8[%add3A_12, %dma_start3A_231] : memref<65536x32xf32, #tpu.memory_space<hbm>> -> memref<128x32xf32, #tpu.memory_space<hbm>>
        %dma_start3A_233 = arith.constant 0 : i32
        %dma_start3A_234 = tpu.memref_slice %arg8[%add3A_12, %dma_start3A_233] : memref<65536x32xf32, #tpu.memory_space<hbm>> -> memref<128x32xf32, #tpu.memory_space<hbm>>
        tpu.enqueue_dma source(%arg19 : memref<128x32xf32, #tpu.memory_space<vmem>>) target(%dma_start3A_234 : memref<128x32xf32, #tpu.memory_space<hbm>>) target_semaphore(%run_scoped3A : memref<!tpu.dma_semaphore, #tpu.memory_space<semaphore_mem>>)
        %dma_wait3A_235 = arith.constant 0 : i32
        %dma_wait3A_236 = tpu.memref_slice %arg8[%add3A_12, %dma_wait3A_235] : memref<65536x32xf32, #tpu.memory_space<hbm>> -> memref<128x32xf32, #tpu.memory_space<hbm>>
        %dma_wait3A_237 = arith.constant 0 : i32
        %dma_wait3A_238 = tpu.memref_slice %arg8[%add3A_12, %dma_wait3A_237] : memref<65536x32xf32, #tpu.memory_space<hbm>> -> memref<128x32xf32, #tpu.memory_space<hbm>>
        tpu.wait_dma2 semaphore(%run_scoped3A : memref<!tpu.dma_semaphore, #tpu.memory_space<semaphore_mem>>) src(%arg19 : memref<128x32xf32, #tpu.memory_space<vmem>>) dst(%dma_wait3A_238 : memref<128x32xf32, #tpu.memory_space<hbm>>)
        tpu.yield
      }) : () -> ()
    }
    %scan3A_6 = arith.constant 16 : i32
    return
  }
}

</mosaic_0001>

<sc_bundles>
// kernel: kernel.3.cloned.1.call-start
scs
__scs_entry_jumppad:
0x0: {  	(pc) =	sbr.rel $0x88, $3  }
0x1: {  	(tag) =	ssettag $0x0;
	lr =	simm.s32 $0x1  }
0x2: {  	[smem:$0x3F9A] =	sst lr;
	_ =	strace $0xD0000000  }
0x3: {  	_ = 	snop  }
0x4: {  	_ = 	snop  }
0x5: {  	_ = 	snop  }
0x6: {  	_ = 	snop  }
0x7: {  	_ = 	snop  }
__scs_overlays_trampoline_lowered:
0x8: {  	[smem:$0x3FA9] =	sst s0  }
0x9: {  	[smem:$0x3FAA] =	sst s1  }
0xa: {  	[smem:$0x3FAB] =	sst s2  }
0xb: {  	[smem:$0x3FAC] =	sst s3  }
0xc: {  	[smem:$0x3FAD] =	sst s4  }
0xd: {  	[smem:$0x3FAE] =	sst s5  }
0xe: {  	[smem:$0x3FAF] =	sst s6  }
0xf: {  	[smem:$0x3FB0] =	sst s7  }
0x10: {  	[smem:$0x3FB1] =	sst s8  }
0x11: {  	[smem:$0x3FB2] =	sst s9;
	s0 =	simm.s32 @!p0 $0x0  }
0x12: {  	s1 =	sld [smem:$0x3F98];
	s0 =	simm.s32 @p0 $0x1  }
0x13: {  	[smem:$0x3FB3] =	sst s0;
	s0 =	simm.s32 @!p1 $0x0  }
0x14: {  	s2 =	sld [smem:$0x3F97];
	s0 =	simm.s32 @p1 $0x1  }
0x15: {  	[smem:$0x3FB4] =	sst s0;
	s0 =	simm.s32 @!p2 $0x0  }
0x16: {  	s3 =	sld [smem:$0x3FDB];
	s0 =	simm.s32 @p2 $0x1  }
0x17: {  	s4 =	simm.s32 $0x1BF5;
	[smem:$0x3FB6] =	sst s0  }
0x18: {  	s0 =	sld [smem:$0x3F99];
	_ =	swait.ge [sflag:s4], $0x0  }
0x19: {  	s7 =	sld [smem:$0x3F9A]  }
0x1a: {  	s8 =	sadd.s32 $0xFFFFE003, lr  }
0x1b: {  	s9 =	sadd.s32 $0xFFFFFEF7, lr;
	s5 =	simm.s32 $0xFFFFFFFF;
	p2 =	slt.u32 s8, $0xFFFFF086  }
0x1c: {  	p1 =	slt.u32 s9, $0xF7A;
	s5 =	simm.s32 @!p2 $0x0  }
0x1d: {  	s5 =	simm.s32 @p1 $0x1;
	p0 =	seq.s32 s7, s2  }
0x1e: {  	s7 =	smul.u32 @!p0 $0xF7A, s2;
	p2 =	seq.s32 @!p0 s5, $0x0  }
0x1f: {  	s9 =	smul.u32 $0xF7A, s1;
	s8 =	simm.s32 @!p0 $0x1BF5;
	p2 =	por !p2, p0  }
0x20: {  	[sflag:s8] =	ssyncset.s32 @!p0 $0xFFFFF086;
	s6 =	sadd.s32 @!p0 s3, s7;
	s7 =	simm.s32 @!p0 $0x108  }
0x21: {  	s3 =	sadd.s32 s3, s9;
	s6 =	sadd.s32 @!p0 $0x88, s6;
	s7 =	simm.s32 @p2 $0x1082  }
0x22: {  	[simem:s7], [sflag:s8] =	dma.local @!p0 [hbm:s6], $0xF7A  }
0x23: {  	s9 =	sor.u32 $0xD0000000, s2;
	s6 =	simm.s32 $0x108;
	_ =	swait.ge @!p0 [sflag:s8], $0x0  }
0x24: {  	s3 =	sadd.s32 $0x88, s3;
	s6 =	simm.s32 @!p1 $0x1082;
	[sflag:s4] =	ssyncset.s32 $0xFFFFF086  }
0x25: {  	[simem:s6], [sflag:s4] =	dma.local [hbm:s3], $0xF7A  }
0x26: {  	[smem:$0x3F9A] =	sst s1;
	(tag) =	ssettag s2;
	_ =	strace s9  }
0x27: {  	s1 =	sld [smem:$0x3FAA]  }
0x28: {  	s2 =	sld [smem:$0x3FAB]  }
0x29: {  	s4 =	sld [smem:$0x3FAD]  }
0x2a: {  	p0 =	seq.s32 s5, $0x0;
	s5 =	sld [smem:$0x3FAE]  }
0x2b: {  	s6 =	sld [smem:$0x3FAF]  }
0x2c: {  	s7 =	sld [smem:$0x3FB0]  }
0x2d: {  	s3 =	simm.s32 $0x108;
	s8 =	sld [smem:$0x3FB1]  }
0x2e: {  	s3 =	simm.s32 @!p0 $0x1082;
	s9 =	sld [smem:$0x3FB2]  }
0x2f: {  	lr =	sadd.s32 s0, s3;
	s0 =	sld [smem:$0x3FA9]  }
0x30: {  	s3 =	sld [smem:$0x3FAC]  }
0x31: {  	[smem:$0x3FB5] =	sst s10  }
0x32: {  	s10 =	sld [smem:$0x3FB3];
	_ =	sdelay $0x3  }
0x33: {  	p0 =	seq.s32 s10, $0x1;
	s10 =	sld [smem:$0x3FB5];
	_ =	sdelay $0x3  }
0x34: {  	[smem:$0x3FB5] =	sst s10  }
0x35: {  	s10 =	sld [smem:$0x3FB4];
	_ =	sdelay $0x3  }
0x36: {  	p1 =	seq.s32 s10, $0x1;
	s10 =	sld [smem:$0x3FB5];
	_ =	sdelay $0x3  }
0x37: {  	[smem:$0x3FB5] =	sst s10  }
0x38: {  	s10 =	sld [smem:$0x3FB6]  }
0x39: {  	_ = 	snop;
	(pc) =	sbr.ind lr, $3  }
0x3a: {  	_ = 	snop  }
0x3b: {  	_ = 	snop  }
0x3c: {  	p2 =	seq.s32 s10, $0x1;
	s10 =	sld [smem:$0x3FB5]  }
0x3d: {  	_ =	shalt  }
0x3e: {  	_ =	shalt  }
0x3f: {  	_ =	shalt  }
0x40: {  	_ =	shalt  }
0x41: {  	_ =	shalt  }
0x42: {  	_ =	shalt  }
0x43: {  	_ =	shalt  }
0x44: {  	_ =	shalt  }
0x45: {  	_ =	shalt  }
0x46: {  	_ =	shalt  }
0x47: {  	_ =	shalt  }
0x48: {  	_ =	shalt  }
0x49: {  	_ =	shalt  }
0x4a: {  	_ =	shalt  }
0x4b: {  	_ =	shalt  }
0x4c: {  	_ =	shalt  }
0x4d: {  	_ =	shalt  }
0x4e: {  	_ =	shalt  }
0x4f: {  	_ =	shalt  }
0x50: {  	_ =	shalt  }
0x51: {  	_ =	shalt  }
0x52: {  	_ =	shalt  }
0x53: {  	_ =	shalt  }
0x54: {  	_ =	shalt  }
0x55: {  	_ =	shalt  }
0x56: {  	_ =	shalt  }
0x57: {  	_ =	shalt  }
0x58: {  	_ =	shalt  }
0x59: {  	_ =	shalt  }
0x5a: {  	_ =	shalt  }
0x5b: {  	_ =	shalt  }
0x5c: {  	_ =	shalt  }
0x5d: {  	_ =	shalt  }
0x5e: {  	_ =	shalt  }
0x5f: {  	_ =	shalt  }
0x60: {  	_ =	shalt  }
0x61: {  	_ =	shalt  }
0x62: {  	_ =	shalt  }
0x63: {  	_ =	shalt  }
0x64: {  	_ =	shalt  }
0x65: {  	_ =	shalt  }
0x66: {  	_ =	shalt  }
0x67: {  	_ =	shalt  }
0x68: {  	_ =	shalt  }
0x69: {  	_ =	shalt  }
0x6a: {  	_ =	shalt  }
0x6b: {  	_ =	shalt  }
0x6c: {  	_ =	shalt  }
0x6d: {  	_ =	shalt  }
0x6e: {  	_ =	shalt  }
0x6f: {  	_ =	shalt  }
0x70: {  	_ =	shalt  }
0x71: {  	_ =	shalt  }
0x72: {  	_ =	shalt  }
0x73: {  	_ =	shalt  }
0x74: {  	_ =	shalt  }
0x75: {  	_ =	shalt  }
0x76: {  	_ =	shalt  }
0x77: {  	_ =	shalt  }
0x78: {  	_ =	shalt  }
0x79: {  	_ =	shalt  }
0x7a: {  	_ =	shalt  }
0x7b: {  	_ =	shalt  }
0x7c: {  	_ =	shalt  }
0x7d: {  	_ =	shalt  }
0x7e: {  	_ =	shalt  }
0x7f: {  	_ =	shalt  }
0x80: {  	_ =	shalt  }
0x81: {  	_ =	shalt  }
0x82: {  	_ =	shalt  }
0x83: {  	_ =	shalt  }
0x84: {  	_ =	shalt  }
0x85: {  	_ =	shalt  }
0x86: {  	_ =	shalt  }
0x87: {  	_ =	shalt  }
.Lfunc_end0:
.L_simem_size_0:
called_computation_lowered:
.L_overlay_start_0:
0x88: {  	s2 =	sld [smem:$0x3FD9]  }
0x89: {  	s3 =	sld [smem:$0x3FFE];
	_ =	sdelay $0x1  }
0x8a: {  	s1 =	srdreg.scid  }
0x8b: {  	s0 =	sand.u32 $0x1, s1  }
0x8c: {  	s17 =	sshll.u32 s0, $0xA;
	s2 =	sadd.s32 s3, s2  }
0x8d: {  	s2 =	sadd.s32 s2, s17  }
0x8e: {  	[smem:$0x3FC1] =	sst s2  }
0x8f: {  	_ = 	snop  }
0x90: {  	s2 =	sld [smem:$0x3FD0];
	(tm) =	ssettm $0x1  }
0x91: {  	s18 =	sld [smem:$0x3FFB];
	_ =	sdelay $0x3  }
0x92: {  	_ =	strace s18  }
0x93: {  	s3 =	sld [smem:$0x3FFC];
	_ =	sdelay $0x3  }
0x94: {  	_ =	strace s3  }
0x95: {  	s3 =	sld [smem:$0x3FFD];
	_ =	sdelay $0x3  }
0x96: {  	_ =	strace s3  }
0x97: {  	_ =	strace $0x8FFFFFFF  }
0x98: {  	s19 =	sld [smem:$0x3FDB];
	_ =	sdelay $0x1  }
0x99: {  	s4 =	simm.s32 $_scs_section_size  }
0x9a: {  	s5 =	simm.s32 $_size__tile_overlayer_lowered;
	s6 =	simm.s32 $_tile_overlayer_lowered  }
0x9b: {  	s22 =	simm.s32 $0x1BFF;
	s21 =	sshll.u32 s6, $0x1;
	s3 =	sadd.s32 s4, s19  }
0x9c: {  	s7 =	simm.s32 $0x0;
	s20 =	sshll.u32 s5, $0x1;
	s5 =	sadd.s32 s21, s3  }
0x9d: {  	[timem:s7], [sflag:s22] =	dma.local [hbm:s5], s20  }
0x9e: {  	_ =	swait.ge [sflag:s22], s20  }
0x9f: {  	s4 =	ssub.s32 $0x0, s20;
	[sflag:s22] =	ssyncset.done $0x0  }
0xa0: {  	[sflag:s22] =	ssyncadd.s32 s4;
	_ =	sdelay $0x1  }
0xa1: {  	s23 =	simm.s32 $0x1B8B  }
0xa2: {  	_ =	swait.ge [sflag:s23], $0x1  }
0xa3: {  	[sflag:s23] =	ssyncset.done $0x0  }
0xa4: {  	s25 =	simm.s32 $0x1B8E;
	s24 =	sld [smem:$0x3FFE];
	[sflag:s23] =	ssyncadd.s32 $0xFFFFFFFF  }
0xa5: {  	s26 =	simm.s32 $execute0_lowered;
	[smem:$0x3FD2] =	sst s25  }
0xa6: {  	s5 =	sshll.u32 s26, $0x1;
	_ =	strace $0x80000046;
	[dreg:$0x1] =	wrdreg $0xFFFFFFFF  }
0xa7: {  	s28 =	simm.s32 $_size_execute0_lowered;
	s3 =	sadd.s32 s3, s5;
	[dreg:$0x0] =	wrdreg $0x0  }
0xa8: {  	s5 =	sshll.u32 s28, $0x1;
	[dreg:$0x2] =	wrdreg s3  }
0xa9: {  	[dreg:$0x3] =	wrdreg s5  }
0xaa: {  	[dreg:$0x4] =	wrdreg $0xC0  }
0xab: {  	_ =	task [dreg:s7], $0x5FFFF  }
0xac: {  	[dreg:$0x1] =	wrdreg $0xFFFFFFFF  }
0xad: {  	[dreg:$0x0] =	wrdreg $0x60  }
0xae: {  	[dreg:$0x2] =	wrdreg s24  }
0xaf: {  	[dreg:$0x3] =	wrdreg s2  }
0xb0: {  	[dreg:$0x4] =	wrdreg $0x9  }
0xb1: {  	_ =	task.clear_ibuf [dreg:s7], $0x5FFFF;
	_ =	strace $0x90000046  }
0xb2: {  	s29 =	simm.s32 $0x9;
	_ =	strace $0x80000048  }
0xb3: {  	_ =	swait.ge [sflag:s29], $0x1  }
0xb4: {  	[sflag:s29] =	ssyncadd.s32 $0xFFFFFFFF  }
0xb5: {  	_ =	strace $0x90000048  }
0xb6: {  	_ =	sfence  }
0xb7: {  	s30 =	sld [smem:$0x0];
	_ =	sdelay $0x2  }
0xb8: {  	s31 =	sshll.u32 s1, $0xD;
	s1 =	sshrl.u32 s1, $0x2  }
0xb9: {  	s3 =	sand.u32 $0x4000, s31;
	s1 =	sadd.s32 s1, s30  }
0xba: {  	s0 =	sor.u32 s3, s0;
	s1 =	sshll.u32 s1, $0x11  }
0xbb: {  	s0 =	sor.u32 s1, s0  }
0xbc: {  	s0 =	sadd.s32 $0x8F2B, s0  }
0xbd: {  	[sflag:s0] =	ssyncadd.remote.s32 $0x1  }
0xbe: {  	_ =	sfence.sel $0xFFFF  }
0xbf: {  	[dreg:$0x0] =	wrdreg $0xFFFFFFFF;
	(pc) =	sbr.abs _section_cstart, $3  }
0xc0: {  	[dreg:$0x1] =	wrdreg $0xFFFFFFFF  }
0xc1: {  	_ =	task.clear_ibuf [dreg:s7], $0x2FFFF;
	_ =	strace $0x9FFFFFFF  }
0xc2: {  	(tm) =	ssettm $0x7FFFFFFF  }
0xc3: {  	_ =	shalt  }
tec
execute0_lowered:
.L_overlay_start_1:
0x0: {  	(tag) =	ssettag $0x1  }
0x1: {  	s0 =	rddreg [dreg:$0x0];
	s1 =	simm.s32 $0x0  }
0x2: {  	s28 =	srdreg.scid;
	s9 =	stileid.u32;
	s12 =	simm.s32 $0x80  }
0x3: {  	s14 =	simm.s32 $0x2;
	s16 =	simm.s32 $0xA00;
	s18 =	simm.s32 $0x4A00  }
0x4: {  	s23 =	simm.s32 $0x400;
	s31 =	simm.s32 $0x7A00;
	s11 =	simm.s32 $0xBA00  }
0x5: {  	s13 =	simm.s32 $0x9200;
	s15 =	simm.s32 $0x13A00;
	s17 =	simm.s32 $0x9600  }
0x6: {  	s19 =	simm.s32 $0x17A00;
	s20 =	simm.s32 $0x1BA00;
	s22 =	simm.s32 $0x0  }
0x7: {  	[smem:$0x7FF] =	sst s1;
	s3 =	sadd.s32 $0x8A00, s0;
	s4 =	sadd.s32 $0x8600A00, s0  }
0x8: {  	s1 =	sand.u32 $0x1, s28;
	s6 =	sadd.s32 $0x8400A00, s0;
	s7 =	sadd.s32 $0x8200A00, s0  }
0x9: {  	s8 =	sadd.s32 $0x8000A00, s0;
	s29 =	sshll.u32 s9, $0xC;
	s2 =	ssub.s32 $0x2, s1  }
0xa: {  	s9 =	sadd.s32 $0xA00, s0;
	s0 =	simm.s32 $0x1;
	s5 =	sshrl.u32 s2, $0x1  }
0xb: {  	_ =	strace $0x80000047;
	s1 =	sshll.u32 s1, $0xB;
	s2 =	ssub.s32 s2, s5  }
0xc: {  	s10 =	sor.u32 s1, s29;
	s1 =	simm.s32 $0x8E00;
	s30 =	smax.u32 s2, $0x1  }
0xd: {  	s5 =	simm.s32 $0x8A00;
	s2 =	simm.s32 $0xFA00;
	[dreg:$0x3] =	wrdreg s30  }
.LBB2_1:
0xe: {  	[dreg:$0x4] =	wrdreg s22;
	s21 =	simm.s32 $0x0  }
.LBB2_2:
0xf: {  	s22 =	sshll.u32 s21, $0x7  }
0x10: {  	s22 =	sadd.s32 s10, s22  }
0x11: {  	s24 =	sshrl.u32 s22, $0x3  }
0x12: {  	s25 =	simm.s32 $0x0;
	s26 =	simm.s32 $0x10000;
	s24 =	sadd.s32 s3, s24  }
0x13: {  	[tilespmem:s25], [sflag:$0x2] =	stream.strided.gather [hbm4b:s24+s12], $0x200, s26, s12, $0x38;
	[tilespmem:$0x1CA00] =	vst v63  }
0x14: {  	_ =	swait.ge [sflag:s14], $0x200  }
0x15: {  	[sflag:s14] =	ssyncset.done $0x0  }
0x16: {  	s25 =	simm.s32 $0x0;
	[sflag:s14] =	ssyncadd.s32 $0xFFFFFE00  }
0x17: {  	v0 =	vld [tilespmem:s25+$0x180]  }
0x18: {  	v1 =	vld [tilespmem:s25+$0x0]  }
0x19: {  	v2 =	vld [tilespmem:s25+$0x80]  }
0x1a: {  	v3 =	vld [tilespmem:s25+$0x100];
	_ =	sdelay $0x1  }
0x1b: {  	v0 =	vmul.f32 $2.047000000e+03, v0  }
0x1c: {  	v1 =	vmul.f32 $2.047000000e+03, v1  }
0x1d: {  	v2 =	vmul.f32 $2.047000000e+03, v2;
	v4 =	vtrunc.f32 v0  }
0x1e: {  	v3 =	vmul.f32 $2.047000000e+03, v3;
	v4 =	vcvt.f32.s32 v4  }
0x1f: {  	v5 =	vtrunc.f32 v1  }
0x20: {  	v6 =	vtrunc.f32 v2;
	v7 =	vtrunc.f32 v3;
	vm0 =	vgt.s32 v4, $0x0  }
0x21: {  	v5 =	vcvt.f32.s32 v5;
	v6 =	vcvt.f32.s32 v6;
	v4 =	vnsel vm0, $0x0, v4  }
0x22: {  	v7 =	vcvt.f32.s32 v7;
	v8 =	vmin.u32 v4, $0x7FF  }
0x23: {  	vm11 =	vgt.s32 v5, $0x0;
	vm1 =	vgt.s32 v6, $0x0;
	v9 =	vcvt.s32.f32 v8  }
0x24: {  	s24 =	simm.s32 $0x10;
	vm12 =	vgt.s32 v7, $0x0;
	v10 =	vmin.u32 v4, $0x7FE;
	v4 =	vnsel vm11, $0x0, v5  }
0x25: {  	v5 =	vnsel vm1, $0x0, v6;
	v6 =	vld [tilespmem:s24+$0x0];
	v11 =	vmin.u32 v4, $0x7FF;
	v0 =	vsub.f32 v0, v9  }
0x26: {  	v7 =	vnsel vm12, $0x0, v7;
	v12 =	vmin.u32 v5, $0x7FF;
	v13 =	vcvt.s32.f32 v11;
	v9 =	vld [tilespmem:s24+$0x180]  }
0x27: {  	v16 =	vmin.u32 v7, $0x7FF;
	v14 =	vcvt.s32.f32 v12;
	[tilespmem:s25+$0x780] =	vst v0;
	v0 =	vsub.f32 $1.000000000e+00, v0  }
0x28: {  	v1 =	vsub.f32 v1, v13;
	v15 =	vld [tilespmem:s24+$0x80];
	[tilespmem:s25+$0x200] =	vst v11;
	v11 =	vcvt.s32.f32 v16  }
0x29: {  	v4 =	vmin.u32 v4, $0x7FE;
	v5 =	vmin.u32 v5, $0x7FE;
	v2 =	vsub.f32 v2, v14;
	v58 =	vld [tilespmem:s24+$0x100];
	[tilespmem:s25+$0x980] =	vst v0  }
0x2a: {  	v62 =	vor.u32 $0x1800, v8;
	[tilespmem:s25+$0x600] =	vst v1;
	v1 =	vsub.f32 $1.000000000e+00, v1;
	v0 =	vsub.f32 v3, v11  }
0x2b: {  	[tilespmem:s25+$0x680] =	vst v2;
	v11 =	vsub.f32 $1.000000000e+00, v2;
	v60 =	vmul.f32 $2.047000000e+03, v9;
	v2 =	vmul.f32 $2.047000000e+03, v6  }
0x2c: {  	v59 =	vadd.s32 $0x1, v4;
	v4 =	vmin.u32 v7, $0x7FE;
	v7 =	vor.u32 $0x800, v12  }
0x2d: {  	v9 =	vadd.s32 $0x801, v5;
	[tilespmem:s25+$0x800] =	vst v1;
	v1 =	vtrunc.f32 v60;
	v8 =	vtrunc.f32 v2  }
0x2e: {  	[tilespmem:s25+$0x280] =	vst v59;
	v5 =	vsub.f32 $1.000000000e+00, v0;
	v3 =	vmul.f32 $2.047000000e+03, v15;
	v1 =	vcvt.f32.s32 v1  }
0x2f: {  	v61 =	vadd.s32 $0x1001, v4;
	[tilespmem:s25+$0x300] =	vst v7;
	v8 =	vcvt.f32.s32 v8;
	v4 =	vmul.f32 $2.047000000e+03, v58  }
0x30: {  	[tilespmem:s25+$0x900] =	vst v5;
	v5 =	vadd.s32 $0x1801, v10;
	v10 =	vtrunc.f32 v3  }
0x31: {  	[tilespmem:s25+$0x700] =	vst v0;
	vm13 =	vgt.s32 v1, $0x0;
	vm14 =	vgt.s32 v8, $0x0;
	v0 =	vtrunc.f32 v4  }
0x32: {  	[tilespmem:s25+$0x880] =	vst v11;
	v10 =	vcvt.f32.s32 v10;
	v11 =	vcvt.f32.s32 v0;
	v0 =	vnsel vm13, $0x0, v1  }
0x33: {  	v6 =	vor.u32 $0x1000, v16;
	[tilespmem:s25+$0x380] =	vst v9;
	v9 =	vnsel vm14, $0x0, v8;
	v1 =	vmin.u32 v0, $0x7FF  }
0x34: {  	[tilespmem:s25+$0x480] =	vst v61;
	v0 =	vmin.u32 v0, $0x7FE;
	vm15 =	vgt.s32 v10, $0x0;
	v63 =	vcvt.s32.f32 v1  }
0x35: {  	[tilespmem:s25+$0x500] =	vst v62;
	vm2 =	vgt.s32 v11, $0x0;
	v8 =	vnsel vm15, $0x0, v10;
	v10 =	vmin.u32 v9, $0x7FF  }
0x36: {  	s28 =	simm.s32 $0xC0;
	s26 =	simm.s32 $0x20;
	[tilespmem:s25+$0x400] =	vst v6;
	v6 =	vnsel vm2, $0x0, v11;
	v7 =	vmin.u32 v8, $0x7FF;
	v11 =	vsub.f32 v60, v63  }
.LBB2_3:
0x37: {  	p0 =	sne.s32 s28, $0x1C0;
	v12 =	vld [tilespmem:s26+$0x180];
	v13 =	vcvt.s32.f32 v10;
	v14 =	vcvt.s32.f32 v7;
	v15 =	vmin.u32 v6, $0x7FF;
	[tilespmem:s25+$0x580] =	vst v5;
	s25 =	smov.u32 s24;
	s24 =	smov.u32 s26  }
0x38: {  	v9 =	vmin.u32 v9, $0x7FE;
	v5 =	vld [tilespmem:s24+$0x0];
	v16 =	vcvt.s32.f32 v15;
	[tilespmem:s25+$0x780] =	vst v11;
	v11 =	vsub.f32 $1.000000000e+00, v11  }
0x39: {  	v8 =	vmin.u32 v8, $0x7FE;
	v17 =	vld [tilespmem:s24+$0x80];
	v2 =	vsub.f32 v2, v13;
	[tilespmem:s25+$0x200] =	vst v10;
	v3 =	vsub.f32 v3, v14  }
0x3a: {  	v6 =	vmin.u32 v6, $0x7FE;
	v9 =	vadd.s32 $0x1, v9;
	v10 =	vld [tilespmem:s24+$0x100];
	v13 =	vsub.f32 v4, v16;
	[tilespmem:s25+$0x980] =	vst v11  }
0x3b: {  	v7 =	vor.u32 $0x800, v7;
	[tilespmem:s25+$0x600] =	vst v2;
	v4 =	vsub.f32 $1.000000000e+00, v2;
	v11 =	vsub.f32 $1.000000000e+00, v3  }
0x3c: {  	v8 =	vadd.s32 $0x801, v8;
	v12 =	vmul.f32 $2.047000000e+03, v12;
	[tilespmem:s25+$0x680] =	vst v3;
	v14 =	vsub.f32 $1.000000000e+00, v13  }
0x3d: {  	v15 =	vor.u32 $0x1000, v15;
	v16 =	vadd.s32 $0x1001, v6;
	v2 =	vmul.f32 $2.047000000e+03, v5;
	[tilespmem:s25+$0x800] =	vst v4  }
0x3e: {  	v3 =	vmul.f32 $2.047000000e+03, v17;
	v5 =	vtrunc.f32 v12;
	[tilespmem:s25+$0x880] =	vst v11;
	v17 =	vor.u32 $0x1800, v1  }
0x3f: {  	v4 =	vmul.f32 $2.047000000e+03, v10;
	v1 =	vcvt.f32.s32 v5;
	[tilespmem:s25+$0x900] =	vst v14;
	v5 =	vadd.s32 $0x1801, v0  }
0x40: {  	v0 =	vtrunc.f32 v2;
	v6 =	vtrunc.f32 v3;
	[tilespmem:s25+$0x700] =	vst v13  }
0x41: {  	v10 =	vcvt.f32.s32 v0;
	v0 =	vtrunc.f32 v4;
	vm0 =	vgt.s32 v1, $0x0;
	[tilespmem:s25+$0x280] =	vst v9  }
.Ltmp0:
0x42: {  	v6 =	vcvt.f32.s32 v6;
	v11 =	vcvt.f32.s32 v0;
	v0 =	vnsel vm0, $0x0, v1;
	[tilespmem:s25+$0x300] =	vst v7;
	(pc) =	sbr.rel @p0 .LBB2_3-.Ltmp0, $4  }
0x43: {  	vm0 =	vgt.s32 v10, $0x0;
	v1 =	vmin.u32 v0, $0x7FF;
	v0 =	vmin.u32 v0, $0x7FE;
	[tilespmem:s25+$0x380] =	vst v8  }
0x44: {  	vm1 =	vgt.s32 v6, $0x0;
	vm2 =	vgt.s32 v11, $0x0;
	v13 =	vcvt.s32.f32 v1;
	[tilespmem:s25+$0x400] =	vst v15  }
0x45: {  	v9 =	vnsel vm0, $0x0, v10;
	v8 =	vnsel vm1, $0x0, v6;
	v6 =	vnsel vm2, $0x0, v11;
	[tilespmem:s25+$0x480] =	vst v16  }
0x46: {  	s26 =	sshra.s32 s28, $0x2;
	s28 =	sadd.s32 $0x40, s28;
	v10 =	vmin.u32 v9, $0x7FF;
	v7 =	vmin.u32 v8, $0x7FF;
	v11 =	vsub.f32 v12, v13;
	[tilespmem:s25+$0x500] =	vst v17  }
0x47: {  	v12 =	vld [tilespmem:s26+$0x180];
	[tilespmem:s25+$0x580] =	vst v5  }
0x48: {  	v5 =	vld [tilespmem:s26+$0x0];
	[tilespmem:s24+$0x780] =	vst v11;
	v25 =	vsub.f32 $1.000000000e+00, v11  }
0x49: {  	v9 =	vmin.u32 v9, $0x7FE;
	v14 =	vld [tilespmem:s26+$0x80];
	[tilespmem:s24+$0x200] =	vst v10  }
0x4a: {  	v9 =	vadd.s32 $0x1, v9;
	v27 =	vld [tilespmem:s26+$0x100];
	[tilespmem:s24+$0x980] =	vst v25  }
0x4b: {  	v8 =	vmin.u32 v8, $0x7FE;
	v31 =	vor.u32 $0x800, v7;
	[tilespmem:s24+$0x280] =	vst v9  }
0x4c: {  	v13 =	vcvt.s32.f32 v10;
	v16 =	vmin.u32 v6, $0x7FF;
	v33 =	vadd.s32 $0x801, v8;
	[tilespmem:s24+$0x300] =	vst v31  }
0x4d: {  	v15 =	vcvt.s32.f32 v7;
	v30 =	vmin.u32 v6, $0x7FE;
	v35 =	vor.u32 $0x1000, v16;
	[tilespmem:s24+$0x380] =	vst v33  }
0x4e: {  	v1 =	vor.u32 $0x1800, v1;
	v26 =	vcvt.s32.f32 v16;
	v2 =	vsub.f32 v2, v13;
	[tilespmem:s24+$0x400] =	vst v35  }
0x4f: {  	v0 =	vadd.s32 $0x1801, v0;
	v3 =	vsub.f32 v3, v15;
	[tilespmem:s24+$0x500] =	vst v1;
	v29 =	vmul.f32 $2.047000000e+03, v12  }
0x50: {  	v4 =	vsub.f32 v4, v26;
	[tilespmem:s24+$0x600] =	vst v2;
	v2 =	vsub.f32 $1.000000000e+00, v2;
	v5 =	vmul.f32 $2.047000000e+03, v5  }
0x51: {  	[tilespmem:s24+$0x580] =	vst v0;
	v28 =	vsub.f32 $1.000000000e+00, v3;
	v34 =	vtrunc.f32 v29;
	v36 =	vmul.f32 $2.047000000e+03, v14  }
0x52: {  	[tilespmem:s24+$0x680] =	vst v3;
	v3 =	vadd.s32 $0x1001, v30;
	v8 =	vcvt.f32.s32 v34;
	v38 =	vtrunc.f32 v5  }
0x53: {  	v32 =	vsub.f32 $1.000000000e+00, v4;
	[tilespmem:s24+$0x700] =	vst v4;
	v37 =	vmul.f32 $2.047000000e+03, v27;
	v4 =	vcvt.f32.s32 v38  }
0x54: {  	[tilespmem:s24+$0x480] =	vst v3;
	v39 =	vtrunc.f32 v36  }
0x55: {  	[tilespmem:s24+$0x800] =	vst v2;
	vm0 =	vgt.s32 v8, $0x0;
	v40 =	vtrunc.f32 v37;
	vm15 =	vgt.s32 v4, $0x0  }
0x56: {  	[tilespmem:s24+$0x880] =	vst v28;
	v41 =	vcvt.f32.s32 v39;
	v8 =	vnsel vm0, $0x0, v8;
	v4 =	vnsel vm15, $0x0, v4  }
0x57: {  	[tilespmem:s24+$0x900] =	vst v32;
	v9 =	vcvt.f32.s32 v40;
	v42 =	vmin.u32 v8, $0x7FF;
	v45 =	vmin.u32 v4, $0x7FF  }
0x58: {  	vm1 =	vgt.s32 v41, $0x0;
	v61 =	vmin.u32 v8, $0x7FE;
	v62 =	vor.u32 $0x1800, v42;
	[tilespmem:s26+$0x200] =	vst v45  }
0x59: {  	v44 =	vnsel vm1, $0x0, v41;
	v4 =	vmin.u32 v4, $0x7FE;
	v63 =	vadd.s32 $0x1801, v61;
	[tilespmem:s26+$0x500] =	vst v62  }
0x5a: {  	v43 =	vcvt.s32.f32 v42;
	v47 =	vmin.u32 v44, $0x7FF;
	v55 =	vadd.s32 $0x1, v4;
	[tilespmem:s26+$0x580] =	vst v63  }
0x5b: {  	vm2 =	vgt.s32 v9, $0x0;
	v56 =	vmin.u32 v44, $0x7FE;
	v57 =	vor.u32 $0x800, v47;
	[tilespmem:s26+$0x280] =	vst v55  }
0x5c: {  	v46 =	vnsel vm2, $0x0, v9;
	v2 =	vsub.f32 v29, v43;
	v58 =	vadd.s32 $0x801, v56;
	[tilespmem:s26+$0x300] =	vst v57  }
0x5d: {  	v48 =	vcvt.s32.f32 v45;
	v50 =	vmin.u32 v46, $0x7FF;
	[tilespmem:s26+$0x380] =	vst v58  }
0x5e: {  	v1 =	vmin.u32 v46, $0x7FE;
	v59 =	vor.u32 $0x1000, v50;
	[tilespmem:s26+$0x780] =	vst v2  }
0x5f: {  	v49 =	vcvt.s32.f32 v47;
	v5 =	vsub.f32 v5, v48;
	v60 =	vadd.s32 $0x1001, v1;
	[tilespmem:s26+$0x400] =	vst v59  }
0x60: {  	v2 =	vsub.f32 $1.000000000e+00, v2;
	[tilespmem:s26+$0x480] =	vst v60  }
0x61: {  	v51 =	vcvt.s32.f32 v50;
	v0 =	vsub.f32 v36, v49;
	[tilespmem:s26+$0x600] =	vst v5  }
0x62: {  	v5 =	vsub.f32 $1.000000000e+00, v5;
	[tilespmem:s26+$0x980] =	vst v2  }
0x63: {  	v52 =	vsub.f32 v37, v51;
	[tilespmem:s26+$0x680] =	vst v0  }
0x64: {  	v53 =	vsub.f32 $1.000000000e+00, v0;
	[tilespmem:s26+$0x800] =	vst v5  }
0x65: {  	v54 =	vsub.f32 $1.000000000e+00, v52;
	[tilespmem:s26+$0x700] =	vst v52  }
0x66: {  	[tilespmem:s26+$0x880] =	vst v53  }
0x67: {  	s29 =	simm.s32 $0x200;
	[tilespmem:s26+$0x900] =	vst v54  }
0x68: {  	[tilespmem:s16], [sflag:$0x1] =	stream.indirect.gather [hbm4b:s9+s12], $0x20, s29, s12, $0xb8;
	[tilespmem:$0x1CA00] =	vst v63  }
0x69: {  	s30 =	simm.s32 $0x280  }
0x6a: {  	[tilespmem:s18], [sflag:$0x1] =	stream.indirect.gather [hbm4b:s9+s12], $0x20, s30, s12, $0xb8;
	[tilespmem:$0x1CA00] =	vst v63  }
0x6b: {  	s25 =	simm.s32 $0x300;
	s26 =	simm.s32 $0x1A00  }
0x6c: {  	[tilespmem:s26], [sflag:$0x1] =	stream.indirect.gather [hbm4b:s9+s12], $0x20, s25, s12, $0xb8;
	[tilespmem:$0x1CA00] =	vst v63  }
0x6d: {  	s28 =	simm.s32 $0x380;
	s29 =	simm.s32 $0x5A00  }
0x6e: {  	[tilespmem:s29], [sflag:$0x1] =	stream.indirect.gather [hbm4b:s9+s12], $0x20, s28, s12, $0xb8;
	[tilespmem:$0x1CA00] =	vst v63  }
0x6f: {  	s30 =	simm.s32 $0x2A00  }
0x70: {  	[tilespmem:s30], [sflag:$0x1] =	stream.indirect.gather [hbm4b:s9+s12], $0x20, s23, s12, $0xb8;
	[tilespmem:$0x1CA00] =	vst v63  }
0x71: {  	s25 =	simm.s32 $0x480;
	s26 =	simm.s32 $0x6A00  }
0x72: {  	[tilespmem:s26], [sflag:$0x1] =	stream.indirect.gather [hbm4b:s9+s12], $0x20, s25, s12, $0xb8;
	[tilespmem:$0x1CA00] =	vst v63  }
0x73: {  	s28 =	simm.s32 $0x500;
	s29 =	simm.s32 $0x3A00  }
0x74: {  	[tilespmem:s29], [sflag:$0x1] =	stream.indirect.gather [hbm4b:s9+s12], $0x20, s28, s12, $0xb8;
	[tilespmem:$0x1CA00] =	vst v63  }
0x75: {  	s30 =	simm.s32 $0x580  }
0x76: {  	[tilespmem:s31], [sflag:$0x1] =	stream.indirect.gather [hbm4b:s9+s12], $0x20, s30, s12, $0xb8;
	[tilespmem:$0x1CA00] =	vst v63  }
0x77: {  	_ =	swait.ge [sflag:s0], $0x1000  }
0x78: {  	[sflag:s0] =	ssyncset.done $0x0  }
0x79: {  	[sflag:s0] =	ssyncadd.s32 $0xFFFFF000  }
0x7a: {  	_ =	swait.ge [sflag:s0], $0x1000  }
0x7b: {  	[sflag:s0] =	ssyncset.done $0x0  }
0x7c: {  	[sflag:s0] =	ssyncadd.s32 $0xFFFFF000  }
0x7d: {  	_ =	swait.ge [sflag:s0], $0x1000  }
0x7e: {  	[sflag:s0] =	ssyncset.done $0x0  }
0x7f: {  	[sflag:s0] =	ssyncadd.s32 $0xFFFFF000  }
0x80: {  	_ =	swait.ge [sflag:s0], $0x1000  }
0x81: {  	[sflag:s0] =	ssyncset.done $0x0  }
0x82: {  	[sflag:s0] =	ssyncadd.s32 $0xFFFFF000  }
0x83: {  	_ =	swait.ge [sflag:s0], $0x1000  }
0x84: {  	[sflag:s0] =	ssyncset.done $0x0  }
0x85: {  	[sflag:s0] =	ssyncadd.s32 $0xFFFFF000  }
0x86: {  	_ =	swait.ge [sflag:s0], $0x1000  }
0x87: {  	[sflag:s0] =	ssyncset.done $0x0  }
0x88: {  	[sflag:s0] =	ssyncadd.s32 $0xFFFFF000  }
0x89: {  	_ =	swait.ge [sflag:s0], $0x1000  }
0x8a: {  	[sflag:s0] =	ssyncset.done $0x0  }
0x8b: {  	[sflag:s0] =	ssyncadd.s32 $0xFFFFF000  }
0x8c: {  	_ =	swait.ge [sflag:s0], $0x1000  }
0x8d: {  	[sflag:s0] =	ssyncset.done $0x0  }
0x8e: {  	s24 =	simm.s32 $0x0;
	[sflag:s0] =	ssyncadd.s32 $0xFFFFF000  }
.LBB2_5:
0x8f: {  	v56 =	vmov s24  }
0x90: {  	v0 =	vimm.f32 $3.200000000e+01;
	vm0 =	veq.s32 v56, $0x1  }
0x91: {  	vm14 =	veq.s32 v56, $0x2;
	v0 =	vsel vm0, $0x4228E5A3, v0  }
0x92: {  	vm15 =	veq.s32 v56, $0x3;
	v0 =	vsel vm14, $0x425EDC67, v0  }
0x93: {  	vm4 =	veq.s32 v56, $0x4;
	v0 =	vsel vm15, $0x4293088C, v0  }
0x94: {  	vm5 =	veq.s32 v56, $0x5;
	v0 =	vsel vm4, $0x42C20300, v0  }
0x95: {  	vm6 =	veq.s32 v56, $0x6;
	v0 =	vsel vm5, $0x43000000, v0  }
0x96: {  	vm7 =	veq.s32 v56, $0x7;
	v0 =	vsel vm6, $0x4328E5A3, v0  }
0x97: {  	vm8 =	veq.s32 v56, $0x8;
	v0 =	vsel vm7, $0x435EDC67, v0  }
0x98: {  	vm9 =	veq.s32 v56, $0x9;
	v0 =	vsel vm8, $0x4393088C, v0  }
0x99: {  	s25 =	simm.s32 $0x0;
	vm10 =	veq.s32 v56, $0xA;
	v0 =	vsel vm9, $0x43C20300, v0  }
0x9a: {  	vm11 =	veq.s32 v56, $0xB;
	v1 =	vld [tilespmem:s25+$0x100];
	v0 =	vsel vm10, $0x44000000, v0  }
0x9b: {  	vm12 =	veq.s32 v56, $0xC;
	v2 =	vld [tilespmem:s25+$0x80];
	v0 =	vsel vm11, $0x4428E5A3, v0  }
0x9c: {  	vm13 =	veq.s32 v56, $0xD;
	v3 =	vld [tilespmem:s25+$0x0];
	v0 =	vsel vm12, $0x445EDC67, v0  }
0x9d: {  	vm14 =	veq.s32 v56, $0xE;
	v0 =	vsel vm13, $0x4493088C, v0  }
0x9e: {  	vm15 =	veq.s32 v56, $0xF;
	v0 =	vsel vm14, $0x44C20300, v0  }
0x9f: {  	v7 =	vsel vm15, $0x45000000, v0  }
0xa0: {  	v0 =	vld [tilespmem:s25+$0x180];
	v1 =	vmul.f32 v1, v7;
	v2 =	vmul.f32 v2, v7  }
0xa1: {  	v3 =	vmul.f32 v3, v7  }
0xa2: {  	v4 =	vtrunc.f32 v1;
	v5 =	vtrunc.f32 v2  }
0xa3: {  	v6 =	vtrunc.f32 v3;
	v4 =	vcvt.f32.s32 v4  }
0xa4: {  	v6 =	vcvt.f32.s32 v6;
	v5 =	vcvt.f32.s32 v5  }
0xa5: {  	[tilespmem:$0x1FDA0] =	vst v7;
	v0 =	vmul.f32 v0, v7;
	v7 =	vcvt.s32.f32 v4  }
0xa6: {  	v8 =	vmul.u32 $0x9E3779B1, v4;
	v10 =	vmul.u32 $0x30025795, v4;
	v4 =	vcvt.s32.f32 v6  }
0xa7: {  	v12 =	vadd.s32 $0x1, v5;
	v9 =	vtrunc.f32 v0;
	v26 =	vsub.f32 v1, v7  }
0xa8: {  	v1 =	vcvt.f32.s32 v9;
	v7 =	vcvt.s32.f32 v5;
	v9 =	vmul.u32 $0x9E3779B1, v5  }
0xa9: {  	v11 =	vadd.s32 $0x9E3779B1, v8;
	v3 =	vsub.f32 v3, v4;
	v31 =	vxor.u32 v12, v8  }
0xaa: {  	v19 =	vxor.u32 v12, v11;
	v4 =	vcvt.s32.f32 v1;
	v2 =	vsub.f32 v2, v7  }
0xab: {  	v24 =	vsub.f32 $1.000000000e+00, v26;
	v27 =	vmul.u32 $0x30025795, v1;
	v1 =	vsub.f32 $1.000000000e+00, v3  }
0xac: {  	v28 =	vsub.f32 v0, v4;
	v0 =	vsub.f32 $1.000000000e+00, v2;
	v4 =	vadd.s32 $0x1, v6  }
0xad: {  	v22 =	vxor.u32 v6, v9;
	v43 =	vmul.f32 v24, v1;
	v23 =	vxor.u32 v4, v9  }
0xae: {  	v34 =	vsub.f32 $1.000000000e+00, v28;
	v12 =	vmul.f32 v0, v1;
	v36 =	vmul.f32 v0, v3  }
0xaf: {  	v38 =	vmul.f32 v24, v0;
	v40 =	vmul.f32 v26, v0;
	v0 =	vxor.u32 v10, v23  }
0xb0: {  	[tilespmem:$0x1FDC0] =	vst v0;
	v0 =	vxor.u32 v22, v27  }
0xb1: {  	[tilespmem:$0x1FDD0] =	vst v0;
	v0 =	vmul.f32 v34, v43;
	_ =	sdelay $0x1  }
0xb2: {  	v44 =	vmul.f32 v26, v1;
	[tilespmem:$0x1FDE0] =	vst v0;
	v0 =	vmul.f32 v43, v28;
	_ =	sdelay $0x1  }
0xb3: {  	[tilespmem:$0x1FDF0] =	vst v0;
	v0 =	vmul.f32 v34, v44;
	_ =	sdelay $0x1  }
0xb4: {  	v45 =	vmul.f32 v2, v3;
	[tilespmem:$0x1FE00] =	vst v0;
	v0 =	vmul.f32 v28, v44;
	_ =	sdelay $0x1  }
0xb5: {  	v29 =	vmul.f32 v24, v3;
	[tilespmem:$0x1FE10] =	vst v0;
	v0 =	vmul.f32 v24, v45;
	_ =	sdelay $0x1  }
0xb6: {  	[tilespmem:$0x1FE30] =	vst v0;
	v0 =	vmul.f32 v34, v29;
	_ =	sdelay $0x1  }
0xb7: {  	[tilespmem:$0x1FE20] =	vst v0;
	v0 =	vmul.f32 v26, v45;
	_ =	sdelay $0x1  }
0xb8: {  	[tilespmem:$0x1FE40] =	vst v0;
	v0 =	vmul.f32 v34, v45;
	_ =	sdelay $0x1  }
0xb9: {  	v48 =	vmul.f32 v26, v2;
	[tilespmem:$0x1FE50] =	vst v0;
	v0 =	vmul.f32 v28, v45;
	_ =	sdelay $0x1  }
0xba: {  	[tilespmem:$0x1FE70] =	vst v0;
	v0 =	vmul.f32 v34, v48;
	_ =	sdelay $0x1  }
0xbb: {  	v3 =	vmul.f32 v26, v3;
	[tilespmem:$0x1FE90] =	vst v0;
	v0 =	vmul.f32 v28, v48;
	_ =	sdelay $0x1  }
0xbc: {  	[tilespmem:$0x1FEA0] =	vst v0;
	v0 =	vmul.f32 v34, v3  }
0xbd: {  	v7 =	vadd.s32 $0x9E3779B1, v9  }
0xbe: {  	v21 =	vadd.s32 $0x30025795, v10;
	v13 =	vxor.u32 v6, v7;
	[tilespmem:$0x1FEB0] =	vst v0;
	v0 =	vmul.f32 v28, v3  }
0xbf: {  	[tilespmem:$0x1FDB0] =	vst v56;
	v56 =	vshll.u32 v56, $0x13;
	v39 =	vxor.u32 v21, v13;
	v7 =	vxor.u32 v4, v7  }
0xc0: {  	v25 =	vxor.u32 v5, v8;
	v42 =	vxor.u32 v10, v7;
	[tilespmem:$0x1FEC0] =	vst v0;
	v0 =	vand.u32 $0x7FFF8, v39  }
0xc1: {  	v35 =	vmul.f32 v2, v1;
	v1 =	vand.u32 $0x7FFF8, v42;
	v0 =	vor.u32 v56, v0  }
0xc2: {  	v32 =	vxor.u32 v6, v8;
	v46 =	vxor.u32 v21, v7;
	[tilespmem:$0x1FEE0] =	vst v0;
	v0 =	vor.u32 v56, v1  }
0xc3: {  	v30 =	vadd.s32 $0x30025795, v27;
	v47 =	vxor.u32 v27, v13;
	[tilespmem:$0x1FEF0] =	vst v0;
	v0 =	vand.u32 $0x7FFF8, v46  }
0xc4: {  	v18 =	vxor.u32 v13, v30;
	v1 =	vand.u32 $0x7FFF8, v47;
	v0 =	vor.u32 v56, v0  }
0xc5: {  	v14 =	vxor.u32 v5, v11;
	v44 =	vand.u32 $0x7FFF8, v18;
	[tilespmem:$0x1FF00] =	vst v0;
	v0 =	vor.u32 v56, v1  }
0xc6: {  	v20 =	vxor.u32 v6, v11;
	v17 =	vxor.u32 v27, v7;
	[tilespmem:$0x1FF10] =	vst v0;
	v0 =	vor.u32 v56, v44  }
0xc7: {  	v61 =	vxor.u32 v22, v21;
	v16 =	vxor.u32 v7, v30;
	[tilespmem:$0x1FF20] =	vst v0;
	v0 =	vand.u32 $0x7FFF8, v17  }
0xc8: {  	v15 =	vxor.u32 v27, v14;
	v1 =	vand.u32 $0x7FFF8, v16;
	v0 =	vor.u32 v56, v0  }
0xc9: {  	v37 =	vxor.u32 v10, v13;
	v45 =	vand.u32 $0x7FFF8, v15;
	[tilespmem:$0x1FF30] =	vst v0;
	v0 =	vor.u32 v56, v1  }
0xca: {  	v14 =	vxor.u32 v30, v14;
	v49 =	vmul.f32 v24, v12;
	[tilespmem:$0x1FF40] =	vst v0;
	v0 =	vor.u32 v56, v45  }
0xcb: {  	v63 =	vxor.u32 v27, v20;
	v13 =	vxor.u32 v27, v19;
	[tilespmem:$0x1FF50] =	vst v0;
	v0 =	vand.u32 $0x7FFF8, v14  }
0xcc: {  	v62 =	vxor.u32 v30, v19;
	[tilespmem:s25+$0xAA00] =	vst v49;
	v1 =	vand.u32 $0x7FFF8, v13;
	v0 =	vor.u32 v56, v0  }
0xcd: {  	v11 =	vxor.u32 v4, v11;
	v49 =	vand.u32 $0x7FFF8, v62;
	[tilespmem:$0x1FF60] =	vst v0;
	v0 =	vor.u32 v56, v1  }
0xce: {  	v33 =	vxor.u32 v4, v8;
	v50 =	vmul.f32 v12, v26;
	[tilespmem:$0x1FF70] =	vst v0;
	v0 =	vor.u32 v56, v49  }
0xcf: {  	v4 =	vxor.u32 v30, v20;
	v7 =	vxor.u32 v27, v11;
	[tilespmem:$0x1FF80] =	vst v0;
	v0 =	vand.u32 $0x7FFF8, v63  }
0xd0: {  	v53 =	vmul.f32 v24, v36;
	[tilespmem:s25+$0xAA80] =	vst v50;
	v50 =	vand.u32 $0x7FFF8, v7;
	v48 =	vld [tilespmem:$0x1FDC0];
	v0 =	vor.u32 v56, v0  }
0xd1: {  	v20 =	vxor.u32 v10, v22;
	v6 =	vxor.u32 v30, v11;
	[tilespmem:$0x1FF90] =	vst v0;
	v0 =	vor.u32 v56, v50  }
0xd2: {  	v51 =	vmul.f32 v24, v35;
	v52 =	vmul.f32 v26, v35;
	[tilespmem:$0x1FFA0] =	vst v0;
	v0 =	vand.u32 $0x7FFF8, v6  }
0xd3: {  	v10 =	vxor.u32 v23, v21;
	v57 =	vmul.f32 v34, v35;
	[tilespmem:s25+$0xAC00] =	vst v53;
	v0 =	vor.u32 v56, v0  }
0xd4: {  	v35 =	vmul.f32 v28, v35;
	v53 =	vmovc v6;
	v1 =	vand.u32 $0x7FFF8, v4;
	v6 =	vld [tilespmem:$0x1FDD0];
	[tilespmem:$0x1FFB0] =	vst v0;
	v0 =	vshll.u32 v37, $0x1  }
0xd5: {  	v45 =	vor.u32 v56, v1;
	v1 =	vand.u32 $0x7FFF8, v20;
	[tilespmem:$0x1FFC0] =	vst v0;
	v0 =	vand.u32 $0x7FFF8, v48  }
0xd6: {  	[tilespmem:s25+$0xAF80] =	vst v35;
	v35 =	vor.u32 v56, v1;
	v1 =	vand.u32 $0x7FFF8, v10;
	v0 =	vor.u32 v56, v0  }
0xd7: {  	v8 =	vxor.u32 v27, v25;
	v5 =	vxor.u32 v25, v30;
	[tilespmem:$0x1FFD0] =	vst v0;
	v0 =	vor.u32 v56, v1  }
0xd8: {  	v25 =	vxor.u32 v27, v32;
	v11 =	vxor.u32 v22, v30;
	[tilespmem:$0x1FFE0] =	vst v0;
	v0 =	vshll.u32 v42, $0x1  }
0xd9: {  	v21 =	vxor.u32 v23, v27;
	v22 =	vxor.u32 v27, v31;
	[tilespmem:$0x1FFF0] =	vst v0;
	v0 =	vand.u32 $0x7FFF8, v6  }
0xda: {  	v54 =	vmul.f32 v36, v26;
	v44 =	vor.u32 v56, v0;
	v0 =	vand.u32 $0x7FFF8, v21  }
0xdb: {  	v43 =	vand.u32 $0x7FFF8, v37;
	v37 =	vor.u32 v56, v0;
	v0 =	vand.u32 $0x7FFF8, v8  }
0xdc: {  	v26 =	vxor.u32 v27, v33;
	v27 =	vxor.u32 v33, v30;
	v33 =	vor.u32 v56, v0;
	v0 =	vld [tilespmem:$0x1FDE0];
	_ =	sdelay $0x4  }
0xdd: {  	[tilespmem:s25+$0xB600] =	vst v0;
	v0 =	vand.u32 $0x7FFF8, v22  }
0xde: {  	v41 =	vmul.f32 v24, v2;
	v2 =	vmul.f32 v29, v28;
	v29 =	vor.u32 v56, v0;
	v0 =	vld [tilespmem:$0x1FE00];
	_ =	sdelay $0x4  }
0xdf: {  	[tilespmem:s25+$0xB700] =	vst v0;
	v0 =	vand.u32 $0x7FFF8, v25  }
0xe0: {  	v50 =	vor.u32 v56, v0;
	v0 =	vld [tilespmem:$0x1FE20];
	_ =	sdelay $0x2  }
0xe1: {  	v55 =	vmul.f32 v34, v12  }
0xe2: {  	v9 =	vmul.f32 v28, v12;
	v12 =	vmul.f32 v34, v41  }
0xe3: {  	[tilespmem:s25+$0xB800] =	vst v0;
	v0 =	vand.u32 $0x7FFF8, v26  }
0xe4: {  	[tilespmem:s25+$0xB400] =	vst v12;
	v12 =	vor.u32 v56, v0;
	v0 =	vld [tilespmem:$0x1FE40];
	_ =	sdelay $0x4  }
0xe5: {  	[tilespmem:s25+$0xAD80] =	vst v0;
	v0 =	vld [tilespmem:$0x1FE50];
	_ =	sdelay $0x4  }
0xe6: {  	[tilespmem:s25+$0xB100] =	vst v0;
	v0 =	vshll.u32 v48, $0x1  }
0xe7: {  	[tilespmem:$0x1FE60] =	vst v0;
	v0 =	vld [tilespmem:$0x1FE70];
	_ =	sdelay $0x4  }
0xe8: {  	[tilespmem:s25+$0xB180] =	vst v0;
	v0 =	vshll.u32 v6, $0x1  }
0xe9: {  	[tilespmem:$0x1FE80] =	vst v0;
	v0 =	vld [tilespmem:$0x1FE90];
	_ =	sdelay $0x4  }
0xea: {  	[tilespmem:s25+$0xB500] =	vst v0;
	v0 =	vld [tilespmem:$0x1FEA0];
	_ =	sdelay $0x4  }
0xeb: {  	[tilespmem:s25+$0xB580] =	vst v0;
	v0 =	vld [tilespmem:$0x1FEB0];
	_ =	sdelay $0x4  }
0xec: {  	[tilespmem:s25+$0xB900] =	vst v0;
	v0 =	vld [tilespmem:$0x1FEC0];
	_ =	sdelay $0x2  }
0xed: {  	[tilespmem:s25+$0xB880] =	vst v2;
	v2 =	vor.u32 v56, v43  }
0xee: {  	[tilespmem:$0x1FED0] =	vst v2  }
0xef: {  	[tilespmem:s25+$0xB980] =	vst v0;
	v0 =	vld [tilespmem:$0x1FED0];
	_ =	sdelay $0x2  }
0xf0: {  	v58 =	vmul.f32 v34, v36  }
0xf1: {  	[tilespmem:s25+$0xAB00] =	vst v51;
	v51 =	vmov v4;
	v4 =	vmov v10  }
0xf2: {  	[tilespmem:s25+$0xB000] =	vst v58;
	v58 =	vshll.u32 v13, $0x1;
	v13 =	vshll.u32 v4, $0x1;
	v4 =	vshrl.u32 v0, $0x3;
	v0 =	vld [tilespmem:$0x1FEE0];
	_ =	sdelay $0x1  }
0xf3: {  	v59 =	vmul.f32 v34, v38  }
0xf4: {  	v19 =	vxor.u32 v23, v30  }
0xf5: {  	[tilespmem:s25+$0xB200] =	vst v59;
	v59 =	vshll.u32 v19, $0x1;
	v1 =	vand.u32 $0x7FFF8, v11  }
0xf6: {  	v43 =	vor.u32 v56, v1;
	v1 =	vand.u32 $0x7FFF8, v19;
	v19 =	vshrl.u32 v0, $0x3;
	v0 =	vld [tilespmem:$0x1FEF0];
	_ =	sdelay $0x3  }
0xf7: {  	v23 =	vxor.u32 v31, v30  }
0xf8: {  	v31 =	vshll.u32 v16, $0x1;
	v16 =	vshll.u32 v22, $0x1;
	v22 =	vshrl.u32 v0, $0x3;
	v0 =	vld [tilespmem:$0x1FF00];
	_ =	sdelay $0x4  }
0xf9: {  	[tilespmem:s25+$0x8B00] =	vst v4;
	v4 =	vshrl.u32 v0, $0x3;
	v0 =	vld [tilespmem:$0x1FF10];
	_ =	sdelay $0x1  }
0xfa: {  	v36 =	vmul.f32 v28, v36  }
0xfb: {  	v60 =	vmul.f32 v34, v40;
	[tilespmem:s25+$0xAC80] =	vst v54  }
0xfc: {  	[tilespmem:s25+$0xB080] =	vst v36;
	v54 =	vshll.u32 v23, $0x1;
	v36 =	vor.u32 v56, v1;
	v1 =	vand.u32 $0x7FFF8, v5  }
0xfd: {  	v34 =	vor.u32 v56, v1;
	v1 =	vand.u32 $0x7FFF8, v23;
	v23 =	vshrl.u32 v0, $0x3;
	v0 =	vld [tilespmem:$0x1FF20];
	_ =	sdelay $0x2  }
0xfe: {  	[tilespmem:s25+$0xAE80] =	vst v9;
	v9 =	vshll.u32 v63, $0x1;
	v24 =	vxor.u32 v32, v30;
	v3 =	vmovc v61;
	v61 =	vand.u32 $0x7FFF8, v61  }
0xff: {  	[tilespmem:s25+$0xAF00] =	vst v57;
	v57 =	vor.u32 v56, v61;
	v63 =	vshll.u32 v53, $0x1;
	v53 =	vshll.u32 v24, $0x1  }
0x100: {  	v61 =	vor.u32 v56, v1;
	v1 =	vand.u32 $0x7FFF8, v24;
	v24 =	vshrl.u32 v0, $0x3;
	v0 =	vld [tilespmem:$0x1FF30];
	_ =	sdelay $0x4  }
0x101: {  	[tilespmem:s25+$0x8B80] =	vst v19;
	v19 =	vshrl.u32 v0, $0x3;
	v0 =	vld [tilespmem:$0x1FF40];
	_ =	sdelay $0x4  }
0x102: {  	[tilespmem:s25+$0xAB80] =	vst v52;
	v52 =	vshll.u32 v25, $0x1;
	v25 =	vshrl.u32 v0, $0x3;
	v0 =	vld [tilespmem:$0x1FF50];
	_ =	sdelay $0x3  }
0x103: {  	v32 =	vmov v7;
	v7 =	vld [tilespmem:$0x1FDF0]  }
0x104: {  	v48 =	vshll.u32 v26, $0x1;
	v26 =	vshrl.u32 v0, $0x3;
	v0 =	vld [tilespmem:$0x1FF60];
	_ =	sdelay $0x3  }
0x105: {  	[tilespmem:s25+$0xB680] =	vst v7;
	v7 =	vld [tilespmem:$0x1FE10]  }
0x106: {  	[tilespmem:s25+$0x8D00] =	vst v22;
	v22 =	vshrl.u32 v0, $0x3;
	v0 =	vld [tilespmem:$0x1FF70];
	_ =	sdelay $0x3  }
0x107: {  	[tilespmem:s25+$0xB780] =	vst v7;
	v7 =	vshll.u32 v62, $0x1;
	v62 =	vshll.u32 v32, $0x1;
	v32 =	vshll.u32 v27, $0x1  }
0x108: {  	v49 =	vor.u32 v56, v1;
	v1 =	vand.u32 $0x7FFF8, v27;
	v27 =	vshrl.u32 v0, $0x3;
	v0 =	vld [tilespmem:$0x1FF80];
	_ =	sdelay $0x4  }
0x109: {  	v30 =	vshll.u32 v15, $0x1;
	v15 =	vshll.u32 v20, $0x1;
	v20 =	vshrl.u32 v0, $0x3;
	v0 =	vld [tilespmem:$0x1FF90];
	_ =	sdelay $0x1  }
0x10a: {  	v40 =	vmul.f32 v28, v40;
	_ =	sdelay $0x1  }
0x10b: {  	[tilespmem:s25+$0xB380] =	vst v40;
	v40 =	vshll.u32 v18, $0x1  }
0x10c: {  	v18 =	vshll.u32 v3, $0x1;
	v3 =	vshll.u32 v21, $0x1;
	v21 =	vshrl.u32 v0, $0x3;
	v0 =	vld [tilespmem:$0x1FFA0];
	_ =	sdelay $0x2  }
0x10d: {  	v38 =	vmul.f32 v38, v28;
	_ =	sdelay $0x1  }
0x10e: {  	[tilespmem:s25+$0xB280] =	vst v38;
	v38 =	vshll.u32 v17, $0x1;
	v17 =	vshll.u32 v8, $0x1;
	v8 =	vshrl.u32 v0, $0x3;
	v0 =	vld [tilespmem:$0x1FFB0];
	_ =	sdelay $0x4  }
0x10f: {  	[tilespmem:s25+$0xAE00] =	vst v55;
	v55 =	vshll.u32 v39, $0x1;
	v39 =	vshll.u32 v47, $0x1;
	v47 =	vshrl.u32 v0, $0x3;
	v0 =	vld [tilespmem:$0x1FFC0];
	_ =	sdelay $0x2  }
0x110: {  	v10 =	vld [tilespmem:$0x1FE30];
	_ =	sdelay $0x1  }
0x111: {  	v41 =	vmul.f32 v41, v28;
	v42 =	vand.u32 $0xE, v0;
	v0 =	vld [tilespmem:$0x1FFD0]  }
0x112: {  	[tilespmem:s25+$0xB300] =	vst v60  }
0x113: {  	[tilespmem:s25+$0xB480] =	vst v41  }
0x114: {  	v60 =	vshll.u32 v11, $0x1;
	[tilespmem:s25+$0xAD00] =	vst v10;
	v10 =	vshrl.u32 v45, $0x3  }
0x115: {  	v51 =	vshll.u32 v51, $0x1;
	v41 =	vand.u32 $0xE, v40;
	v38 =	vand.u32 $0xE, v38;
	[tilespmem:s25+$0x9780] =	vst v10  }
0x116: {  	v2 =	vshll.u32 v46, $0x1;
	v28 =	vshll.u32 v14, $0x1;
	[tilespmem:s25+$0x8D80] =	vst v4;
	v46 =	vshrl.u32 v0, $0x3;
	v0 =	vld [tilespmem:$0x1FFE0]  }
0x117: {  	v14 =	vshll.u32 v5, $0x1;
	v45 =	vshrl.u32 v35, $0x3;
	v35 =	vshrl.u32 v57, $0x3;
	[tilespmem:s25+$0x8F00] =	vst v23  }
0x118: {  	v57 =	vand.u32 $0xE, v55;
	v34 =	vshrl.u32 v34, $0x3;
	v40 =	vshrl.u32 v37, $0x3;
	[tilespmem:s25+$0x8F80] =	vst v24  }
0x119: {  	v37 =	vand.u32 $0xE, v31;
	v31 =	vand.u32 $0xE, v28;
	v28 =	vand.u32 $0xE, v58;
	[tilespmem:s25+$0x9100] =	vst v19  }
0x11a: {  	v1 =	vor.u32 v56, v1;
	v4 =	vand.u32 $0xE, v2;
	v2 =	vshrl.u32 v44, $0x3;
	[tilespmem:s25+$0x9180] =	vst v25  }
0x11b: {  	v44 =	vshrl.u32 v43, $0x3;
	v43 =	vand.u32 $0xE, v39;
	[tilespmem:s25+$0x9300] =	vst v26;
	v55 =	vshrl.u32 v0, $0x3;
	v0 =	vld [tilespmem:$0x1FFF0]  }
0x11c: {  	v39 =	vshrl.u32 v36, $0x3;
	v36 =	vshrl.u32 v33, $0x3;
	v33 =	vand.u32 $0xE, v30;
	[tilespmem:s25+$0x9380] =	vst v22  }
0x11d: {  	v30 =	vshrl.u32 v29, $0x3;
	v29 =	vshrl.u32 v61, $0x3;
	v23 =	vand.u32 $0xE, v51;
	[tilespmem:s25+$0x9500] =	vst v27  }
0x11e: {  	v24 =	vand.u32 $0xE, v9;
	v9 =	vand.u32 $0xE, v63;
	v25 =	vshrl.u32 v49, $0x3;
	[tilespmem:s25+$0x9580] =	vst v20  }
0x11f: {  	v26 =	vshrl.u32 v50, $0x3;
	v22 =	vshrl.u32 v1, $0x3;
	v27 =	vand.u32 $0xE, v7;
	[tilespmem:s25+$0x9700] =	vst v21  }
0x120: {  	s26 =	simm.s32 $0x10;
	s28 =	simm.s32 $0x80;
	v20 =	vand.u32 $0xE, v62;
	v21 =	vshrl.u32 v12, $0x3;
	[tilespmem:s25+$0x9900] =	vst v8;
	v19 =	vand.u32 $0xE, v0  }
.LBB2_6:
0x121: {  	_ =	sdelay $0x3  }
0x122: {  	v0 =	vand.u32 $0xE, v15  }
0x123: {  	[tilespmem:$0x1FAC0] =	vst v0;
	v0 =	vld [tilespmem:$0x1FE60];
	_ =	sdelay $0x3  }
0x124: {  	v58 =	vld [tilespmem:s26+$0x100];
	[tilespmem:s25+$0x9980] =	vst v47  }
0x125: {  	v15 =	vld [tilespmem:s26+$0x80];
	[tilespmem:s25+$0x8A00] =	vst v45;
	v0 =	vand.u32 $0xE, v0  }
0x126: {  	[tilespmem:$0x1FAD0] =	vst v0;
	v0 =	vld [tilespmem:$0x1FE80]  }
0x127: {  	v45 =	vand.u32 $0xE, v13;
	v13 =	vld [tilespmem:s26+$0x0];
	[tilespmem:s25+$0x8A80] =	vst v35  }
0x128: {  	[tilespmem:s25+$0x9B00] =	vst v42  }
0x129: {  	v7 =	vld [tilespmem:s26+$0x180];
	[tilespmem:s25+$0x9B80] =	vst v57  }
0x12a: {  	[tilespmem:s25+$0x8C00] =	vst v46  }
0x12b: {  	[tilespmem:s25+$0x9D80] =	vst v4;
	v47 =	vand.u32 $0xE, v0;
	v0 =	vand.u32 $0xE, v60  }
0x12c: {  	[tilespmem:$0x1FAE0] =	vst v0;
	v0 =	vand.u32 $0xE, v3  }
0x12d: {  	v3 =	vld [tilespmem:$0x1FDA0];
	[tilespmem:$0x1FAF0] =	vst v0;
	v0 =	vand.u32 $0xE, v59  }
0x12e: {  	[tilespmem:$0x1FB00] =	vst v0;
	v0 =	vand.u32 $0xE, v17  }
0x12f: {  	[tilespmem:$0x1FB10] =	vst v0;
	v0 =	vand.u32 $0xE, v14  }
0x130: {  	[tilespmem:$0x1FB20] =	vst v0;
	v0 =	vand.u32 $0xE, v16  }
0x131: {  	[tilespmem:$0x1FB30] =	vst v0;
	v0 =	vand.u32 $0xE, v54  }
0x132: {  	v6 =	vmul.f32 v15, v3;
	[tilespmem:$0x1FB40] =	vst v0;
	v0 =	vand.u32 $0xE, v52  }
0x133: {  	v1 =	vmul.f32 v58, v3;
	v5 =	vmul.f32 v13, v3;
	[tilespmem:$0x1FB50] =	vst v0;
	v0 =	vand.u32 $0xE, v53  }
0x134: {  	v8 =	vtrunc.f32 v6;
	[tilespmem:$0x1FB60] =	vst v0;
	v0 =	vand.u32 $0xE, v48  }
0x135: {  	v4 =	vtrunc.f32 v5;
	[tilespmem:$0x1FB70] =	vst v0;
	v0 =	vtrunc.f32 v1  }
0x136: {  	[tilespmem:s25+$0x8E00] =	vst v2;
	v2 =	vcvt.f32.s32 v4;
	v0 =	vcvt.f32.s32 v0  }
0x137: {  	[tilespmem:s25+$0x8C80] =	vst v55;
	v7 =	vmul.f32 v7, v3;
	v8 =	vcvt.f32.s32 v8  }
0x138: {  	v35 =	vand.u32 $0xE, v32;
	[tilespmem:s25+$0x9D00] =	vst v19;
	v14 =	vcvt.s32.f32 v2;
	v4 =	vcvt.s32.f32 v0  }
0x139: {  	[tilespmem:s25+$0x8E80] =	vst v44;
	v11 =	vtrunc.f32 v7;
	v19 =	vadd.s32 $0x1, v8;
	v10 =	vmul.u32 $0x9E3779B1, v0  }
0x13a: {  	[tilespmem:s25+$0x9F00] =	vst v43;
	v13 =	vmul.u32 $0x30025795, v0;
	v14 =	vsub.f32 v5, v14;
	v0 =	vsub.f32 v1, v4  }
0x13b: {  	[tilespmem:s25+$0x9F80] =	vst v41;
	v1 =	vcvt.f32.s32 v11;
	v4 =	vcvt.s32.f32 v8;
	v11 =	vmul.u32 $0x9E3779B1, v8  }
0x13c: {  	[tilespmem:s25+$0x9000] =	vst v40;
	v15 =	vadd.s32 $0x9E3779B1, v10;
	v46 =	vsub.f32 $1.000000000e+00, v14;
	v49 =	vadd.s32 $0x30025795, v13  }
0x13d: {  	[tilespmem:s25+$0x9080] =	vst v39;
	v52 =	vxor.u32 v8, v10;
	v53 =	vxor.u32 v19, v10;
	v54 =	vxor.u32 v2, v10  }
0x13e: {  	[tilespmem:s25+$0x9280] =	vst v34;
	v34 =	vxor.u32 v8, v15;
	v58 =	vxor.u32 v19, v15;
	v48 =	vxor.u32 v2, v15  }
0x13f: {  	[tilespmem:s25+$0xA100] =	vst v38;
	v5 =	vsub.f32 $1.000000000e+00, v0;
	v16 =	vcvt.s32.f32 v1;
	v17 =	vsub.f32 v6, v4  }
0x140: {  	[tilespmem:s25+$0xA180] =	vst v37;
	v4 =	vadd.s32 $0x9E3779B1, v11;
	v32 =	vmul.u32 $0x30025795, v1;
	v51 =	vxor.u32 v2, v11  }
0x141: {  	[tilespmem:s25+$0x9200] =	vst v36;
	v36 =	vxor.u32 v2, v4;
	v12 =	vxor.u32 v51, v49;
	v1 =	vsub.f32 v7, v16  }
0x142: {  	[tilespmem:s25+$0xA300] =	vst v33;
	v3 =	vmul.f32 v5, v14;
	v7 =	vsub.f32 $1.000000000e+00, v17;
	v16 =	vadd.s32 $0x1, v2  }
0x143: {  	v50 =	vadd.s32 $0x30025795, v32;
	[tilespmem:$0x1FC00] =	vst v12;
	v57 =	vxor.u32 v16, v4;
	v15 =	vxor.u32 v16, v15  }
0x144: {  	v11 =	vxor.u32 v16, v11;
	v10 =	vxor.u32 v16, v10;
	v8 =	vxor.u32 v50, v58;
	[tilespmem:$0x1FB80] =	vst v3  }
0x145: {  	v16 =	vxor.u32 v50, v48;
	v19 =	vmul.f32 v7, v46;
	v2 =	vmul.f32 v7, v14;
	[tilespmem:$0x1FBA0] =	vst v8  }
0x146: {  	v63 =	vmul.f32 v5, v7;
	v62 =	vmul.f32 v0, v7;
	v7 =	vxor.u32 v32, v58;
	[tilespmem:$0x1FBC0] =	vst v16  }
0x147: {  	v4 =	vmul.f32 v3, v1;
	v3 =	vxor.u32 v32, v15;
	[tilespmem:$0x1FB90] =	vst v7  }
0x148: {  	v55 =	vmul.f32 v17, v14;
	v58 =	vmul.f32 v0, v14;
	v14 =	vxor.u32 v50, v15;
	[tilespmem:$0x1FBE0] =	vst v3  }
0x149: {  	[tilespmem:$0x1FBF0] =	vst v14  }
0x14a: {  	[tilespmem:s26+$0xB880] =	vst v4  }
0x14b: {  	[tilespmem:s25+$0x9680] =	vst v25  }
0x14c: {  	[tilespmem:s25+$0x9880] =	vst v22  }
0x14d: {  	[tilespmem:s25+$0xA900] =	vst v20;
	v20 =	vxor.u32 v13, v11  }
0x14e: {  	v22 =	vxor.u32 v11, v49;
	[tilespmem:s25+$0xA980] =	vst v9;
	v25 =	vxor.u32 v11, v32;
	v9 =	vxor.u32 v11, v50;
	v11 =	vld [tilespmem:$0x1FB00]  }
0x14f: {  	[tilespmem:s25+$0xA380] =	vst v31  }
0x150: {  	[tilespmem:s25+$0x9400] =	vst v30  }
0x151: {  	[tilespmem:s25+$0x9480] =	vst v29  }
0x152: {  	v6 =	vld [tilespmem:$0x1FAC0];
	[tilespmem:s25+$0xA500] =	vst v28  }
0x153: {  	[tilespmem:s25+$0xA080] =	vst v11;
	v11 =	vand.u32 $0x7FFF8, v3;
	v3 =	vld [tilespmem:$0x1FB10]  }
0x154: {  	[tilespmem:s25+$0xA580] =	vst v27  }
0x155: {  	[tilespmem:s25+$0x9600] =	vst v26  }
0x156: {  	v59 =	vmul.f32 v0, v46;
	v38 =	vxor.u32 v13, v36;
	[tilespmem:s25+$0xA700] =	vst v24  }
0x157: {  	v40 =	vxor.u32 v49, v36;
	v61 =	vmul.f32 v5, v17;
	v60 =	vmul.f32 v5, v46;
	[tilespmem:s25+$0x9A00] =	vst v6;
	v6 =	vld [tilespmem:$0x1FAD0]  }
0x158: {  	v43 =	vxor.u32 v32, v36;
	v44 =	vxor.u32 v36, v50;
	v41 =	vxor.u32 v13, v57;
	[tilespmem:s25+$0xA200] =	vst v3;
	v3 =	vld [tilespmem:$0x1FB20]  }
0x159: {  	v39 =	vxor.u32 v32, v57;
	v36 =	vxor.u32 v57, v50;
	v4 =	vmul.f32 v17, v46;
	[tilespmem:s25+$0xA780] =	vst v23  }
0x15a: {  	v46 =	vxor.u32 v49, v57;
	v57 =	vmul.f32 v0, v17;
	v17 =	vxor.u32 v32, v48;
	[tilespmem:s25+$0x9800] =	vst v21  }
0x15b: {  	[tilespmem:$0x1FBB0] =	vst v17  }
0x15c: {  	[tilespmem:s25+$0x9C00] =	vst v6;
	v6 =	vld [tilespmem:$0x1FAE0]  }
0x15d: {  	v18 =	vand.u32 $0xE, v18;
	[tilespmem:s25+$0xA280] =	vst v3;
	v3 =	vld [tilespmem:$0x1FB30]  }
0x15e: {  	[tilespmem:s25+$0x9A80] =	vst v18  }
0x15f: {  	v21 =	vxor.u32 v13, v51;
	[tilespmem:s25+$0x9C80] =	vst v45  }
0x160: {  	[tilespmem:$0x1FBD0] =	vst v21  }
0x161: {  	[tilespmem:s25+$0x9E80] =	vst v6;
	v6 =	vld [tilespmem:$0x1FAF0]  }
0x162: {  	[tilespmem:s25+$0xA400] =	vst v3;
	v3 =	vld [tilespmem:$0x1FB40]  }
0x163: {  	[tilespmem:$0x1FC10] =	vst v20  }
0x164: {  	v23 =	vxor.u32 v51, v32;
	[tilespmem:$0x1FC20] =	vst v22  }
0x165: {  	[tilespmem:$0x1FC30] =	vst v23  }
0x166: {  	[tilespmem:s25+$0xA000] =	vst v6  }
0x167: {  	v24 =	vxor.u32 v51, v50;
	v6 =	vand.u32 $0x7FFF8, v7;
	[tilespmem:s25+$0xA480] =	vst v3;
	v3 =	vld [tilespmem:$0x1FB50]  }
0x168: {  	[tilespmem:$0x1FC40] =	vst v24;
	v7 =	vand.u32 $0x7FFF8, v8;
	v8 =	vand.u32 $0x7FFF8, v17;
	v17 =	vand.u32 $0x7FFF8, v21  }
0x169: {  	[tilespmem:$0x1FC50] =	vst v25;
	v21 =	vand.u32 $0x7FFF8, v20;
	v20 =	vand.u32 $0x7FFF8, v22;
	v22 =	vand.u32 $0x7FFF8, v23  }
0x16a: {  	[tilespmem:$0x1FC60] =	vst v9;
	v23 =	vand.u32 $0x7FFF8, v24;
	v24 =	vand.u32 $0x7FFF8, v25;
	v25 =	vand.u32 $0x7FFF8, v9;
	v9 =	vld [tilespmem:$0x1FB70]  }
0x16b: {  	[tilespmem:s25+$0x9E00] =	vst v47  }
0x16c: {  	[tilespmem:s25+$0xA600] =	vst v3;
	v3 =	vld [tilespmem:$0x1FB60]  }
0x16d: {  	v26 =	vxor.u32 v32, v52;
	[tilespmem:s25+$0xA880] =	vst v35  }
0x16e: {  	v15 =	vand.u32 $0x7FFF8, v38;
	[tilespmem:$0x1FC70] =	vst v26  }
0x16f: {  	v33 =	vxor.u32 v32, v34;
	v13 =	vand.u32 $0x7FFF8, v16;
	[tilespmem:s25+$0xA800] =	vst v9;
	v9 =	vor.u32 v56, v15  }
0x170: {  	v16 =	vand.u32 $0x7FFF8, v14;
	v14 =	vand.u32 $0x7FFF8, v12;
	v12 =	vmul.f32 v19, v0;
	[tilespmem:$0x1FCF0] =	vst v9  }
0x171: {  	v29 =	vxor.u32 v32, v53;
	v31 =	vxor.u32 v32, v54;
	[tilespmem:s25+$0xA680] =	vst v3;
	v3 =	vmul.f32 v5, v19;
	s25 =	smov.u32 s26  }
0x172: {  	v32 =	vxor.u32 v32, v10;
	v49 =	vxor.u32 v10, v50;
	v10 =	vand.u32 $0x7FFF8, v40;
	[tilespmem:s25+$0xAA80] =	vst v12  }
0x173: {  	v42 =	vxor.u32 v50, v34;
	v15 =	vmul.f32 v5, v4;
	[tilespmem:s25+$0xAA00] =	vst v3;
	v3 =	vor.u32 v56, v10  }
0x174: {  	v34 =	vxor.u32 v54, v50;
	v37 =	vsub.f32 $1.000000000e+00, v1;
	[tilespmem:$0x1FD00] =	vst v3;
	v3 =	vmul.f32 v5, v2  }
0x175: {  	v28 =	vxor.u32 v52, v50;
	v30 =	vxor.u32 v53, v50;
	v50 =	vand.u32 $0x7FFF8, v44;
	[tilespmem:s25+$0xAB00] =	vst v15  }
0x176: {  	v18 =	vand.u32 $0x7FFF8, v41;
	[tilespmem:s25+$0xAC00] =	vst v3;
	v3 =	vor.u32 v56, v50  }
0x177: {  	v12 =	vor.u32 v56, v18;
	[tilespmem:$0x1FD40] =	vst v3;
	v3 =	vmul.f32 v37, v63  }
0x178: {  	v9 =	vmul.f32 v0, v4;
	v18 =	vmul.f32 v1, v19;
	[tilespmem:$0x1FD10] =	vst v12  }
0x179: {  	v10 =	vmul.f32 v2, v0;
	v12 =	vmul.f32 v37, v19;
	[tilespmem:s25+$0xB200] =	vst v3;
	v3 =	vshll.u32 v44, $0x1  }
0x17a: {  	v19 =	vmul.f32 v37, v2;
	v2 =	vmul.f32 v1, v2;
	[tilespmem:$0x1FD50] =	vst v3;
	v3 =	vld [tilespmem:$0x1FB90]  }
0x17b: {  	v45 =	vand.u32 $0x7FFF8, v46;
	[tilespmem:s25+$0xAB80] =	vst v9  }
0x17c: {  	v15 =	vor.u32 v56, v45;
	[tilespmem:s25+$0xB080] =	vst v2;
	v2 =	vmul.f32 v1, v55  }
0x17d: {  	[tilespmem:$0x1FD20] =	vst v15  }
0x17e: {  	v47 =	vand.u32 $0x7FFF8, v43;
	v51 =	vand.u32 $0x7FFF8, v39;
	[tilespmem:s25+$0xB180] =	vst v2;
	v2 =	vld [tilespmem:$0x1FC60]  }
0x17f: {  	v52 =	vand.u32 $0x7FFF8, v36;
	v9 =	vor.u32 v56, v47;
	[tilespmem:s25+$0xAE80] =	vst v18;
	v50 =	vshll.u32 v3, $0x1;
	v3 =	vld [tilespmem:$0x1FBA0]  }
0x180: {  	v45 =	vor.u32 v56, v51;
	v51 =	vmul.f32 v1, v62;
	v15 =	vmul.f32 v37, v4;
	[tilespmem:s25+$0xAC80] =	vst v10  }
0x181: {  	v47 =	vor.u32 v56, v52;
	v52 =	vmul.f32 v61, v1;
	v4 =	vmul.f32 v1, v4;
	[tilespmem:s25+$0xAE00] =	vst v12  }
0x182: {  	[tilespmem:s25+$0xAF00] =	vst v15;
	v15 =	vmul.f32 v37, v59;
	v59 =	vmul.f32 v1, v59  }
0x183: {  	v0 =	vmul.f32 v0, v55;
	v18 =	vmul.f32 v37, v60;
	[tilespmem:s25+$0xAF80] =	vst v4;
	v4 =	vld [tilespmem:$0x1FB80]  }
0x184: {  	v60 =	vmul.f32 v60, v1;
	[tilespmem:s25+$0xB780] =	vst v59;
	v59 =	vshll.u32 v2, $0x1;
	v2 =	vld [tilespmem:$0x1FC70];
	v3 =	vshll.u32 v3, $0x1  }
0x185: {  	v5 =	vmul.f32 v5, v55;
	v10 =	vmul.f32 v37, v62;
	[tilespmem:$0x1FD60] =	vst v3;
	v3 =	vld [tilespmem:$0x1FBB0]  }
0x186: {  	v12 =	vmul.f32 v37, v61;
	[tilespmem:s25+$0xB000] =	vst v19;
	v19 =	vmul.f32 v37, v55  }
0x187: {  	v55 =	vmul.f32 v37, v57;
	v57 =	vmul.f32 v1, v57  }
0x188: {  	v35 =	vor.u32 v56, v6;
	v63 =	vmul.f32 v63, v1;
	v6 =	vmul.f32 v37, v4  }
0x189: {  	[tilespmem:$0x1FC80] =	vst v28;
	v37 =	vmul.f32 v37, v58;
	v58 =	vmul.f32 v1, v58  }
0x18a: {  	v1 =	vor.u32 v56, v17;
	v17 =	vshll.u32 v2, $0x1;
	v2 =	vld [tilespmem:$0x1FC80];
	v3 =	vshll.u32 v3, $0x1  }
0x18b: {  	[tilespmem:$0x1FD70] =	vst v3;
	v3 =	vld [tilespmem:$0x1FBC0];
	_ =	sdelay $0x2  }
0x18c: {  	[tilespmem:$0x1FCD0] =	vst v32;
	v48 =	vand.u32 $0x7FFF8, v32;
	v32 =	vand.u32 $0x7FFF8, v49  }
0x18d: {  	[tilespmem:$0x1FC90] =	vst v29;
	v62 =	vor.u32 v56, v8;
	v8 =	vor.u32 v56, v11;
	v11 =	vor.u32 v56, v14  }
0x18e: {  	[tilespmem:s25+$0xB800] =	vst v6;
	v14 =	vshll.u32 v2, $0x1;
	v2 =	vld [tilespmem:$0x1FC90];
	v6 =	vshll.u32 v3, $0x1;
	v3 =	vor.u32 v56, v32  }
0x18f: {  	[tilespmem:$0x1FD80] =	vst v3;
	v3 =	vld [tilespmem:$0x1FBD0];
	_ =	sdelay $0x3  }
0x190: {  	[tilespmem:$0x1FCA0] =	vst v30  }
0x191: {  	v4 =	vor.u32 v56, v16;
	v16 =	vshll.u32 v2, $0x1;
	v2 =	vld [tilespmem:$0x1FCA0];
	v3 =	vshll.u32 v3, $0x1  }
0x192: {  	[tilespmem:$0x1FD90] =	vst v3;
	v3 =	vld [tilespmem:$0x1FBF0];
	_ =	sdelay $0x1  }
0x193: {  	[tilespmem:$0x1FCC0] =	vst v34;
	v53 =	vand.u32 $0x7FFF8, v33;
	v54 =	vand.u32 $0x7FFF8, v42;
	v27 =	vand.u32 $0x7FFF8, v26  }
0x194: {  	[tilespmem:$0x1FCB0] =	vst v31;
	v26 =	vand.u32 $0x7FFF8, v28;
	v28 =	vand.u32 $0x7FFF8, v29;
	v29 =	vand.u32 $0x7FFF8, v30  }
0x195: {  	v30 =	vand.u32 $0x7FFF8, v31;
	[tilespmem:$0x1FD30] =	vst v9;
	v9 =	vor.u32 v56, v54;
	v54 =	vshll.u32 v2, $0x1;
	v2 =	vld [tilespmem:$0x1FCB0]  }
0x196: {  	v31 =	vand.u32 $0x7FFF8, v34;
	v34 =	vor.u32 v56, v53;
	[tilespmem:s25+$0xB700] =	vst v15;
	v15 =	vshll.u32 v3, $0x1;
	v3 =	vld [tilespmem:$0x1FC00]  }
0x197: {  	[tilespmem:$0x1FCE0] =	vst v49;
	v34 =	vshrl.u32 v34, $0x3  }
0x198: {  	[tilespmem:s25+$0x9300] =	vst v34  }
0x199: {  	[tilespmem:s25+$0xB380] =	vst v51  }
0x19a: {  	[tilespmem:s25+$0xB480] =	vst v52;
	v52 =	vshll.u32 v2, $0x1;
	v2 =	vld [tilespmem:$0x1FCC0]  }
0x19b: {  	[tilespmem:s25+$0xB600] =	vst v18;
	v18 =	vshll.u32 v3, $0x1;
	v3 =	vld [tilespmem:$0x1FC10]  }
0x19c: {  	v38 =	vshll.u32 v38, $0x1;
	v9 =	vshrl.u32 v9, $0x3;
	[tilespmem:s25+$0xAD80] =	vst v0  }
0x19d: {  	v40 =	vshll.u32 v40, $0x1;
	v41 =	vshll.u32 v41, $0x1;
	v43 =	vshll.u32 v43, $0x1;
	[tilespmem:s25+$0x9380] =	vst v9  }
0x19e: {  	v36 =	vshll.u32 v36, $0x1;
	v33 =	vshll.u32 v33, $0x1;
	v43 =	vand.u32 $0xE, v43;
	[tilespmem:s25+$0xB100] =	vst v19;
	v19 =	vld [tilespmem:$0x1FD00]  }
0x19f: {  	[tilespmem:s25+$0xB280] =	vst v63;
	v63 =	vshll.u32 v39, $0x1;
	v39 =	vshrl.u32 v45, $0x3;
	v45 =	vshrl.u32 v1, $0x3;
	v1 =	vld [tilespmem:$0x1FD50]  }
0x1a0: {  	v33 =	vand.u32 $0xE, v33;
	[tilespmem:s25+$0xB680] =	vst v60;
	v53 =	vshll.u32 v2, $0x1;
	v2 =	vld [tilespmem:$0x1FCD0];
	v3 =	vshll.u32 v3, $0x1  }
0x1a1: {  	v27 =	vor.u32 v56, v27;
	v26 =	vor.u32 v56, v26;
	v29 =	vor.u32 v56, v29;
	[tilespmem:$0x1FE60] =	vst v3;
	v3 =	vld [tilespmem:$0x1FC20]  }
0x1a2: {  	v28 =	vor.u32 v56, v28;
	v49 =	vor.u32 v56, v31;
	v29 =	vshrl.u32 v29, $0x3;
	[tilespmem:s25+$0xAD00] =	vst v5  }
0x1a3: {  	v21 =	vor.u32 v56, v21;
	v20 =	vor.u32 v56, v20;
	v19 =	vshrl.u32 v19, $0x3;
	[tilespmem:s25+$0xB980] =	vst v58;
	v58 =	vld [tilespmem:$0x1FD40]  }
0x1a4: {  	v22 =	vor.u32 v56, v22;
	[tilespmem:s25+$0x8B80] =	vst v19;
	v19 =	vand.u32 $0xE, v41;
	v41 =	vand.u32 $0xE, v1;
	v1 =	vld [tilespmem:$0x1FD60]  }
0x1a5: {  	v61 =	vor.u32 v56, v7;
	v5 =	vor.u32 v56, v48;
	[tilespmem:s25+$0xB300] =	vst v10;
	v48 =	vshll.u32 v2, $0x1;
	v2 =	vld [tilespmem:$0x1FCE0]  }
0x1a6: {  	v7 =	vor.u32 v56, v13;
	v61 =	vshrl.u32 v61, $0x3;
	[tilespmem:s25+$0xB400] =	vst v12;
	v13 =	vshll.u32 v3, $0x1;
	v3 =	vld [tilespmem:$0x1FC30]  }
0x1a7: {  	v23 =	vor.u32 v56, v23;
	v24 =	vor.u32 v56, v24;
	v25 =	vor.u32 v56, v25;
	v31 =	vld [tilespmem:$0x1FD30];
	[tilespmem:s25+$0x9580] =	vst v61  }
0x1a8: {  	v34 =	vshrl.u32 v26, $0x3;
	v0 =	vld [tilespmem:$0x1FBE0];
	v62 =	vshrl.u32 v62, $0x3;
	[tilespmem:s25+$0xB900] =	vst v37;
	v37 =	vshrl.u32 v58, $0x3  }
0x1a9: {  	[tilespmem:s25+$0x8F80] =	vst v37;
	v37 =	vand.u32 $0xE, v36;
	v36 =	vshrl.u32 v27, $0x3;
	v27 =	vand.u32 $0xE, v1;
	v1 =	vld [tilespmem:$0x1FD70]  }
0x1aa: {  	v51 =	vshll.u32 v46, $0x1;
	v46 =	vshrl.u32 v21, $0x3;
	[tilespmem:s25+$0x9700] =	vst v62;
	v32 =	vshll.u32 v2, $0x1;
	v2 =	vld [tilespmem:$0x1FCF0]  }
0x1ab: {  	v7 =	vshrl.u32 v7, $0x3;
	v10 =	vor.u32 v56, v30;
	v30 =	vld [tilespmem:$0x1FD10];
	[tilespmem:s25+$0xB500] =	vst v55;
	v3 =	vshll.u32 v3, $0x1  }
0x1ac: {  	v8 =	vshrl.u32 v8, $0x3;
	v12 =	vshll.u32 v42, $0x1;
	v42 =	vand.u32 $0xE, v38;
	[tilespmem:$0x1FE80] =	vst v3;
	v3 =	vld [tilespmem:$0x1FC40]  }
0x1ad: {  	v21 =	vshrl.u32 v5, $0x3;
	[tilespmem:s25+$0xB580] =	vst v57;
	v57 =	vand.u32 $0xE, v40;
	v55 =	vshrl.u32 v20, $0x3  }
0x1ae: {  	[tilespmem:s25+$0x9780] =	vst v7;
	v40 =	vshrl.u32 v24, $0x3;
	v26 =	vshrl.u32 v10, $0x3;
	v31 =	vshrl.u32 v31, $0x3  }
0x1af: {  	v44 =	vshrl.u32 v23, $0x3;
	[tilespmem:s25+$0x9100] =	vst v39;
	v24 =	vand.u32 $0xE, v1;
	v1 =	vld [tilespmem:$0x1FD80];
	v2 =	vshrl.u32 v2, $0x3  }
0x1b0: {  	v0 =	vshll.u32 v0, $0x1;
	v39 =	vshrl.u32 v25, $0x3;
	v38 =	vand.u32 $0xE, v63;
	[tilespmem:s25+$0x8B00] =	vst v2;
	v2 =	vld [tilespmem:$0x1FD20]  }
0x1b1: {  	p0 =	sne.s32 s28, $0x1C0;
	[tilespmem:s25+$0x8F00] =	vst v31;
	v31 =	vand.u32 $0xE, v12;
	v30 =	vshrl.u32 v30, $0x3;
	v60 =	vshll.u32 v3, $0x1;
	v3 =	vld [tilespmem:$0x1FC50]  }
.Ltmp1:
0x1b2: {  	v25 =	vshrl.u32 v49, $0x3;
	v20 =	vand.u32 $0xE, v0;
	[tilespmem:s25+$0x8D00] =	vst v30;
	v30 =	vshrl.u32 v35, $0x3;
	(pc) =	sbr.rel @p0 .LBB2_6-.Ltmp1, $4  }
0x1b3: {  	v35 =	vshrl.u32 v11, $0x3;
	[tilespmem:s25+$0x9500] =	vst v30;
	v30 =	vshrl.u32 v28, $0x3;
	v28 =	vand.u32 $0xE, v50  }
0x1b4: {  	[tilespmem:s25+$0x9900] =	vst v8;
	v58 =	vshrl.u32 v47, $0x3;
	v47 =	vshrl.u32 v4, $0x3;
	v4 =	vand.u32 $0xE, v51  }
0x1b5: {  	[tilespmem:s25+$0x9180] =	vst v58;
	v23 =	vand.u32 $0xE, v6;
	v9 =	vand.u32 $0xE, v15;
	v2 =	vshrl.u32 v2, $0x3  }
0x1b6: {  	s26 =	sshra.s32 s28, $0x2;
	s28 =	sadd.s32 $0x40, s28;
	v15 =	vld [tilespmem:$0x1FD90];
	[tilespmem:s25+$0x8D80] =	vst v2;
	v2 =	vshrl.u32 v22, $0x3;
	v22 =	vshrl.u32 v1, $0x3;
	v3 =	vshll.u32 v3, $0x1  }
0x1b7: {  	v0 =	vld [tilespmem:s26+$0x100]  }
0x1b8: {  	[tilespmem:s25+$0x9980] =	vst v47;
	v11 =	vld [tilespmem:$0x1FDA0]  }
0x1b9: {  	v1 =	vld [tilespmem:s26+$0x80];
	[tilespmem:s25+$0x8A00] =	vst v45  }
0x1ba: {  	v5 =	vld [tilespmem:s26+$0x0];
	[tilespmem:s25+$0x8A80] =	vst v35  }
0x1bb: {  	[tilespmem:s25+$0x9B00] =	vst v42  }
0x1bc: {  	v6 =	vld [tilespmem:s26+$0x180];
	[tilespmem:s25+$0x9B80] =	vst v57  }
0x1bd: {  	[tilespmem:s25+$0x8C00] =	vst v46;
	v0 =	vmul.f32 v0, v11  }
0x1be: {  	[tilespmem:s25+$0x8C80] =	vst v55  }
0x1bf: {  	[tilespmem:s25+$0x9D00] =	vst v19;
	v5 =	vmul.f32 v5, v11;
	v7 =	vtrunc.f32 v0  }
0x1c0: {  	[tilespmem:s25+$0x9D80] =	vst v4;
	v7 =	vcvt.f32.s32 v7  }
0x1c1: {  	[tilespmem:s25+$0x8E00] =	vst v2;
	v6 =	vmul.f32 v6, v11;
	v4 =	vtrunc.f32 v5  }
0x1c2: {  	[tilespmem:s25+$0x8E80] =	vst v44;
	v4 =	vcvt.f32.s32 v4;
	v2 =	vcvt.s32.f32 v7  }
0x1c3: {  	[tilespmem:s25+$0x9F00] =	vst v43;
	v8 =	vtrunc.f32 v6  }
0x1c4: {  	[tilespmem:s25+$0x9F80] =	vst v41;
	v10 =	vcvt.s32.f32 v4;
	v51 =	vsub.f32 v0, v2;
	v0 =	vcvt.f32.s32 v8  }
0x1c5: {  	[tilespmem:s25+$0x9000] =	vst v40  }
0x1c6: {  	[tilespmem:s25+$0x9080] =	vst v39;
	v55 =	vsub.f32 v5, v10;
	v2 =	vsub.f32 $1.000000000e+00, v51;
	v5 =	vcvt.s32.f32 v0  }
0x1c7: {  	[tilespmem:s25+$0xA100] =	vst v38  }
0x1c8: {  	[tilespmem:s25+$0xA180] =	vst v37;
	v57 =	vsub.f32 v6, v5;
	v58 =	vmul.f32 v2, v55  }
0x1c9: {  	[tilespmem:s25+$0x9200] =	vst v36  }
0x1ca: {  	[tilespmem:s25+$0x9280] =	vst v34;
	v5 =	vmul.f32 v58, v57  }
0x1cb: {  	[tilespmem:s25+$0xA300] =	vst v33  }
0x1cc: {  	[tilespmem:s26+$0xB880] =	vst v5  }
0x1cd: {  	[tilespmem:s25+$0xA380] =	vst v31  }
0x1ce: {  	[tilespmem:s25+$0x9400] =	vst v30  }
0x1cf: {  	[tilespmem:s25+$0x9480] =	vst v29  }
0x1d0: {  	[tilespmem:s25+$0xA500] =	vst v28  }
0x1d1: {  	[tilespmem:s25+$0xA580] =	vst v27  }
0x1d2: {  	[tilespmem:s25+$0x9600] =	vst v26  }
0x1d3: {  	[tilespmem:s25+$0x9680] =	vst v25  }
0x1d4: {  	[tilespmem:s25+$0xA700] =	vst v24  }
0x1d5: {  	v5 =	vand.u32 $0xE, v15;
	[tilespmem:s25+$0xA780] =	vst v23  }
0x1d6: {  	[tilespmem:s25+$0x9A00] =	vst v5;
	v5 =	vld [tilespmem:$0x1FE60]  }
0x1d7: {  	v1 =	vmul.f32 v1, v11;
	[tilespmem:s25+$0x9800] =	vst v21  }
0x1d8: {  	v6 =	vand.u32 $0xE, v18;
	[tilespmem:s25+$0x9880] =	vst v22  }
0x1d9: {  	v8 =	vtrunc.f32 v1;
	[tilespmem:s25+$0x9A80] =	vst v6;
	v6 =	vand.u32 $0xE, v13  }
0x1da: {  	v8 =	vcvt.f32.s32 v8;
	[tilespmem:s25+$0x9C80] =	vst v6;
	v6 =	vand.u32 $0xE, v60  }
0x1db: {  	[tilespmem:s25+$0x9E80] =	vst v6;
	v5 =	vand.u32 $0xE, v5  }
0x1dc: {  	v6 =	vcvt.s32.f32 v8;
	[tilespmem:s25+$0x9C00] =	vst v5;
	v5 =	vld [tilespmem:$0x1FE80]  }
0x1dd: {  	[tilespmem:s25+$0xA900] =	vst v20  }
0x1de: {  	[tilespmem:s25+$0xA980] =	vst v9;
	v6 =	vsub.f32 v1, v6;
	v1 =	vand.u32 $0xE, v16  }
0x1df: {  	[tilespmem:s25+$0xA400] =	vst v1;
	v1 =	vand.u32 $0xE, v52  }
0x1e0: {  	[tilespmem:s25+$0xA600] =	vst v1;
	v1 =	vand.u32 $0xE, v48  }
0x1e1: {  	[tilespmem:s25+$0xA800] =	vst v1;
	v5 =	vand.u32 $0xE, v5  }
0x1e2: {  	[tilespmem:s25+$0x9E00] =	vst v5;
	v5 =	vand.u32 $0xE, v3  }
0x1e3: {  	[tilespmem:s25+$0xA000] =	vst v5;
	v5 =	vand.u32 $0xE, v17  }
0x1e4: {  	v9 =	vsub.f32 $1.000000000e+00, v6;
	v3 =	vand.u32 $0xE, v59;
	[tilespmem:s25+$0xA200] =	vst v5;
	v5 =	vsub.f32 $1.000000000e+00, v55  }
0x1e5: {  	[tilespmem:s25+$0xA080] =	vst v3;
	v3 =	vand.u32 $0xE, v14  }
0x1e6: {  	[tilespmem:s25+$0xA280] =	vst v3;
	v3 =	vand.u32 $0xE, v54;
	v10 =	vmul.f32 v9, v5  }
0x1e7: {  	[tilespmem:s25+$0xA480] =	vst v3;
	v3 =	vand.u32 $0xE, v53  }
0x1e8: {  	[tilespmem:s25+$0xA680] =	vst v3;
	v3 =	vand.u32 $0xE, v32;
	v11 =	vmul.f32 v6, v5;
	v12 =	vmul.f32 v2, v10  }
0x1e9: {  	v25 =	vsub.f32 $1.000000000e+00, v57;
	[tilespmem:s25+$0xA880] =	vst v3;
	v1 =	vmul.f32 v10, v51  }
0x1ea: {  	v13 =	vmul.f32 v2, v11;
	[tilespmem:s26+$0xAA00] =	vst v12  }
0x1eb: {  	v3 =	vmul.f32 v9, v55;
	v14 =	vmul.f32 v25, v10;
	[tilespmem:s26+$0xAA80] =	vst v1  }
0x1ec: {  	v12 =	vmul.f32 v51, v11;
	[tilespmem:s26+$0xAB00] =	vst v13  }
0x1ed: {  	v1 =	vmul.f32 v2, v3;
	[tilespmem:s26+$0xAE00] =	vst v14  }
0x1ee: {  	v13 =	vmul.f32 v3, v51;
	[tilespmem:s26+$0xAB80] =	vst v12  }
0x1ef: {  	v14 =	vmul.f32 v25, v3;
	[tilespmem:s26+$0xAC00] =	vst v1  }
0x1f0: {  	v0 =	vmul.u32 $0x30025795, v0;
	v15 =	vmul.u32 $0x9E3779B1, v8;
	v1 =	vmul.f32 v57, v10;
	[tilespmem:s26+$0xAC80] =	vst v13  }
0x1f1: {  	v16 =	vadd.s32 $0x1, v4;
	v3 =	vmul.f32 v57, v3;
	v10 =	vmul.f32 v25, v11;
	[tilespmem:s26+$0xB000] =	vst v14  }
0x1f2: {  	v13 =	vadd.s32 $0x9E3779B1, v15;
	v11 =	vmul.f32 v57, v11;
	[tilespmem:s26+$0xAE80] =	vst v1;
	v1 =	vmul.f32 v2, v9  }
0x1f3: {  	v17 =	vmul.u32 $0x30025795, v7;
	v12 =	vmul.u32 $0x9E3779B1, v7;
	[tilespmem:s26+$0xB080] =	vst v3;
	v18 =	vxor.u32 v4, v13  }
0x1f4: {  	[tilespmem:s26+$0xAF80] =	vst v11;
	v11 =	vxor.u32 v16, v13;
	v9 =	vmul.f32 v51, v9;
	v13 =	vmul.f32 v25, v1  }
0x1f5: {  	v3 =	vmul.f32 v2, v6;
	v7 =	vadd.s32 $0x9E3779B1, v12;
	[tilespmem:s26+$0xAF00] =	vst v10;
	v14 =	vmul.f32 v1, v57  }
0x1f6: {  	v10 =	vadd.s32 $0x1, v8;
	v26 =	vxor.u32 v8, v7;
	v19 =	vmul.f32 v25, v9;
	[tilespmem:s26+$0xB200] =	vst v13  }
0x1f7: {  	v27 =	vxor.u32 v10, v7;
	v28 =	vxor.u32 v4, v7;
	v9 =	vmul.f32 v57, v9;
	[tilespmem:s26+$0xB280] =	vst v14  }
0x1f8: {  	v29 =	vxor.u32 v16, v7;
	v7 =	vmul.f32 v2, v5;
	v13 =	vmul.f32 v25, v3;
	[tilespmem:s26+$0xB300] =	vst v19  }
0x1f9: {  	v21 =	vxor.u32 v4, v15;
	v24 =	vadd.s32 $0x30025795, v17;
	v3 =	vmul.f32 v3, v57;
	[tilespmem:s26+$0xB380] =	vst v9  }
0x1fa: {  	v14 =	vxor.u32 v8, v12;
	v8 =	vmul.f32 v51, v5;
	v9 =	vmul.f32 v25, v7;
	[tilespmem:s26+$0xB400] =	vst v13  }
0x1fb: {  	v10 =	vxor.u32 v10, v12;
	v5 =	vxor.u32 v4, v12;
	v7 =	vmul.f32 v7, v57;
	[tilespmem:s26+$0xB480] =	vst v3  }
0x1fc: {  	v4 =	vxor.u32 v16, v12;
	v12 =	vmul.f32 v6, v55;
	v3 =	vmul.f32 v25, v8;
	[tilespmem:s26+$0xB600] =	vst v9  }
0x1fd: {  	v30 =	vxor.u32 v17, v18;
	v6 =	vmul.f32 v51, v6;
	v8 =	vmul.f32 v57, v8;
	[tilespmem:s26+$0xB680] =	vst v7  }
0x1fe: {  	v1 =	vadd.s32 $0x30025795, v0;
	v19 =	vxor.u32 v16, v15;
	v7 =	vmul.f32 v25, v58;
	[tilespmem:s26+$0xB700] =	vst v3  }
0x1ff: {  	v15 =	vxor.u32 v0, v27;
	v13 =	vxor.u32 v1, v27;
	v27 =	vmul.f32 v25, v6;
	[tilespmem:s26+$0xB780] =	vst v8  }
0x200: {  	v23 =	vxor.u32 v0, v18;
	v22 =	vxor.u32 v18, v1;
	v3 =	vmul.f32 v2, v12;
	[tilespmem:s26+$0xB800] =	vst v7  }
0x201: {  	v16 =	vxor.u32 v1, v26;
	v9 =	vxor.u32 v24, v18;
	v8 =	vmul.f32 v51, v12;
	[tilespmem:s26+$0xB500] =	vst v27  }
0x202: {  	v18 =	vxor.u32 v0, v26;
	v26 =	vmul.f32 v51, v55;
	v7 =	vmul.f32 v25, v12;
	[tilespmem:s26+$0xAD00] =	vst v3  }
0x203: {  	v31 =	vxor.u32 v17, v11;
	v12 =	vmul.f32 v57, v12;
	[tilespmem:s26+$0xAD80] =	vst v8  }
0x204: {  	v61 =	vxor.u32 v24, v11;
	v20 =	vxor.u32 v11, v1;
	v25 =	vmul.f32 v25, v26;
	[tilespmem:s26+$0xB100] =	vst v7  }
0x205: {  	v2 =	vxor.u32 v0, v11;
	v27 =	vand.u32 $0x7FFF8, v30;
	v26 =	vmul.f32 v57, v26;
	[tilespmem:s26+$0xB180] =	vst v12  }
0x206: {  	v11 =	vxor.u32 v1, v28;
	v27 =	vor.u32 v56, v27;
	v3 =	vxor.u32 v0, v28;
	[tilespmem:s26+$0xB900] =	vst v25  }
0x207: {  	v28 =	vmul.f32 v57, v6;
	v25 =	vand.u32 $0x7FFF8, v31;
	v27 =	vshrl.u32 v27, $0x3;
	[tilespmem:s26+$0xB980] =	vst v26  }
0x208: {  	v8 =	vxor.u32 v0, v29;
	v26 =	vand.u32 $0x7FFF8, v61;
	v25 =	vor.u32 v56, v25;
	[tilespmem:s26+$0x8B00] =	vst v27  }
0x209: {  	v6 =	vxor.u32 v17, v21;
	v26 =	vor.u32 v56, v26;
	[tilespmem:s26+$0xB580] =	vst v28;
	v25 =	vshrl.u32 v25, $0x3  }
0x20a: {  	v27 =	vand.u32 $0x7FFF8, v23;
	v23 =	vshll.u32 v23, $0x1;
	v26 =	vshrl.u32 v26, $0x3;
	[tilespmem:s26+$0x8D00] =	vst v25  }
0x20b: {  	v7 =	vxor.u32 v21, v24;
	v27 =	vor.u32 v56, v27;
	v23 =	vand.u32 $0xE, v23;
	[tilespmem:s26+$0x8D80] =	vst v26  }
0x20c: {  	v28 =	vand.u32 $0x7FFF8, v9;
	v9 =	vshll.u32 v9, $0x1;
	v27 =	vshrl.u32 v27, $0x3;
	[tilespmem:s26+$0x9F00] =	vst v23  }
0x20d: {  	v12 =	vxor.u32 v1, v29;
	v28 =	vor.u32 v56, v28;
	v9 =	vand.u32 $0xE, v9;
	[tilespmem:s26+$0x8F00] =	vst v27  }
0x20e: {  	v25 =	vand.u32 $0x7FFF8, v2;
	v2 =	vshll.u32 v2, $0x1;
	v28 =	vshrl.u32 v28, $0x3;
	[tilespmem:s26+$0x9B80] =	vst v9  }
0x20f: {  	v26 =	vand.u32 $0x7FFF8, v20;
	v20 =	vshll.u32 v20, $0x1;
	v2 =	vand.u32 $0xE, v2;
	[tilespmem:s26+$0x8B80] =	vst v28  }
0x210: {  	v17 =	vxor.u32 v17, v19;
	v25 =	vor.u32 v56, v25;
	v20 =	vand.u32 $0xE, v20;
	[tilespmem:s26+$0xA100] =	vst v2  }
0x211: {  	v24 =	vxor.u32 v19, v24;
	v26 =	vor.u32 v56, v26;
	v25 =	vshrl.u32 v25, $0x3;
	[tilespmem:s26+$0xA180] =	vst v20  }
0x212: {  	v27 =	vand.u32 $0x7FFF8, v18;
	v18 =	vshll.u32 v18, $0x1;
	v26 =	vshrl.u32 v26, $0x3;
	[tilespmem:s26+$0x9100] =	vst v25  }
0x213: {  	v23 =	vxor.u32 v0, v14;
	v27 =	vor.u32 v56, v27;
	v18 =	vand.u32 $0xE, v18;
	[tilespmem:s26+$0x9180] =	vst v26  }
0x214: {  	v28 =	vand.u32 $0x7FFF8, v22;
	v22 =	vshll.u32 v22, $0x1;
	v27 =	vshrl.u32 v27, $0x3;
	[tilespmem:s26+$0xA300] =	vst v18  }
0x215: {  	v14 =	vxor.u32 v14, v1;
	v28 =	vor.u32 v56, v28;
	v22 =	vand.u32 $0xE, v22;
	[tilespmem:s26+$0x9300] =	vst v27  }
0x216: {  	v25 =	vand.u32 $0x7FFF8, v15;
	v15 =	vshll.u32 v15, $0x1;
	v28 =	vshrl.u32 v28, $0x3;
	[tilespmem:s26+$0x9F80] =	vst v22  }
0x217: {  	v26 =	vand.u32 $0x7FFF8, v13;
	v13 =	vshll.u32 v13, $0x1;
	v15 =	vand.u32 $0xE, v15;
	[tilespmem:s26+$0x8F80] =	vst v28  }
0x218: {  	v9 =	vxor.u32 v21, v1;
	v25 =	vor.u32 v56, v25;
	v13 =	vand.u32 $0xE, v13;
	[tilespmem:s26+$0xA500] =	vst v15  }
0x219: {  	v2 =	vxor.u32 v0, v10;
	v26 =	vor.u32 v56, v26;
	v25 =	vshrl.u32 v25, $0x3;
	[tilespmem:s26+$0xA580] =	vst v13  }
0x21a: {  	v27 =	vand.u32 $0x7FFF8, v3;
	v3 =	vshll.u32 v3, $0x1;
	v26 =	vshrl.u32 v26, $0x3;
	[tilespmem:s26+$0x9500] =	vst v25  }
0x21b: {  	v18 =	vxor.u32 v0, v5;
	v27 =	vor.u32 v56, v27;
	v3 =	vand.u32 $0xE, v3;
	[tilespmem:s26+$0x9580] =	vst v26  }
0x21c: {  	v28 =	vand.u32 $0x7FFF8, v16;
	v16 =	vshll.u32 v16, $0x1;
	v27 =	vshrl.u32 v27, $0x3;
	[tilespmem:s26+$0xA700] =	vst v3  }
0x21d: {  	v28 =	vor.u32 v56, v28;
	v25 =	vand.u32 $0x7FFF8, v8;
	v16 =	vand.u32 $0xE, v16;
	[tilespmem:s26+$0x9700] =	vst v27  }
0x21e: {  	v26 =	vand.u32 $0x7FFF8, v12;
	v8 =	vshll.u32 v8, $0x1;
	v28 =	vshrl.u32 v28, $0x3;
	[tilespmem:s26+$0xA380] =	vst v16  }
0x21f: {  	v25 =	vor.u32 v56, v25;
	v8 =	vand.u32 $0xE, v8;
	[tilespmem:s26+$0x9380] =	vst v28;
	v28 =	vand.u32 $0x7FFF8, v11  }
0x220: {  	v27 =	vand.u32 $0x7FFF8, v6;
	v25 =	vshrl.u32 v25, $0x3;
	[tilespmem:s26+$0xA900] =	vst v8;
	v28 =	vor.u32 v56, v28  }
0x221: {  	v26 =	vor.u32 v56, v26;
	v27 =	vor.u32 v56, v27;
	[tilespmem:s26+$0x9900] =	vst v25;
	v28 =	vshrl.u32 v28, $0x3  }
0x222: {  	v26 =	vshrl.u32 v26, $0x3;
	v11 =	vshll.u32 v11, $0x1;
	[tilespmem:s26+$0x9780] =	vst v28;
	v28 =	vand.u32 $0x7FFF8, v7  }
0x223: {  	v27 =	vshrl.u32 v27, $0x3;
	[tilespmem:s26+$0x9980] =	vst v26;
	v26 =	vshll.u32 v30, $0x1;
	v25 =	vor.u32 v56, v28  }
0x224: {  	v11 =	vand.u32 $0xE, v11;
	[tilespmem:s26+$0x8A00] =	vst v27;
	v27 =	vand.u32 $0x7FFF8, v17;
	v25 =	vshrl.u32 v25, $0x3  }
0x225: {  	v26 =	vand.u32 $0xE, v26;
	v27 =	vor.u32 v56, v27;
	[tilespmem:s26+$0x8A80] =	vst v25;
	v25 =	vand.u32 $0x7FFF8, v24  }
0x226: {  	[tilespmem:s26+$0x9B00] =	vst v26;
	v26 =	vxor.u32 v21, v0;
	v27 =	vshrl.u32 v27, $0x3;
	v25 =	vor.u32 v56, v25  }
0x227: {  	v21 =	vshll.u32 v31, $0x1;
	v28 =	vshll.u32 v61, $0x1;
	[tilespmem:s26+$0x8C00] =	vst v27;
	v25 =	vshrl.u32 v25, $0x3  }
0x228: {  	v21 =	vand.u32 $0xE, v21;
	v27 =	vand.u32 $0x7FFF8, v26;
	[tilespmem:s26+$0x8C80] =	vst v25;
	v25 =	vand.u32 $0x7FFF8, v9  }
0x229: {  	v28 =	vand.u32 $0xE, v28;
	[tilespmem:s26+$0x9D00] =	vst v21;
	v21 =	vxor.u32 v19, v0;
	v25 =	vor.u32 v56, v25  }
0x22a: {  	[tilespmem:s26+$0xA780] =	vst v11;
	v19 =	vxor.u32 v19, v1;
	v0 =	vxor.u32 v0, v4;
	v25 =	vshrl.u32 v25, $0x3  }
0x22b: {  	v27 =	vor.u32 v56, v27;
	v13 =	vand.u32 $0x7FFF8, v0;
	[tilespmem:s26+$0x8E80] =	vst v25;
	v25 =	vand.u32 $0x7FFF8, v19  }
0x22c: {  	[tilespmem:s26+$0x9D80] =	vst v28;
	v0 =	vshll.u32 v0, $0x1;
	v27 =	vshrl.u32 v27, $0x3;
	v25 =	vor.u32 v56, v25  }
0x22d: {  	v0 =	vand.u32 $0xE, v0;
	[tilespmem:s26+$0x8E00] =	vst v27;
	v27 =	vand.u32 $0x7FFF8, v21;
	v22 =	vshrl.u32 v25, $0x3  }
0x22e: {  	v27 =	vor.u32 v56, v27;
	v25 =	vand.u32 $0x7FFF8, v23;
	[tilespmem:s26+$0x9080] =	vst v22;
	v22 =	vand.u32 $0x7FFF8, v14  }
0x22f: {  	[tilespmem:s26+$0xA800] =	vst v0;
	v27 =	vshrl.u32 v27, $0x3;
	v25 =	vor.u32 v56, v25;
	v22 =	vor.u32 v56, v22  }
0x230: {  	v10 =	vxor.u32 v10, v1;
	[tilespmem:s26+$0x9000] =	vst v27;
	v25 =	vshrl.u32 v25, $0x3;
	v20 =	vshrl.u32 v22, $0x3  }
0x231: {  	v22 =	vand.u32 $0x7FFF8, v2;
	v2 =	vshll.u32 v2, $0x1;
	[tilespmem:s26+$0x9280] =	vst v20;
	v20 =	vand.u32 $0x7FFF8, v10  }
0x232: {  	[tilespmem:s26+$0x9200] =	vst v25;
	v2 =	vand.u32 $0xE, v2;
	v20 =	vor.u32 v56, v20  }
0x233: {  	v5 =	vxor.u32 v5, v1;
	v22 =	vor.u32 v56, v22;
	[tilespmem:s26+$0xA400] =	vst v2;
	v16 =	vshrl.u32 v20, $0x3  }
0x234: {  	v22 =	vshrl.u32 v22, $0x3;
	v2 =	vshll.u32 v5, $0x1;
	[tilespmem:s26+$0x9480] =	vst v16;
	v16 =	vand.u32 $0x7FFF8, v5  }
0x235: {  	[tilespmem:s26+$0x9400] =	vst v22;
	v20 =	vand.u32 $0x7FFF8, v18;
	v2 =	vand.u32 $0xE, v2;
	v15 =	vor.u32 v56, v16  }
0x236: {  	v1 =	vxor.u32 v4, v1;
	v20 =	vor.u32 v56, v20;
	[tilespmem:s26+$0xA680] =	vst v2;
	v4 =	vshrl.u32 v15, $0x3  }
0x237: {  	v13 =	vor.u32 v56, v13;
	v16 =	vshrl.u32 v20, $0x3;
	[tilespmem:s26+$0x9680] =	vst v4;
	v4 =	vand.u32 $0x7FFF8, v1  }
0x238: {  	[tilespmem:s26+$0x9600] =	vst v16;
	v1 =	vshll.u32 v1, $0x1;
	v3 =	vor.u32 v56, v4;
	v4 =	vshrl.u32 v13, $0x3  }
0x239: {  	v1 =	vand.u32 $0xE, v1;
	[tilespmem:s26+$0x9800] =	vst v4  }
0x23a: {  	v3 =	vshrl.u32 v3, $0x3;
	v4 =	vshll.u32 v12, $0x1;
	[tilespmem:s26+$0xA880] =	vst v1  }
0x23b: {  	[tilespmem:s26+$0x9880] =	vst v3;
	v3 =	vshll.u32 v6, $0x1;
	v4 =	vand.u32 $0xE, v4  }
0x23c: {  	v6 =	vshll.u32 v7, $0x1;
	v3 =	vand.u32 $0xE, v3;
	[tilespmem:s26+$0xA980] =	vst v4  }
0x23d: {  	v4 =	vshll.u32 v17, $0x1;
	v6 =	vand.u32 $0xE, v6;
	[tilespmem:s26+$0x9A00] =	vst v3  }
0x23e: {  	v3 =	vshll.u32 v24, $0x1;
	v4 =	vand.u32 $0xE, v4;
	[tilespmem:s26+$0x9A80] =	vst v6  }
0x23f: {  	v6 =	vshll.u32 v26, $0x1;
	v3 =	vand.u32 $0xE, v3;
	[tilespmem:s26+$0x9C00] =	vst v4  }
0x240: {  	v4 =	vshll.u32 v9, $0x1;
	v6 =	vand.u32 $0xE, v6;
	[tilespmem:s26+$0x9C80] =	vst v3  }
0x241: {  	v3 =	vshll.u32 v21, $0x1;
	v4 =	vand.u32 $0xE, v4;
	[tilespmem:s26+$0x9E00] =	vst v6  }
0x242: {  	v6 =	vshll.u32 v19, $0x1;
	v3 =	vand.u32 $0xE, v3;
	[tilespmem:s26+$0x9E80] =	vst v4  }
0x243: {  	v4 =	vshll.u32 v23, $0x1;
	v6 =	vand.u32 $0xE, v6;
	[tilespmem:s26+$0xA000] =	vst v3  }
0x244: {  	v3 =	vshll.u32 v14, $0x1;
	v4 =	vand.u32 $0xE, v4;
	[tilespmem:s26+$0xA080] =	vst v6  }
0x245: {  	v3 =	vand.u32 $0xE, v3;
	[tilespmem:s26+$0xA200] =	vst v4;
	v4 =	vshll.u32 v10, $0x1  }
0x246: {  	[tilespmem:s26+$0xA280] =	vst v3;
	v3 =	vshll.u32 v18, $0x1;
	v4 =	vand.u32 $0xE, v4  }
0x247: {  	v3 =	vand.u32 $0xE, v3;
	[tilespmem:s26+$0xA480] =	vst v4  }
0x248: {  	[tilespmem:s26+$0xA600] =	vst v3  }
0x249: {  	[tilespmem:s11], [sflag:$0x1] =	stream.indirect.gather [hbm4b:s4+s23], $0x10, s5, s23, $0xb8;
	[tilespmem:$0x1CA00] =	vst v63  }
0x24a: {  	_ = 	snop  }
0x24b: {  	[tilespmem:s2], [sflag:$0x1] =	stream.indirect.gather [hbm4b:s6+s23], $0x10, s1, s23, $0xb8;
	[tilespmem:$0x1CA00] =	vst v63  }
0x24c: {  	_ = 	snop  }
0x24d: {  	[tilespmem:s15], [sflag:$0x1] =	stream.indirect.gather [hbm4b:s7+s23], $0x10, s13, s23, $0xb8;
	[tilespmem:$0x1CA00] =	vst v63  }
0x24e: {  	_ = 	snop  }
0x24f: {  	[tilespmem:s19], [sflag:$0x1] =	stream.indirect.gather [hbm4b:s8+s23], $0x10, s17, s23, $0xb8;
	[tilespmem:$0x1CA00] =	vst v63  }
0x250: {  	_ =	swait.ge [sflag:s0], $0x4000  }
0x251: {  	[sflag:s0] =	ssyncset.done $0x0  }
0x252: {  	[sflag:s0] =	ssyncadd.s32 $0xFFFFC000  }
0x253: {  	_ =	swait.ge [sflag:s0], $0x4000  }
0x254: {  	v0 =	vld [tilespmem:$0x1FDB0];
	_ =	sdelay $0x4  }
0x255: {  	[sflag:s0] =	ssyncset.done $0x0;
	v0 =	vshll.u32 v0, $0x1  }
0x256: {  	[sflag:s0] =	ssyncadd.s32 $0xFFFFC000;
	v1 =	vand.u32 $0x18, v0;
	v2 =	vand.u32 $0x6, v0  }
0x257: {  	_ =	swait.ge [sflag:s0], $0x4000;
	v3 =	vor.u32 $0x1, v2;
	v5 =	vor.u32 $0x1000, v1  }
0x258: {  	v11 =	vlaneseq.u32;
	s26 =	simm.s32 $0x0;
	[sflag:s0] =	ssyncset.done $0x0;
	v6 =	vor.u32 v3, v5  }
0x259: {  	v4 =	vor.u32 s26, v11;
	[sflag:s0] =	ssyncadd.s32 $0xFFFFC000;
	[tilespmem:$0x1F830] =	vst v6  }
0x25a: {  	v7 =	vshll.u32 v4, $0x5;
	_ =	swait.ge [sflag:s0], $0x4000  }
0x25b: {  	v6 =	vor.u32 v6, v7;
	[sflag:s0] =	ssyncset.done $0x0  }
0x25c: {  	s28 =	simm.s32 $0x700;
	v8 =	vor.u32 v3, v1;
	[sflag:s0] =	ssyncadd.s32 $0xFFFFC000  }
0x25d: {  	s29 =	simm.s32 $0xA200;
	v5 =	vor.u32 v2, v5;
	v9 =	vor.u32 v8, v7;
	v27 =	vld [tilespmem:s28+$0xFFFFFF80]  }
0x25e: {  	[tilespmem:$0x1F840] =	vst v5;
	v5 =	vor.u32 v5, v7;
	v49 =	vld [tilespmem:s29+$0x380]  }
0x25f: {  	v52 =	vld [tilespmem:s29+$0xFFFFFF80]  }
0x260: {  	[tilespmem:$0x1F850] =	vst v8;
	v8 =	vand.u32 $0x1E, v0;
	v14 =	vld.idx.msk [tilespmem:v6+s16+$0x0], $0xffff  }
0x261: {  	v0 =	vor.u32 $0x2000, v1;
	v10 =	vor.u32 v8, v7;
	v16 =	vld.idx.msk [tilespmem:v6+s18+$0x0], $0xffff  }
0x262: {  	[tilespmem:$0x1F860] =	vst v8;
	v6 =	vor.u32 v3, v0;
	v18 =	vld.idx.msk [tilespmem:v9+s16+$0x0], $0xffff  }
0x263: {  	[tilespmem:$0x1F870] =	vst v6;
	v6 =	vor.u32 v6, v7;
	v8 =	vld.idx.msk [tilespmem:v5+s16+$0x0], $0xffff  }
0x264: {  	[tilespmem:$0x1F890] =	vst v9;
	v17 =	vld.idx.msk [tilespmem:v5+s18+$0x0], $0xffff;
	v5 =	vor.u32 v2, v0;
	v0 =	vor.u32 $0x3000, v1  }
0x265: {  	v19 =	vld.idx.msk [tilespmem:v9+s18+$0x0], $0xffff;
	[tilespmem:$0x1F880] =	vst v5;
	v1 =	vor.u32 v5, v7;
	v5 =	vor.u32 v3, v0  }
0x266: {  	v3 =	vld.idx.msk [tilespmem:v10+s16+$0x0], $0xffff;
	[tilespmem:$0x1F8A0] =	vst v5;
	v9 =	vor.u32 v5, v7;
	v5 =	vmov s26;
	s26 =	simm.s32 $0x900  }
0x267: {  	v0 =	vor.u32 v2, v0;
	v26 =	vld [tilespmem:s26+$0xFFFFFF80]  }
0x268: {  	v25 =	vor.u32 v0, v7;
	v50 =	vand.u32 $0xFFFFFFF8, v49;
	v21 =	vld.idx.msk [tilespmem:v6+s16+$0x0], $0xffff  }
0x269: {  	v51 =	vadd.s32 $0x1, v49;
	v38 =	vand.u32 $0x7, v49;
	v22 =	vld.idx.msk [tilespmem:v6+s18+$0x0], $0xffff;
	v6 =	vmul.u32 $0x10, v11  }
0x26a: {  	[tilespmem:$0x1F8B0] =	vst v10;
	v58 =	vand.u32 $0xFFFFFFF8, v52;
	v60 =	vadd.s32 $0x1, v52;
	v41 =	vand.u32 $0x7, v52;
	v23 =	vld.idx.msk [tilespmem:v1+s16+$0x0], $0xffff  }
0x26b: {  	[tilespmem:$0x1F8C0] =	vst v0;
	v16 =	vmul.f32 v16, v27;
	v24 =	vld.idx.msk [tilespmem:v1+s18+$0x0], $0xffff;
	v1 =	vshll.u32 v5, $0x4;
	v5 =	vor.u32 $0x3800, v6  }
0x26c: {  	v20 =	vld.idx.msk [tilespmem:v10+s18+$0x0], $0xffff;
	v53 =	vand.u32 $0x7, v51;
	v17 =	vmul.f32 v17, v27;
	v0 =	vor.u32 $0x2000, v6;
	[tilespmem:$0x1F8D0] =	vst v5  }
0x26d: {  	v28 =	vld [tilespmem:s26+$0xFFFFFF00];
	v10 =	vor.u32 $0x3000, v6;
	v7 =	vor.u32 $0x2800, v6;
	v11 =	vor.u32 $0x1800, v6;
	[tilespmem:$0x1F8E0] =	vst v0  }
0x26e: {  	s25 =	simm.s32 $0xB200;
	v31 =	vld [tilespmem:s29+$0x780];
	v12 =	vor.u32 v5, v1;
	v0 =	vor.u32 v0, v1;
	[tilespmem:$0x1F8F0] =	vst v7;
	v7 =	vor.u32 v7, v1  }
0x26f: {  	v39 =	vld [tilespmem:s25+$0x780];
	[tilespmem:$0x1F900] =	vst v10;
	v10 =	vor.u32 v10, v1;
	v5 =	vor.u32 v11, v1;
	v48 =	vmul.f32 v8, v26  }
0x270: {  	v27 =	vld [tilespmem:s29+$0x700];
	v29 =	vor.u32 $0x8000, v12;
	v30 =	vor.u32 $0xC000, v10;
	v62 =	vor.u32 $0xC000, v12  }
0x271: {  	v37 =	vld [tilespmem:s25+$0x380];
	v63 =	vor.u32 $0x4000, v12;
	v26 =	vmul.f32 v14, v26;
	v14 =	vadd.f32 v17, v48  }
0x272: {  	v54 =	vld [tilespmem:s26+$0x0];
	v15 =	vor.u32 $0x8000, v10;
	v3 =	vmul.f32 v3, v28;
	v18 =	vmul.f32 v18, v28  }
0x273: {  	v56 =	vld [tilespmem:s28+$0x0];
	v33 =	vadd.s32 v29, v50;
	v17 =	vadd.s32 $0x1, v31;
	[tilespmem:$0x1F920] =	vst v14;
	v14 =	vand.u32 $0xFFFFFFF8, v31  }
0x274: {  	v42 =	vld [tilespmem:s25+$0x700];
	v33 =	vor.u32 v38, v33;
	v31 =	vand.u32 $0x7, v31;
	v14 =	vadd.s32 v62, v14  }
0x275: {  	v55 =	vadd.s32 $0x1, v27;
	v38 =	vadd.s32 v63, v58;
	v14 =	vor.u32 v31, v14;
	v31 =	vld [tilespmem:s28+$0xFFFFFF00]  }
0x276: {  	v43 =	vld [tilespmem:s25+$0xFFFFFF80];
	v28 =	vand.u32 $0xFFFFFFF8, v17;
	v17 =	vand.u32 $0x7, v17;
	v57 =	vand.u32 $0xFFFFFFF8, v55  }
0x277: {  	v59 =	vld [tilespmem:s28+$0x80];
	v44 =	vand.u32 $0x7, v55;
	v23 =	vmul.f32 v23, v54;
	v28 =	vadd.s32 v62, v28  }
0x278: {  	v2 =	vld.idx.msk [tilespmem:v9+s16+$0x0], $0xffff;
	v24 =	vmul.f32 v24, v56;
	v17 =	vor.u32 v17, v28;
	v28 =	vand.u32 $0xFFFFFFF8, v51  }
0x279: {  	v36 =	vld.idx.msk [tilespmem:v25+s16+$0x0], $0xffff;
	v28 =	vadd.s32 v29, v28;
	v29 =	vand.u32 $0xFFFFFFF8, v27;
	v27 =	vand.u32 $0x7, v27  }
0x27a: {  	v25 =	vld.idx.msk [tilespmem:v25+s18+$0x0], $0xffff;
	v29 =	vadd.s32 v30, v29;
	v30 =	vadd.s32 v30, v57;
	v20 =	vmul.f32 v20, v31  }
0x27b: {  	v28 =	vor.u32 v53, v28;
	v30 =	vor.u32 v44, v30;
	v61 =	vld.idx.msk [tilespmem:v14+s11+$0x0], $0xffff;
	v14 =	vand.u32 $0xFFFFFFF8, v60  }
0x27c: {  	v19 =	vmul.f32 v19, v31;
	v34 =	vadd.s32 v63, v14;
	v63 =	vld [tilespmem:s29+$0x680];
	v3 =	vadd.f32 v20, v3  }
0x27d: {  	v32 =	vld.idx.msk [tilespmem:v9+s18+$0x0], $0xffff;
	v35 =	vor.u32 $0xC000, v7;
	v16 =	vadd.f32 v16, v26;
	v27 =	vor.u32 v27, v29  }
0x27e: {  	v38 =	vor.u32 v41, v38;
	v29 =	vld [tilespmem:s26+$0x80];
	[tilespmem:$0x1F940] =	vst v3;
	v3 =	vadd.f32 v19, v18;
	v19 =	vadd.f32 v24, v23  }
0x27f: {  	v9 =	vor.u32 $0x4000, v10;
	[tilespmem:$0x1F930] =	vst v16;
	v16 =	vmul.f32 v21, v54;
	v17 =	vld.idx.msk [tilespmem:v17+s11+$0x0], $0xffff;
	v31 =	vand.u32 $0x7, v60  }
0x280: {  	v13 =	vor.u32 $0x8000, v7;
	v28 =	vld.idx.msk [tilespmem:v28+s11+$0x0], $0xffff;
	v31 =	vor.u32 v31, v34;
	[tilespmem:$0x1F960] =	vst v19;
	v19 =	vmul.f32 v22, v56  }
0x281: {  	[tilespmem:$0x1F910] =	vst v11;
	v11 =	vor.u32 $0xC000, v0;
	v25 =	vmul.f32 v25, v59;
	v20 =	vld.idx.msk [tilespmem:v30+s11+$0x0], $0xffff;
	v23 =	vadd.s32 $0x1, v63  }
0x282: {  	[tilespmem:$0x1F950] =	vst v3;
	v3 =	vld.idx.msk [tilespmem:v27+s11+$0x0], $0xffff;
	v21 =	vand.u32 $0xFFFFFFF8, v63;
	v26 =	vand.u32 $0xFFFFFFF8, v23;
	v16 =	vadd.f32 v19, v16  }
0x283: {  	v22 =	vld.idx.msk [tilespmem:v38+s11+$0x0], $0xffff;
	v24 =	vand.u32 $0x7, v63;
	v23 =	vand.u32 $0x7, v23;
	v26 =	vadd.s32 v35, v26  }
0x284: {  	v27 =	vld [tilespmem:s29+$0x300];
	v21 =	vadd.s32 v35, v21;
	v23 =	vor.u32 v23, v26;
	[tilespmem:$0x1F970] =	vst v16;
	v16 =	vmul.f32 v61, v39  }
0x285: {  	v2 =	vmul.f32 v2, v29;
	v18 =	vmul.f32 v36, v29;
	v21 =	vor.u32 v24, v21;
	v24 =	vld.idx.msk [tilespmem:v31+s11+$0x0], $0xffff  }
0x286: {  	v62 =	vor.u32 $0x8000, v0;
	v29 =	vmul.f32 v32, v59;
	v26 =	vld [tilespmem:s29+$0xFFFFFB80];
	[tilespmem:$0x1F980] =	vst v16;
	v16 =	vmul.f32 v17, v39  }
0x287: {  	v14 =	vor.u32 $0xC000, v5;
	v48 =	vadd.f32 v25, v18;
	v55 =	vmul.f32 v20, v42  }
0x288: {  	v51 =	vadd.f32 v29, v2;
	v2 =	vld [tilespmem:s25+$0x680];
	v44 =	vmul.f32 v3, v42;
	[tilespmem:$0x1F990] =	vst v16;
	v16 =	vmul.f32 v28, v37  }
0x289: {  	v42 =	vmul.f32 v22, v43;
	v3 =	vand.u32 $0xFFFFFFF8, v27;
	v18 =	vadd.s32 $0x1, v27;
	v22 =	vld.idx.msk [tilespmem:v23+s11+$0x0], $0xffff  }
0x28a: {  	v17 =	vand.u32 $0x7, v27;
	v3 =	vadd.s32 v15, v3;
	v40 =	vmul.f32 v24, v43;
	[tilespmem:$0x1F9A0] =	vst v16;
	v16 =	vld.idx.msk [tilespmem:v21+s11+$0x0], $0xffff  }
0x28b: {  	v53 =	vor.u32 v17, v3;
	v19 =	vand.u32 $0xFFFFFFF8, v26;
	v20 =	vadd.s32 $0x1, v26;
	v21 =	vld [tilespmem:s29+$0x280]  }
0x28c: {  	v23 =	vand.u32 $0xFFFFFFF8, v18;
	v24 =	vand.u32 $0x7, v26;
	v25 =	vand.u32 $0xFFFFFFF8, v20  }
0x28d: {  	v19 =	vadd.s32 v12, v19;
	v20 =	vand.u32 $0x7, v20;
	v12 =	vadd.s32 v12, v25  }
0x28e: {  	v18 =	vand.u32 $0x7, v18;
	v15 =	vadd.s32 v15, v23;
	v23 =	vld [tilespmem:s29+$0x600];
	v12 =	vor.u32 v20, v12  }
0x28f: {  	v19 =	vor.u32 v24, v19;
	v49 =	vor.u32 v18, v15;
	v58 =	vmul.f32 v22, v2  }
0x290: {  	v3 =	vld [tilespmem:s25+$0xFFFFFB80];
	v39 =	vmul.f32 v16, v2;
	v15 =	vand.u32 $0xFFFFFFF8, v21;
	v16 =	vadd.s32 $0x1, v21  }
0x291: {  	v2 =	vld [tilespmem:s29+$0xFFFFFB00];
	v17 =	vand.u32 $0x7, v21;
	v18 =	vand.u32 $0xFFFFFFF8, v16;
	v15 =	vadd.s32 v13, v15  }
0x292: {  	v22 =	vld [tilespmem:s29+$0xFFFFFF00];
	v16 =	vand.u32 $0x7, v16;
	v13 =	vadd.s32 v13, v18;
	v15 =	vor.u32 v17, v15  }
0x293: {  	v12 =	vld.idx.msk [tilespmem:v12+s11+$0x0], $0xffff;
	v17 =	vadd.s32 $0x1, v23;
	v13 =	vor.u32 v16, v13;
	v16 =	vand.u32 $0xFFFFFFF8, v23  }
0x294: {  	v18 =	vld.idx.msk [tilespmem:v19+s11+$0x0], $0xffff;
	v19 =	vand.u32 $0x7, v23;
	v21 =	vand.u32 $0xFFFFFFF8, v17;
	v16 =	vadd.s32 v11, v16  }
0x295: {  	v33 =	vld.idx.msk [tilespmem:v33+s11+$0x0], $0xffff;
	v17 =	vand.u32 $0x7, v17;
	v11 =	vadd.s32 v11, v21;
	v16 =	vor.u32 v19, v16  }
0x296: {  	v23 =	vld [tilespmem:s29+$0x200];
	v19 =	vand.u32 $0xFFFFFFF8, v2;
	v21 =	vadd.s32 $0x1, v2;
	v11 =	vor.u32 v17, v11  }
0x297: {  	v24 =	vld [tilespmem:s25+$0x600];
	v2 =	vand.u32 $0x7, v2;
	v17 =	vand.u32 $0xFFFFFFF8, v21;
	v19 =	vadd.s32 v10, v19  }
0x298: {  	v21 =	vand.u32 $0x7, v21;
	v56 =	vmul.f32 v12, v3;
	v10 =	vadd.s32 v10, v17;
	v17 =	vld [tilespmem:s29+$0x580]  }
0x299: {  	v25 =	vld [tilespmem:s25+$0xFFFFFB00];
	v12 =	vand.u32 $0x7, v22;
	v2 =	vor.u32 v2, v19;
	v57 =	vmul.f32 v18, v3  }
0x29a: {  	v20 =	vld [tilespmem:s25+$0x280];
	v3 =	vand.u32 $0xFFFFFFF8, v22;
	v18 =	vadd.s32 $0x1, v22;
	v10 =	vor.u32 v21, v10  }
0x29b: {  	v13 =	vld.idx.msk [tilespmem:v13+s11+$0x0], $0xffff;
	v19 =	vadd.s32 $0x1, v23;
	v21 =	vand.u32 $0xFFFFFFF8, v23;
	v22 =	vand.u32 $0x7, v23  }
0x29c: {  	v15 =	vld.idx.msk [tilespmem:v15+s11+$0x0], $0xffff;
	v23 =	vand.u32 $0xFFFFFFF8, v19;
	v21 =	vadd.s32 v62, v21;
	v19 =	vand.u32 $0x7, v19  }
0x29d: {  	v16 =	vld.idx.msk [tilespmem:v16+s11+$0x0], $0xffff;
	v23 =	vadd.s32 v62, v23;
	v21 =	vor.u32 v22, v21;
	v22 =	vadd.s32 $0x1, v17  }
0x29e: {  	v11 =	vld.idx.msk [tilespmem:v11+s11+$0x0], $0xffff;
	v19 =	vor.u32 v19, v23;
	v23 =	vand.u32 $0xFFFFFFF8, v17;
	v26 =	vand.u32 $0xFFFFFFF8, v22  }
0x29f: {  	v8 =	vor.u32 $0x4000, v7;
	v23 =	vadd.s32 v14, v23;
	v14 =	vadd.s32 v14, v26;
	v26 =	vld [tilespmem:s29+$0xFFFFFE80]  }
0x2a0: {  	v3 =	vadd.s32 v9, v3;
	v2 =	vld.idx.msk [tilespmem:v2+s11+$0x0], $0xffff;
	v17 =	vand.u32 $0x7, v17;
	v13 =	vmul.f32 v13, v20  }
0x2a1: {  	v61 =	vor.u32 v12, v3;
	v10 =	vld.idx.msk [tilespmem:v10+s11+$0x0], $0xffff;
	v22 =	vand.u32 $0x7, v22;
	v17 =	vor.u32 v17, v23  }
0x2a2: {  	v14 =	vor.u32 v22, v14;
	v22 =	vand.u32 $0xFFFFFFF8, v18;
	[tilespmem:$0x1F9C0] =	vst v13;
	v13 =	vld [tilespmem:s29+$0xFFFFFA80];
	v12 =	vmul.f32 v16, v24  }
0x2a3: {  	v3 =	vld [tilespmem:s25+$0x580];
	v18 =	vand.u32 $0x7, v18;
	v11 =	vmul.f32 v11, v24;
	v9 =	vadd.s32 v9, v22  }
0x2a4: {  	v15 =	vmul.f32 v15, v20;
	v23 =	vld [tilespmem:s25+$0x200];
	[tilespmem:$0x1F9D0] =	vst v12;
	v47 =	vor.u32 v18, v9;
	v9 =	vand.u32 $0xFFFFFFF8, v26  }
0x2a5: {  	[tilespmem:$0x1F9E0] =	vst v11;
	v11 =	vld.idx.msk [tilespmem:v21+s11+$0x0], $0xffff;
	v12 =	vand.u32 $0x7, v26;
	v9 =	vadd.s32 v8, v9  }
0x2a6: {  	[tilespmem:$0x1F9B0] =	vst v15;
	v43 =	vmul.f32 v2, v25;
	v2 =	vld.idx.msk [tilespmem:v19+s11+$0x0], $0xffff;
	v9 =	vor.u32 v12, v9  }
0x2a7: {  	v41 =	vmul.f32 v10, v25;
	v15 =	vld.idx.msk [tilespmem:v17+s11+$0x0], $0xffff;
	v17 =	vand.u32 $0xFFFFFFF8, v13;
	[tilespmem:$0x1F9F0] =	vst v9;
	v9 =	vadd.s32 $0x1, v13  }
0x2a8: {  	v14 =	vld.idx.msk [tilespmem:v14+s11+$0x0], $0xffff;
	v12 =	vand.u32 $0x7, v13;
	v13 =	vadd.s32 v7, v17;
	v17 =	vand.u32 $0xFFFFFFF8, v9  }
0x2a9: {  	v18 =	vld [tilespmem:s29+$0x180];
	v10 =	vadd.s32 $0x1, v26;
	v9 =	vand.u32 $0x7, v9;
	v7 =	vadd.s32 v7, v17  }
0x2aa: {  	v16 =	vand.u32 $0xFFFFFFF8, v10;
	v7 =	vor.u32 v9, v7;
	v9 =	vmul.f32 v11, v23  }
0x2ab: {  	v46 =	vmul.f32 v33, v37;
	v10 =	vand.u32 $0x7, v10;
	v8 =	vadd.s32 v8, v16  }
0x2ac: {  	v16 =	vor.u32 $0x1000, v6;
	v8 =	vor.u32 v10, v8;
	v2 =	vmul.f32 v2, v23;
	[tilespmem:$0x1FA00] =	vst v9;
	v9 =	vld [tilespmem:s29+$0x500]  }
0x2ad: {  	v12 =	vor.u32 v12, v13;
	[tilespmem:$0x1FA10] =	vst v8;
	v17 =	vmul.f32 v15, v3;
	v3 =	vmul.f32 v14, v3  }
0x2ae: {  	v10 =	vand.u32 $0x7, v18;
	v8 =	vor.u32 $0x8000, v5;
	[tilespmem:$0x1FA20] =	vst v2;
	v2 =	vand.u32 $0xFFFFFFF8, v18  }
0x2af: {  	v31 =	vor.u32 v16, v1;
	v2 =	vadd.s32 v8, v2;
	v11 =	vld [tilespmem:s29+$0xFFFFFA00];
	[tilespmem:$0x1FA30] =	vst v3;
	v3 =	vadd.s32 $0x1, v18  }
0x2b0: {  	v2 =	vor.u32 v10, v2;
	v10 =	vor.u32 $0xC000, v31;
	v13 =	vand.u32 $0xFFFFFFF8, v3  }
0x2b1: {  	v19 =	vld [tilespmem:s29+$0x480];
	v3 =	vand.u32 $0x7, v3;
	v8 =	vadd.s32 v8, v13;
	v13 =	vand.u32 $0xFFFFFFF8, v9  }
0x2b2: {  	v12 =	vld.idx.msk [tilespmem:v12+s11+$0x0], $0xffff;
	v14 =	vadd.s32 $0x1, v9;
	v9 =	vand.u32 $0x7, v9;
	v13 =	vadd.s32 v10, v13  }
0x2b3: {  	v3 =	vor.u32 v3, v8;
	v8 =	vor.u32 v9, v13;
	v9 =	vand.u32 $0xFFFFFFF8, v14;
	v13 =	vld [tilespmem:s29+$0x100]  }
0x2b4: {  	v15 =	vadd.s32 $0x1, v11;
	v9 =	vadd.s32 v10, v9;
	v10 =	vand.u32 $0x7, v14;
	v14 =	vld [tilespmem:s25+$0xFFFFFA80]  }
0x2b5: {  	[tilespmem:$0x1FA40] =	vst v16;
	v7 =	vld.idx.msk [tilespmem:v7+s11+$0x0], $0xffff;
	v16 =	vand.u32 $0xFFFFFFF8, v11;
	v11 =	vand.u32 $0x7, v11;
	v18 =	vand.u32 $0xFFFFFFF8, v15  }
0x2b6: {  	v16 =	vadd.s32 v0, v16;
	v15 =	vand.u32 $0x7, v15;
	v18 =	vadd.s32 v0, v18  }
0x2b7: {  	v9 =	vor.u32 v10, v9;
	v10 =	vor.u32 v11, v16;
	v16 =	vor.u32 $0x800, v6  }
0x2b8: {  	v29 =	vld [tilespmem:s29+$0xFFFFF980];
	v11 =	vor.u32 v15, v18;
	v6 =	vor.u32 $0x8000, v31;
	v45 =	vor.u32 v16, v1  }
0x2b9: {  	v22 =	vld [tilespmem:s29+$0x0];
	[tilespmem:$0x1FA70] =	vst v16;
	v16 =	vand.u32 $0xFFFFFFF8, v19;
	v15 =	vand.u32 $0xFFFFFFF8, v13;
	v12 =	vmul.f32 v12, v14  }
0x2ba: {  	v2 =	vld.idx.msk [tilespmem:v2+s11+$0x0], $0xffff;
	v1 =	vadd.s32 $0x1, v13;
	v7 =	vmul.f32 v7, v14;
	v14 =	vadd.s32 $0x1, v19  }
0x2bb: {  	v18 =	vand.u32 $0xFFFFFFF8, v14;
	[tilespmem:$0x1FA50] =	vst v12;
	v12 =	vadd.s32 v6, v15;
	v15 =	vand.u32 $0x7, v13;
	v13 =	vld [tilespmem:s29+$0xFFFFFE00]  }
0x2bc: {  	v3 =	vld.idx.msk [tilespmem:v3+s11+$0x0], $0xffff;
	[tilespmem:$0x1FA60] =	vst v7;
	v7 =	vor.u32 v15, v12;
	v12 =	vor.u32 $0xC000, v45;
	v15 =	vand.u32 $0xFFFFFFF8, v1  }
0x2bd: {  	v14 =	vand.u32 $0x7, v14;
	v6 =	vadd.s32 v6, v15;
	v15 =	vadd.s32 v12, v16;
	v16 =	vld.idx.msk [tilespmem:v9+s11+$0x0], $0xffff  }
0x2be: {  	v1 =	vand.u32 $0x7, v1;
	v12 =	vadd.s32 v12, v18;
	v9 =	vand.u32 $0x7, v19;
	v18 =	vld [tilespmem:s25+$0x180]  }
0x2bf: {  	v6 =	vor.u32 v1, v6;
	v15 =	vor.u32 v9, v15;
	v12 =	vor.u32 v14, v12;
	v14 =	vld [tilespmem:s29+$0x400]  }
0x2c0: {  	v8 =	vld.idx.msk [tilespmem:v8+s11+$0x0], $0xffff;
	v1 =	vor.u32 $0x4000, v0;
	v0 =	vand.u32 $0xFFFFFFF8, v13;
	v9 =	vadd.s32 $0x1, v13  }
0x2c1: {  	v19 =	vld.idx.msk [tilespmem:v10+s11+$0x0], $0xffff;
	v10 =	vand.u32 $0x7, v13;
	v0 =	vadd.s32 v1, v0;
	v13 =	vand.u32 $0xFFFFFFF8, v9  }
0x2c2: {  	v9 =	vand.u32 $0x7, v9;
	v0 =	vor.u32 v10, v0;
	v1 =	vadd.s32 v1, v13;
	v13 =	vld [tilespmem:s29+$0x80]  }
0x2c3: {  	v59 =	vshll.u32 v4, $0x4;
	[tilespmem:$0x1FA80] =	vst v0;
	v0 =	vor.u32 v9, v1;
	v9 =	vmul.f32 v2, v18;
	v2 =	vld.idx.msk [tilespmem:v7+s11+$0x0], $0xffff  }
0x2c4: {  	v4 =	vor.u32 $0xC000, v59;
	v7 =	vld.idx.msk [tilespmem:v6+s11+$0x0], $0xffff;
	v6 =	vand.u32 $0xFFFFFFF8, v14;
	v20 =	vadd.s32 $0x1, v14  }
0x2c5: {  	v11 =	vld.idx.msk [tilespmem:v11+s11+$0x0], $0xffff;
	v14 =	vand.u32 $0x7, v14;
	v6 =	vadd.s32 v4, v6;
	v21 =	vand.u32 $0xFFFFFFF8, v20  }
0x2c6: {  	v10 =	vmul.f32 v3, v18;
	v18 =	vld.idx.msk [tilespmem:v15+s11+$0x0], $0xffff;
	v3 =	vor.u32 v14, v6;
	v4 =	vadd.s32 v4, v21  }
0x2c7: {  	v21 =	vld.idx.msk [tilespmem:v12+s11+$0x0], $0xffff;
	v6 =	vand.u32 $0x7, v20;
	v12 =	vor.u32 $0x8000, v45;
	v14 =	vand.u32 $0xFFFFFFF8, v13  }
0x2c8: {  	v20 =	vld [tilespmem:s25+$0x500];
	v15 =	vadd.s32 $0x1, v13;
	v13 =	vand.u32 $0x7, v13;
	v14 =	vadd.s32 v12, v14  }
0x2c9: {  	v6 =	vor.u32 v6, v4;
	v4 =	vand.u32 $0xFFFFFFF8, v15;
	v13 =	vor.u32 v13, v14;
	v14 =	vld [tilespmem:s25+$0xFFFFFA00]  }
0x2ca: {  	v23 =	vadd.s32 $0x1, v22;
	v4 =	vadd.s32 v12, v4;
	v12 =	vand.u32 $0x7, v15;
	v15 =	vld [tilespmem:s29+$0xFFFFFD80]  }
0x2cb: {  	v24 =	vor.u32 $0x8000, v59;
	v25 =	vand.u32 $0xFFFFFFF8, v22;
	v26 =	vand.u32 $0xFFFFFFF8, v23;
	v3 =	vld.idx.msk [tilespmem:v3+s11+$0x0], $0xffff  }
0x2cc: {  	v27 =	vor.u32 v12, v4;
	v4 =	vadd.s32 v24, v25;
	v12 =	vadd.s32 v24, v26;
	v24 =	vld [tilespmem:s25+$0x100]  }
0x2cd: {  	v25 =	vmul.f32 v8, v20;
	v8 =	vand.u32 $0x7, v22;
	v22 =	vand.u32 $0x7, v23;
	v23 =	vld [tilespmem:s25+$0x480]  }
0x2ce: {  	v1 =	vor.u32 $0x4000, v45;
	v20 =	vmul.f32 v16, v20;
	v16 =	vor.u32 v22, v12;
	v22 =	vld [tilespmem:s25+$0x400]  }
0x2cf: {  	[tilespmem:$0x1FA90] =	vst v0;
	v0 =	vld [tilespmem:s25+$0x300];
	v26 =	vor.u32 $0x4000, v5;
	v8 =	vor.u32 v8, v4;
	v4 =	vmul.f32 v19, v14  }
0x2d0: {  	v19 =	vld.idx.msk [tilespmem:v6+s11+$0x0], $0xffff;
	v6 =	vand.u32 $0xFFFFFFF8, v15;
	v12 =	vand.u32 $0x7, v15;
	v28 =	vadd.s32 $0x1, v15  }
0x2d1: {  	v15 =	vadd.s32 v26, v6;
	v6 =	vmul.f32 v11, v14;
	v11 =	vld.idx.msk [tilespmem:v13+s11+$0x0], $0xffff;
	v14 =	vmul.f32 v2, v24  }
0x2d2: {  	v13 =	vand.u32 $0xFFFFFFF8, v28;
	v2 =	vld.idx.msk [tilespmem:v27+s11+$0x0], $0xffff;
	v18 =	vmul.f32 v18, v23;
	v23 =	vmul.f32 v21, v23  }
0x2d3: {  	v21 =	vand.u32 $0x7, v29;
	v13 =	vadd.s32 v26, v13;
	v3 =	vmul.f32 v3, v22;
	v26 =	vld [tilespmem:s29+$0xFFFFFD00]  }
0x2d4: {  	v12 =	vor.u32 v12, v15;
	v15 =	vmul.f32 v7, v24;
	v7 =	vand.u32 $0x7, v28;
	v28 =	vld.idx.msk [tilespmem:v16+s11+$0x0], $0xffff  }
0x2d5: {  	v16 =	vadd.s32 $0x1, v29;
	v24 =	vld [tilespmem:s25+$0x80];
	v13 =	vor.u32 v7, v13;
	v3 =	vadd.f32 $0.0e+00, v3  }
0x2d6: {  	v7 =	vmul.f32 v19, v22;
	v19 =	vld.idx.msk [tilespmem:v8+s11+$0x0], $0xffff;
	v8 =	vand.u32 $0xFFFFFFF8, v29;
	v22 =	vand.u32 $0xFFFFFFF8, v16  }
0x2d7: {  	v27 =	vld [tilespmem:s29+$0xFFFFF900];
	v16 =	vand.u32 $0x7, v16;
	v8 =	vadd.s32 v5, v8;
	v3 =	vadd.f32 v18, v3  }
0x2d8: {  	v21 =	vor.u32 v21, v8;
	v8 =	vadd.s32 v5, v22;
	v18 =	vadd.f32 $0.0e+00, v7  }
0x2d9: {  	v60 =	vld [tilespmem:s25+$0xFFFFFD00];
	v5 =	vor.u32 $0x4000, v31;
	v7 =	vand.u32 $0xFFFFFFF8, v26;
	v30 =	vand.u32 $0x7, v26  }
0x2da: {  	v33 =	vld [tilespmem:s29+$0xFFFFF800];
	v11 =	vmul.f32 v11, v24;
	v29 =	vadd.s32 v5, v7;
	v22 =	vor.u32 v16, v8  }
0x2db: {  	[tilespmem:$0x1FAA0] =	vst v0;
	v0 =	vmovc v5;
	v3 =	vadd.f32 v25, v3;
	v25 =	vld [tilespmem:s29+$0xFFFFFC80];
	v5 =	vor.u32 $0x4000, v59;
	v23 =	vadd.f32 v23, v18  }
0x2dc: {  	v16 =	vor.u32 v30, v29;
	v18 =	vmul.f32 v2, v24;
	v2 =	vld [tilespmem:s25+$0x0];
	v24 =	vadd.s32 $0x1, v27  }
0x2dd: {  	v63 =	vld [tilespmem:s25+$0xFFFFFD80];
	v32 =	vadd.f32 v20, v23;
	v23 =	vand.u32 $0xFFFFFFF8, v27;
	v20 =	vadd.f32 v17, v3  }
0x2de: {  	v62 =	vld [tilespmem:s25+$0xFFFFFE00];
	v17 =	vand.u32 $0xFFFFFFF8, v24;
	v3 =	vadd.s32 v31, v23;
	v23 =	vand.u32 $0x7, v27  }
0x2df: {  	v7 =	vld [tilespmem:s25+$0xFFFFFF00];
	v24 =	vand.u32 $0x7, v24;
	v17 =	vadd.s32 v31, v17;
	v27 =	vor.u32 v23, v3  }
0x2e0: {  	v8 =	vld [tilespmem:s25+$0xFFFFFE80];
	v24 =	vor.u32 v24, v17;
	v23 =	vadd.s32 $0x1, v26;
	v26 =	vadd.s32 $0x1, v25  }
0x2e1: {  	v30 =	vld [tilespmem:s29+$0xFFFFFC00];
	v50 =	vmul.f32 v19, v2;
	v2 =	vmul.f32 v28, v2;
	v31 =	vand.u32 $0x7, v23  }
0x2e2: {  	v3 =	vld [tilespmem:s29+$0xFFFFF880];
	v19 =	vand.u32 $0xFFFFFFF8, v23;
	v28 =	vand.u32 $0xFFFFFFF8, v25;
	v23 =	vand.u32 $0x7, v25  }
0x2e3: {  	s30 =	simm.s32 $0x10;
	v54 =	vmovc v1;
	[tilespmem:$0x1FAB0] =	vst v5;
	v17 =	vld [tilespmem:s25+$0xFFFFF980];
	v25 =	vand.u32 $0x7, v26;
	v29 =	vadd.s32 v1, v28;
	v28 =	vadd.f32 $0.0e+00, v50  }
.LBB2_8:
0x2e4: {  	v36 =	vld [tilespmem:s25+$0xFFFFF900]  }
0x2e5: {  	v38 =	vld [tilespmem:s25+$0xFFFFFC80]  }
0x2e6: {  	v1 =	vmov v39;
	v39 =	vld [tilespmem:s25+$0xFFFFF880]  }
0x2e7: {  	v21 =	vld.idx.msk [tilespmem:v21+s11+$0x0], $0xffff;
	v26 =	vand.u32 $0xFFFFFFF8, v26;
	v19 =	vadd.s32 v0, v19;
	v2 =	vadd.f32 $0.0e+00, v2  }
0x2e8: {  	v22 =	vld.idx.msk [tilespmem:v22+s11+$0x0], $0xffff;
	v26 =	vadd.s32 v54, v26;
	v11 =	vadd.f32 v11, v28;
	v35 =	vadd.s32 $0x1, v3  }
0x2e9: {  	[tilespmem:$0x1F820] =	vst v46;
	v25 =	vor.u32 v25, v26;
	v26 =	vld [tilespmem:$0x1FA30];
	v2 =	vadd.f32 v18, v2;
	v46 =	vand.u32 $0x7, v35  }
0x2ea: {  	v24 =	vld.idx.msk [tilespmem:v24+s11+$0x0], $0xffff;
	v34 =	vand.u32 $0xFFFFFFF8, v3;
	v3 =	vand.u32 $0x7, v3;
	v37 =	vand.u32 $0xFFFFFFF8, v35  }
0x2eb: {  	v52 =	vmovc v58;
	v5 =	vmovc v41;
	v0 =	vld [tilespmem:$0x1F9E0];
	v41 =	vand.u32 $0xFFFFFFF8, v33;
	v34 =	vadd.s32 v45, v34;
	v58 =	vadd.s32 v45, v37  }
0x2ec: {  	v28 =	vld [tilespmem:$0x1F9D0];
	v3 =	vor.u32 v3, v34;
	v34 =	vor.u32 v46, v58;
	v46 =	vmovc v42;
	v42 =	vadd.s32 $0x1, v33  }
0x2ed: {  	v50 =	vmovc v44;
	v35 =	vld [tilespmem:s25+$0xFFFFFC00];
	v41 =	vadd.s32 v59, v41;
	v2 =	vadd.f32 v15, v2;
	v44 =	vand.u32 $0xFFFFFFF8, v42  }
0x2ee: {  	v15 =	vor.u32 v31, v19;
	v26 =	vadd.f32 v26, v32;
	v59 =	vadd.s32 v59, v44;
	v44 =	vld [tilespmem:$0x1FAB0]  }
0x2ef: {  	v2 =	vadd.f32 v10, v2;
	v10 =	vmul.f32 v22, v17;
	v22 =	vld.idx.msk [tilespmem:v25+s11+$0x0], $0xffff;
	v33 =	vand.u32 $0x7, v33  }
0x2f0: {  	v37 =	vand.u32 $0xFFFFFFF8, v30;
	v45 =	vand.u32 $0x7, v30;
	v25 =	vld [tilespmem:$0x1F9B0];
	v33 =	vor.u32 v33, v41  }
0x2f1: {  	v30 =	vadd.s32 $0x1, v30;
	v41 =	vand.u32 $0x7, v42;
	v19 =	vadd.f32 v0, v26;
	v0 =	vld [tilespmem:$0x1FA00]  }
0x2f2: {  	v11 =	vadd.f32 v14, v11;
	v58 =	vmovc v40;
	v40 =	vld [tilespmem:s25+$0xFFFFF800];
	v41 =	vor.u32 v41, v59;
	v59 =	vand.u32 $0xFFFFFFF8, v30  }
0x2f3: {  	v30 =	vand.u32 $0x7, v30;
	v3 =	vld.idx.msk [tilespmem:v3+s11+$0x0], $0xffff;
	v42 =	vadd.s32 v44, v59  }
0x2f4: {  	v23 =	vor.u32 v23, v29;
	v9 =	vadd.f32 v9, v11;
	v29 =	vld.idx.msk [tilespmem:v34+s11+$0x0], $0xffff;
	v30 =	vor.u32 v30, v42  }
0x2f5: {  	v18 =	vld.idx.msk [tilespmem:v33+s11+$0x0], $0xffff  }
0x2f6: {  	v9 =	vadd.f32 v0, v9;
	v0 =	vld [tilespmem:$0x1FA20];
	v37 =	vadd.s32 v44, v37  }
0x2f7: {  	v20 =	vadd.f32 v28, v20;
	v37 =	vor.u32 v45, v37;
	v28 =	vld.idx.msk [tilespmem:v41+s11+$0x0], $0xffff  }
0x2f8: {  	v9 =	vadd.f32 v25, v9;
	v25 =	vld [tilespmem:$0x1F9C0]  }
0x2f9: {  	v26 =	vld.idx.msk [tilespmem:v30+s11+$0x0], $0xffff  }
0x2fa: {  	v27 =	vld.idx.msk [tilespmem:v27+s11+$0x0], $0xffff;
	v21 =	vmul.f32 v21, v17  }
0x2fb: {  	v11 =	vld.idx.msk [tilespmem:v23+s11+$0x0], $0xffff;
	v23 =	vmul.f32 v24, v36;
	v2 =	vadd.f32 v0, v2;
	v18 =	vmul.f32 v18, v40  }
0x2fc: {  	v20 =	vadd.f32 v1, v20;
	v17 =	vadd.f32 v52, v19;
	v14 =	vld.idx.msk [tilespmem:v37+s11+$0x0], $0xffff;
	v24 =	vmul.f32 v28, v40  }
0x2fd: {  	v15 =	vld.idx.msk [tilespmem:v15+s11+$0x0], $0xffff;
	v3 =	vmul.f32 v3, v39;
	v2 =	vadd.f32 v25, v2;
	v18 =	vadd.f32 $0.0e+00, v18  }
0x2fe: {  	v25 =	vmul.f32 v29, v39;
	v24 =	vadd.f32 $0.0e+00, v24;
	v26 =	vmul.f32 v26, v35  }
0x2ff: {  	v13 =	vld.idx.msk [tilespmem:v13+s11+$0x0], $0xffff;
	v19 =	vadd.f32 v50, v20;
	v20 =	vmul.f32 v27, v36;
	v3 =	vadd.f32 v3, v18  }
0x300: {  	v16 =	vld.idx.msk [tilespmem:v16+s11+$0x0], $0xffff;
	v22 =	vmul.f32 v22, v38;
	v18 =	vadd.f32 v25, v24;
	v24 =	vadd.f32 $0.0e+00, v26  }
0x301: {  	v3 =	vadd.f32 v20, v3;
	v14 =	vmul.f32 v14, v35  }
0x302: {  	v15 =	vmul.f32 v15, v60;
	v18 =	vadd.f32 v23, v18;
	v20 =	vadd.f32 v22, v24  }
0x303: {  	v11 =	vmul.f32 v11, v38;
	v14 =	vadd.f32 $0.0e+00, v14  }
0x304: {  	v13 =	vmul.f32 v13, v63;
	v0 =	vld [tilespmem:$0x1FA80];
	v10 =	vadd.f32 v10, v18;
	v15 =	vadd.f32 v15, v20  }
0x305: {  	v11 =	vadd.f32 v11, v14;
	v14 =	vmul.f32 v16, v60;
	v16 =	vld [tilespmem:$0x1F9F0]  }
0x306: {  	v6 =	vadd.f32 v6, v10;
	v10 =	vadd.f32 v13, v15;
	v13 =	vld [tilespmem:$0x1FA50]  }
0x307: {  	v3 =	vadd.f32 v21, v3;
	_ =	sdelay $0x1  }
0x308: {  	v12 =	vld.idx.msk [tilespmem:v12+s11+$0x0], $0xffff;
	v3 =	vadd.f32 v4, v3;
	_ =	sdelay $0x1  }
0x309: {  	v3 =	vadd.f32 v13, v3;
	v13 =	vld [tilespmem:$0x1FA60]  }
0x30a: {  	v0 =	vld.idx.msk [tilespmem:v0+s11+$0x0], $0xffff;
	_ =	sdelay $0x1  }
0x30b: {  	v12 =	vmul.f32 v12, v63;
	v11 =	vadd.f32 v14, v11;
	v16 =	vld.idx.msk [tilespmem:v16+s11+$0x0], $0xffff  }
0x30c: {  	v14 =	vld.idx.msk [tilespmem:v61+s11+$0x0], $0xffff  }
0x30d: {  	v4 =	vadd.f32 v12, v11;
	v11 =	vld.idx.msk [tilespmem:v53+s11+$0x0], $0xffff;
	v6 =	vadd.f32 v13, v6  }
0x30e: {  	v0 =	vmul.f32 v0, v62;
	v12 =	vld.idx.msk [tilespmem:v49+s11+$0x0], $0xffff  }
0x30f: {  	v6 =	vadd.f32 v5, v6;
	v5 =	vld [tilespmem:$0x1FAA0]  }
0x310: {  	v0 =	vadd.f32 v0, v4;
	v4 =	vmul.f32 v16, v8  }
0x311: {  	v1 =	vld [tilespmem:$0x1FA90]  }
0x312: {  	v22 =	vld [tilespmem:$0x1FA10];
	v0 =	vadd.f32 v4, v0;
	v4 =	vmul.f32 v14, v7;
	_ =	sdelay $0x1  }
0x313: {  	v0 =	vadd.f32 v4, v0;
	v4 =	vmul.f32 v11, v5;
	v5 =	vmul.f32 v12, v5  }
0x314: {  	v3 =	vadd.f32 v43, v3  }
0x315: {  	v2 =	vadd.f32 v5, v2;
	v5 =	vld [tilespmem:$0x1F960]  }
0x316: {  	v3 =	vadd.f32 v57, v3;
	_ =	sdelay $0x1  }
0x317: {  	v1 =	vld.idx.msk [tilespmem:v1+s11+$0x0], $0xffff;
	v3 =	vmul.f32 v48, v3;
	v0 =	vadd.f32 v46, v0  }
0x318: {  	v22 =	vld.idx.msk [tilespmem:v22+s11+$0x0], $0xffff  }
0x319: {  	v3 =	vadd.f32 $0.0e+00, v3;
	v0 =	vmul.f32 v5, v0;
	v5 =	vld [tilespmem:$0x1F820]  }
0x31a: {  	v18 =	vld.idx.msk [tilespmem:v47+s11+$0x0], $0xffff  }
0x31b: {  	v0 =	vadd.f32 v0, v3;
	v3 =	vld [tilespmem:$0x1F940]  }
0x31c: {  	v1 =	vmul.f32 v1, v62;
	v4 =	vadd.f32 v4, v9  }
0x31d: {  	v6 =	vadd.f32 v56, v6  }
0x31e: {  	v1 =	vadd.f32 v1, v10;
	v8 =	vmul.f32 v22, v8;
	v4 =	vadd.f32 v5, v4  }
0x31f: {  	v6 =	vmul.f32 v51, v6  }
0x320: {  	v1 =	vadd.f32 v8, v1;
	v7 =	vmul.f32 v18, v7;
	v3 =	vmul.f32 v3, v4;
	v4 =	vld [tilespmem:$0x1F980]  }
0x321: {  	v5 =	vadd.f32 $0.0e+00, v6;
	v6 =	vld [tilespmem:$0x1F970]  }
0x322: {  	v1 =	vadd.f32 v7, v1;
	v0 =	vadd.f32 v3, v0;
	v3 =	vld [tilespmem:$0x1F920];
	_ =	sdelay $0x1  }
0x323: {  	v1 =	vadd.f32 v58, v1  }
0x324: {  	v4 =	vadd.f32 v4, v19  }
0x325: {  	v1 =	vmul.f32 v6, v1  }
0x326: {  	v6 =	vld [tilespmem:$0x1F9A0];
	v3 =	vmul.f32 v3, v4  }
0x327: {  	v1 =	vadd.f32 v1, v5;
	v5 =	vld [tilespmem:$0x1F950]  }
0x328: {  	v0 =	vadd.f32 v3, v0;
	v3 =	vld [tilespmem:$0x1F8B0];
	_ =	sdelay $0x2  }
0x329: {  	v2 =	vadd.f32 v6, v2;
	_ =	sdelay $0x1  }
0x32a: {  	v2 =	vmul.f32 v5, v2;
	v5 =	vld [tilespmem:$0x1F990];
	_ =	sdelay $0x1  }
0x32b: {  	v1 =	vadd.f32 v2, v1;
	v2 =	vld [tilespmem:$0x1F930]  }
0x32c: {  	v17 =	vadd.f32 v55, v17;
	[tilespmem:v3+s20+$0x0] =	vst.idx.msk $0xffff, v0;
	v0 =	vld [tilespmem:$0x1F890];
	_ =	sdelay $0x1  }
0x32d: {  	v5 =	vadd.f32 v5, v17;
	_ =	sdelay $0x1  }
0x32e: {  	v2 =	vmul.f32 v2, v5;
	_ =	sdelay $0x1  }
0x32f: {  	v5 =	vld [tilespmem:$0x1F830];
	v1 =	vadd.f32 v2, v1  }
0x330: {  	v2 =	vld [tilespmem:$0x1F840]  }
0x331: {  	[tilespmem:v0+s20+$0x0] =	vst.idx.msk $0xffff, v1;
	v0 =	vld [tilespmem:$0x1F850]  }
0x332: {  	s26 =	sadd.s32 $0x10, s26;
	v6 =	vlaneseq.u32;
	v1 =	vld [tilespmem:$0x1F880]  }
0x333: {  	s28 =	sadd.s32 $0x10, s28;
	v6 =	vor.u32 s30, v6;
	v56 =	vld [tilespmem:s26+$0xFFFFFF80]  }
0x334: {  	v4 =	vshll.u32 v6, $0x5;
	v57 =	vld [tilespmem:s28+$0xFFFFFF80]  }
0x335: {  	s29 =	sadd.s32 $0x10, s29;
	v5 =	vor.u32 v5, v4;
	v58 =	vld [tilespmem:s26+$0xFFFFFF00]  }
0x336: {  	s25 =	sadd.s32 $0x10, s25;
	v61 =	vld [tilespmem:s29+$0x780]  }
0x337: {  	v44 =	vld [tilespmem:s25+$0x780]  }
0x338: {  	v2 =	vor.u32 v2, v4;
	v55 =	vld [tilespmem:s29+$0x380]  }
0x339: {  	v51 =	vld [tilespmem:s28+$0x0]  }
0x33a: {  	v3 =	vld.idx.msk [tilespmem:v5+s16+$0x0], $0xffff  }
0x33b: {  	v8 =	vor.u32 v0, v4;
	v0 =	vld [tilespmem:$0x1F860]  }
0x33c: {  	v25 =	vld.idx.msk [tilespmem:v5+s18+$0x0], $0xffff  }
0x33d: {  	v7 =	vld.idx.msk [tilespmem:v2+s16+$0x0], $0xffff;
	v1 =	vor.u32 v1, v4  }
0x33e: {  	v5 =	vmov s30;
	v2 =	vld.idx.msk [tilespmem:v2+s18+$0x0], $0xffff  }
0x33f: {  	v59 =	vshll.u32 v6, $0x4;
	v6 =	vshll.u32 v5, $0x4;
	v5 =	vld [tilespmem:$0x1F8A0]  }
0x340: {  	v9 =	vor.u32 v0, v4;
	v0 =	vld [tilespmem:$0x1F870]  }
0x341: {  	v26 =	vld.idx.msk [tilespmem:v8+s16+$0x0], $0xffff  }
0x342: {  	v24 =	vld.idx.msk [tilespmem:v1+s16+$0x0], $0xffff  }
0x343: {  	v49 =	vmul.f32 v7, v56;
	v2 =	vmul.f32 v2, v57;
	v28 =	vld.idx.msk [tilespmem:v1+s18+$0x0], $0xffff  }
0x344: {  	v1 =	vld [tilespmem:$0x1F8F0]  }
0x345: {  	v19 =	vld.idx.msk [tilespmem:v8+s18+$0x0], $0xffff;
	v2 =	vadd.f32 v2, v49  }
0x346: {  	[tilespmem:$0x1F890] =	vst v8;
	v8 =	vor.u32 v5, v4;
	v5 =	vld [tilespmem:$0x1F8C0];
	v0 =	vor.u32 v0, v4  }
0x347: {  	[tilespmem:$0x1F920] =	vst v2;
	v2 =	vmul.f32 v25, v57;
	v25 =	vld [tilespmem:s28+$0xFFFFFF00]  }
0x348: {  	v27 =	vld.idx.msk [tilespmem:v9+s16+$0x0], $0xffff  }
0x349: {  	v10 =	vor.u32 v1, v6;
	v1 =	vld [tilespmem:$0x1F900]  }
0x34a: {  	v22 =	vld.idx.msk [tilespmem:v9+s18+$0x0], $0xffff  }
0x34b: {  	v62 =	vor.u32 $0x8000, v59;
	v40 =	vand.u32 $0x7, v61;
	v43 =	vadd.s32 $0x1, v55;
	v20 =	vld.idx.msk [tilespmem:v0+s16+$0x0], $0xffff  }
0x34c: {  	v47 =	vand.u32 $0x7, v55;
	v3 =	vmul.f32 v3, v56;
	v57 =	vadd.s32 $0x1, v61;
	v18 =	vld.idx.msk [tilespmem:v0+s18+$0x0], $0xffff  }
0x34d: {  	v56 =	vand.u32 $0xFFFFFFF8, v61;
	v61 =	vand.u32 $0xFFFFFFF8, v55;
	v39 =	vand.u32 $0x7, v57;
	v0 =	vld [tilespmem:$0x1F8D0]  }
0x34e: {  	v4 =	vor.u32 v5, v4;
	v5 =	vor.u32 $0xC000, v59;
	v16 =	vor.u32 v1, v6;
	v1 =	vld [tilespmem:$0x1FA70]  }
0x34f: {  	v55 =	vld [tilespmem:s26+$0x0];
	v26 =	vmul.f32 v26, v58;
	v2 =	vadd.f32 v2, v3;
	v23 =	vor.u32 $0xC000, v10  }
0x350: {  	v34 =	vld [tilespmem:s25+$0x380];
	v36 =	vor.u32 $0x8000, v10;
	v27 =	vmul.f32 v27, v58;
	v22 =	vmul.f32 v22, v25  }
0x351: {  	v46 =	vld [tilespmem:s29+$0x700];
	v13 =	vor.u32 $0x4000, v10;
	v19 =	vmul.f32 v19, v25;
	v58 =	vand.u32 $0xFFFFFFF8, v57  }
0x352: {  	v49 =	vld [tilespmem:s25+$0x700];
	v57 =	vand.u32 $0xFFFFFFF8, v43;
	v30 =	vor.u32 $0xC000, v16;
	v3 =	vadd.f32 v22, v27  }
0x353: {  	v21 =	vld.idx.msk [tilespmem:v8+s16+$0x0], $0xffff;
	v33 =	vor.u32 v0, v6;
	v0 =	vor.u32 $0x4000, v59;
	v45 =	vor.u32 v1, v6  }
0x354: {  	v11 =	vld.idx.msk [tilespmem:v8+s18+$0x0], $0xffff;
	[tilespmem:$0x1F930] =	vst v2;
	v2 =	vmul.f32 v20, v55;
	v18 =	vmul.f32 v18, v51;
	v32 =	vor.u32 $0xC000, v33  }
0x355: {  	v38 =	vld.idx.msk [tilespmem:v4+s16+$0x0], $0xffff;
	v29 =	vor.u32 $0x8000, v33;
	v37 =	vadd.s32 v32, v56;
	v32 =	vadd.s32 v32, v58  }
0x356: {  	v35 =	vor.u32 $0x4000, v33;
	v48 =	vadd.s32 v29, v61;
	v32 =	vor.u32 v39, v32;
	v39 =	vld [tilespmem:s29+$0xFFFFFF80]  }
0x357: {  	v42 =	vld.idx.msk [tilespmem:v4+s18+$0x0], $0xffff;
	v58 =	vand.u32 $0x7, v43;
	v29 =	vadd.s32 v29, v57;
	v37 =	vor.u32 v40, v37  }
0x358: {  	v1 =	vld [tilespmem:$0x1FA40];
	v61 =	vand.u32 $0xFFFFFFF8, v46;
	v43 =	vadd.s32 $0x1, v46;
	v46 =	vand.u32 $0x7, v46  }
0x359: {  	[tilespmem:$0x1FAB0] =	vst v0;
	v0 =	vld [tilespmem:$0x1F8E0];
	v47 =	vor.u32 v47, v48;
	v29 =	vor.u32 v58, v29;
	v54 =	vand.u32 $0xFFFFFFF8, v43  }
0x35a: {  	v56 =	vld [tilespmem:s26+$0x80];
	v48 =	vadd.s32 v30, v61;
	v61 =	vand.u32 $0x7, v43;
	v30 =	vadd.s32 v30, v54  }
0x35b: {  	v40 =	vld [tilespmem:s25+$0xFFFFFF80];
	v46 =	vor.u32 v46, v48;
	v30 =	vor.u32 v61, v30;
	v43 =	vand.u32 $0xFFFFFFF8, v39  }
0x35c: {  	v57 =	vadd.s32 $0x1, v39;
	v37 =	vld.idx.msk [tilespmem:v37+s11+$0x0], $0xffff;
	v39 =	vand.u32 $0x7, v39;
	v61 =	vadd.s32 v35, v43  }
0x35d: {  	v24 =	vmul.f32 v24, v55;
	[tilespmem:$0x1F940] =	vst v3;
	v3 =	vadd.f32 v19, v26;
	v39 =	vor.u32 v39, v61;
	v61 =	vld [tilespmem:s29+$0x680]  }
0x35e: {  	v25 =	vmul.f32 v28, v51;
	v2 =	vadd.f32 v18, v2;
	v32 =	vld.idx.msk [tilespmem:v32+s11+$0x0], $0xffff;
	v43 =	vand.u32 $0xFFFFFFF8, v57  }
0x35f: {  	v31 =	vor.u32 $0x8000, v16;
	[tilespmem:$0x1F950] =	vst v3;
	v58 =	vld [tilespmem:s28+$0x80];
	v57 =	vand.u32 $0x7, v57;
	v35 =	vadd.s32 v35, v43  }
0x360: {  	v14 =	vor.u32 $0x4000, v16;
	v20 =	vadd.f32 v25, v24;
	[tilespmem:$0x1F970] =	vst v2;
	v28 =	vld.idx.msk [tilespmem:v29+s11+$0x0], $0xffff;
	v35 =	vor.u32 v57, v35  }
0x361: {  	v60 =	vor.u32 v1, v6;
	v0 =	vor.u32 v0, v6;
	v3 =	vld.idx.msk [tilespmem:v46+s11+$0x0], $0xffff;
	v2 =	vmul.f32 v37, v44  }
0x362: {  	[tilespmem:$0x1F960] =	vst v20;
	v20 =	vld.idx.msk [tilespmem:v30+s11+$0x0], $0xffff;
	v24 =	vand.u32 $0xFFFFFFF8, v61;
	v25 =	vadd.s32 $0x1, v61;
	v27 =	vand.u32 $0x7, v61  }
0x363: {  	v30 =	vld [tilespmem:s29+$0x300];
	[tilespmem:$0x1F980] =	vst v2;
	v2 =	vmul.f32 v32, v44;
	v24 =	vadd.s32 v23, v24;
	v29 =	vand.u32 $0xFFFFFFF8, v25  }
0x364: {  	v22 =	vld.idx.msk [tilespmem:v39+s11+$0x0], $0xffff;
	v25 =	vand.u32 $0x7, v25;
	v24 =	vor.u32 v27, v24;
	v23 =	vadd.s32 v23, v29  }
0x365: {  	v21 =	vmul.f32 v21, v56;
	v11 =	vmul.f32 v11, v58;
	v26 =	vld.idx.msk [tilespmem:v35+s11+$0x0], $0xffff;
	v23 =	vor.u32 v25, v23  }
0x366: {  	v17 =	vor.u32 $0xC000, v0;
	v41 =	vor.u32 $0x8000, v0;
	[tilespmem:$0x1F990] =	vst v2;
	v2 =	vmul.f32 v28, v34;
	v25 =	vld [tilespmem:s29+$0xFFFFFB80]  }
0x367: {  	v19 =	vmul.f32 v38, v56;
	v51 =	vadd.f32 v11, v21;
	v27 =	vmul.f32 v42, v58  }
0x368: {  	v44 =	vmul.f32 v3, v49;
	v55 =	vmul.f32 v20, v49;
	v3 =	vand.u32 $0xFFFFFFF8, v30;
	[tilespmem:$0x1F9A0] =	vst v2;
	v2 =	vld [tilespmem:s25+$0x680]  }
0x369: {  	v18 =	vand.u32 $0x7, v30;
	v3 =	vadd.s32 v31, v3;
	v48 =	vadd.f32 v27, v19;
	v11 =	vld.idx.msk [tilespmem:v24+s11+$0x0], $0xffff  }
0x36a: {  	v19 =	vadd.s32 $0x1, v30;
	v42 =	vmul.f32 v22, v40;
	v40 =	vmul.f32 v26, v40;
	v20 =	vld.idx.msk [tilespmem:v23+s11+$0x0], $0xffff  }
0x36b: {  	v24 =	vand.u32 $0xFFFFFFF8, v19;
	v21 =	vand.u32 $0xFFFFFFF8, v25;
	v22 =	vadd.s32 $0x1, v25;
	v23 =	vld [tilespmem:s29+$0x280]  }
0x36c: {  	v25 =	vand.u32 $0x7, v25;
	v21 =	vadd.s32 v33, v21;
	v26 =	vand.u32 $0xFFFFFFF8, v22  }
0x36d: {  	v1 =	vld [tilespmem:$0x1F910];
	v22 =	vand.u32 $0x7, v22;
	v21 =	vor.u32 v25, v21;
	v25 =	vadd.s32 v33, v26  }
0x36e: {  	v19 =	vand.u32 $0x7, v19;
	v24 =	vadd.s32 v31, v24;
	v22 =	vor.u32 v22, v25;
	v25 =	vld [tilespmem:s29+$0x600]  }
0x36f: {  	v53 =	vor.u32 v18, v3;
	v49 =	vor.u32 v19, v24;
	v39 =	vmul.f32 v11, v2  }
0x370: {  	v27 =	vld [tilespmem:s29+$0xFFFFFF00];
	v11 =	vand.u32 $0xFFFFFFF8, v23;
	v18 =	vadd.s32 $0x1, v23;
	v58 =	vmul.f32 v20, v2  }
0x371: {  	v2 =	vld [tilespmem:s29+$0xFFFFFB00];
	v19 =	vand.u32 $0x7, v23;
	v11 =	vadd.s32 v36, v11;
	v20 =	vand.u32 $0xFFFFFFF8, v18  }
0x372: {  	v26 =	vld [tilespmem:s25+$0xFFFFFB80];
	v18 =	vand.u32 $0x7, v18;
	v11 =	vor.u32 v19, v11;
	v19 =	vadd.s32 v36, v20  }
0x373: {  	v63 =	vor.u32 v1, v6;
	v21 =	vld.idx.msk [tilespmem:v21+s11+$0x0], $0xffff;
	v18 =	vor.u32 v18, v19;
	v19 =	vand.u32 $0xFFFFFFF8, v25  }
0x374: {  	v20 =	vld.idx.msk [tilespmem:v22+s11+$0x0], $0xffff;
	v22 =	vadd.s32 $0x1, v25;
	v24 =	vand.u32 $0x7, v25;
	v19 =	vadd.s32 v17, v19  }
0x375: {  	v47 =	vld.idx.msk [tilespmem:v47+s11+$0x0], $0xffff;
	v25 =	vand.u32 $0xFFFFFFF8, v22;
	v22 =	vand.u32 $0x7, v22;
	v19 =	vor.u32 v24, v19  }
0x376: {  	v28 =	vld [tilespmem:s29+$0x200];
	v17 =	vadd.s32 v17, v25;
	v24 =	vand.u32 $0xFFFFFFF8, v2;
	v25 =	vadd.s32 $0x1, v2  }
0x377: {  	v3 =	vld [tilespmem:s25+$0x280];
	v2 =	vand.u32 $0x7, v2;
	v17 =	vor.u32 v22, v17;
	v24 =	vadd.s32 v16, v24  }
0x378: {  	v23 =	vld [tilespmem:s25+$0x600];
	v29 =	vand.u32 $0xFFFFFFF8, v25;
	v2 =	vor.u32 v2, v24;
	v24 =	vand.u32 $0x7, v25  }
0x379: {  	v16 =	vadd.s32 v16, v29;
	v11 =	vld.idx.msk [tilespmem:v11+s11+$0x0], $0xffff;
	v57 =	vmul.f32 v21, v26;
	v21 =	vand.u32 $0xFFFFFFF8, v27  }
0x37a: {  	v25 =	vadd.s32 $0x1, v27;
	v16 =	vor.u32 v24, v16;
	v56 =	vmul.f32 v20, v26;
	v20 =	vld [tilespmem:s29+$0x580]  }
0x37b: {  	v24 =	vand.u32 $0x7, v27;
	v18 =	vld.idx.msk [tilespmem:v18+s11+$0x0], $0xffff;
	v26 =	vand.u32 $0xFFFFFFF8, v28;
	v27 =	vadd.s32 $0x1, v28  }
0x37c: {  	v36 =	vld [tilespmem:s29+$0xFFFFFE80];
	v28 =	vand.u32 $0x7, v28;
	v26 =	vadd.s32 v41, v26;
	v29 =	vand.u32 $0xFFFFFFF8, v27  }
0x37d: {  	v22 =	vld [tilespmem:s25+$0xFFFFFB00];
	v27 =	vand.u32 $0x7, v27;
	v26 =	vor.u32 v28, v26;
	v28 =	vadd.s32 v41, v29  }
0x37e: {  	v4 =	vor.u32 $0xC000, v45;
	v15 =	vor.u32 $0xC000, v63;
	v19 =	vld.idx.msk [tilespmem:v19+s11+$0x0], $0xffff;
	v27 =	vor.u32 v27, v28  }
0x37f: {  	v17 =	vld.idx.msk [tilespmem:v17+s11+$0x0], $0xffff;
	v11 =	vmul.f32 v11, v3;
	v28 =	vand.u32 $0xFFFFFFF8, v20;
	v29 =	vadd.s32 $0x1, v20  }
0x380: {  	v2 =	vld.idx.msk [tilespmem:v2+s11+$0x0], $0xffff;
	v20 =	vand.u32 $0x7, v20;
	v3 =	vmul.f32 v18, v3;
	v28 =	vadd.s32 v15, v28  }
0x381: {  	v21 =	vadd.s32 v14, v21;
	v16 =	vld.idx.msk [tilespmem:v16+s11+$0x0], $0xffff;
	v31 =	vand.u32 $0xFFFFFFF8, v29;
	[tilespmem:$0x1F9B0] =	vst v11;
	v20 =	vor.u32 v20, v28  }
0x382: {  	v30 =	vld [tilespmem:s25+$0x200];
	v28 =	vand.u32 $0x7, v29;
	v15 =	vadd.s32 v15, v31;
	v29 =	vand.u32 $0xFFFFFFF8, v25;
	[tilespmem:$0x1F9C0] =	vst v3  }
0x383: {  	v11 =	vld.idx.msk [tilespmem:v26+s11+$0x0], $0xffff;
	v15 =	vor.u32 v28, v15;
	v3 =	vadd.s32 v14, v29;
	v14 =	vmul.f32 v19, v23  }
0x384: {  	[tilespmem:$0x1F8B0] =	vst v9;
	v7 =	vor.u32 $0x8000, v45;
	v9 =	vor.u32 $0xC000, v60;
	v46 =	vmul.f32 v47, v34;
	v28 =	vld [tilespmem:s29+$0xFFFFFA80]  }
0x385: {  	v25 =	vand.u32 $0x7, v25;
	v31 =	vld [tilespmem:s25+$0x580];
	v43 =	vmul.f32 v2, v22;
	[tilespmem:$0x1F9D0] =	vst v14;
	v14 =	vmul.f32 v17, v23  }
0x386: {  	v47 =	vor.u32 v25, v3;
	v2 =	vld.idx.msk [tilespmem:v27+s11+$0x0], $0xffff;
	v3 =	vand.u32 $0xFFFFFFF8, v36;
	v41 =	vmul.f32 v16, v22  }
0x387: {  	v16 =	vadd.s32 $0x1, v36;
	v3 =	vadd.s32 v13, v3;
	[tilespmem:$0x1F9E0] =	vst v14;
	v14 =	vand.u32 $0x7, v36;
	v17 =	vld.idx.msk [tilespmem:v20+s11+$0x0], $0xffff  }
0x388: {  	v61 =	vor.u32 v24, v21;
	v18 =	vand.u32 $0xFFFFFFF8, v16;
	v15 =	vld.idx.msk [tilespmem:v15+s11+$0x0], $0xffff;
	v3 =	vor.u32 v14, v3  }
0x389: {  	v11 =	vmul.f32 v11, v30;
	v19 =	vand.u32 $0xFFFFFFF8, v28;
	v20 =	vadd.s32 $0x1, v28;
	[tilespmem:$0x1F9F0] =	vst v3;
	v3 =	vld [tilespmem:s29+$0x180]  }
0x38a: {  	v14 =	vand.u32 $0x7, v28;
	v19 =	vadd.s32 v10, v19;
	v21 =	vand.u32 $0xFFFFFFF8, v20  }
0x38b: {  	v14 =	vor.u32 v14, v19;
	v19 =	vand.u32 $0x7, v20;
	v10 =	vadd.s32 v10, v21  }
0x38c: {  	v16 =	vand.u32 $0x7, v16;
	v13 =	vadd.s32 v13, v18;
	[tilespmem:$0x1FA00] =	vst v11;
	v11 =	vld [tilespmem:s29+$0x500];
	v10 =	vor.u32 v19, v10  }
0x38d: {  	v12 =	vor.u32 $0x8000, v63;
	v13 =	vor.u32 v16, v13;
	v15 =	vmul.f32 v15, v31  }
0x38e: {  	v18 =	vld [tilespmem:s25+$0xFFFFFA80];
	[tilespmem:$0x1FA10] =	vst v13;
	v2 =	vmul.f32 v2, v30;
	v13 =	vand.u32 $0xFFFFFFF8, v3;
	v16 =	vadd.s32 $0x1, v3  }
0x38f: {  	v3 =	vand.u32 $0x7, v3;
	[tilespmem:$0x1FA30] =	vst v15;
	v15 =	vld [tilespmem:s29+$0xFFFFFA00];
	v13 =	vadd.s32 v12, v13;
	v19 =	vand.u32 $0xFFFFFFF8, v16  }
0x390: {  	v14 =	vld.idx.msk [tilespmem:v14+s11+$0x0], $0xffff;
	v3 =	vor.u32 v3, v13;
	v13 =	vand.u32 $0x7, v16;
	v12 =	vadd.s32 v12, v19  }
0x391: {  	v10 =	vld.idx.msk [tilespmem:v10+s11+$0x0], $0xffff;
	v16 =	vadd.s32 $0x1, v11;
	v12 =	vor.u32 v13, v12;
	v13 =	vand.u32 $0xFFFFFFF8, v11  }
0x392: {  	v22 =	vld [tilespmem:s29+$0x100];
	v11 =	vand.u32 $0x7, v11;
	v20 =	vand.u32 $0xFFFFFFF8, v16;
	v13 =	vadd.s32 v9, v13  }
0x393: {  	v1 =	vor.u32 $0x4000, v0;
	v21 =	vld [tilespmem:s29+$0xFFFFFE00];
	v9 =	vadd.s32 v9, v20;
	v11 =	vor.u32 v11, v13  }
0x394: {  	[tilespmem:$0x1FA20] =	vst v2;
	v2 =	vld [tilespmem:s25+$0x180];
	v13 =	vand.u32 $0x7, v16;
	v16 =	vand.u32 $0xFFFFFFF8, v15;
	v20 =	vadd.s32 $0x1, v15  }
0x395: {  	v19 =	vld [tilespmem:s25+$0x500];
	v9 =	vor.u32 v13, v9;
	v15 =	vand.u32 $0x7, v15;
	v14 =	vmul.f32 v14, v18  }
0x396: {  	v13 =	vld [tilespmem:s25+$0xFFFFFA00];
	v16 =	vadd.s32 v0, v16;
	v23 =	vand.u32 $0xFFFFFFF8, v20;
	v10 =	vmul.f32 v10, v18  }
0x397: {  	v3 =	vld.idx.msk [tilespmem:v3+s11+$0x0], $0xffff;
	v15 =	vor.u32 v15, v16;
	v16 =	vand.u32 $0x7, v20;
	v0 =	vadd.s32 v0, v23  }
0x398: {  	v6 =	vor.u32 $0x8000, v60;
	v18 =	vadd.s32 $0x1, v21;
	v0 =	vor.u32 v16, v0;
	[tilespmem:$0x1FA60] =	vst v10;
	v10 =	vld [tilespmem:s29+$0x480]  }
0x399: {  	[tilespmem:$0x1FA50] =	vst v14;
	v14 =	vand.u32 $0xFFFFFFF8, v21;
	v12 =	vld.idx.msk [tilespmem:v12+s11+$0x0], $0xffff;
	v20 =	vand.u32 $0xFFFFFFF8, v22;
	v16 =	vand.u32 $0x7, v21  }
0x39a: {  	v21 =	vadd.s32 $0x1, v22;
	v22 =	vand.u32 $0x7, v22;
	v20 =	vadd.s32 v6, v20;
	v11 =	vld.idx.msk [tilespmem:v11+s11+$0x0], $0xffff  }
0x39b: {  	v50 =	vor.u32 $0x4000, v60;
	v23 =	vand.u32 $0xFFFFFFF8, v21;
	v20 =	vor.u32 v22, v20;
	v22 =	vld [tilespmem:s29+$0x400]  }
0x39c: {  	v8 =	vor.u32 $0x4000, v63;
	v24 =	vld.idx.msk [tilespmem:v9+s11+$0x0], $0xffff;
	v9 =	vand.u32 $0x7, v21;
	v6 =	vadd.s32 v6, v23  }
0x39d: {  	v14 =	vadd.s32 v1, v14;
	v6 =	vor.u32 v9, v6;
	v21 =	vld.idx.msk [tilespmem:v0+s11+$0x0], $0xffff;
	v0 =	vand.u32 $0xFFFFFFF8, v10  }
0x39e: {  	v15 =	vld.idx.msk [tilespmem:v15+s11+$0x0], $0xffff;
	v9 =	vadd.s32 $0x1, v10;
	v10 =	vand.u32 $0x7, v10;
	v0 =	vadd.s32 v4, v0  }
0x39f: {  	v23 =	vand.u32 $0xFFFFFFF8, v9;
	v26 =	vor.u32 v10, v0;
	v0 =	vand.u32 $0x7, v9  }
0x3a0: {  	v25 =	vld [tilespmem:s25+$0x100];
	v4 =	vadd.s32 v4, v23;
	v9 =	vand.u32 $0xFFFFFFF8, v18;
	v10 =	vand.u32 $0x7, v18  }
0x3a1: {  	v23 =	vld [tilespmem:s29+$0xFFFFFD80];
	v18 =	vor.u32 v0, v4;
	v0 =	vor.u32 v16, v14;
	v1 =	vadd.s32 v1, v9  }
0x3a2: {  	v27 =	vld [tilespmem:s29+$0xFFFFF980];
	v9 =	vmul.f32 v3, v2;
	[tilespmem:$0x1FA80] =	vst v0;
	v0 =	vor.u32 v10, v1;
	v10 =	vmul.f32 v12, v2  }
0x3a3: {  	v14 =	vld.idx.msk [tilespmem:v20+s11+$0x0], $0xffff;
	v2 =	vmul.f32 v11, v19;
	v4 =	vmul.f32 v15, v13;
	v12 =	vand.u32 $0xFFFFFFF8, v22  }
0x3a4: {  	v11 =	vld.idx.msk [tilespmem:v6+s11+$0x0], $0xffff;
	v6 =	vmul.f32 v21, v13;
	v13 =	vand.u32 $0x7, v22;
	v12 =	vadd.s32 v5, v12  }
0x3a5: {  	v17 =	vmul.f32 v17, v31;
	v3 =	vld [tilespmem:s25+$0x480];
	v20 =	vmul.f32 v24, v19;
	v19 =	vor.u32 v13, v12  }
0x3a6: {  	v12 =	vadd.s32 $0x1, v22;
	v22 =	vld [tilespmem:s29+$0x80];
	v15 =	vand.u32 $0x7, v23;
	v13 =	vand.u32 $0xFFFFFFF8, v23  }
0x3a7: {  	v16 =	vld.idx.msk [tilespmem:v26+s11+$0x0], $0xffff;
	v21 =	vadd.s32 $0x1, v23;
	v23 =	vand.u32 $0xFFFFFFF8, v12;
	v12 =	vand.u32 $0x7, v12  }
0x3a8: {  	v18 =	vld.idx.msk [tilespmem:v18+s11+$0x0], $0xffff;
	v13 =	vadd.s32 v8, v13;
	v5 =	vadd.s32 v5, v23;
	v23 =	vand.u32 $0xFFFFFFF8, v21  }
0x3a9: {  	v21 =	vand.u32 $0x7, v21;
	v14 =	vmul.f32 v14, v25;
	v26 =	vor.u32 v12, v5  }
0x3aa: {  	v24 =	vld [tilespmem:s25+$0x400];
	v12 =	vor.u32 v15, v13;
	v5 =	vadd.s32 v8, v23;
	v15 =	vmul.f32 v11, v25  }
0x3ab: {  	v23 =	vand.u32 $0xFFFFFFF8, v27;
	v25 =	vadd.s32 $0x1, v27;
	v13 =	vor.u32 v21, v5;
	v11 =	vld.idx.msk [tilespmem:v19+s11+$0x0], $0xffff  }
0x3ac: {  	v23 =	vadd.s32 v63, v23;
	v19 =	vld [tilespmem:s29+$0x0];
	v5 =	vand.u32 $0xFFFFFFF8, v22;
	v8 =	vadd.s32 $0x1, v22  }
0x3ad: {  	v38 =	vld [tilespmem:s29+$0xFFFFFC80];
	v16 =	vmul.f32 v16, v3;
	v21 =	vadd.s32 v7, v5;
	v3 =	vmul.f32 v18, v3  }
0x3ae: {  	v37 =	vld [tilespmem:s25+$0x80];
	v18 =	vand.u32 $0x7, v22;
	v22 =	vand.u32 $0xFFFFFFF8, v8;
	v8 =	vand.u32 $0x7, v8  }
0x3af: {  	v18 =	vor.u32 v18, v21;
	v21 =	vadd.s32 v7, v22;
	v22 =	vld.idx.msk [tilespmem:v26+s11+$0x0], $0xffff;
	v26 =	vand.u32 $0x7, v27  }
0x3b0: {  	v33 =	vld [tilespmem:s29+$0xFFFFF800];
	v27 =	vand.u32 $0x7, v25;
	v25 =	vand.u32 $0xFFFFFFF8, v25;
	v21 =	vor.u32 v8, v21  }
0x3b1: {  	v28 =	vld [tilespmem:s29+$0xFFFFFD00];
	v29 =	vand.u32 $0xFFFFFFF8, v19;
	v30 =	vadd.s32 $0x1, v19;
	v11 =	vmul.f32 v11, v24  }
0x3b2: {  	[tilespmem:$0x1FA90] =	vst v0;
	v0 =	vld [tilespmem:s25+$0x300];
	v19 =	vand.u32 $0x7, v19;
	v29 =	vadd.s32 v62, v29;
	v31 =	vand.u32 $0xFFFFFFF8, v30  }
0x3b3: {  	v7 =	vld [tilespmem:s25+$0xFFFFFF00];
	v19 =	vor.u32 v19, v29;
	v29 =	vand.u32 $0x7, v30;
	v30 =	vadd.s32 v62, v31  }
0x3b4: {  	v11 =	vadd.f32 $0.0e+00, v11;
	v18 =	vld.idx.msk [tilespmem:v18+s11+$0x0], $0xffff;
	v24 =	vmul.f32 v22, v24;
	v22 =	vadd.s32 v63, v25  }
0x3b5: {  	v29 =	vor.u32 v29, v30;
	v30 =	vld.idx.msk [tilespmem:v21+s11+$0x0], $0xffff;
	v21 =	vor.u32 v26, v23;
	v22 =	vor.u32 v27, v22  }
0x3b6: {  	v23 =	vld [tilespmem:s29+$0xFFFFF900];
	v26 =	vand.u32 $0x7, v28;
	v27 =	vand.u32 $0xFFFFFFF8, v28;
	v28 =	vadd.s32 $0x1, v28  }
0x3b7: {  	v8 =	vld [tilespmem:s25+$0xFFFFFE80];
	v11 =	vadd.f32 v16, v11;
	v24 =	vadd.f32 $0.0e+00, v24;
	v16 =	vadd.s32 v50, v27  }
0x3b8: {  	v52 =	vor.u32 $0x4000, v45;
	v25 =	vld [tilespmem:s25+$0x0];
	v31 =	vand.u32 $0x7, v28;
	v16 =	vor.u32 v26, v16  }
0x3b9: {  	v2 =	vadd.f32 v2, v11;
	v54 =	vld.idx.msk [tilespmem:v19+s11+$0x0], $0xffff;
	v3 =	vadd.f32 v3, v24;
	v19 =	vand.u32 $0xFFFFFFF8, v28  }
0x3ba: {  	v28 =	vld.idx.msk [tilespmem:v29+s11+$0x0], $0xffff;
	v11 =	vmul.f32 v18, v37;
	v29 =	vand.u32 $0xFFFFFFF8, v38;
	v18 =	vmul.f32 v30, v37  }
0x3bb: {  	p0 =	sne.s32 s30, $0x70;
	v62 =	vld [tilespmem:s25+$0xFFFFFE00];
	v32 =	vadd.f32 v20, v3;
	v24 =	vand.u32 $0xFFFFFFF8, v23;
	v26 =	vadd.s32 $0x1, v23  }
.Ltmp2:
0x3bc: {  	v63 =	vld [tilespmem:s25+$0xFFFFFD80];
	v20 =	vadd.f32 v17, v2;
	v2 =	vand.u32 $0x7, v23;
	v17 =	vadd.s32 v60, v24;
	(pc) =	sbr.rel @p0 .LBB2_8-.Ltmp2, $4  }
0x3bd: {  	v3 =	vld [tilespmem:s29+$0xFFFFF880];
	v29 =	vadd.s32 v52, v29;
	v23 =	vand.u32 $0xFFFFFFF8, v26;
	v27 =	vor.u32 v2, v17  }
0x3be: {  	v30 =	vld [tilespmem:s29+$0xFFFFFC00];
	v2 =	vand.u32 $0x7, v26;
	v23 =	vadd.s32 v60, v23;
	v34 =	vmul.f32 v54, v25  }
0x3bf: {  	v17 =	vld [tilespmem:s25+$0xFFFFF980];
	v26 =	vadd.s32 $0x1, v38;
	v24 =	vor.u32 v2, v23;
	v23 =	vand.u32 $0x7, v38  }
0x3c0: {  	s30 =	sadd.s32 $0x10, s30;
	[tilespmem:$0x1FAA0] =	vst v0;
	v0 =	vmovc v50;
	v60 =	vld [tilespmem:s25+$0xFFFFFD00];
	v54 =	vmovc v52;
	v2 =	vmul.f32 v28, v25;
	v25 =	vand.u32 $0x7, v26;
	v28 =	vadd.f32 $0.0e+00, v34  }
0x3c1: {  	_ =	sdelay $0x3  }
0x3c2: {  	v21 =	vld.idx.msk [tilespmem:v21+s11+$0x0], $0xffff  }
0x3c3: {  	v50 =	vadd.s32 $0x1, v33;
	v22 =	vld.idx.msk [tilespmem:v22+s11+$0x0], $0xffff;
	v23 =	vor.u32 v23, v29;
	v19 =	vadd.s32 v0, v19  }
0x3c4: {  	v27 =	vld.idx.msk [tilespmem:v27+s11+$0x0], $0xffff;
	v34 =	vand.u32 $0xFFFFFFF8, v3;
	v35 =	vadd.s32 $0x1, v3;
	v52 =	vand.u32 $0x7, v3  }
0x3c5: {  	v5 =	vld [tilespmem:$0x1FAB0];
	v37 =	vand.u32 $0xFFFFFFF8, v50;
	v31 =	vor.u32 v31, v19;
	v34 =	vadd.s32 v45, v34  }
0x3c6: {  	v24 =	vld.idx.msk [tilespmem:v24+s11+$0x0], $0xffff;
	v36 =	vand.u32 $0xFFFFFFF8, v35;
	v35 =	vand.u32 $0x7, v35;
	v1 =	vand.u32 $0xFFFFFFF8, v30  }
0x3c7: {  	v16 =	vld.idx.msk [tilespmem:v16+s11+$0x0], $0xffff;
	v3 =	vor.u32 v52, v34;
	v38 =	vadd.s32 v45, v36;
	v45 =	vand.u32 $0xFFFFFFF8, v33  }
0x3c8: {  	v12 =	vld.idx.msk [tilespmem:v12+s11+$0x0], $0xffff;
	v52 =	vand.u32 $0x7, v33;
	v36 =	vand.u32 $0x7, v50;
	v34 =	vor.u32 v35, v38  }
0x3c9: {  	v13 =	vld.idx.msk [tilespmem:v13+s11+$0x0], $0xffff;
	v35 =	vadd.s32 v59, v45;
	v59 =	vadd.s32 v59, v37;
	v45 =	vadd.s32 $0x1, v30  }
0x3ca: {  	v33 =	vor.u32 v52, v35;
	v35 =	vor.u32 v36, v59;
	v36 =	vadd.s32 v5, v1;
	v1 =	vld [tilespmem:$0x1FA30]  }
0x3cb: {  	v2 =	vadd.f32 $0.0e+00, v2;
	v38 =	vand.u32 $0xFFFFFFF8, v45;
	v59 =	vld [tilespmem:$0x1F9D0]  }
0x3cc: {  	v26 =	vand.u32 $0xFFFFFFF8, v26;
	v52 =	vadd.s32 v5, v38;
	v5 =	vld [tilespmem:s25+$0xFFFFF900]  }
0x3cd: {  	v26 =	vadd.s32 v54, v26;
	v50 =	vand.u32 $0x7, v30;
	v2 =	vadd.f32 v18, v2;
	v38 =	vld.idx.msk [tilespmem:v23+s11+$0x0], $0xffff  }
0x3ce: {  	v25 =	vor.u32 v25, v26;
	v30 =	vor.u32 v50, v36;
	v50 =	vld [tilespmem:s25+$0xFFFFFC80]  }
0x3cf: {  	v2 =	vadd.f32 v15, v2;
	v15 =	vld.idx.msk [tilespmem:v31+s11+$0x0], $0xffff  }
0x3d0: {  	v31 =	vld.idx.msk [tilespmem:v61+s11+$0x0], $0xffff  }
0x3d1: {  	v37 =	vand.u32 $0x7, v45;
	v61 =	vld [tilespmem:$0x1F930]  }
0x3d2: {  	v36 =	vor.u32 v37, v52;
	v52 =	vld [tilespmem:$0x1F9E0]  }
0x3d3: {  	v25 =	vld.idx.msk [tilespmem:v25+s11+$0x0], $0xffff  }
0x3d4: {  	v3 =	vld.idx.msk [tilespmem:v3+s11+$0x0], $0xffff  }
0x3d5: {  	v34 =	vld.idx.msk [tilespmem:v34+s11+$0x0], $0xffff  }
0x3d6: {  	v33 =	vld.idx.msk [tilespmem:v33+s11+$0x0], $0xffff  }
0x3d7: {  	v35 =	vld.idx.msk [tilespmem:v35+s11+$0x0], $0xffff  }
0x3d8: {  	v29 =	vld.idx.msk [tilespmem:v30+s11+$0x0], $0xffff  }
0x3d9: {  	v30 =	vld [tilespmem:s25+$0xFFFFF800]  }
0x3da: {  	v20 =	vadd.f32 v59, v20;
	v59 =	vld [tilespmem:s25+$0xFFFFF880]  }
0x3db: {  	v45 =	vmul.f32 v27, v5;
	v24 =	vmul.f32 v24, v5;
	v5 =	vld [tilespmem:$0x1FA80]  }
0x3dc: {  	v11 =	vadd.f32 v11, v28;
	v18 =	vld.idx.msk [tilespmem:v36+s11+$0x0], $0xffff  }
0x3dd: {  	v54 =	vadd.f32 v1, v32;
	v36 =	vld [tilespmem:s25+$0xFFFFFC00]  }
0x3de: {  	v11 =	vadd.f32 v14, v11;
	v20 =	vadd.f32 v39, v20;
	v39 =	vld [tilespmem:$0x1FA00];
	v14 =	vmul.f32 v35, v30  }
0x3df: {  	v54 =	vadd.f32 v52, v54;
	v23 =	vmul.f32 v25, v50;
	v25 =	vld [tilespmem:$0x1FA90]  }
0x3e0: {  	v20 =	vadd.f32 v44, v20;
	v44 =	vld [tilespmem:$0x1FA20];
	v26 =	vmul.f32 v34, v59;
	v14 =	vadd.f32 $0.0e+00, v14  }
0x3e1: {  	v9 =	vadd.f32 v9, v11;
	v19 =	vadd.f32 v58, v54;
	v54 =	vld [tilespmem:$0x1F9B0]  }
0x3e2: {  	v37 =	vmul.f32 v22, v17;
	v32 =	vmul.f32 v21, v17;
	v14 =	vadd.f32 v26, v14;
	v26 =	vld [tilespmem:$0x1F9F0]  }
0x3e3: {  	v2 =	vadd.f32 v10, v2;
	v52 =	vmul.f32 v33, v30;
	v58 =	vmul.f32 v29, v36;
	v29 =	vld [tilespmem:$0x1FA10]  }
0x3e4: {  	v21 =	vmul.f32 v38, v50;
	v38 =	vld [tilespmem:$0x1FA60];
	v19 =	vadd.f32 v55, v19;
	v9 =	vadd.f32 v39, v9  }
0x3e5: {  	v3 =	vmul.f32 v3, v59;
	v34 =	vld.idx.msk [tilespmem:v53+s11+$0x0], $0xffff;
	v27 =	vadd.f32 $0.0e+00, v52;
	v2 =	vadd.f32 v44, v2  }
0x3e6: {  	v53 =	vld [tilespmem:$0x1F970];
	v11 =	vmul.f32 v18, v36;
	v9 =	vadd.f32 v54, v9;
	v14 =	vadd.f32 v24, v14  }
0x3e7: {  	v35 =	vld [tilespmem:$0x1FA50];
	v59 =	vadd.f32 $0.0e+00, v58;
	v3 =	vadd.f32 v3, v27  }
0x3e8: {  	v0 =	vld.idx.msk [tilespmem:v5+s11+$0x0], $0xffff;
	v11 =	vadd.f32 $0.0e+00, v11;
	v14 =	vadd.f32 v37, v14  }
0x3e9: {  	v16 =	vmul.f32 v16, v60;
	v1 =	vld.idx.msk [tilespmem:v25+s11+$0x0], $0xffff;
	v18 =	vadd.f32 v21, v59;
	v3 =	vadd.f32 v45, v3  }
0x3ea: {  	v15 =	vmul.f32 v15, v60;
	v11 =	vadd.f32 v23, v11;
	v6 =	vadd.f32 v6, v14;
	v27 =	vld.idx.msk [tilespmem:v26+s11+$0x0], $0xffff  }
0x3eb: {  	v12 =	vmul.f32 v12, v63;
	v28 =	vadd.f32 v16, v18;
	v3 =	vadd.f32 v32, v3;
	v30 =	vld.idx.msk [tilespmem:v29+s11+$0x0], $0xffff  }
0x3ec: {  	v13 =	vmul.f32 v13, v63;
	v55 =	vld [tilespmem:$0x1F9C0];
	v11 =	vadd.f32 v15, v11;
	v6 =	vadd.f32 v38, v6  }
0x3ed: {  	v33 =	vld.idx.msk [tilespmem:v47+s11+$0x0], $0xffff;
	v0 =	vmul.f32 v0, v62;
	v32 =	vadd.f32 v12, v28;
	v3 =	vadd.f32 v4, v3  }
0x3ee: {  	v47 =	vld [tilespmem:$0x1FAA0];
	v11 =	vadd.f32 v13, v11;
	v1 =	vmul.f32 v1, v62;
	v6 =	vadd.f32 v41, v6  }
0x3ef: {  	v36 =	vld.idx.msk [tilespmem:v49+s11+$0x0], $0xffff;
	v0 =	vadd.f32 v0, v32;
	v3 =	vadd.f32 v35, v3;
	v37 =	vmul.f32 v27, v8  }
0x3f0: {  	v54 =	vld [tilespmem:$0x1F9A0];
	v1 =	vadd.f32 v1, v11;
	v39 =	vmul.f32 v30, v8;
	v6 =	vadd.f32 v56, v6  }
0x3f1: {  	v44 =	vmul.f32 v31, v7;
	v58 =	vld [tilespmem:$0x1F950];
	v3 =	vadd.f32 v43, v3;
	v0 =	vadd.f32 v37, v0  }
0x3f2: {  	v45 =	vmul.f32 v33, v7;
	v1 =	vadd.f32 v39, v1;
	v6 =	vmul.f32 v51, v6;
	v51 =	vld [tilespmem:$0x1F960]  }
0x3f3: {  	v49 =	vmul.f32 v34, v47;
	v3 =	vadd.f32 v57, v3;
	v56 =	vld [tilespmem:$0x1F940];
	v0 =	vadd.f32 v44, v0  }
0x3f4: {  	v2 =	vadd.f32 v55, v2;
	v4 =	vmul.f32 v36, v47;
	v57 =	vld [tilespmem:$0x1F980];
	v1 =	vadd.f32 v45, v1  }
0x3f5: {  	v59 =	vld [tilespmem:$0x1F990];
	v50 =	vadd.f32 v49, v9;
	v3 =	vmul.f32 v48, v3;
	v0 =	vadd.f32 v42, v0  }
0x3f6: {  	v60 =	vld [tilespmem:$0x1F920];
	v2 =	vadd.f32 v4, v2;
	v1 =	vadd.f32 v40, v1  }
0x3f7: {  	v52 =	vadd.f32 v46, v50;
	v62 =	vld [tilespmem:$0x1F8B0];
	v3 =	vadd.f32 $0.0e+00, v3;
	v0 =	vmul.f32 v51, v0  }
0x3f8: {  	v63 =	vld [tilespmem:$0x1F890];
	v2 =	vadd.f32 v54, v2;
	v55 =	vadd.f32 $0.0e+00, v6;
	v1 =	vmul.f32 v53, v1  }
0x3f9: {  	v4 =	vadd.f32 v57, v20;
	v0 =	vadd.f32 v0, v3;
	v3 =	vmul.f32 v56, v52  }
0x3fa: {  	s24 =	sadd.s32 $0x1, s24;
	v5 =	vadd.f32 v59, v19;
	v2 =	vmul.f32 v58, v2;
	v1 =	vadd.f32 v1, v55  }
0x3fb: {  	p0 =	sne.s32 s24, $0x10;
	v0 =	vadd.f32 v3, v0;
	v3 =	vmul.f32 v60, v4  }
.Ltmp3:
0x3fc: {  	v1 =	vadd.f32 v2, v1;
	v2 =	vmul.f32 v61, v5;
	(pc) =	sbr.rel @p0 .LBB2_5-.Ltmp3, $4  }
0x3fd: {  	v0 =	vadd.f32 v3, v0  }
0x3fe: {  	v1 =	vadd.f32 v2, v1  }
0x3ff: {  	[tilespmem:v62+s20+$0x0] =	vst.idx.msk $0xffff, v0  }
0x400: {  	[tilespmem:v63+s20+$0x0] =	vst.idx.msk $0xffff, v1  }
0x401: {  	s21 =	sadd.s32 $0x1, s21  }
0x402: {  	s22 =	sshll.u32 s22, $0x2;
	s24 =	rddreg [dreg:$0x1];
	p0 =	sne.s32 s21, $0x10  }
.Ltmp4:
0x403: {  	s30 =	simm.s32 $0x0;
	s22 =	sadd.s32 s24, s22;
	(pc) =	sbr.rel @p0 .LBB2_2-.Ltmp4, $4  }
0x404: {  	[hbm4b:s22+s30] =	stream.linear.scatter [tilespmem:s20], [sflag:$0x2], $0x1000, $0x38;
	[tilespmem:$0x1CA00] =	vst v63  }
0x405: {  	_ =	swait.ge [sflag:s14], $0x1000  }
0x406: {  	[sflag:s14] =	ssyncset.done $0x0  }
0x407: {  	[sflag:s14] =	ssyncadd.s32 $0xFFFFF000  }
0x408: {  	s22 =	rddreg [dreg:$0x4]  }
0x409: {  	s21 =	rddreg [dreg:$0x3];
	s22 =	sadd.s32 $0x1, s22  }
0x40a: {  	p0 =	sne.s32 s22, s21  }
.Ltmp5:
0x40b: {  	_ = 	snop;
	(pc) =	sbr.rel @p0 .LBB2_1-.Ltmp5, $1  }
0x40c: {  	_ =	sdelay $0x3  }
0x40d: {  	_ =	sfence.sel $0x180000  }
0x40e: {  	[bflag:$0x0] =	sbarrier.arrive $0xFFFF  }
0x40f: {  	_ =	strace $0x90000047  }
0x410: {  	s0 =	stileid.u32;
	[bflag:$0x2] =	sbarrier.arrive $0xFFFF  }
0x411: {  	p0 =	sne.s32 s0, $0x0;
	s0 =	rddreg [dreg:$0x2]  }
0x412: {  	s0 =	sadd.s32 @!p0 $0x100000, s0  }
0x413: {  	[sflag:s0] =	ssyncadd.tile.s32 @!p0 $0x1;
	_ =	shalt  }
.Lfunc_end2:
_tile_overlayer_lowered:
.L_overlay_start_2:
0x414: {  	(tag) =	ssettag $0x2  }
0x415: {  	s0 =	rddreg [dreg:$0x0];
	s2 =	stileid.u32  }
0x416: {  	s1 =	rddreg [dreg:$0x1];
	p0 =	sne.s32 s2, $0x0  }
0x417: {  	s3 =	rddreg [dreg:$0x2];
	[bflag:$0x3] =	sbarrier.arrive $0xFFFF;
	s2 =	simm.s32 @!p0 $0x1C02  }
0x418: {  	[timem:s3], [sflag:s2] =	dma.local @!p0 [hbm:s0], s1  }
0x419: {  	s0 =	simm.s32 @!p0 $0x2  }
0x41a: {  	_ =	swait.ge @!p0 [sflag:s0], s1  }
0x41b: {  	s1 =	ssub.s32 @!p0 $0x0, s1;
	[sflag:s0] =	ssyncset.done @!p0 $0x0  }
0x41c: {  	[sflag:s0] =	ssyncadd.s32 @!p0 s1  }
0x41d: {  	[bflag:$0x3] =	sbarrier.arrive $0xFFFF  }
0x41e: {  	_ =	shalt  }

</sc_bundles>
